<compile_context>
chip_gen: v7x
topology: tpu7x:2x2x1
jax: 0.10.2.dev20260603
libtpu: 0.0.44.dev20260713+nightly
codegen_flags: <defaults>
</compile_context>

<pallas_src>
import functools

import jax
import jax.numpy as jnp
from jax import lax
from jax.experimental import pallas as pl
from jax.experimental.pallas import tpu as pltpu
from jax.experimental.pallas import tpu_sc as plsc

D = 32
L = 16
XPG = 2


def _rsqrt(s):
    i = plsc.bitcast(s, jnp.int32)
    i = jnp.int32(0x5F3759DF) - (i >> 1)
    y = plsc.bitcast(i, jnp.float32)
    for _ in range(3):
        y = y * (1.5 - 0.5 * s * y * y)
    return y


P = 17


def _normalize_chunk(rows, trans, nblk):
    iota = lax.iota(jnp.int32, L)
    iota_p = iota * P

    def one_block(base, tr):
        for rr in range(L):
            a = rows[base + rr, pl.ds(0, L)]
            b = rows[base + rr, pl.ds(L, L)]
            plsc.store_scatter(tr, [iota_p + rr], a)
            plsc.store_scatter(tr, [iota_p + (L * P + rr)], b)
        ss = jnp.zeros((L,), jnp.float32)
        for c in range(D):
            cv = plsc.load_gather(tr, [iota + c * P])
            ss = ss + cv * cv
        y = _rsqrt(ss)
        scale = 1.0 / jnp.maximum(ss * y, 1e-12)
        for rr in range(L):
            s = scale[rr]
            a = plsc.load_gather(tr, [iota_p + rr])
            b = plsc.load_gather(tr, [iota_p + (L * P + rr)])
            rows[base + rr, pl.ds(0, L)] = a * s
            rows[base + rr, pl.ds(L, L)] = b * s

    def blk(bi, _):
        one_block(bi * L, trans)
        return 0

    lax.fori_loop(0, nblk, blk, 0)


def _build(XR, T):
    info = plsc.get_sparse_core_info()
    nc, ns = info.num_cores, info.num_subcores
    nw = nc * ns
    xr_w = XR // nw
    nch = xr_w // XPG
    C = XPG * T
    assert nch % 2 == 0 and nch * XPG == xr_w
    nblk = C // L
    assert nblk * L == C

    mesh = plsc.VectorSubcoreMesh(core_axis_name="c", subcore_axis_name="s")

    @functools.partial(
        pl.kernel,
        mesh=mesh,
        out_type=jax.ShapeDtypeStruct((XR * T, D), jnp.float32),
        scratch_types=[
            pltpu.VMEM((xr_w, T), jnp.int32),
            pltpu.VMEM((2, C, D), jnp.float32),
            pltpu.VMEM((D * P,), jnp.float32),
            pltpu.SemaphoreType.DMA,
            pltpu.SemaphoreType.DMA,
            pltpu.SemaphoreType.DMA,
            pltpu.SemaphoreType.DMA,
        ],
        compiler_params=pltpu.CompilerParams(
            use_tc_tiling_on_sc=False, needs_layout_passes=False
        ),
    )
    def k(x_hbm, emb_hbm, out_hbm, idx_v, rows_v, trans_v, g0, g1, w0, w1):
        wid = lax.axis_index("s") * nc + lax.axis_index("c")
        w_base = wid * xr_w
        gsem = (g0, g1)
        wsem = (w0, w1)

        def gather(ci, slot):
            for j in range(XPG):
                pltpu.async_copy(
                    emb_hbm.at[idx_v.at[ci * XPG + j]],
                    rows_v.at[slot].at[pl.ds(j * T, T)],
                    gsem[slot],
                )

        def wait_gather(slot):
            for _ in range(XPG):
                pltpu.make_async_copy(
                    emb_hbm.at[pl.ds(0, T)],
                    rows_v.at[slot].at[pl.ds(0, T)],
                    gsem[slot],
                ).wait()

        def write_out(ci, slot):
            for j in range(XPG):
                pltpu.async_copy(
                    rows_v.at[slot].at[pl.ds(j * T, T)],
                    out_hbm.at[pl.ds((w_base + ci * XPG + j) * T, T)],
                    wsem[slot],
                )

        def wait_write(slot):
            for _ in range(XPG):
                pltpu.make_async_copy(
                    rows_v.at[slot].at[pl.ds(0, T)],
                    out_hbm.at[pl.ds(0, T)],
                    wsem[slot],
                ).wait()

        pltpu.sync_copy(x_hbm.at[pl.ds(w_base, xr_w)], idx_v)
        gather(0, 0)

        def step(i, _):
            for b in range(2):
                ci = 2 * i + b
                nxt = ci + 1

                @pl.when(jnp.logical_and(nxt < nch, ci >= 1))
                def _():
                    wait_write(1 - b)

                @pl.when(nxt < nch)
                def _():
                    gather(nxt, 1 - b)

                wait_gather(b)
                _normalize_chunk(rows_v.at[b], trans_v, nblk)
                write_out(ci, b)
            return 0

        lax.fori_loop(0, nch // 2, step, 0)

        for b in range(2):
            wait_write(b)

    return k


def kernel(x, embedding):
    XR, T = x.shape
    V, Dm = embedding.shape
    out = _build(XR, T)(x.astype(jnp.int32), embedding)
    return out.reshape(XR, T, Dm)

# --- scband reference (transcript-rebuilt; emitter-appended) ---
"""Pipeline reference for scband-embedding-layer-54022098649654 (READ-ONLY COPY).

The authoritative reference and input builder live on the scoring server;
editing this copy changes nothing except your own understanding.
"""

import jax, jax.numpy as jnp
import numpy as np
import math

VOCAB = 1000000
DIM = 32

def setup_inputs(seed: int = 0) -> dict:
    key = jax.random.key(seed)
    k1, k2 = jax.random.split(key)
    x = jax.random.randint(k1, (4096, 200), 0, VOCAB - 1)
    # torch kaiming_uniform_ with a=sqrt(5) on a (vocab, dim) 2D tensor:
    # fan_in = dim, gain = sqrt(2/(1+a^2)) = sqrt(1/3), bound = gain*sqrt(3/fan_in) = 1/sqrt(fan_in)
    bound = 1.0 / math.sqrt(DIM)
    embedding = jax.random.uniform(k2, (VOCAB, DIM), minval=-bound, maxval=bound, dtype=jnp.float32)
    return {"x": x, "embedding": embedding}

def reference(x, embedding):
    # F.normalize(self.embedding[:-1], p=2, dim=-1) with eps=1e-12 (clamp_min semantics)
    emb = embedding[:-1]
    denom = jnp.clip(jnp.linalg.norm(emb, ord=2, axis=-1, keepdims=True), 1e-12, None)
    normalized = emb / denom
    # x.ndim == 2 -> plain gather (embedding lookup)
    return normalized[x]

if __name__ == "__main__":
    import jax
    _d = setup_inputs()
    print(jax.jit(kernel)(*tuple(_d.values())))

</pallas_src>

<mosaic_0001>
#map = affine_map<(d0, d1) -> (0, 0)>
module attributes {stable_mosaic.version = 14 : i64} {
  func.func @k(%arg0: i32, %arg1: i32, %arg2: memref<4096x200xi32, #tpu.memory_space<hbm>>, %arg3: memref<1000000x32xf32, #tpu.memory_space<hbm>>, %arg4: memref<819200x32xf32, #tpu.memory_space<hbm>>, %arg5: memref<128x200xi32, #tpu.memory_space<vmem>>, %arg6: memref<2x400x32xf32, #tpu.memory_space<vmem>>, %arg7: memref<544xf32, #tpu.memory_space<vmem>>, %arg8: memref<!tpu.dma_semaphore, #tpu.memory_space<semaphore_mem>>, %arg9: memref<!tpu.dma_semaphore, #tpu.memory_space<semaphore_mem>>, %arg10: memref<!tpu.dma_semaphore, #tpu.memory_space<semaphore_mem>>, %arg11: memref<!tpu.dma_semaphore, #tpu.memory_space<semaphore_mem>>) attributes {dimension_semantics = [#tpu.dimension_semantics<core_parallel>, #tpu.dimension_semantics<subcore_parallel>], iteration_bounds = array<i64: 2, 16>, scalar_prefetch = 0 : i64, scratch_operands = 7 : i64, tpu.core_type = #tpu.core_type<sc_vector_subcore>, window_params = [{transform_indices = #map}, {transform_indices = #map}, {transform_indices = #map}]} {
    %mul3A = arith.constant 2 : i32
    %mul3A_0 = arith.muli %arg1, %mul3A : i32
    %add3A = arith.addi %mul3A_0, %arg0 : i32
    %mul3A_1 = arith.constant 128 : i32
    %mul3A_2 = arith.muli %add3A, %mul3A_1 : i32
    "tpu.region"() ({
      %run_scoped3A = tpu.sem_alloc : memref<!tpu.dma_semaphore, #tpu.memory_space<semaphore_mem>>
      %dma_start3A_121 = arith.constant 0 : i32
      %dma_start3A_122 = tpu.memref_slice %arg2[%mul3A_2, %dma_start3A_121] : memref<4096x200xi32, #tpu.memory_space<hbm>> -> memref<128x200xi32, #tpu.memory_space<hbm>>
      %dma_start3A_123 = arith.constant 0 : i32
      %dma_start3A_124 = tpu.memref_slice %arg2[%mul3A_2, %dma_start3A_123] : memref<4096x200xi32, #tpu.memory_space<hbm>> -> memref<128x200xi32, #tpu.memory_space<hbm>>
      tpu.enqueue_dma source(%dma_start3A_124 : memref<128x200xi32, #tpu.memory_space<hbm>>) target(%arg5 : memref<128x200xi32, #tpu.memory_space<vmem>>) target_semaphore(%run_scoped3A : memref<!tpu.dma_semaphore, #tpu.memory_space<semaphore_mem>>)
      %dma_wait3A_125 = arith.constant 0 : i32
      %dma_wait3A_126 = tpu.memref_slice %arg2[%mul3A_2, %dma_wait3A_125] : memref<4096x200xi32, #tpu.memory_space<hbm>> -> memref<128x200xi32, #tpu.memory_space<hbm>>
      %dma_wait3A_127 = arith.constant 0 : i32
      %dma_wait3A_128 = tpu.memref_slice %arg2[%mul3A_2, %dma_wait3A_127] : memref<4096x200xi32, #tpu.memory_space<hbm>> -> memref<128x200xi32, #tpu.memory_space<hbm>>
      tpu.wait_dma2 semaphore(%run_scoped3A : memref<!tpu.dma_semaphore, #tpu.memory_space<semaphore_mem>>) src(%dma_wait3A_128 : memref<128x200xi32, #tpu.memory_space<hbm>>) dst(%arg5 : memref<128x200xi32, #tpu.memory_space<vmem>>)
      tpu.yield
    }) : () -> ()
    %dma_start3A = arith.constant 0 : i32
    %dma_start3A_3 = arith.constant 0 : i32
    %dma_start3A_4 = arith.constant 0 : i32
    %dma_start3A_5 = arith.constant 0 : i32
    %dma_start3A_6 = tpu.memref_slice %arg6[%dma_start3A_3, %dma_start3A_4, %dma_start3A_5] : memref<2x400x32xf32, #tpu.memory_space<vmem>> -> memref<1x400x32xf32, #tpu.memory_space<vmem>>
    %dma_start3A_7 = tpu.memref_squeeze %dma_start3A_6 : memref<1x400x32xf32, #tpu.memory_space<vmem>> -> memref<400x32xf32, #tpu.memory_space<vmem>>
    %dma_start3A_8 = arith.constant 0 : i32
    %dma_start3A_9 = arith.constant 0 : i32
    %dma_start3A_10 = tpu.memref_slice %dma_start3A_7[%dma_start3A_8, %dma_start3A_9] : memref<400x32xf32, #tpu.memory_space<vmem>> -> memref<200x32xf32, #tpu.memory_space<vmem>>
    %dma_start3A_11 = arith.constant 0 : i32
    %dma_start3A_12 = tpu.memref_slice %arg5[%dma_start3A, %dma_start3A_11] : memref<128x200xi32, #tpu.memory_space<vmem>> -> memref<1x200xi32, #tpu.memory_space<vmem>>
    %dma_start3A_13 = tpu.memref_squeeze %dma_start3A_12 : memref<1x200xi32, #tpu.memory_space<vmem>> -> memref<200xi32, #tpu.memory_space<vmem>>
    %dma_start3A_14 = arith.constant 0 : i32
    %dma_start3A_15 = arith.constant 0 : i32
    %dma_start3A_16 = tpu.memref_slice %arg3[%dma_start3A_14, %dma_start3A_15] : memref<1000000x32xf32, #tpu.memory_space<hbm>> -> memref<1000000x32xf32, #tpu.memory_space<hbm>>
    tpu.enqueue_indirect_dma source(%dma_start3A_16 : memref<1000000x32xf32, #tpu.memory_space<hbm>>) target(%dma_start3A_10 : memref<200x32xf32, #tpu.memory_space<vmem>>) offsets(%dma_start3A_13 : memref<200xi32, #tpu.memory_space<vmem>>) semaphore(%arg8 : memref<!tpu.dma_semaphore, #tpu.memory_space<semaphore_mem>>)
    %dma_start3A_17 = arith.constant 1 : i32
    %dma_start3A_18 = arith.constant 0 : i32
    %dma_start3A_19 = arith.constant 0 : i32
    %dma_start3A_20 = arith.constant 0 : i32
    %dma_start3A_21 = tpu.memref_slice %arg6[%dma_start3A_18, %dma_start3A_19, %dma_start3A_20] : memref<2x400x32xf32, #tpu.memory_space<vmem>> -> memref<1x400x32xf32, #tpu.memory_space<vmem>>
    %dma_start3A_22 = tpu.memref_squeeze %dma_start3A_21 : memref<1x400x32xf32, #tpu.memory_space<vmem>> -> memref<400x32xf32, #tpu.memory_space<vmem>>
    %dma_start3A_23 = arith.constant 200 : i32
    %dma_start3A_24 = arith.constant 0 : i32
    %dma_start3A_25 = tpu.memref_slice %dma_start3A_22[%dma_start3A_23, %dma_start3A_24] : memref<400x32xf32, #tpu.memory_space<vmem>> -> memref<200x32xf32, #tpu.memory_space<vmem>>
    %dma_start3A_26 = arith.constant 0 : i32
    %dma_start3A_27 = tpu.memref_slice %arg5[%dma_start3A_17, %dma_start3A_26] : memref<128x200xi32, #tpu.memory_space<vmem>> -> memref<1x200xi32, #tpu.memory_space<vmem>>
    %dma_start3A_28 = tpu.memref_squeeze %dma_start3A_27 : memref<1x200xi32, #tpu.memory_space<vmem>> -> memref<200xi32, #tpu.memory_space<vmem>>
    %dma_start3A_29 = arith.constant 0 : i32
    %dma_start3A_30 = arith.constant 0 : i32
    %dma_start3A_31 = tpu.memref_slice %arg3[%dma_start3A_29, %dma_start3A_30] : memref<1000000x32xf32, #tpu.memory_space<hbm>> -> memref<1000000x32xf32, #tpu.memory_space<hbm>>
    tpu.enqueue_indirect_dma source(%dma_start3A_31 : memref<1000000x32xf32, #tpu.memory_space<hbm>>) target(%dma_start3A_25 : memref<200x32xf32, #tpu.memory_space<vmem>>) offsets(%dma_start3A_28 : memref<200xi32, #tpu.memory_space<vmem>>) semaphore(%arg8 : memref<!tpu.dma_semaphore, #tpu.memory_space<semaphore_mem>>)
    %scan3A = arith.constant 0 : i32
    %scan3A_32 = arith.constant 0 : i32
    %scan3A_33 = arith.constant 32 : i32
    %scan3A_34 = arith.addi %scan3A_32, %scan3A_33 : i32
    %scan3A_35 = arith.constant 1 : i32
    %scan3A_36 = scf.for %scan3A_121 = %scan3A_32 to %scan3A_34 step %scan3A_35 iter_args(%scan3A_122 = %scan3A) -> (i32)  : i32 {
      %mul3A_123 = arith.constant 2 : i32
      %mul3A_124 = arith.muli %mul3A_123, %scan3A_121 : i32
      %add3A_125 = arith.constant 0 : i32
      %add3A_126 = arith.addi %mul3A_124, %add3A_125 : i32
      %add3A_127 = arith.constant 1 : i32
      %add3A_128 = arith.addi %add3A_126, %add3A_127 : i32
      %lt3A = arith.constant 64 : i32
      %lt3A_129 = arith.cmpi slt, %add3A_128, %lt3A : i32
      %ge3A = arith.constant 1 : i32
      %ge3A_130 = arith.cmpi sge, %add3A_126, %ge3A : i32
      %and3A = arith.andi %lt3A_129, %ge3A_130 : i1
      %convert_element_type3A = arith.extui %and3A : i1 to i32
      %cond3A = arith.constant 0 : i32
      %cond3A_131 = arith.cmpi ne, %convert_element_type3A, %cond3A : i32
      scf.if %cond3A_131 {
        %dma_wait3A_368 = arith.constant 1 : i32
        %dma_wait3A_369 = arith.constant 0 : i32
        %dma_wait3A_370 = arith.constant 0 : i32
        %dma_wait3A_371 = tpu.memref_slice %arg6[%dma_wait3A_368, %dma_wait3A_369, %dma_wait3A_370] : memref<2x400x32xf32, #tpu.memory_space<vmem>> -> memref<1x400x32xf32, #tpu.memory_space<vmem>>
        %dma_wait3A_372 = tpu.memref_squeeze %dma_wait3A_371 : memref<1x400x32xf32, #tpu.memory_space<vmem>> -> memref<400x32xf32, #tpu.memory_space<vmem>>
        %dma_wait3A_373 = arith.constant 0 : i32
        %dma_wait3A_374 = arith.constant 0 : i32
        %dma_wait3A_375 = tpu.memref_slice %dma_wait3A_372[%dma_wait3A_373, %dma_wait3A_374] : memref<400x32xf32, #tpu.memory_space<vmem>> -> memref<200x32xf32, #tpu.memory_space<vmem>>
        %dma_wait3A_376 = arith.constant 0 : i32
        %dma_wait3A_377 = arith.constant 0 : i32
        %dma_wait3A_378 = tpu.memref_slice %arg4[%dma_wait3A_376, %dma_wait3A_377] : memref<819200x32xf32, #tpu.memory_space<hbm>> -> memref<200x32xf32, #tpu.memory_space<hbm>>
        %dma_wait3A_379 = arith.constant 0 : i32
        %dma_wait3A_380 = arith.constant 0 : i32
        %dma_wait3A_381 = tpu.memref_slice %arg4[%dma_wait3A_379, %dma_wait3A_380] : memref<819200x32xf32, #tpu.memory_space<hbm>> -> memref<200x32xf32, #tpu.memory_space<hbm>>
        %dma_wait3A_382 = arith.constant 0 : i32
        %dma_wait3A_383 = arith.constant 0 : i32
        %dma_wait3A_384 = tpu.memref_slice %arg6[%dma_wait3A_368, %dma_wait3A_382, %dma_wait3A_383] : memref<2x400x32xf32, #tpu.memory_space<vmem>> -> memref<1x400x32xf32, #tpu.memory_space<vmem>>
        %dma_wait3A_385 = tpu.memref_squeeze %dma_wait3A_384 : memref<1x400x32xf32, #tpu.memory_space<vmem>> -> memref<400x32xf32, #tpu.memory_space<vmem>>
        %dma_wait3A_386 = arith.constant 0 : i32
        %dma_wait3A_387 = arith.constant 0 : i32
        %dma_wait3A_388 = tpu.memref_slice %dma_wait3A_385[%dma_wait3A_386, %dma_wait3A_387] : memref<400x32xf32, #tpu.memory_space<vmem>> -> memref<200x32xf32, #tpu.memory_space<vmem>>
        tpu.wait_dma2 semaphore(%arg11 : memref<!tpu.dma_semaphore, #tpu.memory_space<semaphore_mem>>) src(%dma_wait3A_388 : memref<200x32xf32, #tpu.memory_space<vmem>>) dst(%dma_wait3A_381 : memref<200x32xf32, #tpu.memory_space<hbm>>)
        %dma_wait3A_389 = arith.constant 1 : i32
        %dma_wait3A_390 = arith.constant 0 : i32
        %dma_wait3A_391 = arith.constant 0 : i32
        %dma_wait3A_392 = tpu.memref_slice %arg6[%dma_wait3A_389, %dma_wait3A_390, %dma_wait3A_391] : memref<2x400x32xf32, #tpu.memory_space<vmem>> -> memref<1x400x32xf32, #tpu.memory_space<vmem>>
        %dma_wait3A_393 = tpu.memref_squeeze %dma_wait3A_392 : memref<1x400x32xf32, #tpu.memory_space<vmem>> -> memref<400x32xf32, #tpu.memory_space<vmem>>
        %dma_wait3A_394 = arith.constant 0 : i32
        %dma_wait3A_395 = arith.constant 0 : i32
        %dma_wait3A_396 = tpu.memref_slice %dma_wait3A_393[%dma_wait3A_394, %dma_wait3A_395] : memref<400x32xf32, #tpu.memory_space<vmem>> -> memref<200x32xf32, #tpu.memory_space<vmem>>
        %dma_wait3A_397 = arith.constant 0 : i32
        %dma_wait3A_398 = arith.constant 0 : i32
        %dma_wait3A_399 = tpu.memref_slice %arg4[%dma_wait3A_397, %dma_wait3A_398] : memref<819200x32xf32, #tpu.memory_space<hbm>> -> memref<200x32xf32, #tpu.memory_space<hbm>>
        %dma_wait3A_400 = arith.constant 0 : i32
        %dma_wait3A_401 = arith.constant 0 : i32
        %dma_wait3A_402 = tpu.memref_slice %arg4[%dma_wait3A_400, %dma_wait3A_401] : memref<819200x32xf32, #tpu.memory_space<hbm>> -> memref<200x32xf32, #tpu.memory_space<hbm>>
        %dma_wait3A_403 = arith.constant 0 : i32
        %dma_wait3A_404 = arith.constant 0 : i32
        %dma_wait3A_405 = tpu.memref_slice %arg6[%dma_wait3A_389, %dma_wait3A_403, %dma_wait3A_404] : memref<2x400x32xf32, #tpu.memory_space<vmem>> -> memref<1x400x32xf32, #tpu.memory_space<vmem>>
        %dma_wait3A_406 = tpu.memref_squeeze %dma_wait3A_405 : memref<1x400x32xf32, #tpu.memory_space<vmem>> -> memref<400x32xf32, #tpu.memory_space<vmem>>
        %dma_wait3A_407 = arith.constant 0 : i32
        %dma_wait3A_408 = arith.constant 0 : i32
        %dma_wait3A_409 = tpu.memref_slice %dma_wait3A_406[%dma_wait3A_407, %dma_wait3A_408] : memref<400x32xf32, #tpu.memory_space<vmem>> -> memref<200x32xf32, #tpu.memory_space<vmem>>
        tpu.wait_dma2 semaphore(%arg11 : memref<!tpu.dma_semaphore, #tpu.memory_space<semaphore_mem>>) src(%dma_wait3A_409 : memref<200x32xf32, #tpu.memory_space<vmem>>) dst(%dma_wait3A_402 : memref<200x32xf32, #tpu.memory_space<hbm>>)
      } else {
      }
      %lt3A_132 = arith.constant 64 : i32
      %lt3A_133 = arith.cmpi slt, %add3A_128, %lt3A_132 : i32
      %convert_element_type3A_134 = arith.extui %lt3A_133 : i1 to i32
      %cond3A_135 = arith.constant 0 : i32
      %cond3A_136 = arith.cmpi ne, %convert_element_type3A_134, %cond3A_135 : i32
      scf.if %cond3A_136 {
        %mul3A_368 = arith.constant 2 : i32
        %mul3A_369 = arith.muli %add3A_128, %mul3A_368 : i32
        %add3A_370 = arith.constant 0 : i32
        %add3A_371 = arith.addi %mul3A_369, %add3A_370 : i32
        %dma_start3A_372 = arith.constant 1 : i32
        %dma_start3A_373 = arith.constant 0 : i32
        %dma_start3A_374 = arith.constant 0 : i32
        %dma_start3A_375 = tpu.memref_slice %arg6[%dma_start3A_372, %dma_start3A_373, %dma_start3A_374] : memref<2x400x32xf32, #tpu.memory_space<vmem>> -> memref<1x400x32xf32, #tpu.memory_space<vmem>>
        %dma_start3A_376 = tpu.memref_squeeze %dma_start3A_375 : memref<1x400x32xf32, #tpu.memory_space<vmem>> -> memref<400x32xf32, #tpu.memory_space<vmem>>
        %dma_start3A_377 = arith.constant 0 : i32
        %dma_start3A_378 = arith.constant 0 : i32
        %dma_start3A_379 = tpu.memref_slice %dma_start3A_376[%dma_start3A_377, %dma_start3A_378] : memref<400x32xf32, #tpu.memory_space<vmem>> -> memref<200x32xf32, #tpu.memory_space<vmem>>
        %dma_start3A_380 = arith.constant 0 : i32
        %dma_start3A_381 = tpu.memref_slice %arg5[%add3A_371, %dma_start3A_380] : memref<128x200xi32, #tpu.memory_space<vmem>> -> memref<1x200xi32, #tpu.memory_space<vmem>>
        %dma_start3A_382 = tpu.memref_squeeze %dma_start3A_381 : memref<1x200xi32, #tpu.memory_space<vmem>> -> memref<200xi32, #tpu.memory_space<vmem>>
        %dma_start3A_383 = arith.constant 0 : i32
        %dma_start3A_384 = arith.constant 0 : i32
        %dma_start3A_385 = tpu.memref_slice %arg3[%dma_start3A_383, %dma_start3A_384] : memref<1000000x32xf32, #tpu.memory_space<hbm>> -> memref<1000000x32xf32, #tpu.memory_space<hbm>>
        tpu.enqueue_indirect_dma source(%dma_start3A_385 : memref<1000000x32xf32, #tpu.memory_space<hbm>>) target(%dma_start3A_379 : memref<200x32xf32, #tpu.memory_space<vmem>>) offsets(%dma_start3A_382 : memref<200xi32, #tpu.memory_space<vmem>>) semaphore(%arg9 : memref<!tpu.dma_semaphore, #tpu.memory_space<semaphore_mem>>)
        %mul3A_386 = arith.constant 2 : i32
        %mul3A_387 = arith.muli %add3A_128, %mul3A_386 : i32
        %add3A_388 = arith.constant 1 : i32
        %add3A_389 = arith.addi %mul3A_387, %add3A_388 : i32
        %dma_start3A_390 = arith.constant 1 : i32
        %dma_start3A_391 = arith.constant 0 : i32
        %dma_start3A_392 = arith.constant 0 : i32
        %dma_start3A_393 = tpu.memref_slice %arg6[%dma_start3A_390, %dma_start3A_391, %dma_start3A_392] : memref<2x400x32xf32, #tpu.memory_space<vmem>> -> memref<1x400x32xf32, #tpu.memory_space<vmem>>
        %dma_start3A_394 = tpu.memref_squeeze %dma_start3A_393 : memref<1x400x32xf32, #tpu.memory_space<vmem>> -> memref<400x32xf32, #tpu.memory_space<vmem>>
        %dma_start3A_395 = arith.constant 200 : i32
        %dma_start3A_396 = arith.constant 0 : i32
        %dma_start3A_397 = tpu.memref_slice %dma_start3A_394[%dma_start3A_395, %dma_start3A_396] : memref<400x32xf32, #tpu.memory_space<vmem>> -> memref<200x32xf32, #tpu.memory_space<vmem>>
        %dma_start3A_398 = arith.constant 0 : i32
        %dma_start3A_399 = tpu.memref_slice %arg5[%add3A_389, %dma_start3A_398] : memref<128x200xi32, #tpu.memory_space<vmem>> -> memref<1x200xi32, #tpu.memory_space<vmem>>
        %dma_start3A_400 = tpu.memref_squeeze %dma_start3A_399 : memref<1x200xi32, #tpu.memory_space<vmem>> -> memref<200xi32, #tpu.memory_space<vmem>>
        %dma_start3A_401 = arith.constant 0 : i32
        %dma_start3A_402 = arith.constant 0 : i32
        %dma_start3A_403 = tpu.memref_slice %arg3[%dma_start3A_401, %dma_start3A_402] : memref<1000000x32xf32, #tpu.memory_space<hbm>> -> memref<1000000x32xf32, #tpu.memory_space<hbm>>
        tpu.enqueue_indirect_dma source(%dma_start3A_403 : memref<1000000x32xf32, #tpu.memory_space<hbm>>) target(%dma_start3A_397 : memref<200x32xf32, #tpu.memory_space<vmem>>) offsets(%dma_start3A_400 : memref<200xi32, #tpu.memory_space<vmem>>) semaphore(%arg9 : memref<!tpu.dma_semaphore, #tpu.memory_space<semaphore_mem>>)
      } else {
      }
      %dma_wait3A_137 = arith.constant 0 : i32
      %dma_wait3A_138 = arith.constant 0 : i32
      %dma_wait3A_139 = arith.constant 0 : i32
      %dma_wait3A_140 = tpu.memref_slice %arg6[%dma_wait3A_137, %dma_wait3A_138, %dma_wait3A_139] : memref<2x400x32xf32, #tpu.memory_space<vmem>> -> memref<1x400x32xf32, #tpu.memory_space<vmem>>
      %dma_wait3A_141 = tpu.memref_squeeze %dma_wait3A_140 : memref<1x400x32xf32, #tpu.memory_space<vmem>> -> memref<400x32xf32, #tpu.memory_space<vmem>>
      %dma_wait3A_142 = arith.constant 0 : i32
      %dma_wait3A_143 = arith.constant 0 : i32
      %dma_wait3A_144 = tpu.memref_slice %dma_wait3A_141[%dma_wait3A_142, %dma_wait3A_143] : memref<400x32xf32, #tpu.memory_space<vmem>> -> memref<200x32xf32, #tpu.memory_space<vmem>>
      %dma_wait3A_145 = arith.constant 0 : i32
      %dma_wait3A_146 = arith.constant 0 : i32
      %dma_wait3A_147 = tpu.memref_slice %arg3[%dma_wait3A_145, %dma_wait3A_146] : memref<1000000x32xf32, #tpu.memory_space<hbm>> -> memref<200x32xf32, #tpu.memory_space<hbm>>
      %dma_wait3A_148 = arith.constant 0 : i32
      %dma_wait3A_149 = arith.constant 0 : i32
      %dma_wait3A_150 = tpu.memref_slice %arg6[%dma_wait3A_137, %dma_wait3A_148, %dma_wait3A_149] : memref<2x400x32xf32, #tpu.memory_space<vmem>> -> memref<1x400x32xf32, #tpu.memory_space<vmem>>
      %dma_wait3A_151 = tpu.memref_squeeze %dma_wait3A_150 : memref<1x400x32xf32, #tpu.memory_space<vmem>> -> memref<400x32xf32, #tpu.memory_space<vmem>>
      %dma_wait3A_152 = arith.constant 0 : i32
      %dma_wait3A_153 = arith.constant 0 : i32
      %dma_wait3A_154 = tpu.memref_slice %dma_wait3A_151[%dma_wait3A_152, %dma_wait3A_153] : memref<400x32xf32, #tpu.memory_space<vmem>> -> memref<200x32xf32, #tpu.memory_space<vmem>>
      %dma_wait3A_155 = arith.constant 0 : i32
      %dma_wait3A_156 = arith.constant 0 : i32
      %dma_wait3A_157 = tpu.memref_slice %arg3[%dma_wait3A_155, %dma_wait3A_156] : memref<1000000x32xf32, #tpu.memory_space<hbm>> -> memref<200x32xf32, #tpu.memory_space<hbm>>
      tpu.wait_dma2 semaphore(%arg8 : memref<!tpu.dma_semaphore, #tpu.memory_space<semaphore_mem>>) src(%dma_wait3A_157 : memref<200x32xf32, #tpu.memory_space<hbm>>) dst(%dma_wait3A_154 : memref<200x32xf32, #tpu.memory_space<vmem>>)
      %dma_wait3A_158 = arith.constant 0 : i32
      %dma_wait3A_159 = arith.constant 0 : i32
      %dma_wait3A_160 = arith.constant 0 : i32
      %dma_wait3A_161 = tpu.memref_slice %arg6[%dma_wait3A_158, %dma_wait3A_159, %dma_wait3A_160] : memref<2x400x32xf32, #tpu.memory_space<vmem>> -> memref<1x400x32xf32, #tpu.memory_space<vmem>>
      %dma_wait3A_162 = tpu.memref_squeeze %dma_wait3A_161 : memref<1x400x32xf32, #tpu.memory_space<vmem>> -> memref<400x32xf32, #tpu.memory_space<vmem>>
      %dma_wait3A_163 = arith.constant 0 : i32
      %dma_wait3A_164 = arith.constant 0 : i32
      %dma_wait3A_165 = tpu.memref_slice %dma_wait3A_162[%dma_wait3A_163, %dma_wait3A_164] : memref<400x32xf32, #tpu.memory_space<vmem>> -> memref<200x32xf32, #tpu.memory_space<vmem>>
      %dma_wait3A_166 = arith.constant 0 : i32
      %dma_wait3A_167 = arith.constant 0 : i32
      %dma_wait3A_168 = tpu.memref_slice %arg3[%dma_wait3A_166, %dma_wait3A_167] : memref<1000000x32xf32, #tpu.memory_space<hbm>> -> memref<200x32xf32, #tpu.memory_space<hbm>>
      %dma_wait3A_169 = arith.constant 0 : i32
      %dma_wait3A_170 = arith.constant 0 : i32
      %dma_wait3A_171 = tpu.memref_slice %arg6[%dma_wait3A_158, %dma_wait3A_169, %dma_wait3A_170] : memref<2x400x32xf32, #tpu.memory_space<vmem>> -> memref<1x400x32xf32, #tpu.memory_space<vmem>>
      %dma_wait3A_172 = tpu.memref_squeeze %dma_wait3A_171 : memref<1x400x32xf32, #tpu.memory_space<vmem>> -> memref<400x32xf32, #tpu.memory_space<vmem>>
      %dma_wait3A_173 = arith.constant 0 : i32
      %dma_wait3A_174 = arith.constant 0 : i32
      %dma_wait3A_175 = tpu.memref_slice %dma_wait3A_172[%dma_wait3A_173, %dma_wait3A_174] : memref<400x32xf32, #tpu.memory_space<vmem>> -> memref<200x32xf32, #tpu.memory_space<vmem>>
      %dma_wait3A_176 = arith.constant 0 : i32
      %dma_wait3A_177 = arith.constant 0 : i32
      %dma_wait3A_178 = tpu.memref_slice %arg3[%dma_wait3A_176, %dma_wait3A_177] : memref<1000000x32xf32, #tpu.memory_space<hbm>> -> memref<200x32xf32, #tpu.memory_space<hbm>>
      tpu.wait_dma2 semaphore(%arg8 : memref<!tpu.dma_semaphore, #tpu.memory_space<semaphore_mem>>) src(%dma_wait3A_178 : memref<200x32xf32, #tpu.memory_space<hbm>>) dst(%dma_wait3A_175 : memref<200x32xf32, #tpu.memory_space<vmem>>)
      %iota3A = tpu.iota {dimensions = array<i32: 0>} : vector<16xi32>
      %mul3A_179 = arith.constant 17 : i32
      %mul3A_180 = vector.broadcast %mul3A_179 : i32 to vector<16xi32>
      %mul3A_181 = arith.muli %iota3A, %mul3A_180 : vector<16xi32>
      %scan3A_182 = arith.constant 0 : i32
      %scan3A_183 = arith.constant 0 : i32
      %scan3A_184 = arith.constant 0 : i32
      %scan3A_185 = arith.constant 25 : i32
      %scan3A_186 = arith.addi %scan3A_184, %scan3A_185 : i32
      %scan3A_187 = arith.constant 1 : i32
      %scan3A_188 = scf.for %scan3A_368 = %scan3A_184 to %scan3A_186 step %scan3A_187 iter_args(%scan3A_369 = %scan3A_183) -> (i32)  : i32 {
        %mul3A_370 = arith.constant 16 : i32
        %mul3A_371 = arith.muli %scan3A_368, %mul3A_370 : i32
        %add3A_372 = arith.constant 0 : i32
        %add3A_373 = arith.addi %mul3A_371, %add3A_372 : i32
        %get3A = arith.constant 0 : i32
        %get3A_374 = arith.constant 0 : i32
        %get3A_375 = tpu.memref_slice %arg6[%scan3A_182, %get3A, %get3A_374] : memref<2x400x32xf32, #tpu.memory_space<vmem>> -> memref<1x400x32xf32, #tpu.memory_space<vmem>>
        %get3A_376 = tpu.memref_squeeze %get3A_375 : memref<1x400x32xf32, #tpu.memory_space<vmem>> -> memref<400x32xf32, #tpu.memory_space<vmem>>
        %get3A_377 = arith.index_cast %add3A_373 : i32 to index
        %get3A_378 = arith.constant 0 : index
        %get3A_379 = tpu.vector_load %get3A_376[%get3A_377, %get3A_378] {strides = array<i32>} : memref<400x32xf32, #tpu.memory_space<vmem>>, vector<16xf32>,
        %add3A_380 = arith.constant 0 : i32
        %add3A_381 = arith.addi %mul3A_371, %add3A_380 : i32
        %get3A_382 = arith.constant 0 : i32
        %get3A_383 = arith.constant 0 : i32
        %get3A_384 = tpu.memref_slice %arg6[%scan3A_182, %get3A_382, %get3A_383] : memref<2x400x32xf32, #tpu.memory_space<vmem>> -> memref<1x400x32xf32, #tpu.memory_space<vmem>>
        %get3A_385 = tpu.memref_squeeze %get3A_384 : memref<1x400x32xf32, #tpu.memory_space<vmem>> -> memref<400x32xf32, #tpu.memory_space<vmem>>
        %get3A_386 = arith.index_cast %add3A_381 : i32 to index
        %get3A_387 = arith.constant 16 : index
        %get3A_388 = tpu.vector_load %get3A_385[%get3A_386, %get3A_387] {strides = array<i32>} : memref<400x32xf32, #tpu.memory_space<vmem>>, vector<16xf32>,
        %add3A_389 = arith.constant 0 : i32
        %add3A_390 = vector.broadcast %add3A_389 : i32 to vector<16xi32>
        %add3A_391 = arith.addi %mul3A_181, %add3A_390 : vector<16xi32>
        tpu.vector_store_idx %arg7[%add3A_391], %get3A_379 : memref<544xf32, #tpu.memory_space<vmem>>[vector<16xi32>], vector<16xf32>,
        %add3A_392 = arith.constant 272 : i32
        %add3A_393 = vector.broadcast %add3A_392 : i32 to vector<16xi32>
        %add3A_394 = arith.addi %mul3A_181, %add3A_393 : vector<16xi32>
        tpu.vector_store_idx %arg7[%add3A_394], %get3A_388 : memref<544xf32, #tpu.memory_space<vmem>>[vector<16xi32>], vector<16xf32>,
        %add3A_395 = arith.constant 1 : i32
        %add3A_396 = arith.addi %mul3A_371, %add3A_395 : i32
        %get3A_397 = arith.constant 0 : i32
        %get3A_398 = arith.constant 0 : i32
        %get3A_399 = tpu.memref_slice %arg6[%scan3A_182, %get3A_397, %get3A_398] : memref<2x400x32xf32, #tpu.memory_space<vmem>> -> memref<1x400x32xf32, #tpu.memory_space<vmem>>
        %get3A_400 = tpu.memref_squeeze %get3A_399 : memref<1x400x32xf32, #tpu.memory_space<vmem>> -> memref<400x32xf32, #tpu.memory_space<vmem>>
        %get3A_401 = arith.index_cast %add3A_396 : i32 to index
        %get3A_402 = arith.constant 0 : index
        %get3A_403 = tpu.vector_load %get3A_400[%get3A_401, %get3A_402] {strides = array<i32>} : memref<400x32xf32, #tpu.memory_space<vmem>>, vector<16xf32>,
        %add3A_404 = arith.constant 1 : i32
        %add3A_405 = arith.addi %mul3A_371, %add3A_404 : i32
        %get3A_406 = arith.constant 0 : i32
        %get3A_407 = arith.constant 0 : i32
        %get3A_408 = tpu.memref_slice %arg6[%scan3A_182, %get3A_406, %get3A_407] : memref<2x400x32xf32, #tpu.memory_space<vmem>> -> memref<1x400x32xf32, #tpu.memory_space<vmem>>
        %get3A_409 = tpu.memref_squeeze %get3A_408 : memref<1x400x32xf32, #tpu.memory_space<vmem>> -> memref<400x32xf32, #tpu.memory_space<vmem>>
        %get3A_410 = arith.index_cast %add3A_405 : i32 to index
        %get3A_411 = arith.constant 16 : index
        %get3A_412 = tpu.vector_load %get3A_409[%get3A_410, %get3A_411] {strides = array<i32>} : memref<400x32xf32, #tpu.memory_space<vmem>>, vector<16xf32>,
        %add3A_413 = arith.constant 1 : i32
        %add3A_414 = vector.broadcast %add3A_413 : i32 to vector<16xi32>
        %add3A_415 = arith.addi %mul3A_181, %add3A_414 : vector<16xi32>
        tpu.vector_store_idx %arg7[%add3A_415], %get3A_403 : memref<544xf32, #tpu.memory_space<vmem>>[vector<16xi32>], vector<16xf32>,
        %add3A_416 = arith.constant 273 : i32
        %add3A_417 = vector.broadcast %add3A_416 : i32 to vector<16xi32>
        %add3A_418 = arith.addi %mul3A_181, %add3A_417 : vector<16xi32>
        tpu.vector_store_idx %arg7[%add3A_418], %get3A_412 : memref<544xf32, #tpu.memory_space<vmem>>[vector<16xi32>], vector<16xf32>,
        %add3A_419 = arith.constant 2 : i32
        %add3A_420 = arith.addi %mul3A_371, %add3A_419 : i32
        %get3A_421 = arith.constant 0 : i32
        %get3A_422 = arith.constant 0 : i32
        %get3A_423 = tpu.memref_slice %arg6[%scan3A_182, %get3A_421, %get3A_422] : memref<2x400x32xf32, #tpu.memory_space<vmem>> -> memref<1x400x32xf32, #tpu.memory_space<vmem>>
        %get3A_424 = tpu.memref_squeeze %get3A_423 : memref<1x400x32xf32, #tpu.memory_space<vmem>> -> memref<400x32xf32, #tpu.memory_space<vmem>>
        %get3A_425 = arith.index_cast %add3A_420 : i32 to index
        %get3A_426 = arith.constant 0 : index
        %get3A_427 = tpu.vector_load %get3A_424[%get3A_425, %get3A_426] {strides = array<i32>} : memref<400x32xf32, #tpu.memory_space<vmem>>, vector<16xf32>,
        %add3A_428 = arith.constant 2 : i32
        %add3A_429 = arith.addi %mul3A_371, %add3A_428 : i32
        %get3A_430 = arith.constant 0 : i32
        %get3A_431 = arith.constant 0 : i32
        %get3A_432 = tpu.memref_slice %arg6[%scan3A_182, %get3A_430, %get3A_431] : memref<2x400x32xf32, #tpu.memory_space<vmem>> -> memref<1x400x32xf32, #tpu.memory_space<vmem>>
        %get3A_433 = tpu.memref_squeeze %get3A_432 : memref<1x400x32xf32, #tpu.memory_space<vmem>> -> memref<400x32xf32, #tpu.memory_space<vmem>>
        %get3A_434 = arith.index_cast %add3A_429 : i32 to index
        %get3A_435 = arith.constant 16 : index
        %get3A_436 = tpu.vector_load %get3A_433[%get3A_434, %get3A_435] {strides = array<i32>} : memref<400x32xf32, #tpu.memory_space<vmem>>, vector<16xf32>,
        %add3A_437 = arith.constant 2 : i32
        %add3A_438 = vector.broadcast %add3A_437 : i32 to vector<16xi32>
        %add3A_439 = arith.addi %mul3A_181, %add3A_438 : vector<16xi32>
        tpu.vector_store_idx %arg7[%add3A_439], %get3A_427 : memref<544xf32, #tpu.memory_space<vmem>>[vector<16xi32>], vector<16xf32>,
        %add3A_440 = arith.constant 274 : i32
        %add3A_441 = vector.broadcast %add3A_440 : i32 to vector<16xi32>
        %add3A_442 = arith.addi %mul3A_181, %add3A_441 : vector<16xi32>
        tpu.vector_store_idx %arg7[%add3A_442], %get3A_436 : memref<544xf32, #tpu.memory_space<vmem>>[vector<16xi32>], vector<16xf32>,
        %add3A_443 = arith.constant 3 : i32
        %add3A_444 = arith.addi %mul3A_371, %add3A_443 : i32
        %get3A_445 = arith.constant 0 : i32
        %get3A_446 = arith.constant 0 : i32
        %get3A_447 = tpu.memref_slice %arg6[%scan3A_182, %get3A_445, %get3A_446] : memref<2x400x32xf32, #tpu.memory_space<vmem>> -> memref<1x400x32xf32, #tpu.memory_space<vmem>>
        %get3A_448 = tpu.memref_squeeze %get3A_447 : memref<1x400x32xf32, #tpu.memory_space<vmem>> -> memref<400x32xf32, #tpu.memory_space<vmem>>
        %get3A_449 = arith.index_cast %add3A_444 : i32 to index
        %get3A_450 = arith.constant 0 : index
        %get3A_451 = tpu.vector_load %get3A_448[%get3A_449, %get3A_450] {strides = array<i32>} : memref<400x32xf32, #tpu.memory_space<vmem>>, vector<16xf32>,
        %add3A_452 = arith.constant 3 : i32
        %add3A_453 = arith.addi %mul3A_371, %add3A_452 : i32
        %get3A_454 = arith.constant 0 : i32
        %get3A_455 = arith.constant 0 : i32
        %get3A_456 = tpu.memref_slice %arg6[%scan3A_182, %get3A_454, %get3A_455] : memref<2x400x32xf32, #tpu.memory_space<vmem>> -> memref<1x400x32xf32, #tpu.memory_space<vmem>>
        %get3A_457 = tpu.memref_squeeze %get3A_456 : memref<1x400x32xf32, #tpu.memory_space<vmem>> -> memref<400x32xf32, #tpu.memory_space<vmem>>
        %get3A_458 = arith.index_cast %add3A_453 : i32 to index
        %get3A_459 = arith.constant 16 : index
        %get3A_460 = tpu.vector_load %get3A_457[%get3A_458, %get3A_459] {strides = array<i32>} : memref<400x32xf32, #tpu.memory_space<vmem>>, vector<16xf32>,
        %add3A_461 = arith.constant 3 : i32
        %add3A_462 = vector.broadcast %add3A_461 : i32 to vector<16xi32>
        %add3A_463 = arith.addi %mul3A_181, %add3A_462 : vector<16xi32>
        tpu.vector_store_idx %arg7[%add3A_463], %get3A_451 : memref<544xf32, #tpu.memory_space<vmem>>[vector<16xi32>], vector<16xf32>,
        %add3A_464 = arith.constant 275 : i32
        %add3A_465 = vector.broadcast %add3A_464 : i32 to vector<16xi32>
        %add3A_466 = arith.addi %mul3A_181, %add3A_465 : vector<16xi32>
        tpu.vector_store_idx %arg7[%add3A_466], %get3A_460 : memref<544xf32, #tpu.memory_space<vmem>>[vector<16xi32>], vector<16xf32>,
        %add3A_467 = arith.constant 4 : i32
        %add3A_468 = arith.addi %mul3A_371, %add3A_467 : i32
        %get3A_469 = arith.constant 0 : i32
        %get3A_470 = arith.constant 0 : i32
        %get3A_471 = tpu.memref_slice %arg6[%scan3A_182, %get3A_469, %get3A_470] : memref<2x400x32xf32, #tpu.memory_space<vmem>> -> memref<1x400x32xf32, #tpu.memory_space<vmem>>
        %get3A_472 = tpu.memref_squeeze %get3A_471 : memref<1x400x32xf32, #tpu.memory_space<vmem>> -> memref<400x32xf32, #tpu.memory_space<vmem>>
        %get3A_473 = arith.index_cast %add3A_468 : i32 to index
        %get3A_474 = arith.constant 0 : index
        %get3A_475 = tpu.vector_load %get3A_472[%get3A_473, %get3A_474] {strides = array<i32>} : memref<400x32xf32, #tpu.memory_space<vmem>>, vector<16xf32>,
        %add3A_476 = arith.constant 4 : i32
        %add3A_477 = arith.addi %mul3A_371, %add3A_476 : i32
        %get3A_478 = arith.constant 0 : i32
        %get3A_479 = arith.constant 0 : i32
        %get3A_480 = tpu.memref_slice %arg6[%scan3A_182, %get3A_478, %get3A_479] : memref<2x400x32xf32, #tpu.memory_space<vmem>> -> memref<1x400x32xf32, #tpu.memory_space<vmem>>
        %get3A_481 = tpu.memref_squeeze %get3A_480 : memref<1x400x32xf32, #tpu.memory_space<vmem>> -> memref<400x32xf32, #tpu.memory_space<vmem>>
        %get3A_482 = arith.index_cast %add3A_477 : i32 to index
        %get3A_483 = arith.constant 16 : index
        %get3A_484 = tpu.vector_load %get3A_481[%get3A_482, %get3A_483] {strides = array<i32>} : memref<400x32xf32, #tpu.memory_space<vmem>>, vector<16xf32>,
        %add3A_485 = arith.constant 4 : i32
        %add3A_486 = vector.broadcast %add3A_485 : i32 to vector<16xi32>
        %add3A_487 = arith.addi %mul3A_181, %add3A_486 : vector<16xi32>
        tpu.vector_store_idx %arg7[%add3A_487], %get3A_475 : memref<544xf32, #tpu.memory_space<vmem>>[vector<16xi32>], vector<16xf32>,
        %add3A_488 = arith.constant 276 : i32
        %add3A_489 = vector.broadcast %add3A_488 : i32 to vector<16xi32>
        %add3A_490 = arith.addi %mul3A_181, %add3A_489 : vector<16xi32>
        tpu.vector_store_idx %arg7[%add3A_490], %get3A_484 : memref<544xf32, #tpu.memory_space<vmem>>[vector<16xi32>], vector<16xf32>,
        %add3A_491 = arith.constant 5 : i32
        %add3A_492 = arith.addi %mul3A_371, %add3A_491 : i32
        %get3A_493 = arith.constant 0 : i32
        %get3A_494 = arith.constant 0 : i32
        %get3A_495 = tpu.memref_slice %arg6[%scan3A_182, %get3A_493, %get3A_494] : memref<2x400x32xf32, #tpu.memory_space<vmem>> -> memref<1x400x32xf32, #tpu.memory_space<vmem>>
        %get3A_496 = tpu.memref_squeeze %get3A_495 : memref<1x400x32xf32, #tpu.memory_space<vmem>> -> memref<400x32xf32, #tpu.memory_space<vmem>>
        %get3A_497 = arith.index_cast %add3A_492 : i32 to index
        %get3A_498 = arith.constant 0 : index
        %get3A_499 = tpu.vector_load %get3A_496[%get3A_497, %get3A_498] {strides = array<i32>} : memref<400x32xf32, #tpu.memory_space<vmem>>, vector<16xf32>,
        %add3A_500 = arith.constant 5 : i32
        %add3A_501 = arith.addi %mul3A_371, %add3A_500 : i32
        %get3A_502 = arith.constant 0 : i32
        %get3A_503 = arith.constant 0 : i32
        %get3A_504 = tpu.memref_slice %arg6[%scan3A_182, %get3A_502, %get3A_503] : memref<2x400x32xf32, #tpu.memory_space<vmem>> -> memref<1x400x32xf32, #tpu.memory_space<vmem>>
        %get3A_505 = tpu.memref_squeeze %get3A_504 : memref<1x400x32xf32, #tpu.memory_space<vmem>> -> memref<400x32xf32, #tpu.memory_space<vmem>>
        %get3A_506 = arith.index_cast %add3A_501 : i32 to index
        %get3A_507 = arith.constant 16 : index
        %get3A_508 = tpu.vector_load %get3A_505[%get3A_506, %get3A_507] {strides = array<i32>} : memref<400x32xf32, #tpu.memory_space<vmem>>, vector<16xf32>,
        %add3A_509 = arith.constant 5 : i32
        %add3A_510 = vector.broadcast %add3A_509 : i32 to vector<16xi32>
        %add3A_511 = arith.addi %mul3A_181, %add3A_510 : vector<16xi32>
        tpu.vector_store_idx %arg7[%add3A_511], %get3A_499 : memref<544xf32, #tpu.memory_space<vmem>>[vector<16xi32>], vector<16xf32>,
        %add3A_512 = arith.constant 277 : i32
        %add3A_513 = vector.broadcast %add3A_512 : i32 to vector<16xi32>
        %add3A_514 = arith.addi %mul3A_181, %add3A_513 : vector<16xi32>
        tpu.vector_store_idx %arg7[%add3A_514], %get3A_508 : memref<544xf32, #tpu.memory_space<vmem>>[vector<16xi32>], vector<16xf32>,
        %add3A_515 = arith.constant 6 : i32
        %add3A_516 = arith.addi %mul3A_371, %add3A_515 : i32
        %get3A_517 = arith.constant 0 : i32
        %get3A_518 = arith.constant 0 : i32
        %get3A_519 = tpu.memref_slice %arg6[%scan3A_182, %get3A_517, %get3A_518] : memref<2x400x32xf32, #tpu.memory_space<vmem>> -> memref<1x400x32xf32, #tpu.memory_space<vmem>>
        %get3A_520 = tpu.memref_squeeze %get3A_519 : memref<1x400x32xf32, #tpu.memory_space<vmem>> -> memref<400x32xf32, #tpu.memory_space<vmem>>
        %get3A_521 = arith.index_cast %add3A_516 : i32 to index
        %get3A_522 = arith.constant 0 : index
        %get3A_523 = tpu.vector_load %get3A_520[%get3A_521, %get3A_522] {strides = array<i32>} : memref<400x32xf32, #tpu.memory_space<vmem>>, vector<16xf32>,
        %add3A_524 = arith.constant 6 : i32
        %add3A_525 = arith.addi %mul3A_371, %add3A_524 : i32
        %get3A_526 = arith.constant 0 : i32
        %get3A_527 = arith.constant 0 : i32
        %get3A_528 = tpu.memref_slice %arg6[%scan3A_182, %get3A_526, %get3A_527] : memref<2x400x32xf32, #tpu.memory_space<vmem>> -> memref<1x400x32xf32, #tpu.memory_space<vmem>>
        %get3A_529 = tpu.memref_squeeze %get3A_528 : memref<1x400x32xf32, #tpu.memory_space<vmem>> -> memref<400x32xf32, #tpu.memory_space<vmem>>
        %get3A_530 = arith.index_cast %add3A_525 : i32 to index
        %get3A_531 = arith.constant 16 : index
        %get3A_532 = tpu.vector_load %get3A_529[%get3A_530, %get3A_531] {strides = array<i32>} : memref<400x32xf32, #tpu.memory_space<vmem>>, vector<16xf32>,
        %add3A_533 = arith.constant 6 : i32
        %add3A_534 = vector.broadcast %add3A_533 : i32 to vector<16xi32>
        %add3A_535 = arith.addi %mul3A_181, %add3A_534 : vector<16xi32>
        tpu.vector_store_idx %arg7[%add3A_535], %get3A_523 : memref<544xf32, #tpu.memory_space<vmem>>[vector<16xi32>], vector<16xf32>,
        %add3A_536 = arith.constant 278 : i32
        %add3A_537 = vector.broadcast %add3A_536 : i32 to vector<16xi32>
        %add3A_538 = arith.addi %mul3A_181, %add3A_537 : vector<16xi32>
        tpu.vector_store_idx %arg7[%add3A_538], %get3A_532 : memref<544xf32, #tpu.memory_space<vmem>>[vector<16xi32>], vector<16xf32>,
        %add3A_539 = arith.constant 7 : i32
        %add3A_540 = arith.addi %mul3A_371, %add3A_539 : i32
        %get3A_541 = arith.constant 0 : i32
        %get3A_542 = arith.constant 0 : i32
        %get3A_543 = tpu.memref_slice %arg6[%scan3A_182, %get3A_541, %get3A_542] : memref<2x400x32xf32, #tpu.memory_space<vmem>> -> memref<1x400x32xf32, #tpu.memory_space<vmem>>
        %get3A_544 = tpu.memref_squeeze %get3A_543 : memref<1x400x32xf32, #tpu.memory_space<vmem>> -> memref<400x32xf32, #tpu.memory_space<vmem>>
        %get3A_545 = arith.index_cast %add3A_540 : i32 to index
        %get3A_546 = arith.constant 0 : index
        %get3A_547 = tpu.vector_load %get3A_544[%get3A_545, %get3A_546] {strides = array<i32>} : memref<400x32xf32, #tpu.memory_space<vmem>>, vector<16xf32>,
        %add3A_548 = arith.constant 7 : i32
        %add3A_549 = arith.addi %mul3A_371, %add3A_548 : i32
        %get3A_550 = arith.constant 0 : i32
        %get3A_551 = arith.constant 0 : i32
        %get3A_552 = tpu.memref_slice %arg6[%scan3A_182, %get3A_550, %get3A_551] : memref<2x400x32xf32, #tpu.memory_space<vmem>> -> memref<1x400x32xf32, #tpu.memory_space<vmem>>
        %get3A_553 = tpu.memref_squeeze %get3A_552 : memref<1x400x32xf32, #tpu.memory_space<vmem>> -> memref<400x32xf32, #tpu.memory_space<vmem>>
        %get3A_554 = arith.index_cast %add3A_549 : i32 to index
        %get3A_555 = arith.constant 16 : index
        %get3A_556 = tpu.vector_load %get3A_553[%get3A_554, %get3A_555] {strides = array<i32>} : memref<400x32xf32, #tpu.memory_space<vmem>>, vector<16xf32>,
        %add3A_557 = arith.constant 7 : i32
        %add3A_558 = vector.broadcast %add3A_557 : i32 to vector<16xi32>
        %add3A_559 = arith.addi %mul3A_181, %add3A_558 : vector<16xi32>
        tpu.vector_store_idx %arg7[%add3A_559], %get3A_547 : memref<544xf32, #tpu.memory_space<vmem>>[vector<16xi32>], vector<16xf32>,
        %add3A_560 = arith.constant 279 : i32
        %add3A_561 = vector.broadcast %add3A_560 : i32 to vector<16xi32>
        %add3A_562 = arith.addi %mul3A_181, %add3A_561 : vector<16xi32>
        tpu.vector_store_idx %arg7[%add3A_562], %get3A_556 : memref<544xf32, #tpu.memory_space<vmem>>[vector<16xi32>], vector<16xf32>,
        %add3A_563 = arith.constant 8 : i32
        %add3A_564 = arith.addi %mul3A_371, %add3A_563 : i32
        %get3A_565 = arith.constant 0 : i32
        %get3A_566 = arith.constant 0 : i32
        %get3A_567 = tpu.memref_slice %arg6[%scan3A_182, %get3A_565, %get3A_566] : memref<2x400x32xf32, #tpu.memory_space<vmem>> -> memref<1x400x32xf32, #tpu.memory_space<vmem>>
        %get3A_568 = tpu.memref_squeeze %get3A_567 : memref<1x400x32xf32, #tpu.memory_space<vmem>> -> memref<400x32xf32, #tpu.memory_space<vmem>>
        %get3A_569 = arith.index_cast %add3A_564 : i32 to index
        %get3A_570 = arith.constant 0 : index
        %get3A_571 = tpu.vector_load %get3A_568[%get3A_569, %get3A_570] {strides = array<i32>} : memref<400x32xf32, #tpu.memory_space<vmem>>, vector<16xf32>,
        %add3A_572 = arith.constant 8 : i32
        %add3A_573 = arith.addi %mul3A_371, %add3A_572 : i32
        %get3A_574 = arith.constant 0 : i32
        %get3A_575 = arith.constant 0 : i32
        %get3A_576 = tpu.memref_slice %arg6[%scan3A_182, %get3A_574, %get3A_575] : memref<2x400x32xf32, #tpu.memory_space<vmem>> -> memref<1x400x32xf32, #tpu.memory_space<vmem>>
        %get3A_577 = tpu.memref_squeeze %get3A_576 : memref<1x400x32xf32, #tpu.memory_space<vmem>> -> memref<400x32xf32, #tpu.memory_space<vmem>>
        %get3A_578 = arith.index_cast %add3A_573 : i32 to index
        %get3A_579 = arith.constant 16 : index
        %get3A_580 = tpu.vector_load %get3A_577[%get3A_578, %get3A_579] {strides = array<i32>} : memref<400x32xf32, #tpu.memory_space<vmem>>, vector<16xf32>,
        %add3A_581 = arith.constant 8 : i32
        %add3A_582 = vector.broadcast %add3A_581 : i32 to vector<16xi32>
        %add3A_583 = arith.addi %mul3A_181, %add3A_582 : vector<16xi32>
        tpu.vector_store_idx %arg7[%add3A_583], %get3A_571 : memref<544xf32, #tpu.memory_space<vmem>>[vector<16xi32>], vector<16xf32>,
        %add3A_584 = arith.constant 280 : i32
        %add3A_585 = vector.broadcast %add3A_584 : i32 to vector<16xi32>
        %add3A_586 = arith.addi %mul3A_181, %add3A_585 : vector<16xi32>
        tpu.vector_store_idx %arg7[%add3A_586], %get3A_580 : memref<544xf32, #tpu.memory_space<vmem>>[vector<16xi32>], vector<16xf32>,
        %add3A_587 = arith.constant 9 : i32
        %add3A_588 = arith.addi %mul3A_371, %add3A_587 : i32
        %get3A_589 = arith.constant 0 : i32
        %get3A_590 = arith.constant 0 : i32
        %get3A_591 = tpu.memref_slice %arg6[%scan3A_182, %get3A_589, %get3A_590] : memref<2x400x32xf32, #tpu.memory_space<vmem>> -> memref<1x400x32xf32, #tpu.memory_space<vmem>>
        %get3A_592 = tpu.memref_squeeze %get3A_591 : memref<1x400x32xf32, #tpu.memory_space<vmem>> -> memref<400x32xf32, #tpu.memory_space<vmem>>
        %get3A_593 = arith.index_cast %add3A_588 : i32 to index
        %get3A_594 = arith.constant 0 : index
        %get3A_595 = tpu.vector_load %get3A_592[%get3A_593, %get3A_594] {strides = array<i32>} : memref<400x32xf32, #tpu.memory_space<vmem>>, vector<16xf32>,
        %add3A_596 = arith.constant 9 : i32
        %add3A_597 = arith.addi %mul3A_371, %add3A_596 : i32
        %get3A_598 = arith.constant 0 : i32
        %get3A_599 = arith.constant 0 : i32
        %get3A_600 = tpu.memref_slice %arg6[%scan3A_182, %get3A_598, %get3A_599] : memref<2x400x32xf32, #tpu.memory_space<vmem>> -> memref<1x400x32xf32, #tpu.memory_space<vmem>>
        %get3A_601 = tpu.memref_squeeze %get3A_600 : memref<1x400x32xf32, #tpu.memory_space<vmem>> -> memref<400x32xf32, #tpu.memory_space<vmem>>
        %get3A_602 = arith.index_cast %add3A_597 : i32 to index
        %get3A_603 = arith.constant 16 : index
        %get3A_604 = tpu.vector_load %get3A_601[%get3A_602, %get3A_603] {strides = array<i32>} : memref<400x32xf32, #tpu.memory_space<vmem>>, vector<16xf32>,
        %add3A_605 = arith.constant 9 : i32
        %add3A_606 = vector.broadcast %add3A_605 : i32 to vector<16xi32>
        %add3A_607 = arith.addi %mul3A_181, %add3A_606 : vector<16xi32>
        tpu.vector_store_idx %arg7[%add3A_607], %get3A_595 : memref<544xf32, #tpu.memory_space<vmem>>[vector<16xi32>], vector<16xf32>,
        %add3A_608 = arith.constant 281 : i32
        %add3A_609 = vector.broadcast %add3A_608 : i32 to vector<16xi32>
        %add3A_610 = arith.addi %mul3A_181, %add3A_609 : vector<16xi32>
        tpu.vector_store_idx %arg7[%add3A_610], %get3A_604 : memref<544xf32, #tpu.memory_space<vmem>>[vector<16xi32>], vector<16xf32>,
        %add3A_611 = arith.constant 10 : i32
        %add3A_612 = arith.addi %mul3A_371, %add3A_611 : i32
        %get3A_613 = arith.constant 0 : i32
        %get3A_614 = arith.constant 0 : i32
        %get3A_615 = tpu.memref_slice %arg6[%scan3A_182, %get3A_613, %get3A_614] : memref<2x400x32xf32, #tpu.memory_space<vmem>> -> memref<1x400x32xf32, #tpu.memory_space<vmem>>
        %get3A_616 = tpu.memref_squeeze %get3A_615 : memref<1x400x32xf32, #tpu.memory_space<vmem>> -> memref<400x32xf32, #tpu.memory_space<vmem>>
        %get3A_617 = arith.index_cast %add3A_612 : i32 to index
        %get3A_618 = arith.constant 0 : index
        %get3A_619 = tpu.vector_load %get3A_616[%get3A_617, %get3A_618] {strides = array<i32>} : memref<400x32xf32, #tpu.memory_space<vmem>>, vector<16xf32>,
        %add3A_620 = arith.constant 10 : i32
        %add3A_621 = arith.addi %mul3A_371, %add3A_620 : i32
        %get3A_622 = arith.constant 0 : i32
        %get3A_623 = arith.constant 0 : i32
        %get3A_624 = tpu.memref_slice %arg6[%scan3A_182, %get3A_622, %get3A_623] : memref<2x400x32xf32, #tpu.memory_space<vmem>> -> memref<1x400x32xf32, #tpu.memory_space<vmem>>
        %get3A_625 = tpu.memref_squeeze %get3A_624 : memref<1x400x32xf32, #tpu.memory_space<vmem>> -> memref<400x32xf32, #tpu.memory_space<vmem>>
        %get3A_626 = arith.index_cast %add3A_621 : i32 to index
        %get3A_627 = arith.constant 16 : index
        %get3A_628 = tpu.vector_load %get3A_625[%get3A_626, %get3A_627] {strides = array<i32>} : memref<400x32xf32, #tpu.memory_space<vmem>>, vector<16xf32>,
        %add3A_629 = arith.constant 10 : i32
        %add3A_630 = vector.broadcast %add3A_629 : i32 to vector<16xi32>
        %add3A_631 = arith.addi %mul3A_181, %add3A_630 : vector<16xi32>
        tpu.vector_store_idx %arg7[%add3A_631], %get3A_619 : memref<544xf32, #tpu.memory_space<vmem>>[vector<16xi32>], vector<16xf32>,
        %add3A_632 = arith.constant 282 : i32
        %add3A_633 = vector.broadcast %add3A_632 : i32 to vector<16xi32>
        %add3A_634 = arith.addi %mul3A_181, %add3A_633 : vector<16xi32>
        tpu.vector_store_idx %arg7[%add3A_634], %get3A_628 : memref<544xf32, #tpu.memory_space<vmem>>[vector<16xi32>], vector<16xf32>,
        %add3A_635 = arith.constant 11 : i32
        %add3A_636 = arith.addi %mul3A_371, %add3A_635 : i32
        %get3A_637 = arith.constant 0 : i32
        %get3A_638 = arith.constant 0 : i32
        %get3A_639 = tpu.memref_slice %arg6[%scan3A_182, %get3A_637, %get3A_638] : memref<2x400x32xf32, #tpu.memory_space<vmem>> -> memref<1x400x32xf32, #tpu.memory_space<vmem>>
        %get3A_640 = tpu.memref_squeeze %get3A_639 : memref<1x400x32xf32, #tpu.memory_space<vmem>> -> memref<400x32xf32, #tpu.memory_space<vmem>>
        %get3A_641 = arith.index_cast %add3A_636 : i32 to index
        %get3A_642 = arith.constant 0 : index
        %get3A_643 = tpu.vector_load %get3A_640[%get3A_641, %get3A_642] {strides = array<i32>} : memref<400x32xf32, #tpu.memory_space<vmem>>, vector<16xf32>,
        %add3A_644 = arith.constant 11 : i32
        %add3A_645 = arith.addi %mul3A_371, %add3A_644 : i32
        %get3A_646 = arith.constant 0 : i32
        %get3A_647 = arith.constant 0 : i32
        %get3A_648 = tpu.memref_slice %arg6[%scan3A_182, %get3A_646, %get3A_647] : memref<2x400x32xf32, #tpu.memory_space<vmem>> -> memref<1x400x32xf32, #tpu.memory_space<vmem>>
        %get3A_649 = tpu.memref_squeeze %get3A_648 : memref<1x400x32xf32, #tpu.memory_space<vmem>> -> memref<400x32xf32, #tpu.memory_space<vmem>>
        %get3A_650 = arith.index_cast %add3A_645 : i32 to index
        %get3A_651 = arith.constant 16 : index
        %get3A_652 = tpu.vector_load %get3A_649[%get3A_650, %get3A_651] {strides = array<i32>} : memref<400x32xf32, #tpu.memory_space<vmem>>, vector<16xf32>,
        %add3A_653 = arith.constant 11 : i32
        %add3A_654 = vector.broadcast %add3A_653 : i32 to vector<16xi32>
        %add3A_655 = arith.addi %mul3A_181, %add3A_654 : vector<16xi32>
        tpu.vector_store_idx %arg7[%add3A_655], %get3A_643 : memref<544xf32, #tpu.memory_space<vmem>>[vector<16xi32>], vector<16xf32>,
        %add3A_656 = arith.constant 283 : i32
        %add3A_657 = vector.broadcast %add3A_656 : i32 to vector<16xi32>
        %add3A_658 = arith.addi %mul3A_181, %add3A_657 : vector<16xi32>
        tpu.vector_store_idx %arg7[%add3A_658], %get3A_652 : memref<544xf32, #tpu.memory_space<vmem>>[vector<16xi32>], vector<16xf32>,
        %add3A_659 = arith.constant 12 : i32
        %add3A_660 = arith.addi %mul3A_371, %add3A_659 : i32
        %get3A_661 = arith.constant 0 : i32
        %get3A_662 = arith.constant 0 : i32
        %get3A_663 = tpu.memref_slice %arg6[%scan3A_182, %get3A_661, %get3A_662] : memref<2x400x32xf32, #tpu.memory_space<vmem>> -> memref<1x400x32xf32, #tpu.memory_space<vmem>>
        %get3A_664 = tpu.memref_squeeze %get3A_663 : memref<1x400x32xf32, #tpu.memory_space<vmem>> -> memref<400x32xf32, #tpu.memory_space<vmem>>
        %get3A_665 = arith.index_cast %add3A_660 : i32 to index
        %get3A_666 = arith.constant 0 : index
        %get3A_667 = tpu.vector_load %get3A_664[%get3A_665, %get3A_666] {strides = array<i32>} : memref<400x32xf32, #tpu.memory_space<vmem>>, vector<16xf32>,
        %add3A_668 = arith.constant 12 : i32
        %add3A_669 = arith.addi %mul3A_371, %add3A_668 : i32
        %get3A_670 = arith.constant 0 : i32
        %get3A_671 = arith.constant 0 : i32
        %get3A_672 = tpu.memref_slice %arg6[%scan3A_182, %get3A_670, %get3A_671] : memref<2x400x32xf32, #tpu.memory_space<vmem>> -> memref<1x400x32xf32, #tpu.memory_space<vmem>>
        %get3A_673 = tpu.memref_squeeze %get3A_672 : memref<1x400x32xf32, #tpu.memory_space<vmem>> -> memref<400x32xf32, #tpu.memory_space<vmem>>
        %get3A_674 = arith.index_cast %add3A_669 : i32 to index
        %get3A_675 = arith.constant 16 : index
        %get3A_676 = tpu.vector_load %get3A_673[%get3A_674, %get3A_675] {strides = array<i32>} : memref<400x32xf32, #tpu.memory_space<vmem>>, vector<16xf32>,
        %add3A_677 = arith.constant 12 : i32
        %add3A_678 = vector.broadcast %add3A_677 : i32 to vector<16xi32>
        %add3A_679 = arith.addi %mul3A_181, %add3A_678 : vector<16xi32>
        tpu.vector_store_idx %arg7[%add3A_679], %get3A_667 : memref<544xf32, #tpu.memory_space<vmem>>[vector<16xi32>], vector<16xf32>,
        %add3A_680 = arith.constant 284 : i32
        %add3A_681 = vector.broadcast %add3A_680 : i32 to vector<16xi32>
        %add3A_682 = arith.addi %mul3A_181, %add3A_681 : vector<16xi32>
        tpu.vector_store_idx %arg7[%add3A_682], %get3A_676 : memref<544xf32, #tpu.memory_space<vmem>>[vector<16xi32>], vector<16xf32>,
        %add3A_683 = arith.constant 13 : i32
        %add3A_684 = arith.addi %mul3A_371, %add3A_683 : i32
        %get3A_685 = arith.constant 0 : i32
        %get3A_686 = arith.constant 0 : i32
        %get3A_687 = tpu.memref_slice %arg6[%scan3A_182, %get3A_685, %get3A_686] : memref<2x400x32xf32, #tpu.memory_space<vmem>> -> memref<1x400x32xf32, #tpu.memory_space<vmem>>
        %get3A_688 = tpu.memref_squeeze %get3A_687 : memref<1x400x32xf32, #tpu.memory_space<vmem>> -> memref<400x32xf32, #tpu.memory_space<vmem>>
        %get3A_689 = arith.index_cast %add3A_684 : i32 to index
        %get3A_690 = arith.constant 0 : index
        %get3A_691 = tpu.vector_load %get3A_688[%get3A_689, %get3A_690] {strides = array<i32>} : memref<400x32xf32, #tpu.memory_space<vmem>>, vector<16xf32>,
        %add3A_692 = arith.constant 13 : i32
        %add3A_693 = arith.addi %mul3A_371, %add3A_692 : i32
        %get3A_694 = arith.constant 0 : i32
        %get3A_695 = arith.constant 0 : i32
        %get3A_696 = tpu.memref_slice %arg6[%scan3A_182, %get3A_694, %get3A_695] : memref<2x400x32xf32, #tpu.memory_space<vmem>> -> memref<1x400x32xf32, #tpu.memory_space<vmem>>
        %get3A_697 = tpu.memref_squeeze %get3A_696 : memref<1x400x32xf32, #tpu.memory_space<vmem>> -> memref<400x32xf32, #tpu.memory_space<vmem>>
        %get3A_698 = arith.index_cast %add3A_693 : i32 to index
        %get3A_699 = arith.constant 16 : index
        %get3A_700 = tpu.vector_load %get3A_697[%get3A_698, %get3A_699] {strides = array<i32>} : memref<400x32xf32, #tpu.memory_space<vmem>>, vector<16xf32>,
        %add3A_701 = arith.constant 13 : i32
        %add3A_702 = vector.broadcast %add3A_701 : i32 to vector<16xi32>
        %add3A_703 = arith.addi %mul3A_181, %add3A_702 : vector<16xi32>
        tpu.vector_store_idx %arg7[%add3A_703], %get3A_691 : memref<544xf32, #tpu.memory_space<vmem>>[vector<16xi32>], vector<16xf32>,
        %add3A_704 = arith.constant 285 : i32
        %add3A_705 = vector.broadcast %add3A_704 : i32 to vector<16xi32>
        %add3A_706 = arith.addi %mul3A_181, %add3A_705 : vector<16xi32>
        tpu.vector_store_idx %arg7[%add3A_706], %get3A_700 : memref<544xf32, #tpu.memory_space<vmem>>[vector<16xi32>], vector<16xf32>,
        %add3A_707 = arith.constant 14 : i32
        %add3A_708 = arith.addi %mul3A_371, %add3A_707 : i32
        %get3A_709 = arith.constant 0 : i32
        %get3A_710 = arith.constant 0 : i32
        %get3A_711 = tpu.memref_slice %arg6[%scan3A_182, %get3A_709, %get3A_710] : memref<2x400x32xf32, #tpu.memory_space<vmem>> -> memref<1x400x32xf32, #tpu.memory_space<vmem>>
        %get3A_712 = tpu.memref_squeeze %get3A_711 : memref<1x400x32xf32, #tpu.memory_space<vmem>> -> memref<400x32xf32, #tpu.memory_space<vmem>>
        %get3A_713 = arith.index_cast %add3A_708 : i32 to index
        %get3A_714 = arith.constant 0 : index
        %get3A_715 = tpu.vector_load %get3A_712[%get3A_713, %get3A_714] {strides = array<i32>} : memref<400x32xf32, #tpu.memory_space<vmem>>, vector<16xf32>,
        %add3A_716 = arith.constant 14 : i32
        %add3A_717 = arith.addi %mul3A_371, %add3A_716 : i32
        %get3A_718 = arith.constant 0 : i32
        %get3A_719 = arith.constant 0 : i32
        %get3A_720 = tpu.memref_slice %arg6[%scan3A_182, %get3A_718, %get3A_719] : memref<2x400x32xf32, #tpu.memory_space<vmem>> -> memref<1x400x32xf32, #tpu.memory_space<vmem>>
        %get3A_721 = tpu.memref_squeeze %get3A_720 : memref<1x400x32xf32, #tpu.memory_space<vmem>> -> memref<400x32xf32, #tpu.memory_space<vmem>>
        %get3A_722 = arith.index_cast %add3A_717 : i32 to index
        %get3A_723 = arith.constant 16 : index
        %get3A_724 = tpu.vector_load %get3A_721[%get3A_722, %get3A_723] {strides = array<i32>} : memref<400x32xf32, #tpu.memory_space<vmem>>, vector<16xf32>,
        %add3A_725 = arith.constant 14 : i32
        %add3A_726 = vector.broadcast %add3A_725 : i32 to vector<16xi32>
        %add3A_727 = arith.addi %mul3A_181, %add3A_726 : vector<16xi32>
        tpu.vector_store_idx %arg7[%add3A_727], %get3A_715 : memref<544xf32, #tpu.memory_space<vmem>>[vector<16xi32>], vector<16xf32>,
        %add3A_728 = arith.constant 286 : i32
        %add3A_729 = vector.broadcast %add3A_728 : i32 to vector<16xi32>
        %add3A_730 = arith.addi %mul3A_181, %add3A_729 : vector<16xi32>
        tpu.vector_store_idx %arg7[%add3A_730], %get3A_724 : memref<544xf32, #tpu.memory_space<vmem>>[vector<16xi32>], vector<16xf32>,
        %add3A_731 = arith.constant 15 : i32
        %add3A_732 = arith.addi %mul3A_371, %add3A_731 : i32
        %get3A_733 = arith.constant 0 : i32
        %get3A_734 = arith.constant 0 : i32
        %get3A_735 = tpu.memref_slice %arg6[%scan3A_182, %get3A_733, %get3A_734] : memref<2x400x32xf32, #tpu.memory_space<vmem>> -> memref<1x400x32xf32, #tpu.memory_space<vmem>>
        %get3A_736 = tpu.memref_squeeze %get3A_735 : memref<1x400x32xf32, #tpu.memory_space<vmem>> -> memref<400x32xf32, #tpu.memory_space<vmem>>
        %get3A_737 = arith.index_cast %add3A_732 : i32 to index
        %get3A_738 = arith.constant 0 : index
        %get3A_739 = tpu.vector_load %get3A_736[%get3A_737, %get3A_738] {strides = array<i32>} : memref<400x32xf32, #tpu.memory_space<vmem>>, vector<16xf32>,
        %add3A_740 = arith.constant 15 : i32
        %add3A_741 = arith.addi %mul3A_371, %add3A_740 : i32
        %get3A_742 = arith.constant 0 : i32
        %get3A_743 = arith.constant 0 : i32
        %get3A_744 = tpu.memref_slice %arg6[%scan3A_182, %get3A_742, %get3A_743] : memref<2x400x32xf32, #tpu.memory_space<vmem>> -> memref<1x400x32xf32, #tpu.memory_space<vmem>>
        %get3A_745 = tpu.memref_squeeze %get3A_744 : memref<1x400x32xf32, #tpu.memory_space<vmem>> -> memref<400x32xf32, #tpu.memory_space<vmem>>
        %get3A_746 = arith.index_cast %add3A_741 : i32 to index
        %get3A_747 = arith.constant 16 : index
        %get3A_748 = tpu.vector_load %get3A_745[%get3A_746, %get3A_747] {strides = array<i32>} : memref<400x32xf32, #tpu.memory_space<vmem>>, vector<16xf32>,
        %add3A_749 = arith.constant 15 : i32
        %add3A_750 = vector.broadcast %add3A_749 : i32 to vector<16xi32>
        %add3A_751 = arith.addi %mul3A_181, %add3A_750 : vector<16xi32>
        tpu.vector_store_idx %arg7[%add3A_751], %get3A_739 : memref<544xf32, #tpu.memory_space<vmem>>[vector<16xi32>], vector<16xf32>,
        %add3A_752 = arith.constant 287 : i32
        %add3A_753 = vector.broadcast %add3A_752 : i32 to vector<16xi32>
        %add3A_754 = arith.addi %mul3A_181, %add3A_753 : vector<16xi32>
        tpu.vector_store_idx %arg7[%add3A_754], %get3A_748 : memref<544xf32, #tpu.memory_space<vmem>>[vector<16xi32>], vector<16xf32>,
        %broadcast_in_dim3A = arith.constant 0.000000e+00 : f32
        %broadcast_in_dim3A_755 = vector.broadcast %broadcast_in_dim3A : f32 to vector<16xf32>
        %add3A_756 = arith.constant 0 : i32
        %add3A_757 = vector.broadcast %add3A_756 : i32 to vector<16xi32>
        %add3A_758 = arith.addi %iota3A, %add3A_757 : vector<16xi32>
        %gather3A = tpu.vector_load_idx %arg7[%add3A_758] : memref<544xf32, #tpu.memory_space<vmem>>[vector<16xi32>], vector<16xf32>,
        %mul3A_759 = arith.mulf %gather3A, %gather3A : vector<16xf32>
        %add3A_760 = arith.addf %broadcast_in_dim3A_755, %mul3A_759 : vector<16xf32>
        %add3A_761 = arith.constant 17 : i32
        %add3A_762 = vector.broadcast %add3A_761 : i32 to vector<16xi32>
        %add3A_763 = arith.addi %iota3A, %add3A_762 : vector<16xi32>
        %gather3A_764 = tpu.vector_load_idx %arg7[%add3A_763] : memref<544xf32, #tpu.memory_space<vmem>>[vector<16xi32>], vector<16xf32>,
        %mul3A_765 = arith.mulf %gather3A_764, %gather3A_764 : vector<16xf32>
        %add3A_766 = arith.addf %add3A_760, %mul3A_765 : vector<16xf32>
        %add3A_767 = arith.constant 34 : i32
        %add3A_768 = vector.broadcast %add3A_767 : i32 to vector<16xi32>
        %add3A_769 = arith.addi %iota3A, %add3A_768 : vector<16xi32>
        %gather3A_770 = tpu.vector_load_idx %arg7[%add3A_769] : memref<544xf32, #tpu.memory_space<vmem>>[vector<16xi32>], vector<16xf32>,
        %mul3A_771 = arith.mulf %gather3A_770, %gather3A_770 : vector<16xf32>
        %add3A_772 = arith.addf %add3A_766, %mul3A_771 : vector<16xf32>
        %add3A_773 = arith.constant 51 : i32
        %add3A_774 = vector.broadcast %add3A_773 : i32 to vector<16xi32>
        %add3A_775 = arith.addi %iota3A, %add3A_774 : vector<16xi32>
        %gather3A_776 = tpu.vector_load_idx %arg7[%add3A_775] : memref<544xf32, #tpu.memory_space<vmem>>[vector<16xi32>], vector<16xf32>,
        %mul3A_777 = arith.mulf %gather3A_776, %gather3A_776 : vector<16xf32>
        %add3A_778 = arith.addf %add3A_772, %mul3A_777 : vector<16xf32>
        %add3A_779 = arith.constant 68 : i32
        %add3A_780 = vector.broadcast %add3A_779 : i32 to vector<16xi32>
        %add3A_781 = arith.addi %iota3A, %add3A_780 : vector<16xi32>
        %gather3A_782 = tpu.vector_load_idx %arg7[%add3A_781] : memref<544xf32, #tpu.memory_space<vmem>>[vector<16xi32>], vector<16xf32>,
        %mul3A_783 = arith.mulf %gather3A_782, %gather3A_782 : vector<16xf32>
        %add3A_784 = arith.addf %add3A_778, %mul3A_783 : vector<16xf32>
        %add3A_785 = arith.constant 85 : i32
        %add3A_786 = vector.broadcast %add3A_785 : i32 to vector<16xi32>
        %add3A_787 = arith.addi %iota3A, %add3A_786 : vector<16xi32>
        %gather3A_788 = tpu.vector_load_idx %arg7[%add3A_787] : memref<544xf32, #tpu.memory_space<vmem>>[vector<16xi32>], vector<16xf32>,
        %mul3A_789 = arith.mulf %gather3A_788, %gather3A_788 : vector<16xf32>
        %add3A_790 = arith.addf %add3A_784, %mul3A_789 : vector<16xf32>
        %add3A_791 = arith.constant 102 : i32
        %add3A_792 = vector.broadcast %add3A_791 : i32 to vector<16xi32>
        %add3A_793 = arith.addi %iota3A, %add3A_792 : vector<16xi32>
        %gather3A_794 = tpu.vector_load_idx %arg7[%add3A_793] : memref<544xf32, #tpu.memory_space<vmem>>[vector<16xi32>], vector<16xf32>,
        %mul3A_795 = arith.mulf %gather3A_794, %gather3A_794 : vector<16xf32>
        %add3A_796 = arith.addf %add3A_790, %mul3A_795 : vector<16xf32>
        %add3A_797 = arith.constant 119 : i32
        %add3A_798 = vector.broadcast %add3A_797 : i32 to vector<16xi32>
        %add3A_799 = arith.addi %iota3A, %add3A_798 : vector<16xi32>
        %gather3A_800 = tpu.vector_load_idx %arg7[%add3A_799] : memref<544xf32, #tpu.memory_space<vmem>>[vector<16xi32>], vector<16xf32>,
        %mul3A_801 = arith.mulf %gather3A_800, %gather3A_800 : vector<16xf32>
        %add3A_802 = arith.addf %add3A_796, %mul3A_801 : vector<16xf32>
        %add3A_803 = arith.constant 136 : i32
        %add3A_804 = vector.broadcast %add3A_803 : i32 to vector<16xi32>
        %add3A_805 = arith.addi %iota3A, %add3A_804 : vector<16xi32>
        %gather3A_806 = tpu.vector_load_idx %arg7[%add3A_805] : memref<544xf32, #tpu.memory_space<vmem>>[vector<16xi32>], vector<16xf32>,
        %mul3A_807 = arith.mulf %gather3A_806, %gather3A_806 : vector<16xf32>
        %add3A_808 = arith.addf %add3A_802, %mul3A_807 : vector<16xf32>
        %add3A_809 = arith.constant 153 : i32
        %add3A_810 = vector.broadcast %add3A_809 : i32 to vector<16xi32>
        %add3A_811 = arith.addi %iota3A, %add3A_810 : vector<16xi32>
        %gather3A_812 = tpu.vector_load_idx %arg7[%add3A_811] : memref<544xf32, #tpu.memory_space<vmem>>[vector<16xi32>], vector<16xf32>,
        %mul3A_813 = arith.mulf %gather3A_812, %gather3A_812 : vector<16xf32>
        %add3A_814 = arith.addf %add3A_808, %mul3A_813 : vector<16xf32>
        %add3A_815 = arith.constant 170 : i32
        %add3A_816 = vector.broadcast %add3A_815 : i32 to vector<16xi32>
        %add3A_817 = arith.addi %iota3A, %add3A_816 : vector<16xi32>
        %gather3A_818 = tpu.vector_load_idx %arg7[%add3A_817] : memref<544xf32, #tpu.memory_space<vmem>>[vector<16xi32>], vector<16xf32>,
        %mul3A_819 = arith.mulf %gather3A_818, %gather3A_818 : vector<16xf32>
        %add3A_820 = arith.addf %add3A_814, %mul3A_819 : vector<16xf32>
        %add3A_821 = arith.constant 187 : i32
        %add3A_822 = vector.broadcast %add3A_821 : i32 to vector<16xi32>
        %add3A_823 = arith.addi %iota3A, %add3A_822 : vector<16xi32>
        %gather3A_824 = tpu.vector_load_idx %arg7[%add3A_823] : memref<544xf32, #tpu.memory_space<vmem>>[vector<16xi32>], vector<16xf32>,
        %mul3A_825 = arith.mulf %gather3A_824, %gather3A_824 : vector<16xf32>
        %add3A_826 = arith.addf %add3A_820, %mul3A_825 : vector<16xf32>
        %add3A_827 = arith.constant 204 : i32
        %add3A_828 = vector.broadcast %add3A_827 : i32 to vector<16xi32>
        %add3A_829 = arith.addi %iota3A, %add3A_828 : vector<16xi32>
        %gather3A_830 = tpu.vector_load_idx %arg7[%add3A_829] : memref<544xf32, #tpu.memory_space<vmem>>[vector<16xi32>], vector<16xf32>,
        %mul3A_831 = arith.mulf %gather3A_830, %gather3A_830 : vector<16xf32>
        %add3A_832 = arith.addf %add3A_826, %mul3A_831 : vector<16xf32>
        %add3A_833 = arith.constant 221 : i32
        %add3A_834 = vector.broadcast %add3A_833 : i32 to vector<16xi32>
        %add3A_835 = arith.addi %iota3A, %add3A_834 : vector<16xi32>
        %gather3A_836 = tpu.vector_load_idx %arg7[%add3A_835] : memref<544xf32, #tpu.memory_space<vmem>>[vector<16xi32>], vector<16xf32>,
        %mul3A_837 = arith.mulf %gather3A_836, %gather3A_836 : vector<16xf32>
        %add3A_838 = arith.addf %add3A_832, %mul3A_837 : vector<16xf32>
        %add3A_839 = arith.constant 238 : i32
        %add3A_840 = vector.broadcast %add3A_839 : i32 to vector<16xi32>
        %add3A_841 = arith.addi %iota3A, %add3A_840 : vector<16xi32>
        %gather3A_842 = tpu.vector_load_idx %arg7[%add3A_841] : memref<544xf32, #tpu.memory_space<vmem>>[vector<16xi32>], vector<16xf32>,
        %mul3A_843 = arith.mulf %gather3A_842, %gather3A_842 : vector<16xf32>
        %add3A_844 = arith.addf %add3A_838, %mul3A_843 : vector<16xf32>
        %add3A_845 = arith.constant 255 : i32
        %add3A_846 = vector.broadcast %add3A_845 : i32 to vector<16xi32>
        %add3A_847 = arith.addi %iota3A, %add3A_846 : vector<16xi32>
        %gather3A_848 = tpu.vector_load_idx %arg7[%add3A_847] : memref<544xf32, #tpu.memory_space<vmem>>[vector<16xi32>], vector<16xf32>,
        %mul3A_849 = arith.mulf %gather3A_848, %gather3A_848 : vector<16xf32>
        %add3A_850 = arith.addf %add3A_844, %mul3A_849 : vector<16xf32>
        %add3A_851 = arith.constant 272 : i32
        %add3A_852 = vector.broadcast %add3A_851 : i32 to vector<16xi32>
        %add3A_853 = arith.addi %iota3A, %add3A_852 : vector<16xi32>
        %gather3A_854 = tpu.vector_load_idx %arg7[%add3A_853] : memref<544xf32, #tpu.memory_space<vmem>>[vector<16xi32>], vector<16xf32>,
        %mul3A_855 = arith.mulf %gather3A_854, %gather3A_854 : vector<16xf32>
        %add3A_856 = arith.addf %add3A_850, %mul3A_855 : vector<16xf32>
        %add3A_857 = arith.constant 289 : i32
        %add3A_858 = vector.broadcast %add3A_857 : i32 to vector<16xi32>
        %add3A_859 = arith.addi %iota3A, %add3A_858 : vector<16xi32>
        %gather3A_860 = tpu.vector_load_idx %arg7[%add3A_859] : memref<544xf32, #tpu.memory_space<vmem>>[vector<16xi32>], vector<16xf32>,
        %mul3A_861 = arith.mulf %gather3A_860, %gather3A_860 : vector<16xf32>
        %add3A_862 = arith.addf %add3A_856, %mul3A_861 : vector<16xf32>
        %add3A_863 = arith.constant 306 : i32
        %add3A_864 = vector.broadcast %add3A_863 : i32 to vector<16xi32>
        %add3A_865 = arith.addi %iota3A, %add3A_864 : vector<16xi32>
        %gather3A_866 = tpu.vector_load_idx %arg7[%add3A_865] : memref<544xf32, #tpu.memory_space<vmem>>[vector<16xi32>], vector<16xf32>,
        %mul3A_867 = arith.mulf %gather3A_866, %gather3A_866 : vector<16xf32>
        %add3A_868 = arith.addf %add3A_862, %mul3A_867 : vector<16xf32>
        %add3A_869 = arith.constant 323 : i32
        %add3A_870 = vector.broadcast %add3A_869 : i32 to vector<16xi32>
        %add3A_871 = arith.addi %iota3A, %add3A_870 : vector<16xi32>
        %gather3A_872 = tpu.vector_load_idx %arg7[%add3A_871] : memref<544xf32, #tpu.memory_space<vmem>>[vector<16xi32>], vector<16xf32>,
        %mul3A_873 = arith.mulf %gather3A_872, %gather3A_872 : vector<16xf32>
        %add3A_874 = arith.addf %add3A_868, %mul3A_873 : vector<16xf32>
        %add3A_875 = arith.constant 340 : i32
        %add3A_876 = vector.broadcast %add3A_875 : i32 to vector<16xi32>
        %add3A_877 = arith.addi %iota3A, %add3A_876 : vector<16xi32>
        %gather3A_878 = tpu.vector_load_idx %arg7[%add3A_877] : memref<544xf32, #tpu.memory_space<vmem>>[vector<16xi32>], vector<16xf32>,
        %mul3A_879 = arith.mulf %gather3A_878, %gather3A_878 : vector<16xf32>
        %add3A_880 = arith.addf %add3A_874, %mul3A_879 : vector<16xf32>
        %add3A_881 = arith.constant 357 : i32
        %add3A_882 = vector.broadcast %add3A_881 : i32 to vector<16xi32>
        %add3A_883 = arith.addi %iota3A, %add3A_882 : vector<16xi32>
        %gather3A_884 = tpu.vector_load_idx %arg7[%add3A_883] : memref<544xf32, #tpu.memory_space<vmem>>[vector<16xi32>], vector<16xf32>,
        %mul3A_885 = arith.mulf %gather3A_884, %gather3A_884 : vector<16xf32>
        %add3A_886 = arith.addf %add3A_880, %mul3A_885 : vector<16xf32>
        %add3A_887 = arith.constant 374 : i32
        %add3A_888 = vector.broadcast %add3A_887 : i32 to vector<16xi32>
        %add3A_889 = arith.addi %iota3A, %add3A_888 : vector<16xi32>
        %gather3A_890 = tpu.vector_load_idx %arg7[%add3A_889] : memref<544xf32, #tpu.memory_space<vmem>>[vector<16xi32>], vector<16xf32>,
        %mul3A_891 = arith.mulf %gather3A_890, %gather3A_890 : vector<16xf32>
        %add3A_892 = arith.addf %add3A_886, %mul3A_891 : vector<16xf32>
        %add3A_893 = arith.constant 391 : i32
        %add3A_894 = vector.broadcast %add3A_893 : i32 to vector<16xi32>
        %add3A_895 = arith.addi %iota3A, %add3A_894 : vector<16xi32>
        %gather3A_896 = tpu.vector_load_idx %arg7[%add3A_895] : memref<544xf32, #tpu.memory_space<vmem>>[vector<16xi32>], vector<16xf32>,
        %mul3A_897 = arith.mulf %gather3A_896, %gather3A_896 : vector<16xf32>
        %add3A_898 = arith.addf %add3A_892, %mul3A_897 : vector<16xf32>
        %add3A_899 = arith.constant 408 : i32
        %add3A_900 = vector.broadcast %add3A_899 : i32 to vector<16xi32>
        %add3A_901 = arith.addi %iota3A, %add3A_900 : vector<16xi32>
        %gather3A_902 = tpu.vector_load_idx %arg7[%add3A_901] : memref<544xf32, #tpu.memory_space<vmem>>[vector<16xi32>], vector<16xf32>,
        %mul3A_903 = arith.mulf %gather3A_902, %gather3A_902 : vector<16xf32>
        %add3A_904 = arith.addf %add3A_898, %mul3A_903 : vector<16xf32>
        %add3A_905 = arith.constant 425 : i32
        %add3A_906 = vector.broadcast %add3A_905 : i32 to vector<16xi32>
        %add3A_907 = arith.addi %iota3A, %add3A_906 : vector<16xi32>
        %gather3A_908 = tpu.vector_load_idx %arg7[%add3A_907] : memref<544xf32, #tpu.memory_space<vmem>>[vector<16xi32>], vector<16xf32>,
        %mul3A_909 = arith.mulf %gather3A_908, %gather3A_908 : vector<16xf32>
        %add3A_910 = arith.addf %add3A_904, %mul3A_909 : vector<16xf32>
        %add3A_911 = arith.constant 442 : i32
        %add3A_912 = vector.broadcast %add3A_911 : i32 to vector<16xi32>
        %add3A_913 = arith.addi %iota3A, %add3A_912 : vector<16xi32>
        %gather3A_914 = tpu.vector_load_idx %arg7[%add3A_913] : memref<544xf32, #tpu.memory_space<vmem>>[vector<16xi32>], vector<16xf32>,
        %mul3A_915 = arith.mulf %gather3A_914, %gather3A_914 : vector<16xf32>
        %add3A_916 = arith.addf %add3A_910, %mul3A_915 : vector<16xf32>
        %add3A_917 = arith.constant 459 : i32
        %add3A_918 = vector.broadcast %add3A_917 : i32 to vector<16xi32>
        %add3A_919 = arith.addi %iota3A, %add3A_918 : vector<16xi32>
        %gather3A_920 = tpu.vector_load_idx %arg7[%add3A_919] : memref<544xf32, #tpu.memory_space<vmem>>[vector<16xi32>], vector<16xf32>,
        %mul3A_921 = arith.mulf %gather3A_920, %gather3A_920 : vector<16xf32>
        %add3A_922 = arith.addf %add3A_916, %mul3A_921 : vector<16xf32>
        %add3A_923 = arith.constant 476 : i32
        %add3A_924 = vector.broadcast %add3A_923 : i32 to vector<16xi32>
        %add3A_925 = arith.addi %iota3A, %add3A_924 : vector<16xi32>
        %gather3A_926 = tpu.vector_load_idx %arg7[%add3A_925] : memref<544xf32, #tpu.memory_space<vmem>>[vector<16xi32>], vector<16xf32>,
        %mul3A_927 = arith.mulf %gather3A_926, %gather3A_926 : vector<16xf32>
        %add3A_928 = arith.addf %add3A_922, %mul3A_927 : vector<16xf32>
        %add3A_929 = arith.constant 493 : i32
        %add3A_930 = vector.broadcast %add3A_929 : i32 to vector<16xi32>
        %add3A_931 = arith.addi %iota3A, %add3A_930 : vector<16xi32>
        %gather3A_932 = tpu.vector_load_idx %arg7[%add3A_931] : memref<544xf32, #tpu.memory_space<vmem>>[vector<16xi32>], vector<16xf32>,
        %mul3A_933 = arith.mulf %gather3A_932, %gather3A_932 : vector<16xf32>
        %add3A_934 = arith.addf %add3A_928, %mul3A_933 : vector<16xf32>
        %add3A_935 = arith.constant 510 : i32
        %add3A_936 = vector.broadcast %add3A_935 : i32 to vector<16xi32>
        %add3A_937 = arith.addi %iota3A, %add3A_936 : vector<16xi32>
        %gather3A_938 = tpu.vector_load_idx %arg7[%add3A_937] : memref<544xf32, #tpu.memory_space<vmem>>[vector<16xi32>], vector<16xf32>,
        %mul3A_939 = arith.mulf %gather3A_938, %gather3A_938 : vector<16xf32>
        %add3A_940 = arith.addf %add3A_934, %mul3A_939 : vector<16xf32>
        %add3A_941 = arith.constant 527 : i32
        %add3A_942 = vector.broadcast %add3A_941 : i32 to vector<16xi32>
        %add3A_943 = arith.addi %iota3A, %add3A_942 : vector<16xi32>
        %gather3A_944 = tpu.vector_load_idx %arg7[%add3A_943] : memref<544xf32, #tpu.memory_space<vmem>>[vector<16xi32>], vector<16xf32>,
        %mul3A_945 = arith.mulf %gather3A_944, %gather3A_944 : vector<16xf32>
        %add3A_946 = arith.addf %add3A_940, %mul3A_945 : vector<16xf32>
        %bitcast3A = vector.bitcast %add3A_946 : vector<16xf32> to vector<16xi32>
        %shift_right_arithmetic3A = arith.constant 1 : i32
        %shift_right_arithmetic3A_947 = vector.broadcast %shift_right_arithmetic3A : i32 to vector<16xi32>
        %shift_right_arithmetic3A_948 = arith.shrsi %bitcast3A, %shift_right_arithmetic3A_947 : vector<16xi32>
        %sub3A = arith.constant 1597463007 : i32
        %sub3A_949 = vector.broadcast %sub3A : i32 to vector<16xi32>
        %sub3A_950 = arith.subi %sub3A_949, %shift_right_arithmetic3A_948 : vector<16xi32>
        %bitcast3A_951 = vector.bitcast %sub3A_950 : vector<16xi32> to vector<16xf32>
        %mul3A_952 = arith.constant 5.000000e-01 : f32
        %mul3A_953 = vector.broadcast %mul3A_952 : f32 to vector<16xf32>
        %mul3A_954 = arith.mulf %mul3A_953, %add3A_946 : vector<16xf32>
        %mul3A_955 = arith.mulf %mul3A_954, %bitcast3A_951 : vector<16xf32>
        %mul3A_956 = arith.mulf %mul3A_955, %bitcast3A_951 : vector<16xf32>
        %sub3A_957 = arith.constant 1.500000e+00 : f32
        %sub3A_958 = vector.broadcast %sub3A_957 : f32 to vector<16xf32>
        %sub3A_959 = arith.subf %sub3A_958, %mul3A_956 : vector<16xf32>
        %mul3A_960 = arith.mulf %bitcast3A_951, %sub3A_959 : vector<16xf32>
        %mul3A_961 = arith.constant 5.000000e-01 : f32
        %mul3A_962 = vector.broadcast %mul3A_961 : f32 to vector<16xf32>
        %mul3A_963 = arith.mulf %mul3A_962, %add3A_946 : vector<16xf32>
        %mul3A_964 = arith.mulf %mul3A_963, %mul3A_960 : vector<16xf32>
        %mul3A_965 = arith.mulf %mul3A_964, %mul3A_960 : vector<16xf32>
        %sub3A_966 = arith.constant 1.500000e+00 : f32
        %sub3A_967 = vector.broadcast %sub3A_966 : f32 to vector<16xf32>
        %sub3A_968 = arith.subf %sub3A_967, %mul3A_965 : vector<16xf32>
        %mul3A_969 = arith.mulf %mul3A_960, %sub3A_968 : vector<16xf32>
        %mul3A_970 = arith.constant 5.000000e-01 : f32
        %mul3A_971 = vector.broadcast %mul3A_970 : f32 to vector<16xf32>
        %mul3A_972 = arith.mulf %mul3A_971, %add3A_946 : vector<16xf32>
        %mul3A_973 = arith.mulf %mul3A_972, %mul3A_969 : vector<16xf32>
        %mul3A_974 = arith.mulf %mul3A_973, %mul3A_969 : vector<16xf32>
        %sub3A_975 = arith.constant 1.500000e+00 : f32
        %sub3A_976 = vector.broadcast %sub3A_975 : f32 to vector<16xf32>
        %sub3A_977 = arith.subf %sub3A_976, %mul3A_974 : vector<16xf32>
        %mul3A_978 = arith.mulf %mul3A_969, %sub3A_977 : vector<16xf32>
        %mul3A_979 = arith.mulf %add3A_946, %mul3A_978 : vector<16xf32>
        %max3A = arith.constant 9.99999996E-13 : f32
        %max3A_980 = vector.broadcast %max3A : f32 to vector<16xf32>
        %max3A_981 = arith.maximumf %mul3A_979, %max3A_980 : vector<16xf32>
        %div3A = arith.constant 1.000000e+00 : f32
        %div3A_982 = vector.broadcast %div3A : f32 to vector<16xf32>
        %div3A_983 = arith.divf %div3A_982, %max3A_981 : vector<16xf32>
        %slice3A = vector.extract_strided_slice %div3A_983 {offsets = [0], sizes = [1], strides = [1]} : vector<16xf32> to vector<1xf32>
        %squeeze3A = vector.extract %slice3A[0] : f32 from vector<1xf32>
        %add3A_984 = arith.constant 0 : i32
        %add3A_985 = vector.broadcast %add3A_984 : i32 to vector<16xi32>
        %add3A_986 = arith.addi %mul3A_181, %add3A_985 : vector<16xi32>
        %gather3A_987 = tpu.vector_load_idx %arg7[%add3A_986] : memref<544xf32, #tpu.memory_space<vmem>>[vector<16xi32>], vector<16xf32>,
        %add3A_988 = arith.constant 272 : i32
        %add3A_989 = vector.broadcast %add3A_988 : i32 to vector<16xi32>
        %add3A_990 = arith.addi %mul3A_181, %add3A_989 : vector<16xi32>
        %gather3A_991 = tpu.vector_load_idx %arg7[%add3A_990] : memref<544xf32, #tpu.memory_space<vmem>>[vector<16xi32>], vector<16xf32>,
        %mul3A_992 = vector.broadcast %squeeze3A : f32 to vector<16xf32>
        %mul3A_993 = arith.mulf %gather3A_987, %mul3A_992 : vector<16xf32>
        %add3A_994 = arith.constant 0 : i32
        %add3A_995 = arith.addi %mul3A_371, %add3A_994 : i32
        %swap3A = arith.constant 0 : i32
        %swap3A_996 = arith.constant 0 : i32
        %swap3A_997 = tpu.memref_slice %arg6[%scan3A_182, %swap3A, %swap3A_996] : memref<2x400x32xf32, #tpu.memory_space<vmem>> -> memref<1x400x32xf32, #tpu.memory_space<vmem>>
        %swap3A_998 = tpu.memref_squeeze %swap3A_997 : memref<1x400x32xf32, #tpu.memory_space<vmem>> -> memref<400x32xf32, #tpu.memory_space<vmem>>
        %swap3A_999 = arith.index_cast %add3A_995 : i32 to index
        %swap3A_1000 = arith.constant 0 : index
        %swap3A_1001 = tpu.vector_load %swap3A_998[%swap3A_999, %swap3A_1000] {strides = array<i32>} : memref<400x32xf32, #tpu.memory_space<vmem>>, vector<16xf32>,
        tpu.vector_store %swap3A_998[%swap3A_999, %swap3A_1000], %mul3A_993 {strides = array<i32>} : memref<400x32xf32, #tpu.memory_space<vmem>>, vector<16xf32>,
        %mul3A_1002 = vector.broadcast %squeeze3A : f32 to vector<16xf32>
        %mul3A_1003 = arith.mulf %gather3A_991, %mul3A_1002 : vector<16xf32>
        %add3A_1004 = arith.constant 0 : i32
        %add3A_1005 = arith.addi %mul3A_371, %add3A_1004 : i32
        %swap3A_1006 = arith.constant 0 : i32
        %swap3A_1007 = arith.constant 0 : i32
        %swap3A_1008 = tpu.memref_slice %arg6[%scan3A_182, %swap3A_1006, %swap3A_1007] : memref<2x400x32xf32, #tpu.memory_space<vmem>> -> memref<1x400x32xf32, #tpu.memory_space<vmem>>
        %swap3A_1009 = tpu.memref_squeeze %swap3A_1008 : memref<1x400x32xf32, #tpu.memory_space<vmem>> -> memref<400x32xf32, #tpu.memory_space<vmem>>
        %swap3A_1010 = arith.index_cast %add3A_1005 : i32 to index
        %swap3A_1011 = arith.constant 16 : index
        %swap3A_1012 = tpu.vector_load %swap3A_1009[%swap3A_1010, %swap3A_1011] {strides = array<i32>} : memref<400x32xf32, #tpu.memory_space<vmem>>, vector<16xf32>,
        tpu.vector_store %swap3A_1009[%swap3A_1010, %swap3A_1011], %mul3A_1003 {strides = array<i32>} : memref<400x32xf32, #tpu.memory_space<vmem>>, vector<16xf32>,
        %slice3A_1013 = vector.extract_strided_slice %div3A_983 {offsets = [1], sizes = [1], strides = [1]} : vector<16xf32> to vector<1xf32>
        %squeeze3A_1014 = vector.extract %slice3A_1013[0] : f32 from vector<1xf32>
        %add3A_1015 = arith.constant 1 : i32
        %add3A_1016 = vector.broadcast %add3A_1015 : i32 to vector<16xi32>
        %add3A_1017 = arith.addi %mul3A_181, %add3A_1016 : vector<16xi32>
        %gather3A_1018 = tpu.vector_load_idx %arg7[%add3A_1017] : memref<544xf32, #tpu.memory_space<vmem>>[vector<16xi32>], vector<16xf32>,
        %add3A_1019 = arith.constant 273 : i32
        %add3A_1020 = vector.broadcast %add3A_1019 : i32 to vector<16xi32>
        %add3A_1021 = arith.addi %mul3A_181, %add3A_1020 : vector<16xi32>
        %gather3A_1022 = tpu.vector_load_idx %arg7[%add3A_1021] : memref<544xf32, #tpu.memory_space<vmem>>[vector<16xi32>], vector<16xf32>,
        %mul3A_1023 = vector.broadcast %squeeze3A_1014 : f32 to vector<16xf32>
        %mul3A_1024 = arith.mulf %gather3A_1018, %mul3A_1023 : vector<16xf32>
        %add3A_1025 = arith.constant 1 : i32
        %add3A_1026 = arith.addi %mul3A_371, %add3A_1025 : i32
        %swap3A_1027 = arith.constant 0 : i32
        %swap3A_1028 = arith.constant 0 : i32
        %swap3A_1029 = tpu.memref_slice %arg6[%scan3A_182, %swap3A_1027, %swap3A_1028] : memref<2x400x32xf32, #tpu.memory_space<vmem>> -> memref<1x400x32xf32, #tpu.memory_space<vmem>>
        %swap3A_1030 = tpu.memref_squeeze %swap3A_1029 : memref<1x400x32xf32, #tpu.memory_space<vmem>> -> memref<400x32xf32, #tpu.memory_space<vmem>>
        %swap3A_1031 = arith.index_cast %add3A_1026 : i32 to index
        %swap3A_1032 = arith.constant 0 : index
        %swap3A_1033 = tpu.vector_load %swap3A_1030[%swap3A_1031, %swap3A_1032] {strides = array<i32>} : memref<400x32xf32, #tpu.memory_space<vmem>>, vector<16xf32>,
        tpu.vector_store %swap3A_1030[%swap3A_1031, %swap3A_1032], %mul3A_1024 {strides = array<i32>} : memref<400x32xf32, #tpu.memory_space<vmem>>, vector<16xf32>,
        %mul3A_1034 = vector.broadcast %squeeze3A_1014 : f32 to vector<16xf32>
        %mul3A_1035 = arith.mulf %gather3A_1022, %mul3A_1034 : vector<16xf32>
        %add3A_1036 = arith.constant 1 : i32
        %add3A_1037 = arith.addi %mul3A_371, %add3A_1036 : i32
        %swap3A_1038 = arith.constant 0 : i32
        %swap3A_1039 = arith.constant 0 : i32
        %swap3A_1040 = tpu.memref_slice %arg6[%scan3A_182, %swap3A_1038, %swap3A_1039] : memref<2x400x32xf32, #tpu.memory_space<vmem>> -> memref<1x400x32xf32, #tpu.memory_space<vmem>>
        %swap3A_1041 = tpu.memref_squeeze %swap3A_1040 : memref<1x400x32xf32, #tpu.memory_space<vmem>> -> memref<400x32xf32, #tpu.memory_space<vmem>>
        %swap3A_1042 = arith.index_cast %add3A_1037 : i32 to index
        %swap3A_1043 = arith.constant 16 : index
        %swap3A_1044 = tpu.vector_load %swap3A_1041[%swap3A_1042, %swap3A_1043] {strides = array<i32>} : memref<400x32xf32, #tpu.memory_space<vmem>>, vector<16xf32>,
        tpu.vector_store %swap3A_1041[%swap3A_1042, %swap3A_1043], %mul3A_1035 {strides = array<i32>} : memref<400x32xf32, #tpu.memory_space<vmem>>, vector<16xf32>,
        %slice3A_1045 = vector.extract_strided_slice %div3A_983 {offsets = [2], sizes = [1], strides = [1]} : vector<16xf32> to vector<1xf32>
        %squeeze3A_1046 = vector.extract %slice3A_1045[0] : f32 from vector<1xf32>
        %add3A_1047 = arith.constant 2 : i32
        %add3A_1048 = vector.broadcast %add3A_1047 : i32 to vector<16xi32>
        %add3A_1049 = arith.addi %mul3A_181, %add3A_1048 : vector<16xi32>
        %gather3A_1050 = tpu.vector_load_idx %arg7[%add3A_1049] : memref<544xf32, #tpu.memory_space<vmem>>[vector<16xi32>], vector<16xf32>,
        %add3A_1051 = arith.constant 274 : i32
        %add3A_1052 = vector.broadcast %add3A_1051 : i32 to vector<16xi32>
        %add3A_1053 = arith.addi %mul3A_181, %add3A_1052 : vector<16xi32>
        %gather3A_1054 = tpu.vector_load_idx %arg7[%add3A_1053] : memref<544xf32, #tpu.memory_space<vmem>>[vector<16xi32>], vector<16xf32>,
        %mul3A_1055 = vector.broadcast %squeeze3A_1046 : f32 to vector<16xf32>
        %mul3A_1056 = arith.mulf %gather3A_1050, %mul3A_1055 : vector<16xf32>
        %add3A_1057 = arith.constant 2 : i32
        %add3A_1058 = arith.addi %mul3A_371, %add3A_1057 : i32
        %swap3A_1059 = arith.constant 0 : i32
        %swap3A_1060 = arith.constant 0 : i32
        %swap3A_1061 = tpu.memref_slice %arg6[%scan3A_182, %swap3A_1059, %swap3A_1060] : memref<2x400x32xf32, #tpu.memory_space<vmem>> -> memref<1x400x32xf32, #tpu.memory_space<vmem>>
        %swap3A_1062 = tpu.memref_squeeze %swap3A_1061 : memref<1x400x32xf32, #tpu.memory_space<vmem>> -> memref<400x32xf32, #tpu.memory_space<vmem>>
        %swap3A_1063 = arith.index_cast %add3A_1058 : i32 to index
        %swap3A_1064 = arith.constant 0 : index
        %swap3A_1065 = tpu.vector_load %swap3A_1062[%swap3A_1063, %swap3A_1064] {strides = array<i32>} : memref<400x32xf32, #tpu.memory_space<vmem>>, vector<16xf32>,
        tpu.vector_store %swap3A_1062[%swap3A_1063, %swap3A_1064], %mul3A_1056 {strides = array<i32>} : memref<400x32xf32, #tpu.memory_space<vmem>>, vector<16xf32>,
        %mul3A_1066 = vector.broadcast %squeeze3A_1046 : f32 to vector<16xf32>
        %mul3A_1067 = arith.mulf %gather3A_1054, %mul3A_1066 : vector<16xf32>
        %add3A_1068 = arith.constant 2 : i32
        %add3A_1069 = arith.addi %mul3A_371, %add3A_1068 : i32
        %swap3A_1070 = arith.constant 0 : i32
        %swap3A_1071 = arith.constant 0 : i32
        %swap3A_1072 = tpu.memref_slice %arg6[%scan3A_182, %swap3A_1070, %swap3A_1071] : memref<2x400x32xf32, #tpu.memory_space<vmem>> -> memref<1x400x32xf32, #tpu.memory_space<vmem>>
        %swap3A_1073 = tpu.memref_squeeze %swap3A_1072 : memref<1x400x32xf32, #tpu.memory_space<vmem>> -> memref<400x32xf32, #tpu.memory_space<vmem>>
        %swap3A_1074 = arith.index_cast %add3A_1069 : i32 to index
        %swap3A_1075 = arith.constant 16 : index
        %swap3A_1076 = tpu.vector_load %swap3A_1073[%swap3A_1074, %swap3A_1075] {strides = array<i32>} : memref<400x32xf32, #tpu.memory_space<vmem>>, vector<16xf32>,
        tpu.vector_store %swap3A_1073[%swap3A_1074, %swap3A_1075], %mul3A_1067 {strides = array<i32>} : memref<400x32xf32, #tpu.memory_space<vmem>>, vector<16xf32>,
        %slice3A_1077 = vector.extract_strided_slice %div3A_983 {offsets = [3], sizes = [1], strides = [1]} : vector<16xf32> to vector<1xf32>
        %squeeze3A_1078 = vector.extract %slice3A_1077[0] : f32 from vector<1xf32>
        %add3A_1079 = arith.constant 3 : i32
        %add3A_1080 = vector.broadcast %add3A_1079 : i32 to vector<16xi32>
        %add3A_1081 = arith.addi %mul3A_181, %add3A_1080 : vector<16xi32>
        %gather3A_1082 = tpu.vector_load_idx %arg7[%add3A_1081] : memref<544xf32, #tpu.memory_space<vmem>>[vector<16xi32>], vector<16xf32>,
        %add3A_1083 = arith.constant 275 : i32
        %add3A_1084 = vector.broadcast %add3A_1083 : i32 to vector<16xi32>
        %add3A_1085 = arith.addi %mul3A_181, %add3A_1084 : vector<16xi32>
        %gather3A_1086 = tpu.vector_load_idx %arg7[%add3A_1085] : memref<544xf32, #tpu.memory_space<vmem>>[vector<16xi32>], vector<16xf32>,
        %mul3A_1087 = vector.broadcast %squeeze3A_1078 : f32 to vector<16xf32>
        %mul3A_1088 = arith.mulf %gather3A_1082, %mul3A_1087 : vector<16xf32>
        %add3A_1089 = arith.constant 3 : i32
        %add3A_1090 = arith.addi %mul3A_371, %add3A_1089 : i32
        %swap3A_1091 = arith.constant 0 : i32
        %swap3A_1092 = arith.constant 0 : i32
        %swap3A_1093 = tpu.memref_slice %arg6[%scan3A_182, %swap3A_1091, %swap3A_1092] : memref<2x400x32xf32, #tpu.memory_space<vmem>> -> memref<1x400x32xf32, #tpu.memory_space<vmem>>
        %swap3A_1094 = tpu.memref_squeeze %swap3A_1093 : memref<1x400x32xf32, #tpu.memory_space<vmem>> -> memref<400x32xf32, #tpu.memory_space<vmem>>
        %swap3A_1095 = arith.index_cast %add3A_1090 : i32 to index
        %swap3A_1096 = arith.constant 0 : index
        %swap3A_1097 = tpu.vector_load %swap3A_1094[%swap3A_1095, %swap3A_1096] {strides = array<i32>} : memref<400x32xf32, #tpu.memory_space<vmem>>, vector<16xf32>,
        tpu.vector_store %swap3A_1094[%swap3A_1095, %swap3A_1096], %mul3A_1088 {strides = array<i32>} : memref<400x32xf32, #tpu.memory_space<vmem>>, vector<16xf32>,
        %mul3A_1098 = vector.broadcast %squeeze3A_1078 : f32 to vector<16xf32>
        %mul3A_1099 = arith.mulf %gather3A_1086, %mul3A_1098 : vector<16xf32>
        %add3A_1100 = arith.constant 3 : i32
        %add3A_1101 = arith.addi %mul3A_371, %add3A_1100 : i32
        %swap3A_1102 = arith.constant 0 : i32
        %swap3A_1103 = arith.constant 0 : i32
        %swap3A_1104 = tpu.memref_slice %arg6[%scan3A_182, %swap3A_1102, %swap3A_1103] : memref<2x400x32xf32, #tpu.memory_space<vmem>> -> memref<1x400x32xf32, #tpu.memory_space<vmem>>
        %swap3A_1105 = tpu.memref_squeeze %swap3A_1104 : memref<1x400x32xf32, #tpu.memory_space<vmem>> -> memref<400x32xf32, #tpu.memory_space<vmem>>
        %swap3A_1106 = arith.index_cast %add3A_1101 : i32 to index
        %swap3A_1107 = arith.constant 16 : index
        %swap3A_1108 = tpu.vector_load %swap3A_1105[%swap3A_1106, %swap3A_1107] {strides = array<i32>} : memref<400x32xf32, #tpu.memory_space<vmem>>, vector<16xf32>,
        tpu.vector_store %swap3A_1105[%swap3A_1106, %swap3A_1107], %mul3A_1099 {strides = array<i32>} : memref<400x32xf32, #tpu.memory_space<vmem>>, vector<16xf32>,
        %slice3A_1109 = vector.extract_strided_slice %div3A_983 {offsets = [4], sizes = [1], strides = [1]} : vector<16xf32> to vector<1xf32>
        %squeeze3A_1110 = vector.extract %slice3A_1109[0] : f32 from vector<1xf32>
        %add3A_1111 = arith.constant 4 : i32
        %add3A_1112 = vector.broadcast %add3A_1111 : i32 to vector<16xi32>
        %add3A_1113 = arith.addi %mul3A_181, %add3A_1112 : vector<16xi32>
        %gather3A_1114 = tpu.vector_load_idx %arg7[%add3A_1113] : memref<544xf32, #tpu.memory_space<vmem>>[vector<16xi32>], vector<16xf32>,
        %add3A_1115 = arith.constant 276 : i32
        %add3A_1116 = vector.broadcast %add3A_1115 : i32 to vector<16xi32>
        %add3A_1117 = arith.addi %mul3A_181, %add3A_1116 : vector<16xi32>
        %gather3A_1118 = tpu.vector_load_idx %arg7[%add3A_1117] : memref<544xf32, #tpu.memory_space<vmem>>[vector<16xi32>], vector<16xf32>,
        %mul3A_1119 = vector.broadcast %squeeze3A_1110 : f32 to vector<16xf32>
        %mul3A_1120 = arith.mulf %gather3A_1114, %mul3A_1119 : vector<16xf32>
        %add3A_1121 = arith.constant 4 : i32
        %add3A_1122 = arith.addi %mul3A_371, %add3A_1121 : i32
        %swap3A_1123 = arith.constant 0 : i32
        %swap3A_1124 = arith.constant 0 : i32
        %swap3A_1125 = tpu.memref_slice %arg6[%scan3A_182, %swap3A_1123, %swap3A_1124] : memref<2x400x32xf32, #tpu.memory_space<vmem>> -> memref<1x400x32xf32, #tpu.memory_space<vmem>>
        %swap3A_1126 = tpu.memref_squeeze %swap3A_1125 : memref<1x400x32xf32, #tpu.memory_space<vmem>> -> memref<400x32xf32, #tpu.memory_space<vmem>>
        %swap3A_1127 = arith.index_cast %add3A_1122 : i32 to index
        %swap3A_1128 = arith.constant 0 : index
        %swap3A_1129 = tpu.vector_load %swap3A_1126[%swap3A_1127, %swap3A_1128] {strides = array<i32>} : memref<400x32xf32, #tpu.memory_space<vmem>>, vector<16xf32>,
        tpu.vector_store %swap3A_1126[%swap3A_1127, %swap3A_1128], %mul3A_1120 {strides = array<i32>} : memref<400x32xf32, #tpu.memory_space<vmem>>, vector<16xf32>,
        %mul3A_1130 = vector.broadcast %squeeze3A_1110 : f32 to vector<16xf32>
        %mul3A_1131 = arith.mulf %gather3A_1118, %mul3A_1130 : vector<16xf32>
        %add3A_1132 = arith.constant 4 : i32
        %add3A_1133 = arith.addi %mul3A_371, %add3A_1132 : i32
        %swap3A_1134 = arith.constant 0 : i32
        %swap3A_1135 = arith.constant 0 : i32
        %swap3A_1136 = tpu.memref_slice %arg6[%scan3A_182, %swap3A_1134, %swap3A_1135] : memref<2x400x32xf32, #tpu.memory_space<vmem>> -> memref<1x400x32xf32, #tpu.memory_space<vmem>>
        %swap3A_1137 = tpu.memref_squeeze %swap3A_1136 : memref<1x400x32xf32, #tpu.memory_space<vmem>> -> memref<400x32xf32, #tpu.memory_space<vmem>>
        %swap3A_1138 = arith.index_cast %add3A_1133 : i32 to index
        %swap3A_1139 = arith.constant 16 : index
        %swap3A_1140 = tpu.vector_load %swap3A_1137[%swap3A_1138, %swap3A_1139] {strides = array<i32>} : memref<400x32xf32, #tpu.memory_space<vmem>>, vector<16xf32>,
        tpu.vector_store %swap3A_1137[%swap3A_1138, %swap3A_1139], %mul3A_1131 {strides = array<i32>} : memref<400x32xf32, #tpu.memory_space<vmem>>, vector<16xf32>,
        %slice3A_1141 = vector.extract_strided_slice %div3A_983 {offsets = [5], sizes = [1], strides = [1]} : vector<16xf32> to vector<1xf32>
        %squeeze3A_1142 = vector.extract %slice3A_1141[0] : f32 from vector<1xf32>
        %add3A_1143 = arith.constant 5 : i32
        %add3A_1144 = vector.broadcast %add3A_1143 : i32 to vector<16xi32>
        %add3A_1145 = arith.addi %mul3A_181, %add3A_1144 : vector<16xi32>
        %gather3A_1146 = tpu.vector_load_idx %arg7[%add3A_1145] : memref<544xf32, #tpu.memory_space<vmem>>[vector<16xi32>], vector<16xf32>,
        %add3A_1147 = arith.constant 277 : i32
        %add3A_1148 = vector.broadcast %add3A_1147 : i32 to vector<16xi32>
        %add3A_1149 = arith.addi %mul3A_181, %add3A_1148 : vector<16xi32>
        %gather3A_1150 = tpu.vector_load_idx %arg7[%add3A_1149] : memref<544xf32, #tpu.memory_space<vmem>>[vector<16xi32>], vector<16xf32>,
        %mul3A_1151 = vector.broadcast %squeeze3A_1142 : f32 to vector<16xf32>
        %mul3A_1152 = arith.mulf %gather3A_1146, %mul3A_1151 : vector<16xf32>
        %add3A_1153 = arith.constant 5 : i32
        %add3A_1154 = arith.addi %mul3A_371, %add3A_1153 : i32
        %swap3A_1155 = arith.constant 0 : i32
        %swap3A_1156 = arith.constant 0 : i32
        %swap3A_1157 = tpu.memref_slice %arg6[%scan3A_182, %swap3A_1155, %swap3A_1156] : memref<2x400x32xf32, #tpu.memory_space<vmem>> -> memref<1x400x32xf32, #tpu.memory_space<vmem>>
        %swap3A_1158 = tpu.memref_squeeze %swap3A_1157 : memref<1x400x32xf32, #tpu.memory_space<vmem>> -> memref<400x32xf32, #tpu.memory_space<vmem>>
        %swap3A_1159 = arith.index_cast %add3A_1154 : i32 to index
        %swap3A_1160 = arith.constant 0 : index
        %swap3A_1161 = tpu.vector_load %swap3A_1158[%swap3A_1159, %swap3A_1160] {strides = array<i32>} : memref<400x32xf32, #tpu.memory_space<vmem>>, vector<16xf32>,
        tpu.vector_store %swap3A_1158[%swap3A_1159, %swap3A_1160], %mul3A_1152 {strides = array<i32>} : memref<400x32xf32, #tpu.memory_space<vmem>>, vector<16xf32>,
        %mul3A_1162 = vector.broadcast %squeeze3A_1142 : f32 to vector<16xf32>
        %mul3A_1163 = arith.mulf %gather3A_1150, %mul3A_1162 : vector<16xf32>
        %add3A_1164 = arith.constant 5 : i32
        %add3A_1165 = arith.addi %mul3A_371, %add3A_1164 : i32
        %swap3A_1166 = arith.constant 0 : i32
        %swap3A_1167 = arith.constant 0 : i32
        %swap3A_1168 = tpu.memref_slice %arg6[%scan3A_182, %swap3A_1166, %swap3A_1167] : memref<2x400x32xf32, #tpu.memory_space<vmem>> -> memref<1x400x32xf32, #tpu.memory_space<vmem>>
        %swap3A_1169 = tpu.memref_squeeze %swap3A_1168 : memref<1x400x32xf32, #tpu.memory_space<vmem>> -> memref<400x32xf32, #tpu.memory_space<vmem>>
        %swap3A_1170 = arith.index_cast %add3A_1165 : i32 to index
        %swap3A_1171 = arith.constant 16 : index
        %swap3A_1172 = tpu.vector_load %swap3A_1169[%swap3A_1170, %swap3A_1171] {strides = array<i32>} : memref<400x32xf32, #tpu.memory_space<vmem>>, vector<16xf32>,
        tpu.vector_store %swap3A_1169[%swap3A_1170, %swap3A_1171], %mul3A_1163 {strides = array<i32>} : memref<400x32xf32, #tpu.memory_space<vmem>>, vector<16xf32>,
        %slice3A_1173 = vector.extract_strided_slice %div3A_983 {offsets = [6], sizes = [1], strides = [1]} : vector<16xf32> to vector<1xf32>
        %squeeze3A_1174 = vector.extract %slice3A_1173[0] : f32 from vector<1xf32>
        %add3A_1175 = arith.constant 6 : i32
        %add3A_1176 = vector.broadcast %add3A_1175 : i32 to vector<16xi32>
        %add3A_1177 = arith.addi %mul3A_181, %add3A_1176 : vector<16xi32>
        %gather3A_1178 = tpu.vector_load_idx %arg7[%add3A_1177] : memref<544xf32, #tpu.memory_space<vmem>>[vector<16xi32>], vector<16xf32>,
        %add3A_1179 = arith.constant 278 : i32
        %add3A_1180 = vector.broadcast %add3A_1179 : i32 to vector<16xi32>
        %add3A_1181 = arith.addi %mul3A_181, %add3A_1180 : vector<16xi32>
        %gather3A_1182 = tpu.vector_load_idx %arg7[%add3A_1181] : memref<544xf32, #tpu.memory_space<vmem>>[vector<16xi32>], vector<16xf32>,
        %mul3A_1183 = vector.broadcast %squeeze3A_1174 : f32 to vector<16xf32>
        %mul3A_1184 = arith.mulf %gather3A_1178, %mul3A_1183 : vector<16xf32>
        %add3A_1185 = arith.constant 6 : i32
        %add3A_1186 = arith.addi %mul3A_371, %add3A_1185 : i32
        %swap3A_1187 = arith.constant 0 : i32
        %swap3A_1188 = arith.constant 0 : i32
        %swap3A_1189 = tpu.memref_slice %arg6[%scan3A_182, %swap3A_1187, %swap3A_1188] : memref<2x400x32xf32, #tpu.memory_space<vmem>> -> memref<1x400x32xf32, #tpu.memory_space<vmem>>
        %swap3A_1190 = tpu.memref_squeeze %swap3A_1189 : memref<1x400x32xf32, #tpu.memory_space<vmem>> -> memref<400x32xf32, #tpu.memory_space<vmem>>
        %swap3A_1191 = arith.index_cast %add3A_1186 : i32 to index
        %swap3A_1192 = arith.constant 0 : index
        %swap3A_1193 = tpu.vector_load %swap3A_1190[%swap3A_1191, %swap3A_1192] {strides = array<i32>} : memref<400x32xf32, #tpu.memory_space<vmem>>, vector<16xf32>,
        tpu.vector_store %swap3A_1190[%swap3A_1191, %swap3A_1192], %mul3A_1184 {strides = array<i32>} : memref<400x32xf32, #tpu.memory_space<vmem>>, vector<16xf32>,
        %mul3A_1194 = vector.broadcast %squeeze3A_1174 : f32 to vector<16xf32>
        %mul3A_1195 = arith.mulf %gather3A_1182, %mul3A_1194 : vector<16xf32>
        %add3A_1196 = arith.constant 6 : i32
        %add3A_1197 = arith.addi %mul3A_371, %add3A_1196 : i32
        %swap3A_1198 = arith.constant 0 : i32
        %swap3A_1199 = arith.constant 0 : i32
        %swap3A_1200 = tpu.memref_slice %arg6[%scan3A_182, %swap3A_1198, %swap3A_1199] : memref<2x400x32xf32, #tpu.memory_space<vmem>> -> memref<1x400x32xf32, #tpu.memory_space<vmem>>
        %swap3A_1201 = tpu.memref_squeeze %swap3A_1200 : memref<1x400x32xf32, #tpu.memory_space<vmem>> -> memref<400x32xf32, #tpu.memory_space<vmem>>
        %swap3A_1202 = arith.index_cast %add3A_1197 : i32 to index
        %swap3A_1203 = arith.constant 16 : index
        %swap3A_1204 = tpu.vector_load %swap3A_1201[%swap3A_1202, %swap3A_1203] {strides = array<i32>} : memref<400x32xf32, #tpu.memory_space<vmem>>, vector<16xf32>,
        tpu.vector_store %swap3A_1201[%swap3A_1202, %swap3A_1203], %mul3A_1195 {strides = array<i32>} : memref<400x32xf32, #tpu.memory_space<vmem>>, vector<16xf32>,
        %slice3A_1205 = vector.extract_strided_slice %div3A_983 {offsets = [7], sizes = [1], strides = [1]} : vector<16xf32> to vector<1xf32>
        %squeeze3A_1206 = vector.extract %slice3A_1205[0] : f32 from vector<1xf32>
        %add3A_1207 = arith.constant 7 : i32
        %add3A_1208 = vector.broadcast %add3A_1207 : i32 to vector<16xi32>
        %add3A_1209 = arith.addi %mul3A_181, %add3A_1208 : vector<16xi32>
        %gather3A_1210 = tpu.vector_load_idx %arg7[%add3A_1209] : memref<544xf32, #tpu.memory_space<vmem>>[vector<16xi32>], vector<16xf32>,
        %add3A_1211 = arith.constant 279 : i32
        %add3A_1212 = vector.broadcast %add3A_1211 : i32 to vector<16xi32>
        %add3A_1213 = arith.addi %mul3A_181, %add3A_1212 : vector<16xi32>
        %gather3A_1214 = tpu.vector_load_idx %arg7[%add3A_1213] : memref<544xf32, #tpu.memory_space<vmem>>[vector<16xi32>], vector<16xf32>,
        %mul3A_1215 = vector.broadcast %squeeze3A_1206 : f32 to vector<16xf32>
        %mul3A_1216 = arith.mulf %gather3A_1210, %mul3A_1215 : vector<16xf32>
        %add3A_1217 = arith.constant 7 : i32
        %add3A_1218 = arith.addi %mul3A_371, %add3A_1217 : i32
        %swap3A_1219 = arith.constant 0 : i32
        %swap3A_1220 = arith.constant 0 : i32
        %swap3A_1221 = tpu.memref_slice %arg6[%scan3A_182, %swap3A_1219, %swap3A_1220] : memref<2x400x32xf32, #tpu.memory_space<vmem>> -> memref<1x400x32xf32, #tpu.memory_space<vmem>>
        %swap3A_1222 = tpu.memref_squeeze %swap3A_1221 : memref<1x400x32xf32, #tpu.memory_space<vmem>> -> memref<400x32xf32, #tpu.memory_space<vmem>>
        %swap3A_1223 = arith.index_cast %add3A_1218 : i32 to index
        %swap3A_1224 = arith.constant 0 : index
        %swap3A_1225 = tpu.vector_load %swap3A_1222[%swap3A_1223, %swap3A_1224] {strides = array<i32>} : memref<400x32xf32, #tpu.memory_space<vmem>>, vector<16xf32>,
        tpu.vector_store %swap3A_1222[%swap3A_1223, %swap3A_1224], %mul3A_1216 {strides = array<i32>} : memref<400x32xf32, #tpu.memory_space<vmem>>, vector<16xf32>,
        %mul3A_1226 = vector.broadcast %squeeze3A_1206 : f32 to vector<16xf32>
        %mul3A_1227 = arith.mulf %gather3A_1214, %mul3A_1226 : vector<16xf32>
        %add3A_1228 = arith.constant 7 : i32
        %add3A_1229 = arith.addi %mul3A_371, %add3A_1228 : i32
        %swap3A_1230 = arith.constant 0 : i32
        %swap3A_1231 = arith.constant 0 : i32
        %swap3A_1232 = tpu.memref_slice %arg6[%scan3A_182, %swap3A_1230, %swap3A_1231] : memref<2x400x32xf32, #tpu.memory_space<vmem>> -> memref<1x400x32xf32, #tpu.memory_space<vmem>>
        %swap3A_1233 = tpu.memref_squeeze %swap3A_1232 : memref<1x400x32xf32, #tpu.memory_space<vmem>> -> memref<400x32xf32, #tpu.memory_space<vmem>>
        %swap3A_1234 = arith.index_cast %add3A_1229 : i32 to index
        %swap3A_1235 = arith.constant 16 : index
        %swap3A_1236 = tpu.vector_load %swap3A_1233[%swap3A_1234, %swap3A_1235] {strides = array<i32>} : memref<400x32xf32, #tpu.memory_space<vmem>>, vector<16xf32>,
        tpu.vector_store %swap3A_1233[%swap3A_1234, %swap3A_1235], %mul3A_1227 {strides = array<i32>} : memref<400x32xf32, #tpu.memory_space<vmem>>, vector<16xf32>,
        %slice3A_1237 = vector.extract_strided_slice %div3A_983 {offsets = [8], sizes = [1], strides = [1]} : vector<16xf32> to vector<1xf32>
        %squeeze3A_1238 = vector.extract %slice3A_1237[0] : f32 from vector<1xf32>
        %add3A_1239 = arith.constant 8 : i32
        %add3A_1240 = vector.broadcast %add3A_1239 : i32 to vector<16xi32>
        %add3A_1241 = arith.addi %mul3A_181, %add3A_1240 : vector<16xi32>
        %gather3A_1242 = tpu.vector_load_idx %arg7[%add3A_1241] : memref<544xf32, #tpu.memory_space<vmem>>[vector<16xi32>], vector<16xf32>,
        %add3A_1243 = arith.constant 280 : i32
        %add3A_1244 = vector.broadcast %add3A_1243 : i32 to vector<16xi32>
        %add3A_1245 = arith.addi %mul3A_181, %add3A_1244 : vector<16xi32>
        %gather3A_1246 = tpu.vector_load_idx %arg7[%add3A_1245] : memref<544xf32, #tpu.memory_space<vmem>>[vector<16xi32>], vector<16xf32>,
        %mul3A_1247 = vector.broadcast %squeeze3A_1238 : f32 to vector<16xf32>
        %mul3A_1248 = arith.mulf %gather3A_1242, %mul3A_1247 : vector<16xf32>
        %add3A_1249 = arith.constant 8 : i32
        %add3A_1250 = arith.addi %mul3A_371, %add3A_1249 : i32
        %swap3A_1251 = arith.constant 0 : i32
        %swap3A_1252 = arith.constant 0 : i32
        %swap3A_1253 = tpu.memref_slice %arg6[%scan3A_182, %swap3A_1251, %swap3A_1252] : memref<2x400x32xf32, #tpu.memory_space<vmem>> -> memref<1x400x32xf32, #tpu.memory_space<vmem>>
        %swap3A_1254 = tpu.memref_squeeze %swap3A_1253 : memref<1x400x32xf32, #tpu.memory_space<vmem>> -> memref<400x32xf32, #tpu.memory_space<vmem>>
        %swap3A_1255 = arith.index_cast %add3A_1250 : i32 to index
        %swap3A_1256 = arith.constant 0 : index
        %swap3A_1257 = tpu.vector_load %swap3A_1254[%swap3A_1255, %swap3A_1256] {strides = array<i32>} : memref<400x32xf32, #tpu.memory_space<vmem>>, vector<16xf32>,
        tpu.vector_store %swap3A_1254[%swap3A_1255, %swap3A_1256], %mul3A_1248 {strides = array<i32>} : memref<400x32xf32, #tpu.memory_space<vmem>>, vector<16xf32>,
        %mul3A_1258 = vector.broadcast %squeeze3A_1238 : f32 to vector<16xf32>
        %mul3A_1259 = arith.mulf %gather3A_1246, %mul3A_1258 : vector<16xf32>
        %add3A_1260 = arith.constant 8 : i32
        %add3A_1261 = arith.addi %mul3A_371, %add3A_1260 : i32
        %swap3A_1262 = arith.constant 0 : i32
        %swap3A_1263 = arith.constant 0 : i32
        %swap3A_1264 = tpu.memref_slice %arg6[%scan3A_182, %swap3A_1262, %swap3A_1263] : memref<2x400x32xf32, #tpu.memory_space<vmem>> -> memref<1x400x32xf32, #tpu.memory_space<vmem>>
        %swap3A_1265 = tpu.memref_squeeze %swap3A_1264 : memref<1x400x32xf32, #tpu.memory_space<vmem>> -> memref<400x32xf32, #tpu.memory_space<vmem>>
        %swap3A_1266 = arith.index_cast %add3A_1261 : i32 to index
        %swap3A_1267 = arith.constant 16 : index
        %swap3A_1268 = tpu.vector_load %swap3A_1265[%swap3A_1266, %swap3A_1267] {strides = array<i32>} : memref<400x32xf32, #tpu.memory_space<vmem>>, vector<16xf32>,
        tpu.vector_store %swap3A_1265[%swap3A_1266, %swap3A_1267], %mul3A_1259 {strides = array<i32>} : memref<400x32xf32, #tpu.memory_space<vmem>>, vector<16xf32>,
        %slice3A_1269 = vector.extract_strided_slice %div3A_983 {offsets = [9], sizes = [1], strides = [1]} : vector<16xf32> to vector<1xf32>
        %squeeze3A_1270 = vector.extract %slice3A_1269[0] : f32 from vector<1xf32>
        %add3A_1271 = arith.constant 9 : i32
        %add3A_1272 = vector.broadcast %add3A_1271 : i32 to vector<16xi32>
        %add3A_1273 = arith.addi %mul3A_181, %add3A_1272 : vector<16xi32>
        %gather3A_1274 = tpu.vector_load_idx %arg7[%add3A_1273] : memref<544xf32, #tpu.memory_space<vmem>>[vector<16xi32>], vector<16xf32>,
        %add3A_1275 = arith.constant 281 : i32
        %add3A_1276 = vector.broadcast %add3A_1275 : i32 to vector<16xi32>
        %add3A_1277 = arith.addi %mul3A_181, %add3A_1276 : vector<16xi32>
        %gather3A_1278 = tpu.vector_load_idx %arg7[%add3A_1277] : memref<544xf32, #tpu.memory_space<vmem>>[vector<16xi32>], vector<16xf32>,
        %mul3A_1279 = vector.broadcast %squeeze3A_1270 : f32 to vector<16xf32>
        %mul3A_1280 = arith.mulf %gather3A_1274, %mul3A_1279 : vector<16xf32>
        %add3A_1281 = arith.constant 9 : i32
        %add3A_1282 = arith.addi %mul3A_371, %add3A_1281 : i32
        %swap3A_1283 = arith.constant 0 : i32
        %swap3A_1284 = arith.constant 0 : i32
        %swap3A_1285 = tpu.memref_slice %arg6[%scan3A_182, %swap3A_1283, %swap3A_1284] : memref<2x400x32xf32, #tpu.memory_space<vmem>> -> memref<1x400x32xf32, #tpu.memory_space<vmem>>
        %swap3A_1286 = tpu.memref_squeeze %swap3A_1285 : memref<1x400x32xf32, #tpu.memory_space<vmem>> -> memref<400x32xf32, #tpu.memory_space<vmem>>
        %swap3A_1287 = arith.index_cast %add3A_1282 : i32 to index
        %swap3A_1288 = arith.constant 0 : index
        %swap3A_1289 = tpu.vector_load %swap3A_1286[%swap3A_1287, %swap3A_1288] {strides = array<i32>} : memref<400x32xf32, #tpu.memory_space<vmem>>, vector<16xf32>,
        tpu.vector_store %swap3A_1286[%swap3A_1287, %swap3A_1288], %mul3A_1280 {strides = array<i32>} : memref<400x32xf32, #tpu.memory_space<vmem>>, vector<16xf32>,
        %mul3A_1290 = vector.broadcast %squeeze3A_1270 : f32 to vector<16xf32>
        %mul3A_1291 = arith.mulf %gather3A_1278, %mul3A_1290 : vector<16xf32>
        %add3A_1292 = arith.constant 9 : i32
        %add3A_1293 = arith.addi %mul3A_371, %add3A_1292 : i32
        %swap3A_1294 = arith.constant 0 : i32
        %swap3A_1295 = arith.constant 0 : i32
        %swap3A_1296 = tpu.memref_slice %arg6[%scan3A_182, %swap3A_1294, %swap3A_1295] : memref<2x400x32xf32, #tpu.memory_space<vmem>> -> memref<1x400x32xf32, #tpu.memory_space<vmem>>
        %swap3A_1297 = tpu.memref_squeeze %swap3A_1296 : memref<1x400x32xf32, #tpu.memory_space<vmem>> -> memref<400x32xf32, #tpu.memory_space<vmem>>
        %swap3A_1298 = arith.index_cast %add3A_1293 : i32 to index
        %swap3A_1299 = arith.constant 16 : index
        %swap3A_1300 = tpu.vector_load %swap3A_1297[%swap3A_1298, %swap3A_1299] {strides = array<i32>} : memref<400x32xf32, #tpu.memory_space<vmem>>, vector<16xf32>,
        tpu.vector_store %swap3A_1297[%swap3A_1298, %swap3A_1299], %mul3A_1291 {strides = array<i32>} : memref<400x32xf32, #tpu.memory_space<vmem>>, vector<16xf32>,
        %slice3A_1301 = vector.extract_strided_slice %div3A_983 {offsets = [10], sizes = [1], strides = [1]} : vector<16xf32> to vector<1xf32>
        %squeeze3A_1302 = vector.extract %slice3A_1301[0] : f32 from vector<1xf32>
        %add3A_1303 = arith.constant 10 : i32
        %add3A_1304 = vector.broadcast %add3A_1303 : i32 to vector<16xi32>
        %add3A_1305 = arith.addi %mul3A_181, %add3A_1304 : vector<16xi32>
        %gather3A_1306 = tpu.vector_load_idx %arg7[%add3A_1305] : memref<544xf32, #tpu.memory_space<vmem>>[vector<16xi32>], vector<16xf32>,
        %add3A_1307 = arith.constant 282 : i32
        %add3A_1308 = vector.broadcast %add3A_1307 : i32 to vector<16xi32>
        %add3A_1309 = arith.addi %mul3A_181, %add3A_1308 : vector<16xi32>
        %gather3A_1310 = tpu.vector_load_idx %arg7[%add3A_1309] : memref<544xf32, #tpu.memory_space<vmem>>[vector<16xi32>], vector<16xf32>,
        %mul3A_1311 = vector.broadcast %squeeze3A_1302 : f32 to vector<16xf32>
        %mul3A_1312 = arith.mulf %gather3A_1306, %mul3A_1311 : vector<16xf32>
        %add3A_1313 = arith.constant 10 : i32
        %add3A_1314 = arith.addi %mul3A_371, %add3A_1313 : i32
        %swap3A_1315 = arith.constant 0 : i32
        %swap3A_1316 = arith.constant 0 : i32
        %swap3A_1317 = tpu.memref_slice %arg6[%scan3A_182, %swap3A_1315, %swap3A_1316] : memref<2x400x32xf32, #tpu.memory_space<vmem>> -> memref<1x400x32xf32, #tpu.memory_space<vmem>>
        %swap3A_1318 = tpu.memref_squeeze %swap3A_1317 : memref<1x400x32xf32, #tpu.memory_space<vmem>> -> memref<400x32xf32, #tpu.memory_space<vmem>>
        %swap3A_1319 = arith.index_cast %add3A_1314 : i32 to index
        %swap3A_1320 = arith.constant 0 : index
        %swap3A_1321 = tpu.vector_load %swap3A_1318[%swap3A_1319, %swap3A_1320] {strides = array<i32>} : memref<400x32xf32, #tpu.memory_space<vmem>>, vector<16xf32>,
        tpu.vector_store %swap3A_1318[%swap3A_1319, %swap3A_1320], %mul3A_1312 {strides = array<i32>} : memref<400x32xf32, #tpu.memory_space<vmem>>, vector<16xf32>,
        %mul3A_1322 = vector.broadcast %squeeze3A_1302 : f32 to vector<16xf32>
        %mul3A_1323 = arith.mulf %gather3A_1310, %mul3A_1322 : vector<16xf32>
        %add3A_1324 = arith.constant 10 : i32
        %add3A_1325 = arith.addi %mul3A_371, %add3A_1324 : i32
        %swap3A_1326 = arith.constant 0 : i32
        %swap3A_1327 = arith.constant 0 : i32
        %swap3A_1328 = tpu.memref_slice %arg6[%scan3A_182, %swap3A_1326, %swap3A_1327] : memref<2x400x32xf32, #tpu.memory_space<vmem>> -> memref<1x400x32xf32, #tpu.memory_space<vmem>>
        %swap3A_1329 = tpu.memref_squeeze %swap3A_1328 : memref<1x400x32xf32, #tpu.memory_space<vmem>> -> memref<400x32xf32, #tpu.memory_space<vmem>>
        %swap3A_1330 = arith.index_cast %add3A_1325 : i32 to index
        %swap3A_1331 = arith.constant 16 : index
        %swap3A_1332 = tpu.vector_load %swap3A_1329[%swap3A_1330, %swap3A_1331] {strides = array<i32>} : memref<400x32xf32, #tpu.memory_space<vmem>>, vector<16xf32>,
        tpu.vector_store %swap3A_1329[%swap3A_1330, %swap3A_1331], %mul3A_1323 {strides = array<i32>} : memref<400x32xf32, #tpu.memory_space<vmem>>, vector<16xf32>,
        %slice3A_1333 = vector.extract_strided_slice %div3A_983 {offsets = [11], sizes = [1], strides = [1]} : vector<16xf32> to vector<1xf32>
        %squeeze3A_1334 = vector.extract %slice3A_1333[0] : f32 from vector<1xf32>
        %add3A_1335 = arith.constant 11 : i32
        %add3A_1336 = vector.broadcast %add3A_1335 : i32 to vector<16xi32>
        %add3A_1337 = arith.addi %mul3A_181, %add3A_1336 : vector<16xi32>
        %gather3A_1338 = tpu.vector_load_idx %arg7[%add3A_1337] : memref<544xf32, #tpu.memory_space<vmem>>[vector<16xi32>], vector<16xf32>,
        %add3A_1339 = arith.constant 283 : i32
        %add3A_1340 = vector.broadcast %add3A_1339 : i32 to vector<16xi32>
        %add3A_1341 = arith.addi %mul3A_181, %add3A_1340 : vector<16xi32>
        %gather3A_1342 = tpu.vector_load_idx %arg7[%add3A_1341] : memref<544xf32, #tpu.memory_space<vmem>>[vector<16xi32>], vector<16xf32>,
        %mul3A_1343 = vector.broadcast %squeeze3A_1334 : f32 to vector<16xf32>
        %mul3A_1344 = arith.mulf %gather3A_1338, %mul3A_1343 : vector<16xf32>
        %add3A_1345 = arith.constant 11 : i32
        %add3A_1346 = arith.addi %mul3A_371, %add3A_1345 : i32
        %swap3A_1347 = arith.constant 0 : i32
        %swap3A_1348 = arith.constant 0 : i32
        %swap3A_1349 = tpu.memref_slice %arg6[%scan3A_182, %swap3A_1347, %swap3A_1348] : memref<2x400x32xf32, #tpu.memory_space<vmem>> -> memref<1x400x32xf32, #tpu.memory_space<vmem>>
        %swap3A_1350 = tpu.memref_squeeze %swap3A_1349 : memref<1x400x32xf32, #tpu.memory_space<vmem>> -> memref<400x32xf32, #tpu.memory_space<vmem>>
        %swap3A_1351 = arith.index_cast %add3A_1346 : i32 to index
        %swap3A_1352 = arith.constant 0 : index
        %swap3A_1353 = tpu.vector_load %swap3A_1350[%swap3A_1351, %swap3A_1352] {strides = array<i32>} : memref<400x32xf32, #tpu.memory_space<vmem>>, vector<16xf32>,
        tpu.vector_store %swap3A_1350[%swap3A_1351, %swap3A_1352], %mul3A_1344 {strides = array<i32>} : memref<400x32xf32, #tpu.memory_space<vmem>>, vector<16xf32>,
        %mul3A_1354 = vector.broadcast %squeeze3A_1334 : f32 to vector<16xf32>
        %mul3A_1355 = arith.mulf %gather3A_1342, %mul3A_1354 : vector<16xf32>
        %add3A_1356 = arith.constant 11 : i32
        %add3A_1357 = arith.addi %mul3A_371, %add3A_1356 : i32
        %swap3A_1358 = arith.constant 0 : i32
        %swap3A_1359 = arith.constant 0 : i32
        %swap3A_1360 = tpu.memref_slice %arg6[%scan3A_182, %swap3A_1358, %swap3A_1359] : memref<2x400x32xf32, #tpu.memory_space<vmem>> -> memref<1x400x32xf32, #tpu.memory_space<vmem>>
        %swap3A_1361 = tpu.memref_squeeze %swap3A_1360 : memref<1x400x32xf32, #tpu.memory_space<vmem>> -> memref<400x32xf32, #tpu.memory_space<vmem>>
        %swap3A_1362 = arith.index_cast %add3A_1357 : i32 to index
        %swap3A_1363 = arith.constant 16 : index
        %swap3A_1364 = tpu.vector_load %swap3A_1361[%swap3A_1362, %swap3A_1363] {strides = array<i32>} : memref<400x32xf32, #tpu.memory_space<vmem>>, vector<16xf32>,
        tpu.vector_store %swap3A_1361[%swap3A_1362, %swap3A_1363], %mul3A_1355 {strides = array<i32>} : memref<400x32xf32, #tpu.memory_space<vmem>>, vector<16xf32>,
        %slice3A_1365 = vector.extract_strided_slice %div3A_983 {offsets = [12], sizes = [1], strides = [1]} : vector<16xf32> to vector<1xf32>
        %squeeze3A_1366 = vector.extract %slice3A_1365[0] : f32 from vector<1xf32>
        %add3A_1367 = arith.constant 12 : i32
        %add3A_1368 = vector.broadcast %add3A_1367 : i32 to vector<16xi32>
        %add3A_1369 = arith.addi %mul3A_181, %add3A_1368 : vector<16xi32>
        %gather3A_1370 = tpu.vector_load_idx %arg7[%add3A_1369] : memref<544xf32, #tpu.memory_space<vmem>>[vector<16xi32>], vector<16xf32>,
        %add3A_1371 = arith.constant 284 : i32
        %add3A_1372 = vector.broadcast %add3A_1371 : i32 to vector<16xi32>
        %add3A_1373 = arith.addi %mul3A_181, %add3A_1372 : vector<16xi32>
        %gather3A_1374 = tpu.vector_load_idx %arg7[%add3A_1373] : memref<544xf32, #tpu.memory_space<vmem>>[vector<16xi32>], vector<16xf32>,
        %mul3A_1375 = vector.broadcast %squeeze3A_1366 : f32 to vector<16xf32>
        %mul3A_1376 = arith.mulf %gather3A_1370, %mul3A_1375 : vector<16xf32>
        %add3A_1377 = arith.constant 12 : i32
        %add3A_1378 = arith.addi %mul3A_371, %add3A_1377 : i32
        %swap3A_1379 = arith.constant 0 : i32
        %swap3A_1380 = arith.constant 0 : i32
        %swap3A_1381 = tpu.memref_slice %arg6[%scan3A_182, %swap3A_1379, %swap3A_1380] : memref<2x400x32xf32, #tpu.memory_space<vmem>> -> memref<1x400x32xf32, #tpu.memory_space<vmem>>
        %swap3A_1382 = tpu.memref_squeeze %swap3A_1381 : memref<1x400x32xf32, #tpu.memory_space<vmem>> -> memref<400x32xf32, #tpu.memory_space<vmem>>
        %swap3A_1383 = arith.index_cast %add3A_1378 : i32 to index
        %swap3A_1384 = arith.constant 0 : index
        %swap3A_1385 = tpu.vector_load %swap3A_1382[%swap3A_1383, %swap3A_1384] {strides = array<i32>} : memref<400x32xf32, #tpu.memory_space<vmem>>, vector<16xf32>,
        tpu.vector_store %swap3A_1382[%swap3A_1383, %swap3A_1384], %mul3A_1376 {strides = array<i32>} : memref<400x32xf32, #tpu.memory_space<vmem>>, vector<16xf32>,
        %mul3A_1386 = vector.broadcast %squeeze3A_1366 : f32 to vector<16xf32>
        %mul3A_1387 = arith.mulf %gather3A_1374, %mul3A_1386 : vector<16xf32>
        %add3A_1388 = arith.constant 12 : i32
        %add3A_1389 = arith.addi %mul3A_371, %add3A_1388 : i32
        %swap3A_1390 = arith.constant 0 : i32
        %swap3A_1391 = arith.constant 0 : i32
        %swap3A_1392 = tpu.memref_slice %arg6[%scan3A_182, %swap3A_1390, %swap3A_1391] : memref<2x400x32xf32, #tpu.memory_space<vmem>> -> memref<1x400x32xf32, #tpu.memory_space<vmem>>
        %swap3A_1393 = tpu.memref_squeeze %swap3A_1392 : memref<1x400x32xf32, #tpu.memory_space<vmem>> -> memref<400x32xf32, #tpu.memory_space<vmem>>
        %swap3A_1394 = arith.index_cast %add3A_1389 : i32 to index
        %swap3A_1395 = arith.constant 16 : index
        %swap3A_1396 = tpu.vector_load %swap3A_1393[%swap3A_1394, %swap3A_1395] {strides = array<i32>} : memref<400x32xf32, #tpu.memory_space<vmem>>, vector<16xf32>,
        tpu.vector_store %swap3A_1393[%swap3A_1394, %swap3A_1395], %mul3A_1387 {strides = array<i32>} : memref<400x32xf32, #tpu.memory_space<vmem>>, vector<16xf32>,
        %slice3A_1397 = vector.extract_strided_slice %div3A_983 {offsets = [13], sizes = [1], strides = [1]} : vector<16xf32> to vector<1xf32>
        %squeeze3A_1398 = vector.extract %slice3A_1397[0] : f32 from vector<1xf32>
        %add3A_1399 = arith.constant 13 : i32
        %add3A_1400 = vector.broadcast %add3A_1399 : i32 to vector<16xi32>
        %add3A_1401 = arith.addi %mul3A_181, %add3A_1400 : vector<16xi32>
        %gather3A_1402 = tpu.vector_load_idx %arg7[%add3A_1401] : memref<544xf32, #tpu.memory_space<vmem>>[vector<16xi32>], vector<16xf32>,
        %add3A_1403 = arith.constant 285 : i32
        %add3A_1404 = vector.broadcast %add3A_1403 : i32 to vector<16xi32>
        %add3A_1405 = arith.addi %mul3A_181, %add3A_1404 : vector<16xi32>
        %gather3A_1406 = tpu.vector_load_idx %arg7[%add3A_1405] : memref<544xf32, #tpu.memory_space<vmem>>[vector<16xi32>], vector<16xf32>,
        %mul3A_1407 = vector.broadcast %squeeze3A_1398 : f32 to vector<16xf32>
        %mul3A_1408 = arith.mulf %gather3A_1402, %mul3A_1407 : vector<16xf32>
        %add3A_1409 = arith.constant 13 : i32
        %add3A_1410 = arith.addi %mul3A_371, %add3A_1409 : i32
        %swap3A_1411 = arith.constant 0 : i32
        %swap3A_1412 = arith.constant 0 : i32
        %swap3A_1413 = tpu.memref_slice %arg6[%scan3A_182, %swap3A_1411, %swap3A_1412] : memref<2x400x32xf32, #tpu.memory_space<vmem>> -> memref<1x400x32xf32, #tpu.memory_space<vmem>>
        %swap3A_1414 = tpu.memref_squeeze %swap3A_1413 : memref<1x400x32xf32, #tpu.memory_space<vmem>> -> memref<400x32xf32, #tpu.memory_space<vmem>>
        %swap3A_1415 = arith.index_cast %add3A_1410 : i32 to index
        %swap3A_1416 = arith.constant 0 : index
        %swap3A_1417 = tpu.vector_load %swap3A_1414[%swap3A_1415, %swap3A_1416] {strides = array<i32>} : memref<400x32xf32, #tpu.memory_space<vmem>>, vector<16xf32>,
        tpu.vector_store %swap3A_1414[%swap3A_1415, %swap3A_1416], %mul3A_1408 {strides = array<i32>} : memref<400x32xf32, #tpu.memory_space<vmem>>, vector<16xf32>,
        %mul3A_1418 = vector.broadcast %squeeze3A_1398 : f32 to vector<16xf32>
        %mul3A_1419 = arith.mulf %gather3A_1406, %mul3A_1418 : vector<16xf32>
        %add3A_1420 = arith.constant 13 : i32
        %add3A_1421 = arith.addi %mul3A_371, %add3A_1420 : i32
        %swap3A_1422 = arith.constant 0 : i32
        %swap3A_1423 = arith.constant 0 : i32
        %swap3A_1424 = tpu.memref_slice %arg6[%scan3A_182, %swap3A_1422, %swap3A_1423] : memref<2x400x32xf32, #tpu.memory_space<vmem>> -> memref<1x400x32xf32, #tpu.memory_space<vmem>>
        %swap3A_1425 = tpu.memref_squeeze %swap3A_1424 : memref<1x400x32xf32, #tpu.memory_space<vmem>> -> memref<400x32xf32, #tpu.memory_space<vmem>>
        %swap3A_1426 = arith.index_cast %add3A_1421 : i32 to index
        %swap3A_1427 = arith.constant 16 : index
        %swap3A_1428 = tpu.vector_load %swap3A_1425[%swap3A_1426, %swap3A_1427] {strides = array<i32>} : memref<400x32xf32, #tpu.memory_space<vmem>>, vector<16xf32>,
        tpu.vector_store %swap3A_1425[%swap3A_1426, %swap3A_1427], %mul3A_1419 {strides = array<i32>} : memref<400x32xf32, #tpu.memory_space<vmem>>, vector<16xf32>,
        %slice3A_1429 = vector.extract_strided_slice %div3A_983 {offsets = [14], sizes = [1], strides = [1]} : vector<16xf32> to vector<1xf32>
        %squeeze3A_1430 = vector.extract %slice3A_1429[0] : f32 from vector<1xf32>
        %add3A_1431 = arith.constant 14 : i32
        %add3A_1432 = vector.broadcast %add3A_1431 : i32 to vector<16xi32>
        %add3A_1433 = arith.addi %mul3A_181, %add3A_1432 : vector<16xi32>
        %gather3A_1434 = tpu.vector_load_idx %arg7[%add3A_1433] : memref<544xf32, #tpu.memory_space<vmem>>[vector<16xi32>], vector<16xf32>,
        %add3A_1435 = arith.constant 286 : i32
        %add3A_1436 = vector.broadcast %add3A_1435 : i32 to vector<16xi32>
        %add3A_1437 = arith.addi %mul3A_181, %add3A_1436 : vector<16xi32>
        %gather3A_1438 = tpu.vector_load_idx %arg7[%add3A_1437] : memref<544xf32, #tpu.memory_space<vmem>>[vector<16xi32>], vector<16xf32>,
        %mul3A_1439 = vector.broadcast %squeeze3A_1430 : f32 to vector<16xf32>
        %mul3A_1440 = arith.mulf %gather3A_1434, %mul3A_1439 : vector<16xf32>
        %add3A_1441 = arith.constant 14 : i32
        %add3A_1442 = arith.addi %mul3A_371, %add3A_1441 : i32
        %swap3A_1443 = arith.constant 0 : i32
        %swap3A_1444 = arith.constant 0 : i32
        %swap3A_1445 = tpu.memref_slice %arg6[%scan3A_182, %swap3A_1443, %swap3A_1444] : memref<2x400x32xf32, #tpu.memory_space<vmem>> -> memref<1x400x32xf32, #tpu.memory_space<vmem>>
        %swap3A_1446 = tpu.memref_squeeze %swap3A_1445 : memref<1x400x32xf32, #tpu.memory_space<vmem>> -> memref<400x32xf32, #tpu.memory_space<vmem>>
        %swap3A_1447 = arith.index_cast %add3A_1442 : i32 to index
        %swap3A_1448 = arith.constant 0 : index
        %swap3A_1449 = tpu.vector_load %swap3A_1446[%swap3A_1447, %swap3A_1448] {strides = array<i32>} : memref<400x32xf32, #tpu.memory_space<vmem>>, vector<16xf32>,
        tpu.vector_store %swap3A_1446[%swap3A_1447, %swap3A_1448], %mul3A_1440 {strides = array<i32>} : memref<400x32xf32, #tpu.memory_space<vmem>>, vector<16xf32>,
        %mul3A_1450 = vector.broadcast %squeeze3A_1430 : f32 to vector<16xf32>
        %mul3A_1451 = arith.mulf %gather3A_1438, %mul3A_1450 : vector<16xf32>
        %add3A_1452 = arith.constant 14 : i32
        %add3A_1453 = arith.addi %mul3A_371, %add3A_1452 : i32
        %swap3A_1454 = arith.constant 0 : i32
        %swap3A_1455 = arith.constant 0 : i32
        %swap3A_1456 = tpu.memref_slice %arg6[%scan3A_182, %swap3A_1454, %swap3A_1455] : memref<2x400x32xf32, #tpu.memory_space<vmem>> -> memref<1x400x32xf32, #tpu.memory_space<vmem>>
        %swap3A_1457 = tpu.memref_squeeze %swap3A_1456 : memref<1x400x32xf32, #tpu.memory_space<vmem>> -> memref<400x32xf32, #tpu.memory_space<vmem>>
        %swap3A_1458 = arith.index_cast %add3A_1453 : i32 to index
        %swap3A_1459 = arith.constant 16 : index
        %swap3A_1460 = tpu.vector_load %swap3A_1457[%swap3A_1458, %swap3A_1459] {strides = array<i32>} : memref<400x32xf32, #tpu.memory_space<vmem>>, vector<16xf32>,
        tpu.vector_store %swap3A_1457[%swap3A_1458, %swap3A_1459], %mul3A_1451 {strides = array<i32>} : memref<400x32xf32, #tpu.memory_space<vmem>>, vector<16xf32>,
        %slice3A_1461 = vector.extract_strided_slice %div3A_983 {offsets = [15], sizes = [1], strides = [1]} : vector<16xf32> to vector<1xf32>
        %squeeze3A_1462 = vector.extract %slice3A_1461[0] : f32 from vector<1xf32>
        %add3A_1463 = arith.constant 15 : i32
        %add3A_1464 = vector.broadcast %add3A_1463 : i32 to vector<16xi32>
        %add3A_1465 = arith.addi %mul3A_181, %add3A_1464 : vector<16xi32>
        %gather3A_1466 = tpu.vector_load_idx %arg7[%add3A_1465] : memref<544xf32, #tpu.memory_space<vmem>>[vector<16xi32>], vector<16xf32>,
        %add3A_1467 = arith.constant 287 : i32
        %add3A_1468 = vector.broadcast %add3A_1467 : i32 to vector<16xi32>
        %add3A_1469 = arith.addi %mul3A_181, %add3A_1468 : vector<16xi32>
        %gather3A_1470 = tpu.vector_load_idx %arg7[%add3A_1469] : memref<544xf32, #tpu.memory_space<vmem>>[vector<16xi32>], vector<16xf32>,
        %mul3A_1471 = vector.broadcast %squeeze3A_1462 : f32 to vector<16xf32>
        %mul3A_1472 = arith.mulf %gather3A_1466, %mul3A_1471 : vector<16xf32>
        %add3A_1473 = arith.constant 15 : i32
        %add3A_1474 = arith.addi %mul3A_371, %add3A_1473 : i32
        %swap3A_1475 = arith.constant 0 : i32
        %swap3A_1476 = arith.constant 0 : i32
        %swap3A_1477 = tpu.memref_slice %arg6[%scan3A_182, %swap3A_1475, %swap3A_1476] : memref<2x400x32xf32, #tpu.memory_space<vmem>> -> memref<1x400x32xf32, #tpu.memory_space<vmem>>
        %swap3A_1478 = tpu.memref_squeeze %swap3A_1477 : memref<1x400x32xf32, #tpu.memory_space<vmem>> -> memref<400x32xf32, #tpu.memory_space<vmem>>
        %swap3A_1479 = arith.index_cast %add3A_1474 : i32 to index
        %swap3A_1480 = arith.constant 0 : index
        %swap3A_1481 = tpu.vector_load %swap3A_1478[%swap3A_1479, %swap3A_1480] {strides = array<i32>} : memref<400x32xf32, #tpu.memory_space<vmem>>, vector<16xf32>,
        tpu.vector_store %swap3A_1478[%swap3A_1479, %swap3A_1480], %mul3A_1472 {strides = array<i32>} : memref<400x32xf32, #tpu.memory_space<vmem>>, vector<16xf32>,
        %mul3A_1482 = vector.broadcast %squeeze3A_1462 : f32 to vector<16xf32>
        %mul3A_1483 = arith.mulf %gather3A_1470, %mul3A_1482 : vector<16xf32>
        %add3A_1484 = arith.constant 15 : i32
        %add3A_1485 = arith.addi %mul3A_371, %add3A_1484 : i32
        %swap3A_1486 = arith.constant 0 : i32
        %swap3A_1487 = arith.constant 0 : i32
        %swap3A_1488 = tpu.memref_slice %arg6[%scan3A_182, %swap3A_1486, %swap3A_1487] : memref<2x400x32xf32, #tpu.memory_space<vmem>> -> memref<1x400x32xf32, #tpu.memory_space<vmem>>
        %swap3A_1489 = tpu.memref_squeeze %swap3A_1488 : memref<1x400x32xf32, #tpu.memory_space<vmem>> -> memref<400x32xf32, #tpu.memory_space<vmem>>
        %swap3A_1490 = arith.index_cast %add3A_1485 : i32 to index
        %swap3A_1491 = arith.constant 16 : index
        %swap3A_1492 = tpu.vector_load %swap3A_1489[%swap3A_1490, %swap3A_1491] {strides = array<i32>} : memref<400x32xf32, #tpu.memory_space<vmem>>, vector<16xf32>,
        tpu.vector_store %swap3A_1489[%swap3A_1490, %swap3A_1491], %mul3A_1483 {strides = array<i32>} : memref<400x32xf32, #tpu.memory_space<vmem>>, vector<16xf32>,
        %scan3A_1493 = arith.constant 0 : i32
        scf.yield %scan3A_1493 : i32
      }
      %scan3A_189 = arith.constant 25 : i32
      %mul3A_190 = arith.constant 2 : i32
      %mul3A_191 = arith.muli %add3A_126, %mul3A_190 : i32
      %add3A_192 = arith.addi %mul3A_2, %mul3A_191 : i32
      %add3A_193 = arith.constant 0 : i32
      %add3A_194 = arith.addi %add3A_192, %add3A_193 : i32
      %mul3A_195 = arith.constant 200 : i32
      %mul3A_196 = arith.muli %add3A_194, %mul3A_195 : i32
      %dma_start3A_197 = arith.constant 0 : i32
      %dma_start3A_198 = arith.constant 0 : i32
      %dma_start3A_199 = arith.constant 0 : i32
      %dma_start3A_200 = tpu.memref_slice %arg6[%dma_start3A_197, %dma_start3A_198, %dma_start3A_199] : memref<2x400x32xf32, #tpu.memory_space<vmem>> -> memref<1x400x32xf32, #tpu.memory_space<vmem>>
      %dma_start3A_201 = tpu.memref_squeeze %dma_start3A_200 : memref<1x400x32xf32, #tpu.memory_space<vmem>> -> memref<400x32xf32, #tpu.memory_space<vmem>>
      %dma_start3A_202 = arith.constant 0 : i32
      %dma_start3A_203 = arith.constant 0 : i32
      %dma_start3A_204 = tpu.memref_slice %dma_start3A_201[%dma_start3A_202, %dma_start3A_203] : memref<400x32xf32, #tpu.memory_space<vmem>> -> memref<200x32xf32, #tpu.memory_space<vmem>>
      %dma_start3A_205 = arith.constant 0 : i32
      %dma_start3A_206 = tpu.memref_slice %arg4[%mul3A_196, %dma_start3A_205] : memref<819200x32xf32, #tpu.memory_space<hbm>> -> memref<200x32xf32, #tpu.memory_space<hbm>>
      %dma_start3A_207 = arith.constant 0 : i32
      %dma_start3A_208 = tpu.memref_slice %arg4[%mul3A_196, %dma_start3A_207] : memref<819200x32xf32, #tpu.memory_space<hbm>> -> memref<200x32xf32, #tpu.memory_space<hbm>>
      %dma_start3A_209 = arith.constant 0 : i32
      %dma_start3A_210 = arith.constant 0 : i32
      %dma_start3A_211 = tpu.memref_slice %arg6[%dma_start3A_197, %dma_start3A_209, %dma_start3A_210] : memref<2x400x32xf32, #tpu.memory_space<vmem>> -> memref<1x400x32xf32, #tpu.memory_space<vmem>>
      %dma_start3A_212 = tpu.memref_squeeze %dma_start3A_211 : memref<1x400x32xf32, #tpu.memory_space<vmem>> -> memref<400x32xf32, #tpu.memory_space<vmem>>
      %dma_start3A_213 = arith.constant 0 : i32
      %dma_start3A_214 = arith.constant 0 : i32
      %dma_start3A_215 = tpu.memref_slice %dma_start3A_212[%dma_start3A_213, %dma_start3A_214] : memref<400x32xf32, #tpu.memory_space<vmem>> -> memref<200x32xf32, #tpu.memory_space<vmem>>
      tpu.enqueue_dma source(%dma_start3A_215 : memref<200x32xf32, #tpu.memory_space<vmem>>) target(%dma_start3A_208 : memref<200x32xf32, #tpu.memory_space<hbm>>) target_semaphore(%arg10 : memref<!tpu.dma_semaphore, #tpu.memory_space<semaphore_mem>>)
      %mul3A_216 = arith.constant 2 : i32
      %mul3A_217 = arith.muli %add3A_126, %mul3A_216 : i32
      %add3A_218 = arith.addi %mul3A_2, %mul3A_217 : i32
      %add3A_219 = arith.constant 1 : i32
      %add3A_220 = arith.addi %add3A_218, %add3A_219 : i32
      %mul3A_221 = arith.constant 200 : i32
      %mul3A_222 = arith.muli %add3A_220, %mul3A_221 : i32
      %dma_start3A_223 = arith.constant 0 : i32
      %dma_start3A_224 = arith.constant 0 : i32
      %dma_start3A_225 = arith.constant 0 : i32
      %dma_start3A_226 = tpu.memref_slice %arg6[%dma_start3A_223, %dma_start3A_224, %dma_start3A_225] : memref<2x400x32xf32, #tpu.memory_space<vmem>> -> memref<1x400x32xf32, #tpu.memory_space<vmem>>
      %dma_start3A_227 = tpu.memref_squeeze %dma_start3A_226 : memref<1x400x32xf32, #tpu.memory_space<vmem>> -> memref<400x32xf32, #tpu.memory_space<vmem>>
      %dma_start3A_228 = arith.constant 200 : i32
      %dma_start3A_229 = arith.constant 0 : i32
      %dma_start3A_230 = tpu.memref_slice %dma_start3A_227[%dma_start3A_228, %dma_start3A_229] : memref<400x32xf32, #tpu.memory_space<vmem>> -> memref<200x32xf32, #tpu.memory_space<vmem>>
      %dma_start3A_231 = arith.constant 0 : i32
      %dma_start3A_232 = tpu.memref_slice %arg4[%mul3A_222, %dma_start3A_231] : memref<819200x32xf32, #tpu.memory_space<hbm>> -> memref<200x32xf32, #tpu.memory_space<hbm>>
      %dma_start3A_233 = arith.constant 0 : i32
      %dma_start3A_234 = tpu.memref_slice %arg4[%mul3A_222, %dma_start3A_233] : memref<819200x32xf32, #tpu.memory_space<hbm>> -> memref<200x32xf32, #tpu.memory_space<hbm>>
      %dma_start3A_235 = arith.constant 0 : i32
      %dma_start3A_236 = arith.constant 0 : i32
      %dma_start3A_237 = tpu.memref_slice %arg6[%dma_start3A_223, %dma_start3A_235, %dma_start3A_236] : memref<2x400x32xf32, #tpu.memory_space<vmem>> -> memref<1x400x32xf32, #tpu.memory_space<vmem>>
      %dma_start3A_238 = tpu.memref_squeeze %dma_start3A_237 : memref<1x400x32xf32, #tpu.memory_space<vmem>> -> memref<400x32xf32, #tpu.memory_space<vmem>>
      %dma_start3A_239 = arith.constant 200 : i32
      %dma_start3A_240 = arith.constant 0 : i32
      %dma_start3A_241 = tpu.memref_slice %dma_start3A_238[%dma_start3A_239, %dma_start3A_240] : memref<400x32xf32, #tpu.memory_space<vmem>> -> memref<200x32xf32, #tpu.memory_space<vmem>>
      tpu.enqueue_dma source(%dma_start3A_241 : memref<200x32xf32, #tpu.memory_space<vmem>>) target(%dma_start3A_234 : memref<200x32xf32, #tpu.memory_space<hbm>>) target_semaphore(%arg10 : memref<!tpu.dma_semaphore, #tpu.memory_space<semaphore_mem>>)
      %mul3A_242 = arith.constant 2 : i32
      %mul3A_243 = arith.muli %mul3A_242, %scan3A_121 : i32
      %add3A_244 = arith.constant 1 : i32
      %add3A_245 = arith.addi %mul3A_243, %add3A_244 : i32
      %add3A_246 = arith.constant 1 : i32
      %add3A_247 = arith.addi %add3A_245, %add3A_246 : i32
      %lt3A_248 = arith.constant 64 : i32
      %lt3A_249 = arith.cmpi slt, %add3A_247, %lt3A_248 : i32
      %ge3A_250 = arith.constant 1 : i32
      %ge3A_251 = arith.cmpi sge, %add3A_245, %ge3A_250 : i32
      %and3A_252 = arith.andi %lt3A_249, %ge3A_251 : i1
      %convert_element_type3A_253 = arith.extui %and3A_252 : i1 to i32
      %cond3A_254 = arith.constant 0 : i32
      %cond3A_255 = arith.cmpi ne, %convert_element_type3A_253, %cond3A_254 : i32
      scf.if %cond3A_255 {
        %dma_wait3A_368 = arith.constant 0 : i32
        %dma_wait3A_369 = arith.constant 0 : i32
        %dma_wait3A_370 = arith.constant 0 : i32
        %dma_wait3A_371 = tpu.memref_slice %arg6[%dma_wait3A_368, %dma_wait3A_369, %dma_wait3A_370] : memref<2x400x32xf32, #tpu.memory_space<vmem>> -> memref<1x400x32xf32, #tpu.memory_space<vmem>>
        %dma_wait3A_372 = tpu.memref_squeeze %dma_wait3A_371 : memref<1x400x32xf32, #tpu.memory_space<vmem>> -> memref<400x32xf32, #tpu.memory_space<vmem>>
        %dma_wait3A_373 = arith.constant 0 : i32
        %dma_wait3A_374 = arith.constant 0 : i32
        %dma_wait3A_375 = tpu.memref_slice %dma_wait3A_372[%dma_wait3A_373, %dma_wait3A_374] : memref<400x32xf32, #tpu.memory_space<vmem>> -> memref<200x32xf32, #tpu.memory_space<vmem>>
        %dma_wait3A_376 = arith.constant 0 : i32
        %dma_wait3A_377 = arith.constant 0 : i32
        %dma_wait3A_378 = tpu.memref_slice %arg4[%dma_wait3A_376, %dma_wait3A_377] : memref<819200x32xf32, #tpu.memory_space<hbm>> -> memref<200x32xf32, #tpu.memory_space<hbm>>
        %dma_wait3A_379 = arith.constant 0 : i32
        %dma_wait3A_380 = arith.constant 0 : i32
        %dma_wait3A_381 = tpu.memref_slice %arg4[%dma_wait3A_379, %dma_wait3A_380] : memref<819200x32xf32, #tpu.memory_space<hbm>> -> memref<200x32xf32, #tpu.memory_space<hbm>>
        %dma_wait3A_382 = arith.constant 0 : i32
        %dma_wait3A_383 = arith.constant 0 : i32
        %dma_wait3A_384 = tpu.memref_slice %arg6[%dma_wait3A_368, %dma_wait3A_382, %dma_wait3A_383] : memref<2x400x32xf32, #tpu.memory_space<vmem>> -> memref<1x400x32xf32, #tpu.memory_space<vmem>>
        %dma_wait3A_385 = tpu.memref_squeeze %dma_wait3A_384 : memref<1x400x32xf32, #tpu.memory_space<vmem>> -> memref<400x32xf32, #tpu.memory_space<vmem>>
        %dma_wait3A_386 = arith.constant 0 : i32
        %dma_wait3A_387 = arith.constant 0 : i32
        %dma_wait3A_388 = tpu.memref_slice %dma_wait3A_385[%dma_wait3A_386, %dma_wait3A_387] : memref<400x32xf32, #tpu.memory_space<vmem>> -> memref<200x32xf32, #tpu.memory_space<vmem>>
        tpu.wait_dma2 semaphore(%arg10 : memref<!tpu.dma_semaphore, #tpu.memory_space<semaphore_mem>>) src(%dma_wait3A_388 : memref<200x32xf32, #tpu.memory_space<vmem>>) dst(%dma_wait3A_381 : memref<200x32xf32, #tpu.memory_space<hbm>>)
        %dma_wait3A_389 = arith.constant 0 : i32
        %dma_wait3A_390 = arith.constant 0 : i32
        %dma_wait3A_391 = arith.constant 0 : i32
        %dma_wait3A_392 = tpu.memref_slice %arg6[%dma_wait3A_389, %dma_wait3A_390, %dma_wait3A_391] : memref<2x400x32xf32, #tpu.memory_space<vmem>> -> memref<1x400x32xf32, #tpu.memory_space<vmem>>
        %dma_wait3A_393 = tpu.memref_squeeze %dma_wait3A_392 : memref<1x400x32xf32, #tpu.memory_space<vmem>> -> memref<400x32xf32, #tpu.memory_space<vmem>>
        %dma_wait3A_394 = arith.constant 0 : i32
        %dma_wait3A_395 = arith.constant 0 : i32
        %dma_wait3A_396 = tpu.memref_slice %dma_wait3A_393[%dma_wait3A_394, %dma_wait3A_395] : memref<400x32xf32, #tpu.memory_space<vmem>> -> memref<200x32xf32, #tpu.memory_space<vmem>>
        %dma_wait3A_397 = arith.constant 0 : i32
        %dma_wait3A_398 = arith.constant 0 : i32
        %dma_wait3A_399 = tpu.memref_slice %arg4[%dma_wait3A_397, %dma_wait3A_398] : memref<819200x32xf32, #tpu.memory_space<hbm>> -> memref<200x32xf32, #tpu.memory_space<hbm>>
        %dma_wait3A_400 = arith.constant 0 : i32
        %dma_wait3A_401 = arith.constant 0 : i32
        %dma_wait3A_402 = tpu.memref_slice %arg4[%dma_wait3A_400, %dma_wait3A_401] : memref<819200x32xf32, #tpu.memory_space<hbm>> -> memref<200x32xf32, #tpu.memory_space<hbm>>
        %dma_wait3A_403 = arith.constant 0 : i32
        %dma_wait3A_404 = arith.constant 0 : i32
        %dma_wait3A_405 = tpu.memref_slice %arg6[%dma_wait3A_389, %dma_wait3A_403, %dma_wait3A_404] : memref<2x400x32xf32, #tpu.memory_space<vmem>> -> memref<1x400x32xf32, #tpu.memory_space<vmem>>
        %dma_wait3A_406 = tpu.memref_squeeze %dma_wait3A_405 : memref<1x400x32xf32, #tpu.memory_space<vmem>> -> memref<400x32xf32, #tpu.memory_space<vmem>>
        %dma_wait3A_407 = arith.constant 0 : i32
        %dma_wait3A_408 = arith.constant 0 : i32
        %dma_wait3A_409 = tpu.memref_slice %dma_wait3A_406[%dma_wait3A_407, %dma_wait3A_408] : memref<400x32xf32, #tpu.memory_space<vmem>> -> memref<200x32xf32, #tpu.memory_space<vmem>>
        tpu.wait_dma2 semaphore(%arg10 : memref<!tpu.dma_semaphore, #tpu.memory_space<semaphore_mem>>) src(%dma_wait3A_409 : memref<200x32xf32, #tpu.memory_space<vmem>>) dst(%dma_wait3A_402 : memref<200x32xf32, #tpu.memory_space<hbm>>)
      } else {
      }
      %lt3A_256 = arith.constant 64 : i32
      %lt3A_257 = arith.cmpi slt, %add3A_247, %lt3A_256 : i32
      %convert_element_type3A_258 = arith.extui %lt3A_257 : i1 to i32
      %cond3A_259 = arith.constant 0 : i32
      %cond3A_260 = arith.cmpi ne, %convert_element_type3A_258, %cond3A_259 : i32
      scf.if %cond3A_260 {
        %mul3A_368 = arith.constant 2 : i32
        %mul3A_369 = arith.muli %add3A_247, %mul3A_368 : i32
        %add3A_370 = arith.constant 0 : i32
        %add3A_371 = arith.addi %mul3A_369, %add3A_370 : i32
        %dma_start3A_372 = arith.constant 0 : i32
        %dma_start3A_373 = arith.constant 0 : i32
        %dma_start3A_374 = arith.constant 0 : i32
        %dma_start3A_375 = tpu.memref_slice %arg6[%dma_start3A_372, %dma_start3A_373, %dma_start3A_374] : memref<2x400x32xf32, #tpu.memory_space<vmem>> -> memref<1x400x32xf32, #tpu.memory_space<vmem>>
        %dma_start3A_376 = tpu.memref_squeeze %dma_start3A_375 : memref<1x400x32xf32, #tpu.memory_space<vmem>> -> memref<400x32xf32, #tpu.memory_space<vmem>>
        %dma_start3A_377 = arith.constant 0 : i32
        %dma_start3A_378 = arith.constant 0 : i32
        %dma_start3A_379 = tpu.memref_slice %dma_start3A_376[%dma_start3A_377, %dma_start3A_378] : memref<400x32xf32, #tpu.memory_space<vmem>> -> memref<200x32xf32, #tpu.memory_space<vmem>>
        %dma_start3A_380 = arith.constant 0 : i32
        %dma_start3A_381 = tpu.memref_slice %arg5[%add3A_371, %dma_start3A_380] : memref<128x200xi32, #tpu.memory_space<vmem>> -> memref<1x200xi32, #tpu.memory_space<vmem>>
        %dma_start3A_382 = tpu.memref_squeeze %dma_start3A_381 : memref<1x200xi32, #tpu.memory_space<vmem>> -> memref<200xi32, #tpu.memory_space<vmem>>
        %dma_start3A_383 = arith.constant 0 : i32
        %dma_start3A_384 = arith.constant 0 : i32
        %dma_start3A_385 = tpu.memref_slice %arg3[%dma_start3A_383, %dma_start3A_384] : memref<1000000x32xf32, #tpu.memory_space<hbm>> -> memref<1000000x32xf32, #tpu.memory_space<hbm>>
        tpu.enqueue_indirect_dma source(%dma_start3A_385 : memref<1000000x32xf32, #tpu.memory_space<hbm>>) target(%dma_start3A_379 : memref<200x32xf32, #tpu.memory_space<vmem>>) offsets(%dma_start3A_382 : memref<200xi32, #tpu.memory_space<vmem>>) semaphore(%arg8 : memref<!tpu.dma_semaphore, #tpu.memory_space<semaphore_mem>>)
        %mul3A_386 = arith.constant 2 : i32
        %mul3A_387 = arith.muli %add3A_247, %mul3A_386 : i32
        %add3A_388 = arith.constant 1 : i32
        %add3A_389 = arith.addi %mul3A_387, %add3A_388 : i32
        %dma_start3A_390 = arith.constant 0 : i32
        %dma_start3A_391 = arith.constant 0 : i32
        %dma_start3A_392 = arith.constant 0 : i32
        %dma_start3A_393 = tpu.memref_slice %arg6[%dma_start3A_390, %dma_start3A_391, %dma_start3A_392] : memref<2x400x32xf32, #tpu.memory_space<vmem>> -> memref<1x400x32xf32, #tpu.memory_space<vmem>>
        %dma_start3A_394 = tpu.memref_squeeze %dma_start3A_393 : memref<1x400x32xf32, #tpu.memory_space<vmem>> -> memref<400x32xf32, #tpu.memory_space<vmem>>
        %dma_start3A_395 = arith.constant 200 : i32
        %dma_start3A_396 = arith.constant 0 : i32
        %dma_start3A_397 = tpu.memref_slice %dma_start3A_394[%dma_start3A_395, %dma_start3A_396] : memref<400x32xf32, #tpu.memory_space<vmem>> -> memref<200x32xf32, #tpu.memory_space<vmem>>
        %dma_start3A_398 = arith.constant 0 : i32
        %dma_start3A_399 = tpu.memref_slice %arg5[%add3A_389, %dma_start3A_398] : memref<128x200xi32, #tpu.memory_space<vmem>> -> memref<1x200xi32, #tpu.memory_space<vmem>>
        %dma_start3A_400 = tpu.memref_squeeze %dma_start3A_399 : memref<1x200xi32, #tpu.memory_space<vmem>> -> memref<200xi32, #tpu.memory_space<vmem>>
        %dma_start3A_401 = arith.constant 0 : i32
        %dma_start3A_402 = arith.constant 0 : i32
        %dma_start3A_403 = tpu.memref_slice %arg3[%dma_start3A_401, %dma_start3A_402] : memref<1000000x32xf32, #tpu.memory_space<hbm>> -> memref<1000000x32xf32, #tpu.memory_space<hbm>>
        tpu.enqueue_indirect_dma source(%dma_start3A_403 : memref<1000000x32xf32, #tpu.memory_space<hbm>>) target(%dma_start3A_397 : memref<200x32xf32, #tpu.memory_space<vmem>>) offsets(%dma_start3A_400 : memref<200xi32, #tpu.memory_space<vmem>>) semaphore(%arg8 : memref<!tpu.dma_semaphore, #tpu.memory_space<semaphore_mem>>)
      } else {
      }
      %dma_wait3A_261 = arith.constant 1 : i32
      %dma_wait3A_262 = arith.constant 0 : i32
      %dma_wait3A_263 = arith.constant 0 : i32
      %dma_wait3A_264 = tpu.memref_slice %arg6[%dma_wait3A_261, %dma_wait3A_262, %dma_wait3A_263] : memref<2x400x32xf32, #tpu.memory_space<vmem>> -> memref<1x400x32xf32, #tpu.memory_space<vmem>>
      %dma_wait3A_265 = tpu.memref_squeeze %dma_wait3A_264 : memref<1x400x32xf32, #tpu.memory_space<vmem>> -> memref<400x32xf32, #tpu.memory_space<vmem>>
      %dma_wait3A_266 = arith.constant 0 : i32
      %dma_wait3A_267 = arith.constant 0 : i32
      %dma_wait3A_268 = tpu.memref_slice %dma_wait3A_265[%dma_wait3A_266, %dma_wait3A_267] : memref<400x32xf32, #tpu.memory_space<vmem>> -> memref<200x32xf32, #tpu.memory_space<vmem>>
      %dma_wait3A_269 = arith.constant 0 : i32
      %dma_wait3A_270 = arith.constant 0 : i32
      %dma_wait3A_271 = tpu.memref_slice %arg3[%dma_wait3A_269, %dma_wait3A_270] : memref<1000000x32xf32, #tpu.memory_space<hbm>> -> memref<200x32xf32, #tpu.memory_space<hbm>>
      %dma_wait3A_272 = arith.constant 0 : i32
      %dma_wait3A_273 = arith.constant 0 : i32
      %dma_wait3A_274 = tpu.memref_slice %arg6[%dma_wait3A_261, %dma_wait3A_272, %dma_wait3A_273] : memref<2x400x32xf32, #tpu.memory_space<vmem>> -> memref<1x400x32xf32, #tpu.memory_space<vmem>>
      %dma_wait3A_275 = tpu.memref_squeeze %dma_wait3A_274 : memref<1x400x32xf32, #tpu.memory_space<vmem>> -> memref<400x32xf32, #tpu.memory_space<vmem>>
      %dma_wait3A_276 = arith.constant 0 : i32
      %dma_wait3A_277 = arith.constant 0 : i32
      %dma_wait3A_278 = tpu.memref_slice %dma_wait3A_275[%dma_wait3A_276, %dma_wait3A_277] : memref<400x32xf32, #tpu.memory_space<vmem>> -> memref<200x32xf32, #tpu.memory_space<vmem>>
      %dma_wait3A_279 = arith.constant 0 : i32
      %dma_wait3A_280 = arith.constant 0 : i32
      %dma_wait3A_281 = tpu.memref_slice %arg3[%dma_wait3A_279, %dma_wait3A_280] : memref<1000000x32xf32, #tpu.memory_space<hbm>> -> memref<200x32xf32, #tpu.memory_space<hbm>>
      tpu.wait_dma2 semaphore(%arg9 : memref<!tpu.dma_semaphore, #tpu.memory_space<semaphore_mem>>) src(%dma_wait3A_281 : memref<200x32xf32, #tpu.memory_space<hbm>>) dst(%dma_wait3A_278 : memref<200x32xf32, #tpu.memory_space<vmem>>)
      %dma_wait3A_282 = arith.constant 1 : i32
      %dma_wait3A_283 = arith.constant 0 : i32
      %dma_wait3A_284 = arith.constant 0 : i32
      %dma_wait3A_285 = tpu.memref_slice %arg6[%dma_wait3A_282, %dma_wait3A_283, %dma_wait3A_284] : memref<2x400x32xf32, #tpu.memory_space<vmem>> -> memref<1x400x32xf32, #tpu.memory_space<vmem>>
      %dma_wait3A_286 = tpu.memref_squeeze %dma_wait3A_285 : memref<1x400x32xf32, #tpu.memory_space<vmem>> -> memref<400x32xf32, #tpu.memory_space<vmem>>
      %dma_wait3A_287 = arith.constant 0 : i32
      %dma_wait3A_288 = arith.constant 0 : i32
      %dma_wait3A_289 = tpu.memref_slice %dma_wait3A_286[%dma_wait3A_287, %dma_wait3A_288] : memref<400x32xf32, #tpu.memory_space<vmem>> -> memref<200x32xf32, #tpu.memory_space<vmem>>
      %dma_wait3A_290 = arith.constant 0 : i32
      %dma_wait3A_291 = arith.constant 0 : i32
      %dma_wait3A_292 = tpu.memref_slice %arg3[%dma_wait3A_290, %dma_wait3A_291] : memref<1000000x32xf32, #tpu.memory_space<hbm>> -> memref<200x32xf32, #tpu.memory_space<hbm>>
      %dma_wait3A_293 = arith.constant 0 : i32
      %dma_wait3A_294 = arith.constant 0 : i32
      %dma_wait3A_295 = tpu.memref_slice %arg6[%dma_wait3A_282, %dma_wait3A_293, %dma_wait3A_294] : memref<2x400x32xf32, #tpu.memory_space<vmem>> -> memref<1x400x32xf32, #tpu.memory_space<vmem>>
      %dma_wait3A_296 = tpu.memref_squeeze %dma_wait3A_295 : memref<1x400x32xf32, #tpu.memory_space<vmem>> -> memref<400x32xf32, #tpu.memory_space<vmem>>
      %dma_wait3A_297 = arith.constant 0 : i32
      %dma_wait3A_298 = arith.constant 0 : i32
      %dma_wait3A_299 = tpu.memref_slice %dma_wait3A_296[%dma_wait3A_297, %dma_wait3A_298] : memref<400x32xf32, #tpu.memory_space<vmem>> -> memref<200x32xf32, #tpu.memory_space<vmem>>
      %dma_wait3A_300 = arith.constant 0 : i32
      %dma_wait3A_301 = arith.constant 0 : i32
      %dma_wait3A_302 = tpu.memref_slice %arg3[%dma_wait3A_300, %dma_wait3A_301] : memref<1000000x32xf32, #tpu.memory_space<hbm>> -> memref<200x32xf32, #tpu.memory_space<hbm>>
      tpu.wait_dma2 semaphore(%arg9 : memref<!tpu.dma_semaphore, #tpu.memory_space<semaphore_mem>>) src(%dma_wait3A_302 : memref<200x32xf32, #tpu.memory_space<hbm>>) dst(%dma_wait3A_299 : memref<200x32xf32, #tpu.memory_space<vmem>>)
      %iota3A_303 = tpu.iota {dimensions = array<i32: 0>} : vector<16xi32>
      %mul3A_304 = arith.constant 17 : i32
      %mul3A_305 = vector.broadcast %mul3A_304 : i32 to vector<16xi32>
      %mul3A_306 = arith.muli %iota3A_303, %mul3A_305 : vector<16xi32>
      %scan3A_307 = arith.constant 1 : i32
      %scan3A_308 = arith.constant 0 : i32
      %scan3A_309 = arith.constant 0 : i32
      %scan3A_310 = arith.constant 25 : i32
      %scan3A_311 = arith.addi %scan3A_309, %scan3A_310 : i32
      %scan3A_312 = arith.constant 1 : i32
      %scan3A_313 = scf.for %scan3A_368 = %scan3A_309 to %scan3A_311 step %scan3A_312 iter_args(%scan3A_369 = %scan3A_308) -> (i32)  : i32 {
        %mul3A_370 = arith.constant 16 : i32
        %mul3A_371 = arith.muli %scan3A_368, %mul3A_370 : i32
        %add3A_372 = arith.constant 0 : i32
        %add3A_373 = arith.addi %mul3A_371, %add3A_372 : i32
        %get3A = arith.constant 0 : i32
        %get3A_374 = arith.constant 0 : i32
        %get3A_375 = tpu.memref_slice %arg6[%scan3A_307, %get3A, %get3A_374] : memref<2x400x32xf32, #tpu.memory_space<vmem>> -> memref<1x400x32xf32, #tpu.memory_space<vmem>>
        %get3A_376 = tpu.memref_squeeze %get3A_375 : memref<1x400x32xf32, #tpu.memory_space<vmem>> -> memref<400x32xf32, #tpu.memory_space<vmem>>
        %get3A_377 = arith.index_cast %add3A_373 : i32 to index
        %get3A_378 = arith.constant 0 : index
        %get3A_379 = tpu.vector_load %get3A_376[%get3A_377, %get3A_378] {strides = array<i32>} : memref<400x32xf32, #tpu.memory_space<vmem>>, vector<16xf32>,
        %add3A_380 = arith.constant 0 : i32
        %add3A_381 = arith.addi %mul3A_371, %add3A_380 : i32
        %get3A_382 = arith.constant 0 : i32
        %get3A_383 = arith.constant 0 : i32
        %get3A_384 = tpu.memref_slice %arg6[%scan3A_307, %get3A_382, %get3A_383] : memref<2x400x32xf32, #tpu.memory_space<vmem>> -> memref<1x400x32xf32, #tpu.memory_space<vmem>>
        %get3A_385 = tpu.memref_squeeze %get3A_384 : memref<1x400x32xf32, #tpu.memory_space<vmem>> -> memref<400x32xf32, #tpu.memory_space<vmem>>
        %get3A_386 = arith.index_cast %add3A_381 : i32 to index
        %get3A_387 = arith.constant 16 : index
        %get3A_388 = tpu.vector_load %get3A_385[%get3A_386, %get3A_387] {strides = array<i32>} : memref<400x32xf32, #tpu.memory_space<vmem>>, vector<16xf32>,
        %add3A_389 = arith.constant 0 : i32
        %add3A_390 = vector.broadcast %add3A_389 : i32 to vector<16xi32>
        %add3A_391 = arith.addi %mul3A_306, %add3A_390 : vector<16xi32>
        tpu.vector_store_idx %arg7[%add3A_391], %get3A_379 : memref<544xf32, #tpu.memory_space<vmem>>[vector<16xi32>], vector<16xf32>,
        %add3A_392 = arith.constant 272 : i32
        %add3A_393 = vector.broadcast %add3A_392 : i32 to vector<16xi32>
        %add3A_394 = arith.addi %mul3A_306, %add3A_393 : vector<16xi32>
        tpu.vector_store_idx %arg7[%add3A_394], %get3A_388 : memref<544xf32, #tpu.memory_space<vmem>>[vector<16xi32>], vector<16xf32>,
        %add3A_395 = arith.constant 1 : i32
        %add3A_396 = arith.addi %mul3A_371, %add3A_395 : i32
        %get3A_397 = arith.constant 0 : i32
        %get3A_398 = arith.constant 0 : i32
        %get3A_399 = tpu.memref_slice %arg6[%scan3A_307, %get3A_397, %get3A_398] : memref<2x400x32xf32, #tpu.memory_space<vmem>> -> memref<1x400x32xf32, #tpu.memory_space<vmem>>
        %get3A_400 = tpu.memref_squeeze %get3A_399 : memref<1x400x32xf32, #tpu.memory_space<vmem>> -> memref<400x32xf32, #tpu.memory_space<vmem>>
        %get3A_401 = arith.index_cast %add3A_396 : i32 to index
        %get3A_402 = arith.constant 0 : index
        %get3A_403 = tpu.vector_load %get3A_400[%get3A_401, %get3A_402] {strides = array<i32>} : memref<400x32xf32, #tpu.memory_space<vmem>>, vector<16xf32>,
        %add3A_404 = arith.constant 1 : i32
        %add3A_405 = arith.addi %mul3A_371, %add3A_404 : i32
        %get3A_406 = arith.constant 0 : i32
        %get3A_407 = arith.constant 0 : i32
        %get3A_408 = tpu.memref_slice %arg6[%scan3A_307, %get3A_406, %get3A_407] : memref<2x400x32xf32, #tpu.memory_space<vmem>> -> memref<1x400x32xf32, #tpu.memory_space<vmem>>
        %get3A_409 = tpu.memref_squeeze %get3A_408 : memref<1x400x32xf32, #tpu.memory_space<vmem>> -> memref<400x32xf32, #tpu.memory_space<vmem>>
        %get3A_410 = arith.index_cast %add3A_405 : i32 to index
        %get3A_411 = arith.constant 16 : index
        %get3A_412 = tpu.vector_load %get3A_409[%get3A_410, %get3A_411] {strides = array<i32>} : memref<400x32xf32, #tpu.memory_space<vmem>>, vector<16xf32>,
        %add3A_413 = arith.constant 1 : i32
        %add3A_414 = vector.broadcast %add3A_413 : i32 to vector<16xi32>
        %add3A_415 = arith.addi %mul3A_306, %add3A_414 : vector<16xi32>
        tpu.vector_store_idx %arg7[%add3A_415], %get3A_403 : memref<544xf32, #tpu.memory_space<vmem>>[vector<16xi32>], vector<16xf32>,
        %add3A_416 = arith.constant 273 : i32
        %add3A_417 = vector.broadcast %add3A_416 : i32 to vector<16xi32>
        %add3A_418 = arith.addi %mul3A_306, %add3A_417 : vector<16xi32>
        tpu.vector_store_idx %arg7[%add3A_418], %get3A_412 : memref<544xf32, #tpu.memory_space<vmem>>[vector<16xi32>], vector<16xf32>,
        %add3A_419 = arith.constant 2 : i32
        %add3A_420 = arith.addi %mul3A_371, %add3A_419 : i32
        %get3A_421 = arith.constant 0 : i32
        %get3A_422 = arith.constant 0 : i32
        %get3A_423 = tpu.memref_slice %arg6[%scan3A_307, %get3A_421, %get3A_422] : memref<2x400x32xf32, #tpu.memory_space<vmem>> -> memref<1x400x32xf32, #tpu.memory_space<vmem>>
        %get3A_424 = tpu.memref_squeeze %get3A_423 : memref<1x400x32xf32, #tpu.memory_space<vmem>> -> memref<400x32xf32, #tpu.memory_space<vmem>>
        %get3A_425 = arith.index_cast %add3A_420 : i32 to index
        %get3A_426 = arith.constant 0 : index
        %get3A_427 = tpu.vector_load %get3A_424[%get3A_425, %get3A_426] {strides = array<i32>} : memref<400x32xf32, #tpu.memory_space<vmem>>, vector<16xf32>,
        %add3A_428 = arith.constant 2 : i32
        %add3A_429 = arith.addi %mul3A_371, %add3A_428 : i32
        %get3A_430 = arith.constant 0 : i32
        %get3A_431 = arith.constant 0 : i32
        %get3A_432 = tpu.memref_slice %arg6[%scan3A_307, %get3A_430, %get3A_431] : memref<2x400x32xf32, #tpu.memory_space<vmem>> -> memref<1x400x32xf32, #tpu.memory_space<vmem>>
        %get3A_433 = tpu.memref_squeeze %get3A_432 : memref<1x400x32xf32, #tpu.memory_space<vmem>> -> memref<400x32xf32, #tpu.memory_space<vmem>>
        %get3A_434 = arith.index_cast %add3A_429 : i32 to index
        %get3A_435 = arith.constant 16 : index
        %get3A_436 = tpu.vector_load %get3A_433[%get3A_434, %get3A_435] {strides = array<i32>} : memref<400x32xf32, #tpu.memory_space<vmem>>, vector<16xf32>,
        %add3A_437 = arith.constant 2 : i32
        %add3A_438 = vector.broadcast %add3A_437 : i32 to vector<16xi32>
        %add3A_439 = arith.addi %mul3A_306, %add3A_438 : vector<16xi32>
        tpu.vector_store_idx %arg7[%add3A_439], %get3A_427 : memref<544xf32, #tpu.memory_space<vmem>>[vector<16xi32>], vector<16xf32>,
        %add3A_440 = arith.constant 274 : i32
        %add3A_441 = vector.broadcast %add3A_440 : i32 to vector<16xi32>
        %add3A_442 = arith.addi %mul3A_306, %add3A_441 : vector<16xi32>
        tpu.vector_store_idx %arg7[%add3A_442], %get3A_436 : memref<544xf32, #tpu.memory_space<vmem>>[vector<16xi32>], vector<16xf32>,
        %add3A_443 = arith.constant 3 : i32
        %add3A_444 = arith.addi %mul3A_371, %add3A_443 : i32
        %get3A_445 = arith.constant 0 : i32
        %get3A_446 = arith.constant 0 : i32
        %get3A_447 = tpu.memref_slice %arg6[%scan3A_307, %get3A_445, %get3A_446] : memref<2x400x32xf32, #tpu.memory_space<vmem>> -> memref<1x400x32xf32, #tpu.memory_space<vmem>>
        %get3A_448 = tpu.memref_squeeze %get3A_447 : memref<1x400x32xf32, #tpu.memory_space<vmem>> -> memref<400x32xf32, #tpu.memory_space<vmem>>
        %get3A_449 = arith.index_cast %add3A_444 : i32 to index
        %get3A_450 = arith.constant 0 : index
        %get3A_451 = tpu.vector_load %get3A_448[%get3A_449, %get3A_450] {strides = array<i32>} : memref<400x32xf32, #tpu.memory_space<vmem>>, vector<16xf32>,
        %add3A_452 = arith.constant 3 : i32
        %add3A_453 = arith.addi %mul3A_371, %add3A_452 : i32
        %get3A_454 = arith.constant 0 : i32
        %get3A_455 = arith.constant 0 : i32
        %get3A_456 = tpu.memref_slice %arg6[%scan3A_307, %get3A_454, %get3A_455] : memref<2x400x32xf32, #tpu.memory_space<vmem>> -> memref<1x400x32xf32, #tpu.memory_space<vmem>>
        %get3A_457 = tpu.memref_squeeze %get3A_456 : memref<1x400x32xf32, #tpu.memory_space<vmem>> -> memref<400x32xf32, #tpu.memory_space<vmem>>
        %get3A_458 = arith.index_cast %add3A_453 : i32 to index
        %get3A_459 = arith.constant 16 : index
        %get3A_460 = tpu.vector_load %get3A_457[%get3A_458, %get3A_459] {strides = array<i32>} : memref<400x32xf32, #tpu.memory_space<vmem>>, vector<16xf32>,
        %add3A_461 = arith.constant 3 : i32
        %add3A_462 = vector.broadcast %add3A_461 : i32 to vector<16xi32>
        %add3A_463 = arith.addi %mul3A_306, %add3A_462 : vector<16xi32>
        tpu.vector_store_idx %arg7[%add3A_463], %get3A_451 : memref<544xf32, #tpu.memory_space<vmem>>[vector<16xi32>], vector<16xf32>,
        %add3A_464 = arith.constant 275 : i32
        %add3A_465 = vector.broadcast %add3A_464 : i32 to vector<16xi32>
        %add3A_466 = arith.addi %mul3A_306, %add3A_465 : vector<16xi32>
        tpu.vector_store_idx %arg7[%add3A_466], %get3A_460 : memref<544xf32, #tpu.memory_space<vmem>>[vector<16xi32>], vector<16xf32>,
        %add3A_467 = arith.constant 4 : i32
        %add3A_468 = arith.addi %mul3A_371, %add3A_467 : i32
        %get3A_469 = arith.constant 0 : i32
        %get3A_470 = arith.constant 0 : i32
        %get3A_471 = tpu.memref_slice %arg6[%scan3A_307, %get3A_469, %get3A_470] : memref<2x400x32xf32, #tpu.memory_space<vmem>> -> memref<1x400x32xf32, #tpu.memory_space<vmem>>
        %get3A_472 = tpu.memref_squeeze %get3A_471 : memref<1x400x32xf32, #tpu.memory_space<vmem>> -> memref<400x32xf32, #tpu.memory_space<vmem>>
        %get3A_473 = arith.index_cast %add3A_468 : i32 to index
        %get3A_474 = arith.constant 0 : index
        %get3A_475 = tpu.vector_load %get3A_472[%get3A_473, %get3A_474] {strides = array<i32>} : memref<400x32xf32, #tpu.memory_space<vmem>>, vector<16xf32>,
        %add3A_476 = arith.constant 4 : i32
        %add3A_477 = arith.addi %mul3A_371, %add3A_476 : i32
        %get3A_478 = arith.constant 0 : i32
        %get3A_479 = arith.constant 0 : i32
        %get3A_480 = tpu.memref_slice %arg6[%scan3A_307, %get3A_478, %get3A_479] : memref<2x400x32xf32, #tpu.memory_space<vmem>> -> memref<1x400x32xf32, #tpu.memory_space<vmem>>
        %get3A_481 = tpu.memref_squeeze %get3A_480 : memref<1x400x32xf32, #tpu.memory_space<vmem>> -> memref<400x32xf32, #tpu.memory_space<vmem>>
        %get3A_482 = arith.index_cast %add3A_477 : i32 to index
        %get3A_483 = arith.constant 16 : index
        %get3A_484 = tpu.vector_load %get3A_481[%get3A_482, %get3A_483] {strides = array<i32>} : memref<400x32xf32, #tpu.memory_space<vmem>>, vector<16xf32>,
        %add3A_485 = arith.constant 4 : i32
        %add3A_486 = vector.broadcast %add3A_485 : i32 to vector<16xi32>
        %add3A_487 = arith.addi %mul3A_306, %add3A_486 : vector<16xi32>
        tpu.vector_store_idx %arg7[%add3A_487], %get3A_475 : memref<544xf32, #tpu.memory_space<vmem>>[vector<16xi32>], vector<16xf32>,
        %add3A_488 = arith.constant 276 : i32
        %add3A_489 = vector.broadcast %add3A_488 : i32 to vector<16xi32>
        %add3A_490 = arith.addi %mul3A_306, %add3A_489 : vector<16xi32>
        tpu.vector_store_idx %arg7[%add3A_490], %get3A_484 : memref<544xf32, #tpu.memory_space<vmem>>[vector<16xi32>], vector<16xf32>,
        %add3A_491 = arith.constant 5 : i32
        %add3A_492 = arith.addi %mul3A_371, %add3A_491 : i32
        %get3A_493 = arith.constant 0 : i32
        %get3A_494 = arith.constant 0 : i32
        %get3A_495 = tpu.memref_slice %arg6[%scan3A_307, %get3A_493, %get3A_494] : memref<2x400x32xf32, #tpu.memory_space<vmem>> -> memref<1x400x32xf32, #tpu.memory_space<vmem>>
        %get3A_496 = tpu.memref_squeeze %get3A_495 : memref<1x400x32xf32, #tpu.memory_space<vmem>> -> memref<400x32xf32, #tpu.memory_space<vmem>>
        %get3A_497 = arith.index_cast %add3A_492 : i32 to index
        %get3A_498 = arith.constant 0 : index
        %get3A_499 = tpu.vector_load %get3A_496[%get3A_497, %get3A_498] {strides = array<i32>} : memref<400x32xf32, #tpu.memory_space<vmem>>, vector<16xf32>,
        %add3A_500 = arith.constant 5 : i32
        %add3A_501 = arith.addi %mul3A_371, %add3A_500 : i32
        %get3A_502 = arith.constant 0 : i32
        %get3A_503 = arith.constant 0 : i32
        %get3A_504 = tpu.memref_slice %arg6[%scan3A_307, %get3A_502, %get3A_503] : memref<2x400x32xf32, #tpu.memory_space<vmem>> -> memref<1x400x32xf32, #tpu.memory_space<vmem>>
        %get3A_505 = tpu.memref_squeeze %get3A_504 : memref<1x400x32xf32, #tpu.memory_space<vmem>> -> memref<400x32xf32, #tpu.memory_space<vmem>>
        %get3A_506 = arith.index_cast %add3A_501 : i32 to index
        %get3A_507 = arith.constant 16 : index
        %get3A_508 = tpu.vector_load %get3A_505[%get3A_506, %get3A_507] {strides = array<i32>} : memref<400x32xf32, #tpu.memory_space<vmem>>, vector<16xf32>,
        %add3A_509 = arith.constant 5 : i32
        %add3A_510 = vector.broadcast %add3A_509 : i32 to vector<16xi32>
        %add3A_511 = arith.addi %mul3A_306, %add3A_510 : vector<16xi32>
        tpu.vector_store_idx %arg7[%add3A_511], %get3A_499 : memref<544xf32, #tpu.memory_space<vmem>>[vector<16xi32>], vector<16xf32>,
        %add3A_512 = arith.constant 277 : i32
        %add3A_513 = vector.broadcast %add3A_512 : i32 to vector<16xi32>
        %add3A_514 = arith.addi %mul3A_306, %add3A_513 : vector<16xi32>
        tpu.vector_store_idx %arg7[%add3A_514], %get3A_508 : memref<544xf32, #tpu.memory_space<vmem>>[vector<16xi32>], vector<16xf32>,
        %add3A_515 = arith.constant 6 : i32
        %add3A_516 = arith.addi %mul3A_371, %add3A_515 : i32
        %get3A_517 = arith.constant 0 : i32
        %get3A_518 = arith.constant 0 : i32
        %get3A_519 = tpu.memref_slice %arg6[%scan3A_307, %get3A_517, %get3A_518] : memref<2x400x32xf32, #tpu.memory_space<vmem>> -> memref<1x400x32xf32, #tpu.memory_space<vmem>>
        %get3A_520 = tpu.memref_squeeze %get3A_519 : memref<1x400x32xf32, #tpu.memory_space<vmem>> -> memref<400x32xf32, #tpu.memory_space<vmem>>
        %get3A_521 = arith.index_cast %add3A_516 : i32 to index
        %get3A_522 = arith.constant 0 : index
        %get3A_523 = tpu.vector_load %get3A_520[%get3A_521, %get3A_522] {strides = array<i32>} : memref<400x32xf32, #tpu.memory_space<vmem>>, vector<16xf32>,
        %add3A_524 = arith.constant 6 : i32
        %add3A_525 = arith.addi %mul3A_371, %add3A_524 : i32
        %get3A_526 = arith.constant 0 : i32
        %get3A_527 = arith.constant 0 : i32
        %get3A_528 = tpu.memref_slice %arg6[%scan3A_307, %get3A_526, %get3A_527] : memref<2x400x32xf32, #tpu.memory_space<vmem>> -> memref<1x400x32xf32, #tpu.memory_space<vmem>>
        %get3A_529 = tpu.memref_squeeze %get3A_528 : memref<1x400x32xf32, #tpu.memory_space<vmem>> -> memref<400x32xf32, #tpu.memory_space<vmem>>
        %get3A_530 = arith.index_cast %add3A_525 : i32 to index
        %get3A_531 = arith.constant 16 : index
        %get3A_532 = tpu.vector_load %get3A_529[%get3A_530, %get3A_531] {strides = array<i32>} : memref<400x32xf32, #tpu.memory_space<vmem>>, vector<16xf32>,
        %add3A_533 = arith.constant 6 : i32
        %add3A_534 = vector.broadcast %add3A_533 : i32 to vector<16xi32>
        %add3A_535 = arith.addi %mul3A_306, %add3A_534 : vector<16xi32>
        tpu.vector_store_idx %arg7[%add3A_535], %get3A_523 : memref<544xf32, #tpu.memory_space<vmem>>[vector<16xi32>], vector<16xf32>,
        %add3A_536 = arith.constant 278 : i32
        %add3A_537 = vector.broadcast %add3A_536 : i32 to vector<16xi32>
        %add3A_538 = arith.addi %mul3A_306, %add3A_537 : vector<16xi32>
        tpu.vector_store_idx %arg7[%add3A_538], %get3A_532 : memref<544xf32, #tpu.memory_space<vmem>>[vector<16xi32>], vector<16xf32>,
        %add3A_539 = arith.constant 7 : i32
        %add3A_540 = arith.addi %mul3A_371, %add3A_539 : i32
        %get3A_541 = arith.constant 0 : i32
        %get3A_542 = arith.constant 0 : i32
        %get3A_543 = tpu.memref_slice %arg6[%scan3A_307, %get3A_541, %get3A_542] : memref<2x400x32xf32, #tpu.memory_space<vmem>> -> memref<1x400x32xf32, #tpu.memory_space<vmem>>
        %get3A_544 = tpu.memref_squeeze %get3A_543 : memref<1x400x32xf32, #tpu.memory_space<vmem>> -> memref<400x32xf32, #tpu.memory_space<vmem>>
        %get3A_545 = arith.index_cast %add3A_540 : i32 to index
        %get3A_546 = arith.constant 0 : index
        %get3A_547 = tpu.vector_load %get3A_544[%get3A_545, %get3A_546] {strides = array<i32>} : memref<400x32xf32, #tpu.memory_space<vmem>>, vector<16xf32>,
        %add3A_548 = arith.constant 7 : i32
        %add3A_549 = arith.addi %mul3A_371, %add3A_548 : i32
        %get3A_550 = arith.constant 0 : i32
        %get3A_551 = arith.constant 0 : i32
        %get3A_552 = tpu.memref_slice %arg6[%scan3A_307, %get3A_550, %get3A_551] : memref<2x400x32xf32, #tpu.memory_space<vmem>> -> memref<1x400x32xf32, #tpu.memory_space<vmem>>
        %get3A_553 = tpu.memref_squeeze %get3A_552 : memref<1x400x32xf32, #tpu.memory_space<vmem>> -> memref<400x32xf32, #tpu.memory_space<vmem>>
        %get3A_554 = arith.index_cast %add3A_549 : i32 to index
        %get3A_555 = arith.constant 16 : index
        %get3A_556 = tpu.vector_load %get3A_553[%get3A_554, %get3A_555] {strides = array<i32>} : memref<400x32xf32, #tpu.memory_space<vmem>>, vector<16xf32>,
        %add3A_557 = arith.constant 7 : i32
        %add3A_558 = vector.broadcast %add3A_557 : i32 to vector<16xi32>
        %add3A_559 = arith.addi %mul3A_306, %add3A_558 : vector<16xi32>
        tpu.vector_store_idx %arg7[%add3A_559], %get3A_547 : memref<544xf32, #tpu.memory_space<vmem>>[vector<16xi32>], vector<16xf32>,
        %add3A_560 = arith.constant 279 : i32
        %add3A_561 = vector.broadcast %add3A_560 : i32 to vector<16xi32>
        %add3A_562 = arith.addi %mul3A_306, %add3A_561 : vector<16xi32>
        tpu.vector_store_idx %arg7[%add3A_562], %get3A_556 : memref<544xf32, #tpu.memory_space<vmem>>[vector<16xi32>], vector<16xf32>,
        %add3A_563 = arith.constant 8 : i32
        %add3A_564 = arith.addi %mul3A_371, %add3A_563 : i32
        %get3A_565 = arith.constant 0 : i32
        %get3A_566 = arith.constant 0 : i32
        %get3A_567 = tpu.memref_slice %arg6[%scan3A_307, %get3A_565, %get3A_566] : memref<2x400x32xf32, #tpu.memory_space<vmem>> -> memref<1x400x32xf32, #tpu.memory_space<vmem>>
        %get3A_568 = tpu.memref_squeeze %get3A_567 : memref<1x400x32xf32, #tpu.memory_space<vmem>> -> memref<400x32xf32, #tpu.memory_space<vmem>>
        %get3A_569 = arith.index_cast %add3A_564 : i32 to index
        %get3A_570 = arith.constant 0 : index
        %get3A_571 = tpu.vector_load %get3A_568[%get3A_569, %get3A_570] {strides = array<i32>} : memref<400x32xf32, #tpu.memory_space<vmem>>, vector<16xf32>,
        %add3A_572 = arith.constant 8 : i32
        %add3A_573 = arith.addi %mul3A_371, %add3A_572 : i32
        %get3A_574 = arith.constant 0 : i32
        %get3A_575 = arith.constant 0 : i32
        %get3A_576 = tpu.memref_slice %arg6[%scan3A_307, %get3A_574, %get3A_575] : memref<2x400x32xf32, #tpu.memory_space<vmem>> -> memref<1x400x32xf32, #tpu.memory_space<vmem>>
        %get3A_577 = tpu.memref_squeeze %get3A_576 : memref<1x400x32xf32, #tpu.memory_space<vmem>> -> memref<400x32xf32, #tpu.memory_space<vmem>>
        %get3A_578 = arith.index_cast %add3A_573 : i32 to index
        %get3A_579 = arith.constant 16 : index
        %get3A_580 = tpu.vector_load %get3A_577[%get3A_578, %get3A_579] {strides = array<i32>} : memref<400x32xf32, #tpu.memory_space<vmem>>, vector<16xf32>,
        %add3A_581 = arith.constant 8 : i32
        %add3A_582 = vector.broadcast %add3A_581 : i32 to vector<16xi32>
        %add3A_583 = arith.addi %mul3A_306, %add3A_582 : vector<16xi32>
        tpu.vector_store_idx %arg7[%add3A_583], %get3A_571 : memref<544xf32, #tpu.memory_space<vmem>>[vector<16xi32>], vector<16xf32>,
        %add3A_584 = arith.constant 280 : i32
        %add3A_585 = vector.broadcast %add3A_584 : i32 to vector<16xi32>
        %add3A_586 = arith.addi %mul3A_306, %add3A_585 : vector<16xi32>
        tpu.vector_store_idx %arg7[%add3A_586], %get3A_580 : memref<544xf32, #tpu.memory_space<vmem>>[vector<16xi32>], vector<16xf32>,
        %add3A_587 = arith.constant 9 : i32
        %add3A_588 = arith.addi %mul3A_371, %add3A_587 : i32
        %get3A_589 = arith.constant 0 : i32
        %get3A_590 = arith.constant 0 : i32
        %get3A_591 = tpu.memref_slice %arg6[%scan3A_307, %get3A_589, %get3A_590] : memref<2x400x32xf32, #tpu.memory_space<vmem>> -> memref<1x400x32xf32, #tpu.memory_space<vmem>>
        %get3A_592 = tpu.memref_squeeze %get3A_591 : memref<1x400x32xf32, #tpu.memory_space<vmem>> -> memref<400x32xf32, #tpu.memory_space<vmem>>
        %get3A_593 = arith.index_cast %add3A_588 : i32 to index
        %get3A_594 = arith.constant 0 : index
        %get3A_595 = tpu.vector_load %get3A_592[%get3A_593, %get3A_594] {strides = array<i32>} : memref<400x32xf32, #tpu.memory_space<vmem>>, vector<16xf32>,
        %add3A_596 = arith.constant 9 : i32
        %add3A_597 = arith.addi %mul3A_371, %add3A_596 : i32
        %get3A_598 = arith.constant 0 : i32
        %get3A_599 = arith.constant 0 : i32
        %get3A_600 = tpu.memref_slice %arg6[%scan3A_307, %get3A_598, %get3A_599] : memref<2x400x32xf32, #tpu.memory_space<vmem>> -> memref<1x400x32xf32, #tpu.memory_space<vmem>>
        %get3A_601 = tpu.memref_squeeze %get3A_600 : memref<1x400x32xf32, #tpu.memory_space<vmem>> -> memref<400x32xf32, #tpu.memory_space<vmem>>
        %get3A_602 = arith.index_cast %add3A_597 : i32 to index
        %get3A_603 = arith.constant 16 : index
        %get3A_604 = tpu.vector_load %get3A_601[%get3A_602, %get3A_603] {strides = array<i32>} : memref<400x32xf32, #tpu.memory_space<vmem>>, vector<16xf32>,
        %add3A_605 = arith.constant 9 : i32
        %add3A_606 = vector.broadcast %add3A_605 : i32 to vector<16xi32>
        %add3A_607 = arith.addi %mul3A_306, %add3A_606 : vector<16xi32>
        tpu.vector_store_idx %arg7[%add3A_607], %get3A_595 : memref<544xf32, #tpu.memory_space<vmem>>[vector<16xi32>], vector<16xf32>,
        %add3A_608 = arith.constant 281 : i32
        %add3A_609 = vector.broadcast %add3A_608 : i32 to vector<16xi32>
        %add3A_610 = arith.addi %mul3A_306, %add3A_609 : vector<16xi32>
        tpu.vector_store_idx %arg7[%add3A_610], %get3A_604 : memref<544xf32, #tpu.memory_space<vmem>>[vector<16xi32>], vector<16xf32>,
        %add3A_611 = arith.constant 10 : i32
        %add3A_612 = arith.addi %mul3A_371, %add3A_611 : i32
        %get3A_613 = arith.constant 0 : i32
        %get3A_614 = arith.constant 0 : i32
        %get3A_615 = tpu.memref_slice %arg6[%scan3A_307, %get3A_613, %get3A_614] : memref<2x400x32xf32, #tpu.memory_space<vmem>> -> memref<1x400x32xf32, #tpu.memory_space<vmem>>
        %get3A_616 = tpu.memref_squeeze %get3A_615 : memref<1x400x32xf32, #tpu.memory_space<vmem>> -> memref<400x32xf32, #tpu.memory_space<vmem>>
        %get3A_617 = arith.index_cast %add3A_612 : i32 to index
        %get3A_618 = arith.constant 0 : index
        %get3A_619 = tpu.vector_load %get3A_616[%get3A_617, %get3A_618] {strides = array<i32>} : memref<400x32xf32, #tpu.memory_space<vmem>>, vector<16xf32>,
        %add3A_620 = arith.constant 10 : i32
        %add3A_621 = arith.addi %mul3A_371, %add3A_620 : i32
        %get3A_622 = arith.constant 0 : i32
        %get3A_623 = arith.constant 0 : i32
        %get3A_624 = tpu.memref_slice %arg6[%scan3A_307, %get3A_622, %get3A_623] : memref<2x400x32xf32, #tpu.memory_space<vmem>> -> memref<1x400x32xf32, #tpu.memory_space<vmem>>
        %get3A_625 = tpu.memref_squeeze %get3A_624 : memref<1x400x32xf32, #tpu.memory_space<vmem>> -> memref<400x32xf32, #tpu.memory_space<vmem>>
        %get3A_626 = arith.index_cast %add3A_621 : i32 to index
        %get3A_627 = arith.constant 16 : index
        %get3A_628 = tpu.vector_load %get3A_625[%get3A_626, %get3A_627] {strides = array<i32>} : memref<400x32xf32, #tpu.memory_space<vmem>>, vector<16xf32>,
        %add3A_629 = arith.constant 10 : i32
        %add3A_630 = vector.broadcast %add3A_629 : i32 to vector<16xi32>
        %add3A_631 = arith.addi %mul3A_306, %add3A_630 : vector<16xi32>
        tpu.vector_store_idx %arg7[%add3A_631], %get3A_619 : memref<544xf32, #tpu.memory_space<vmem>>[vector<16xi32>], vector<16xf32>,
        %add3A_632 = arith.constant 282 : i32
        %add3A_633 = vector.broadcast %add3A_632 : i32 to vector<16xi32>
        %add3A_634 = arith.addi %mul3A_306, %add3A_633 : vector<16xi32>
        tpu.vector_store_idx %arg7[%add3A_634], %get3A_628 : memref<544xf32, #tpu.memory_space<vmem>>[vector<16xi32>], vector<16xf32>,
        %add3A_635 = arith.constant 11 : i32
        %add3A_636 = arith.addi %mul3A_371, %add3A_635 : i32
        %get3A_637 = arith.constant 0 : i32
        %get3A_638 = arith.constant 0 : i32
        %get3A_639 = tpu.memref_slice %arg6[%scan3A_307, %get3A_637, %get3A_638] : memref<2x400x32xf32, #tpu.memory_space<vmem>> -> memref<1x400x32xf32, #tpu.memory_space<vmem>>
        %get3A_640 = tpu.memref_squeeze %get3A_639 : memref<1x400x32xf32, #tpu.memory_space<vmem>> -> memref<400x32xf32, #tpu.memory_space<vmem>>
        %get3A_641 = arith.index_cast %add3A_636 : i32 to index
        %get3A_642 = arith.constant 0 : index
        %get3A_643 = tpu.vector_load %get3A_640[%get3A_641, %get3A_642] {strides = array<i32>} : memref<400x32xf32, #tpu.memory_space<vmem>>, vector<16xf32>,
        %add3A_644 = arith.constant 11 : i32
        %add3A_645 = arith.addi %mul3A_371, %add3A_644 : i32
        %get3A_646 = arith.constant 0 : i32
        %get3A_647 = arith.constant 0 : i32
        %get3A_648 = tpu.memref_slice %arg6[%scan3A_307, %get3A_646, %get3A_647] : memref<2x400x32xf32, #tpu.memory_space<vmem>> -> memref<1x400x32xf32, #tpu.memory_space<vmem>>
        %get3A_649 = tpu.memref_squeeze %get3A_648 : memref<1x400x32xf32, #tpu.memory_space<vmem>> -> memref<400x32xf32, #tpu.memory_space<vmem>>
        %get3A_650 = arith.index_cast %add3A_645 : i32 to index
        %get3A_651 = arith.constant 16 : index
        %get3A_652 = tpu.vector_load %get3A_649[%get3A_650, %get3A_651] {strides = array<i32>} : memref<400x32xf32, #tpu.memory_space<vmem>>, vector<16xf32>,
        %add3A_653 = arith.constant 11 : i32
        %add3A_654 = vector.broadcast %add3A_653 : i32 to vector<16xi32>
        %add3A_655 = arith.addi %mul3A_306, %add3A_654 : vector<16xi32>
        tpu.vector_store_idx %arg7[%add3A_655], %get3A_643 : memref<544xf32, #tpu.memory_space<vmem>>[vector<16xi32>], vector<16xf32>,
        %add3A_656 = arith.constant 283 : i32
        %add3A_657 = vector.broadcast %add3A_656 : i32 to vector<16xi32>
        %add3A_658 = arith.addi %mul3A_306, %add3A_657 : vector<16xi32>
        tpu.vector_store_idx %arg7[%add3A_658], %get3A_652 : memref<544xf32, #tpu.memory_space<vmem>>[vector<16xi32>], vector<16xf32>,
        %add3A_659 = arith.constant 12 : i32
        %add3A_660 = arith.addi %mul3A_371, %add3A_659 : i32
        %get3A_661 = arith.constant 0 : i32
        %get3A_662 = arith.constant 0 : i32
        %get3A_663 = tpu.memref_slice %arg6[%scan3A_307, %get3A_661, %get3A_662] : memref<2x400x32xf32, #tpu.memory_space<vmem>> -> memref<1x400x32xf32, #tpu.memory_space<vmem>>
        %get3A_664 = tpu.memref_squeeze %get3A_663 : memref<1x400x32xf32, #tpu.memory_space<vmem>> -> memref<400x32xf32, #tpu.memory_space<vmem>>
        %get3A_665 = arith.index_cast %add3A_660 : i32 to index
        %get3A_666 = arith.constant 0 : index
        %get3A_667 = tpu.vector_load %get3A_664[%get3A_665, %get3A_666] {strides = array<i32>} : memref<400x32xf32, #tpu.memory_space<vmem>>, vector<16xf32>,
        %add3A_668 = arith.constant 12 : i32
        %add3A_669 = arith.addi %mul3A_371, %add3A_668 : i32
        %get3A_670 = arith.constant 0 : i32
        %get3A_671 = arith.constant 0 : i32
        %get3A_672 = tpu.memref_slice %arg6[%scan3A_307, %get3A_670, %get3A_671] : memref<2x400x32xf32, #tpu.memory_space<vmem>> -> memref<1x400x32xf32, #tpu.memory_space<vmem>>
        %get3A_673 = tpu.memref_squeeze %get3A_672 : memref<1x400x32xf32, #tpu.memory_space<vmem>> -> memref<400x32xf32, #tpu.memory_space<vmem>>
        %get3A_674 = arith.index_cast %add3A_669 : i32 to index
        %get3A_675 = arith.constant 16 : index
        %get3A_676 = tpu.vector_load %get3A_673[%get3A_674, %get3A_675] {strides = array<i32>} : memref<400x32xf32, #tpu.memory_space<vmem>>, vector<16xf32>,
        %add3A_677 = arith.constant 12 : i32
        %add3A_678 = vector.broadcast %add3A_677 : i32 to vector<16xi32>
        %add3A_679 = arith.addi %mul3A_306, %add3A_678 : vector<16xi32>
        tpu.vector_store_idx %arg7[%add3A_679], %get3A_667 : memref<544xf32, #tpu.memory_space<vmem>>[vector<16xi32>], vector<16xf32>,
        %add3A_680 = arith.constant 284 : i32
        %add3A_681 = vector.broadcast %add3A_680 : i32 to vector<16xi32>
        %add3A_682 = arith.addi %mul3A_306, %add3A_681 : vector<16xi32>
        tpu.vector_store_idx %arg7[%add3A_682], %get3A_676 : memref<544xf32, #tpu.memory_space<vmem>>[vector<16xi32>], vector<16xf32>,
        %add3A_683 = arith.constant 13 : i32
        %add3A_684 = arith.addi %mul3A_371, %add3A_683 : i32
        %get3A_685 = arith.constant 0 : i32
        %get3A_686 = arith.constant 0 : i32
        %get3A_687 = tpu.memref_slice %arg6[%scan3A_307, %get3A_685, %get3A_686] : memref<2x400x32xf32, #tpu.memory_space<vmem>> -> memref<1x400x32xf32, #tpu.memory_space<vmem>>
        %get3A_688 = tpu.memref_squeeze %get3A_687 : memref<1x400x32xf32, #tpu.memory_space<vmem>> -> memref<400x32xf32, #tpu.memory_space<vmem>>
        %get3A_689 = arith.index_cast %add3A_684 : i32 to index
        %get3A_690 = arith.constant 0 : index
        %get3A_691 = tpu.vector_load %get3A_688[%get3A_689, %get3A_690] {strides = array<i32>} : memref<400x32xf32, #tpu.memory_space<vmem>>, vector<16xf32>,
        %add3A_692 = arith.constant 13 : i32
        %add3A_693 = arith.addi %mul3A_371, %add3A_692 : i32
        %get3A_694 = arith.constant 0 : i32
        %get3A_695 = arith.constant 0 : i32
        %get3A_696 = tpu.memref_slice %arg6[%scan3A_307, %get3A_694, %get3A_695] : memref<2x400x32xf32, #tpu.memory_space<vmem>> -> memref<1x400x32xf32, #tpu.memory_space<vmem>>
        %get3A_697 = tpu.memref_squeeze %get3A_696 : memref<1x400x32xf32, #tpu.memory_space<vmem>> -> memref<400x32xf32, #tpu.memory_space<vmem>>
        %get3A_698 = arith.index_cast %add3A_693 : i32 to index
        %get3A_699 = arith.constant 16 : index
        %get3A_700 = tpu.vector_load %get3A_697[%get3A_698, %get3A_699] {strides = array<i32>} : memref<400x32xf32, #tpu.memory_space<vmem>>, vector<16xf32>,
        %add3A_701 = arith.constant 13 : i32
        %add3A_702 = vector.broadcast %add3A_701 : i32 to vector<16xi32>
        %add3A_703 = arith.addi %mul3A_306, %add3A_702 : vector<16xi32>
        tpu.vector_store_idx %arg7[%add3A_703], %get3A_691 : memref<544xf32, #tpu.memory_space<vmem>>[vector<16xi32>], vector<16xf32>,
        %add3A_704 = arith.constant 285 : i32
        %add3A_705 = vector.broadcast %add3A_704 : i32 to vector<16xi32>
        %add3A_706 = arith.addi %mul3A_306, %add3A_705 : vector<16xi32>
        tpu.vector_store_idx %arg7[%add3A_706], %get3A_700 : memref<544xf32, #tpu.memory_space<vmem>>[vector<16xi32>], vector<16xf32>,
        %add3A_707 = arith.constant 14 : i32
        %add3A_708 = arith.addi %mul3A_371, %add3A_707 : i32
        %get3A_709 = arith.constant 0 : i32
        %get3A_710 = arith.constant 0 : i32
        %get3A_711 = tpu.memref_slice %arg6[%scan3A_307, %get3A_709, %get3A_710] : memref<2x400x32xf32, #tpu.memory_space<vmem>> -> memref<1x400x32xf32, #tpu.memory_space<vmem>>
        %get3A_712 = tpu.memref_squeeze %get3A_711 : memref<1x400x32xf32, #tpu.memory_space<vmem>> -> memref<400x32xf32, #tpu.memory_space<vmem>>
        %get3A_713 = arith.index_cast %add3A_708 : i32 to index
        %get3A_714 = arith.constant 0 : index
        %get3A_715 = tpu.vector_load %get3A_712[%get3A_713, %get3A_714] {strides = array<i32>} : memref<400x32xf32, #tpu.memory_space<vmem>>, vector<16xf32>,
        %add3A_716 = arith.constant 14 : i32
        %add3A_717 = arith.addi %mul3A_371, %add3A_716 : i32
        %get3A_718 = arith.constant 0 : i32
        %get3A_719 = arith.constant 0 : i32
        %get3A_720 = tpu.memref_slice %arg6[%scan3A_307, %get3A_718, %get3A_719] : memref<2x400x32xf32, #tpu.memory_space<vmem>> -> memref<1x400x32xf32, #tpu.memory_space<vmem>>
        %get3A_721 = tpu.memref_squeeze %get3A_720 : memref<1x400x32xf32, #tpu.memory_space<vmem>> -> memref<400x32xf32, #tpu.memory_space<vmem>>
        %get3A_722 = arith.index_cast %add3A_717 : i32 to index
        %get3A_723 = arith.constant 16 : index
        %get3A_724 = tpu.vector_load %get3A_721[%get3A_722, %get3A_723] {strides = array<i32>} : memref<400x32xf32, #tpu.memory_space<vmem>>, vector<16xf32>,
        %add3A_725 = arith.constant 14 : i32
        %add3A_726 = vector.broadcast %add3A_725 : i32 to vector<16xi32>
        %add3A_727 = arith.addi %mul3A_306, %add3A_726 : vector<16xi32>
        tpu.vector_store_idx %arg7[%add3A_727], %get3A_715 : memref<544xf32, #tpu.memory_space<vmem>>[vector<16xi32>], vector<16xf32>,
        %add3A_728 = arith.constant 286 : i32
        %add3A_729 = vector.broadcast %add3A_728 : i32 to vector<16xi32>
        %add3A_730 = arith.addi %mul3A_306, %add3A_729 : vector<16xi32>
        tpu.vector_store_idx %arg7[%add3A_730], %get3A_724 : memref<544xf32, #tpu.memory_space<vmem>>[vector<16xi32>], vector<16xf32>,
        %add3A_731 = arith.constant 15 : i32
        %add3A_732 = arith.addi %mul3A_371, %add3A_731 : i32
        %get3A_733 = arith.constant 0 : i32
        %get3A_734 = arith.constant 0 : i32
        %get3A_735 = tpu.memref_slice %arg6[%scan3A_307, %get3A_733, %get3A_734] : memref<2x400x32xf32, #tpu.memory_space<vmem>> -> memref<1x400x32xf32, #tpu.memory_space<vmem>>
        %get3A_736 = tpu.memref_squeeze %get3A_735 : memref<1x400x32xf32, #tpu.memory_space<vmem>> -> memref<400x32xf32, #tpu.memory_space<vmem>>
        %get3A_737 = arith.index_cast %add3A_732 : i32 to index
        %get3A_738 = arith.constant 0 : index
        %get3A_739 = tpu.vector_load %get3A_736[%get3A_737, %get3A_738] {strides = array<i32>} : memref<400x32xf32, #tpu.memory_space<vmem>>, vector<16xf32>,
        %add3A_740 = arith.constant 15 : i32
        %add3A_741 = arith.addi %mul3A_371, %add3A_740 : i32
        %get3A_742 = arith.constant 0 : i32
        %get3A_743 = arith.constant 0 : i32
        %get3A_744 = tpu.memref_slice %arg6[%scan3A_307, %get3A_742, %get3A_743] : memref<2x400x32xf32, #tpu.memory_space<vmem>> -> memref<1x400x32xf32, #tpu.memory_space<vmem>>
        %get3A_745 = tpu.memref_squeeze %get3A_744 : memref<1x400x32xf32, #tpu.memory_space<vmem>> -> memref<400x32xf32, #tpu.memory_space<vmem>>
        %get3A_746 = arith.index_cast %add3A_741 : i32 to index
        %get3A_747 = arith.constant 16 : index
        %get3A_748 = tpu.vector_load %get3A_745[%get3A_746, %get3A_747] {strides = array<i32>} : memref<400x32xf32, #tpu.memory_space<vmem>>, vector<16xf32>,
        %add3A_749 = arith.constant 15 : i32
        %add3A_750 = vector.broadcast %add3A_749 : i32 to vector<16xi32>
        %add3A_751 = arith.addi %mul3A_306, %add3A_750 : vector<16xi32>
        tpu.vector_store_idx %arg7[%add3A_751], %get3A_739 : memref<544xf32, #tpu.memory_space<vmem>>[vector<16xi32>], vector<16xf32>,
        %add3A_752 = arith.constant 287 : i32
        %add3A_753 = vector.broadcast %add3A_752 : i32 to vector<16xi32>
        %add3A_754 = arith.addi %mul3A_306, %add3A_753 : vector<16xi32>
        tpu.vector_store_idx %arg7[%add3A_754], %get3A_748 : memref<544xf32, #tpu.memory_space<vmem>>[vector<16xi32>], vector<16xf32>,
        %broadcast_in_dim3A = arith.constant 0.000000e+00 : f32
        %broadcast_in_dim3A_755 = vector.broadcast %broadcast_in_dim3A : f32 to vector<16xf32>
        %add3A_756 = arith.constant 0 : i32
        %add3A_757 = vector.broadcast %add3A_756 : i32 to vector<16xi32>
        %add3A_758 = arith.addi %iota3A_303, %add3A_757 : vector<16xi32>
        %gather3A = tpu.vector_load_idx %arg7[%add3A_758] : memref<544xf32, #tpu.memory_space<vmem>>[vector<16xi32>], vector<16xf32>,
        %mul3A_759 = arith.mulf %gather3A, %gather3A : vector<16xf32>
        %add3A_760 = arith.addf %broadcast_in_dim3A_755, %mul3A_759 : vector<16xf32>
        %add3A_761 = arith.constant 17 : i32
        %add3A_762 = vector.broadcast %add3A_761 : i32 to vector<16xi32>
        %add3A_763 = arith.addi %iota3A_303, %add3A_762 : vector<16xi32>
        %gather3A_764 = tpu.vector_load_idx %arg7[%add3A_763] : memref<544xf32, #tpu.memory_space<vmem>>[vector<16xi32>], vector<16xf32>,
        %mul3A_765 = arith.mulf %gather3A_764, %gather3A_764 : vector<16xf32>
        %add3A_766 = arith.addf %add3A_760, %mul3A_765 : vector<16xf32>
        %add3A_767 = arith.constant 34 : i32
        %add3A_768 = vector.broadcast %add3A_767 : i32 to vector<16xi32>
        %add3A_769 = arith.addi %iota3A_303, %add3A_768 : vector<16xi32>
        %gather3A_770 = tpu.vector_load_idx %arg7[%add3A_769] : memref<544xf32, #tpu.memory_space<vmem>>[vector<16xi32>], vector<16xf32>,
        %mul3A_771 = arith.mulf %gather3A_770, %gather3A_770 : vector<16xf32>
        %add3A_772 = arith.addf %add3A_766, %mul3A_771 : vector<16xf32>
        %add3A_773 = arith.constant 51 : i32
        %add3A_774 = vector.broadcast %add3A_773 : i32 to vector<16xi32>
        %add3A_775 = arith.addi %iota3A_303, %add3A_774 : vector<16xi32>
        %gather3A_776 = tpu.vector_load_idx %arg7[%add3A_775] : memref<544xf32, #tpu.memory_space<vmem>>[vector<16xi32>], vector<16xf32>,
        %mul3A_777 = arith.mulf %gather3A_776, %gather3A_776 : vector<16xf32>
        %add3A_778 = arith.addf %add3A_772, %mul3A_777 : vector<16xf32>
        %add3A_779 = arith.constant 68 : i32
        %add3A_780 = vector.broadcast %add3A_779 : i32 to vector<16xi32>
        %add3A_781 = arith.addi %iota3A_303, %add3A_780 : vector<16xi32>
        %gather3A_782 = tpu.vector_load_idx %arg7[%add3A_781] : memref<544xf32, #tpu.memory_space<vmem>>[vector<16xi32>], vector<16xf32>,
        %mul3A_783 = arith.mulf %gather3A_782, %gather3A_782 : vector<16xf32>
        %add3A_784 = arith.addf %add3A_778, %mul3A_783 : vector<16xf32>
        %add3A_785 = arith.constant 85 : i32
        %add3A_786 = vector.broadcast %add3A_785 : i32 to vector<16xi32>
        %add3A_787 = arith.addi %iota3A_303, %add3A_786 : vector<16xi32>
        %gather3A_788 = tpu.vector_load_idx %arg7[%add3A_787] : memref<544xf32, #tpu.memory_space<vmem>>[vector<16xi32>], vector<16xf32>,
        %mul3A_789 = arith.mulf %gather3A_788, %gather3A_788 : vector<16xf32>
        %add3A_790 = arith.addf %add3A_784, %mul3A_789 : vector<16xf32>
        %add3A_791 = arith.constant 102 : i32
        %add3A_792 = vector.broadcast %add3A_791 : i32 to vector<16xi32>
        %add3A_793 = arith.addi %iota3A_303, %add3A_792 : vector<16xi32>
        %gather3A_794 = tpu.vector_load_idx %arg7[%add3A_793] : memref<544xf32, #tpu.memory_space<vmem>>[vector<16xi32>], vector<16xf32>,
        %mul3A_795 = arith.mulf %gather3A_794, %gather3A_794 : vector<16xf32>
        %add3A_796 = arith.addf %add3A_790, %mul3A_795 : vector<16xf32>
        %add3A_797 = arith.constant 119 : i32
        %add3A_798 = vector.broadcast %add3A_797 : i32 to vector<16xi32>
        %add3A_799 = arith.addi %iota3A_303, %add3A_798 : vector<16xi32>
        %gather3A_800 = tpu.vector_load_idx %arg7[%add3A_799] : memref<544xf32, #tpu.memory_space<vmem>>[vector<16xi32>], vector<16xf32>,
        %mul3A_801 = arith.mulf %gather3A_800, %gather3A_800 : vector<16xf32>
        %add3A_802 = arith.addf %add3A_796, %mul3A_801 : vector<16xf32>
        %add3A_803 = arith.constant 136 : i32
        %add3A_804 = vector.broadcast %add3A_803 : i32 to vector<16xi32>
        %add3A_805 = arith.addi %iota3A_303, %add3A_804 : vector<16xi32>
        %gather3A_806 = tpu.vector_load_idx %arg7[%add3A_805] : memref<544xf32, #tpu.memory_space<vmem>>[vector<16xi32>], vector<16xf32>,
        %mul3A_807 = arith.mulf %gather3A_806, %gather3A_806 : vector<16xf32>
        %add3A_808 = arith.addf %add3A_802, %mul3A_807 : vector<16xf32>
        %add3A_809 = arith.constant 153 : i32
        %add3A_810 = vector.broadcast %add3A_809 : i32 to vector<16xi32>
        %add3A_811 = arith.addi %iota3A_303, %add3A_810 : vector<16xi32>
        %gather3A_812 = tpu.vector_load_idx %arg7[%add3A_811] : memref<544xf32, #tpu.memory_space<vmem>>[vector<16xi32>], vector<16xf32>,
        %mul3A_813 = arith.mulf %gather3A_812, %gather3A_812 : vector<16xf32>
        %add3A_814 = arith.addf %add3A_808, %mul3A_813 : vector<16xf32>
        %add3A_815 = arith.constant 170 : i32
        %add3A_816 = vector.broadcast %add3A_815 : i32 to vector<16xi32>
        %add3A_817 = arith.addi %iota3A_303, %add3A_816 : vector<16xi32>
        %gather3A_818 = tpu.vector_load_idx %arg7[%add3A_817] : memref<544xf32, #tpu.memory_space<vmem>>[vector<16xi32>], vector<16xf32>,
        %mul3A_819 = arith.mulf %gather3A_818, %gather3A_818 : vector<16xf32>
        %add3A_820 = arith.addf %add3A_814, %mul3A_819 : vector<16xf32>
        %add3A_821 = arith.constant 187 : i32
        %add3A_822 = vector.broadcast %add3A_821 : i32 to vector<16xi32>
        %add3A_823 = arith.addi %iota3A_303, %add3A_822 : vector<16xi32>
        %gather3A_824 = tpu.vector_load_idx %arg7[%add3A_823] : memref<544xf32, #tpu.memory_space<vmem>>[vector<16xi32>], vector<16xf32>,
        %mul3A_825 = arith.mulf %gather3A_824, %gather3A_824 : vector<16xf32>
        %add3A_826 = arith.addf %add3A_820, %mul3A_825 : vector<16xf32>
        %add3A_827 = arith.constant 204 : i32
        %add3A_828 = vector.broadcast %add3A_827 : i32 to vector<16xi32>
        %add3A_829 = arith.addi %iota3A_303, %add3A_828 : vector<16xi32>
        %gather3A_830 = tpu.vector_load_idx %arg7[%add3A_829] : memref<544xf32, #tpu.memory_space<vmem>>[vector<16xi32>], vector<16xf32>,
        %mul3A_831 = arith.mulf %gather3A_830, %gather3A_830 : vector<16xf32>
        %add3A_832 = arith.addf %add3A_826, %mul3A_831 : vector<16xf32>
        %add3A_833 = arith.constant 221 : i32
        %add3A_834 = vector.broadcast %add3A_833 : i32 to vector<16xi32>
        %add3A_835 = arith.addi %iota3A_303, %add3A_834 : vector<16xi32>
        %gather3A_836 = tpu.vector_load_idx %arg7[%add3A_835] : memref<544xf32, #tpu.memory_space<vmem>>[vector<16xi32>], vector<16xf32>,
        %mul3A_837 = arith.mulf %gather3A_836, %gather3A_836 : vector<16xf32>
        %add3A_838 = arith.addf %add3A_832, %mul3A_837 : vector<16xf32>
        %add3A_839 = arith.constant 238 : i32
        %add3A_840 = vector.broadcast %add3A_839 : i32 to vector<16xi32>
        %add3A_841 = arith.addi %iota3A_303, %add3A_840 : vector<16xi32>
        %gather3A_842 = tpu.vector_load_idx %arg7[%add3A_841] : memref<544xf32, #tpu.memory_space<vmem>>[vector<16xi32>], vector<16xf32>,
        %mul3A_843 = arith.mulf %gather3A_842, %gather3A_842 : vector<16xf32>
        %add3A_844 = arith.addf %add3A_838, %mul3A_843 : vector<16xf32>
        %add3A_845 = arith.constant 255 : i32
        %add3A_846 = vector.broadcast %add3A_845 : i32 to vector<16xi32>
        %add3A_847 = arith.addi %iota3A_303, %add3A_846 : vector<16xi32>
        %gather3A_848 = tpu.vector_load_idx %arg7[%add3A_847] : memref<544xf32, #tpu.memory_space<vmem>>[vector<16xi32>], vector<16xf32>,
        %mul3A_849 = arith.mulf %gather3A_848, %gather3A_848 : vector<16xf32>
        %add3A_850 = arith.addf %add3A_844, %mul3A_849 : vector<16xf32>
        %add3A_851 = arith.constant 272 : i32
        %add3A_852 = vector.broadcast %add3A_851 : i32 to vector<16xi32>
        %add3A_853 = arith.addi %iota3A_303, %add3A_852 : vector<16xi32>
        %gather3A_854 = tpu.vector_load_idx %arg7[%add3A_853] : memref<544xf32, #tpu.memory_space<vmem>>[vector<16xi32>], vector<16xf32>,
        %mul3A_855 = arith.mulf %gather3A_854, %gather3A_854 : vector<16xf32>
        %add3A_856 = arith.addf %add3A_850, %mul3A_855 : vector<16xf32>
        %add3A_857 = arith.constant 289 : i32
        %add3A_858 = vector.broadcast %add3A_857 : i32 to vector<16xi32>
        %add3A_859 = arith.addi %iota3A_303, %add3A_858 : vector<16xi32>
        %gather3A_860 = tpu.vector_load_idx %arg7[%add3A_859] : memref<544xf32, #tpu.memory_space<vmem>>[vector<16xi32>], vector<16xf32>,
        %mul3A_861 = arith.mulf %gather3A_860, %gather3A_860 : vector<16xf32>
        %add3A_862 = arith.addf %add3A_856, %mul3A_861 : vector<16xf32>
        %add3A_863 = arith.constant 306 : i32
        %add3A_864 = vector.broadcast %add3A_863 : i32 to vector<16xi32>
        %add3A_865 = arith.addi %iota3A_303, %add3A_864 : vector<16xi32>
        %gather3A_866 = tpu.vector_load_idx %arg7[%add3A_865] : memref<544xf32, #tpu.memory_space<vmem>>[vector<16xi32>], vector<16xf32>,
        %mul3A_867 = arith.mulf %gather3A_866, %gather3A_866 : vector<16xf32>
        %add3A_868 = arith.addf %add3A_862, %mul3A_867 : vector<16xf32>
        %add3A_869 = arith.constant 323 : i32
        %add3A_870 = vector.broadcast %add3A_869 : i32 to vector<16xi32>
        %add3A_871 = arith.addi %iota3A_303, %add3A_870 : vector<16xi32>
        %gather3A_872 = tpu.vector_load_idx %arg7[%add3A_871] : memref<544xf32, #tpu.memory_space<vmem>>[vector<16xi32>], vector<16xf32>,
        %mul3A_873 = arith.mulf %gather3A_872, %gather3A_872 : vector<16xf32>
        %add3A_874 = arith.addf %add3A_868, %mul3A_873 : vector<16xf32>
        %add3A_875 = arith.constant 340 : i32
        %add3A_876 = vector.broadcast %add3A_875 : i32 to vector<16xi32>
        %add3A_877 = arith.addi %iota3A_303, %add3A_876 : vector<16xi32>
        %gather3A_878 = tpu.vector_load_idx %arg7[%add3A_877] : memref<544xf32, #tpu.memory_space<vmem>>[vector<16xi32>], vector<16xf32>,
        %mul3A_879 = arith.mulf %gather3A_878, %gather3A_878 : vector<16xf32>
        %add3A_880 = arith.addf %add3A_874, %mul3A_879 : vector<16xf32>
        %add3A_881 = arith.constant 357 : i32
        %add3A_882 = vector.broadcast %add3A_881 : i32 to vector<16xi32>
        %add3A_883 = arith.addi %iota3A_303, %add3A_882 : vector<16xi32>
        %gather3A_884 = tpu.vector_load_idx %arg7[%add3A_883] : memref<544xf32, #tpu.memory_space<vmem>>[vector<16xi32>], vector<16xf32>,
        %mul3A_885 = arith.mulf %gather3A_884, %gather3A_884 : vector<16xf32>
        %add3A_886 = arith.addf %add3A_880, %mul3A_885 : vector<16xf32>
        %add3A_887 = arith.constant 374 : i32
        %add3A_888 = vector.broadcast %add3A_887 : i32 to vector<16xi32>
        %add3A_889 = arith.addi %iota3A_303, %add3A_888 : vector<16xi32>
        %gather3A_890 = tpu.vector_load_idx %arg7[%add3A_889] : memref<544xf32, #tpu.memory_space<vmem>>[vector<16xi32>], vector<16xf32>,
        %mul3A_891 = arith.mulf %gather3A_890, %gather3A_890 : vector<16xf32>
        %add3A_892 = arith.addf %add3A_886, %mul3A_891 : vector<16xf32>
        %add3A_893 = arith.constant 391 : i32
        %add3A_894 = vector.broadcast %add3A_893 : i32 to vector<16xi32>
        %add3A_895 = arith.addi %iota3A_303, %add3A_894 : vector<16xi32>
        %gather3A_896 = tpu.vector_load_idx %arg7[%add3A_895] : memref<544xf32, #tpu.memory_space<vmem>>[vector<16xi32>], vector<16xf32>,
        %mul3A_897 = arith.mulf %gather3A_896, %gather3A_896 : vector<16xf32>
        %add3A_898 = arith.addf %add3A_892, %mul3A_897 : vector<16xf32>
        %add3A_899 = arith.constant 408 : i32
        %add3A_900 = vector.broadcast %add3A_899 : i32 to vector<16xi32>
        %add3A_901 = arith.addi %iota3A_303, %add3A_900 : vector<16xi32>
        %gather3A_902 = tpu.vector_load_idx %arg7[%add3A_901] : memref<544xf32, #tpu.memory_space<vmem>>[vector<16xi32>], vector<16xf32>,
        %mul3A_903 = arith.mulf %gather3A_902, %gather3A_902 : vector<16xf32>
        %add3A_904 = arith.addf %add3A_898, %mul3A_903 : vector<16xf32>
        %add3A_905 = arith.constant 425 : i32
        %add3A_906 = vector.broadcast %add3A_905 : i32 to vector<16xi32>
        %add3A_907 = arith.addi %iota3A_303, %add3A_906 : vector<16xi32>
        %gather3A_908 = tpu.vector_load_idx %arg7[%add3A_907] : memref<544xf32, #tpu.memory_space<vmem>>[vector<16xi32>], vector<16xf32>,
        %mul3A_909 = arith.mulf %gather3A_908, %gather3A_908 : vector<16xf32>
        %add3A_910 = arith.addf %add3A_904, %mul3A_909 : vector<16xf32>
        %add3A_911 = arith.constant 442 : i32
        %add3A_912 = vector.broadcast %add3A_911 : i32 to vector<16xi32>
        %add3A_913 = arith.addi %iota3A_303, %add3A_912 : vector<16xi32>
        %gather3A_914 = tpu.vector_load_idx %arg7[%add3A_913] : memref<544xf32, #tpu.memory_space<vmem>>[vector<16xi32>], vector<16xf32>,
        %mul3A_915 = arith.mulf %gather3A_914, %gather3A_914 : vector<16xf32>
        %add3A_916 = arith.addf %add3A_910, %mul3A_915 : vector<16xf32>
        %add3A_917 = arith.constant 459 : i32
        %add3A_918 = vector.broadcast %add3A_917 : i32 to vector<16xi32>
        %add3A_919 = arith.addi %iota3A_303, %add3A_918 : vector<16xi32>
        %gather3A_920 = tpu.vector_load_idx %arg7[%add3A_919] : memref<544xf32, #tpu.memory_space<vmem>>[vector<16xi32>], vector<16xf32>,
        %mul3A_921 = arith.mulf %gather3A_920, %gather3A_920 : vector<16xf32>
        %add3A_922 = arith.addf %add3A_916, %mul3A_921 : vector<16xf32>
        %add3A_923 = arith.constant 476 : i32
        %add3A_924 = vector.broadcast %add3A_923 : i32 to vector<16xi32>
        %add3A_925 = arith.addi %iota3A_303, %add3A_924 : vector<16xi32>
        %gather3A_926 = tpu.vector_load_idx %arg7[%add3A_925] : memref<544xf32, #tpu.memory_space<vmem>>[vector<16xi32>], vector<16xf32>,
        %mul3A_927 = arith.mulf %gather3A_926, %gather3A_926 : vector<16xf32>
        %add3A_928 = arith.addf %add3A_922, %mul3A_927 : vector<16xf32>
        %add3A_929 = arith.constant 493 : i32
        %add3A_930 = vector.broadcast %add3A_929 : i32 to vector<16xi32>
        %add3A_931 = arith.addi %iota3A_303, %add3A_930 : vector<16xi32>
        %gather3A_932 = tpu.vector_load_idx %arg7[%add3A_931] : memref<544xf32, #tpu.memory_space<vmem>>[vector<16xi32>], vector<16xf32>,
        %mul3A_933 = arith.mulf %gather3A_932, %gather3A_932 : vector<16xf32>
        %add3A_934 = arith.addf %add3A_928, %mul3A_933 : vector<16xf32>
        %add3A_935 = arith.constant 510 : i32
        %add3A_936 = vector.broadcast %add3A_935 : i32 to vector<16xi32>
        %add3A_937 = arith.addi %iota3A_303, %add3A_936 : vector<16xi32>
        %gather3A_938 = tpu.vector_load_idx %arg7[%add3A_937] : memref<544xf32, #tpu.memory_space<vmem>>[vector<16xi32>], vector<16xf32>,
        %mul3A_939 = arith.mulf %gather3A_938, %gather3A_938 : vector<16xf32>
        %add3A_940 = arith.addf %add3A_934, %mul3A_939 : vector<16xf32>
        %add3A_941 = arith.constant 527 : i32
        %add3A_942 = vector.broadcast %add3A_941 : i32 to vector<16xi32>
        %add3A_943 = arith.addi %iota3A_303, %add3A_942 : vector<16xi32>
        %gather3A_944 = tpu.vector_load_idx %arg7[%add3A_943] : memref<544xf32, #tpu.memory_space<vmem>>[vector<16xi32>], vector<16xf32>,
        %mul3A_945 = arith.mulf %gather3A_944, %gather3A_944 : vector<16xf32>
        %add3A_946 = arith.addf %add3A_940, %mul3A_945 : vector<16xf32>
        %bitcast3A = vector.bitcast %add3A_946 : vector<16xf32> to vector<16xi32>
        %shift_right_arithmetic3A = arith.constant 1 : i32
        %shift_right_arithmetic3A_947 = vector.broadcast %shift_right_arithmetic3A : i32 to vector<16xi32>
        %shift_right_arithmetic3A_948 = arith.shrsi %bitcast3A, %shift_right_arithmetic3A_947 : vector<16xi32>
        %sub3A = arith.constant 1597463007 : i32
        %sub3A_949 = vector.broadcast %sub3A : i32 to vector<16xi32>
        %sub3A_950 = arith.subi %sub3A_949, %shift_right_arithmetic3A_948 : vector<16xi32>
        %bitcast3A_951 = vector.bitcast %sub3A_950 : vector<16xi32> to vector<16xf32>
        %mul3A_952 = arith.constant 5.000000e-01 : f32
        %mul3A_953 = vector.broadcast %mul3A_952 : f32 to vector<16xf32>
        %mul3A_954 = arith.mulf %mul3A_953, %add3A_946 : vector<16xf32>
        %mul3A_955 = arith.mulf %mul3A_954, %bitcast3A_951 : vector<16xf32>
        %mul3A_956 = arith.mulf %mul3A_955, %bitcast3A_951 : vector<16xf32>
        %sub3A_957 = arith.constant 1.500000e+00 : f32
        %sub3A_958 = vector.broadcast %sub3A_957 : f32 to vector<16xf32>
        %sub3A_959 = arith.subf %sub3A_958, %mul3A_956 : vector<16xf32>
        %mul3A_960 = arith.mulf %bitcast3A_951, %sub3A_959 : vector<16xf32>
        %mul3A_961 = arith.constant 5.000000e-01 : f32
        %mul3A_962 = vector.broadcast %mul3A_961 : f32 to vector<16xf32>
        %mul3A_963 = arith.mulf %mul3A_962, %add3A_946 : vector<16xf32>
        %mul3A_964 = arith.mulf %mul3A_963, %mul3A_960 : vector<16xf32>
        %mul3A_965 = arith.mulf %mul3A_964, %mul3A_960 : vector<16xf32>
        %sub3A_966 = arith.constant 1.500000e+00 : f32
        %sub3A_967 = vector.broadcast %sub3A_966 : f32 to vector<16xf32>
        %sub3A_968 = arith.subf %sub3A_967, %mul3A_965 : vector<16xf32>
        %mul3A_969 = arith.mulf %mul3A_960, %sub3A_968 : vector<16xf32>
        %mul3A_970 = arith.constant 5.000000e-01 : f32
        %mul3A_971 = vector.broadcast %mul3A_970 : f32 to vector<16xf32>
        %mul3A_972 = arith.mulf %mul3A_971, %add3A_946 : vector<16xf32>
        %mul3A_973 = arith.mulf %mul3A_972, %mul3A_969 : vector<16xf32>
        %mul3A_974 = arith.mulf %mul3A_973, %mul3A_969 : vector<16xf32>
        %sub3A_975 = arith.constant 1.500000e+00 : f32
        %sub3A_976 = vector.broadcast %sub3A_975 : f32 to vector<16xf32>
        %sub3A_977 = arith.subf %sub3A_976, %mul3A_974 : vector<16xf32>
        %mul3A_978 = arith.mulf %mul3A_969, %sub3A_977 : vector<16xf32>
        %mul3A_979 = arith.mulf %add3A_946, %mul3A_978 : vector<16xf32>
        %max3A = arith.constant 9.99999996E-13 : f32
        %max3A_980 = vector.broadcast %max3A : f32 to vector<16xf32>
        %max3A_981 = arith.maximumf %mul3A_979, %max3A_980 : vector<16xf32>
        %div3A = arith.constant 1.000000e+00 : f32
        %div3A_982 = vector.broadcast %div3A : f32 to vector<16xf32>
        %div3A_983 = arith.divf %div3A_982, %max3A_981 : vector<16xf32>
        %slice3A = vector.extract_strided_slice %div3A_983 {offsets = [0], sizes = [1], strides = [1]} : vector<16xf32> to vector<1xf32>
        %squeeze3A = vector.extract %slice3A[0] : f32 from vector<1xf32>
        %add3A_984 = arith.constant 0 : i32
        %add3A_985 = vector.broadcast %add3A_984 : i32 to vector<16xi32>
        %add3A_986 = arith.addi %mul3A_306, %add3A_985 : vector<16xi32>
        %gather3A_987 = tpu.vector_load_idx %arg7[%add3A_986] : memref<544xf32, #tpu.memory_space<vmem>>[vector<16xi32>], vector<16xf32>,
        %add3A_988 = arith.constant 272 : i32
        %add3A_989 = vector.broadcast %add3A_988 : i32 to vector<16xi32>
        %add3A_990 = arith.addi %mul3A_306, %add3A_989 : vector<16xi32>
        %gather3A_991 = tpu.vector_load_idx %arg7[%add3A_990] : memref<544xf32, #tpu.memory_space<vmem>>[vector<16xi32>], vector<16xf32>,
        %mul3A_992 = vector.broadcast %squeeze3A : f32 to vector<16xf32>
        %mul3A_993 = arith.mulf %gather3A_987, %mul3A_992 : vector<16xf32>
        %add3A_994 = arith.constant 0 : i32
        %add3A_995 = arith.addi %mul3A_371, %add3A_994 : i32
        %swap3A = arith.constant 0 : i32
        %swap3A_996 = arith.constant 0 : i32
        %swap3A_997 = tpu.memref_slice %arg6[%scan3A_307, %swap3A, %swap3A_996] : memref<2x400x32xf32, #tpu.memory_space<vmem>> -> memref<1x400x32xf32, #tpu.memory_space<vmem>>
        %swap3A_998 = tpu.memref_squeeze %swap3A_997 : memref<1x400x32xf32, #tpu.memory_space<vmem>> -> memref<400x32xf32, #tpu.memory_space<vmem>>
        %swap3A_999 = arith.index_cast %add3A_995 : i32 to index
        %swap3A_1000 = arith.constant 0 : index
        %swap3A_1001 = tpu.vector_load %swap3A_998[%swap3A_999, %swap3A_1000] {strides = array<i32>} : memref<400x32xf32, #tpu.memory_space<vmem>>, vector<16xf32>,
        tpu.vector_store %swap3A_998[%swap3A_999, %swap3A_1000], %mul3A_993 {strides = array<i32>} : memref<400x32xf32, #tpu.memory_space<vmem>>, vector<16xf32>,
        %mul3A_1002 = vector.broadcast %squeeze3A : f32 to vector<16xf32>
        %mul3A_1003 = arith.mulf %gather3A_991, %mul3A_1002 : vector<16xf32>
        %add3A_1004 = arith.constant 0 : i32
        %add3A_1005 = arith.addi %mul3A_371, %add3A_1004 : i32
        %swap3A_1006 = arith.constant 0 : i32
        %swap3A_1007 = arith.constant 0 : i32
        %swap3A_1008 = tpu.memref_slice %arg6[%scan3A_307, %swap3A_1006, %swap3A_1007] : memref<2x400x32xf32, #tpu.memory_space<vmem>> -> memref<1x400x32xf32, #tpu.memory_space<vmem>>
        %swap3A_1009 = tpu.memref_squeeze %swap3A_1008 : memref<1x400x32xf32, #tpu.memory_space<vmem>> -> memref<400x32xf32, #tpu.memory_space<vmem>>
        %swap3A_1010 = arith.index_cast %add3A_1005 : i32 to index
        %swap3A_1011 = arith.constant 16 : index
        %swap3A_1012 = tpu.vector_load %swap3A_1009[%swap3A_1010, %swap3A_1011] {strides = array<i32>} : memref<400x32xf32, #tpu.memory_space<vmem>>, vector<16xf32>,
        tpu.vector_store %swap3A_1009[%swap3A_1010, %swap3A_1011], %mul3A_1003 {strides = array<i32>} : memref<400x32xf32, #tpu.memory_space<vmem>>, vector<16xf32>,
        %slice3A_1013 = vector.extract_strided_slice %div3A_983 {offsets = [1], sizes = [1], strides = [1]} : vector<16xf32> to vector<1xf32>
        %squeeze3A_1014 = vector.extract %slice3A_1013[0] : f32 from vector<1xf32>
        %add3A_1015 = arith.constant 1 : i32
        %add3A_1016 = vector.broadcast %add3A_1015 : i32 to vector<16xi32>
        %add3A_1017 = arith.addi %mul3A_306, %add3A_1016 : vector<16xi32>
        %gather3A_1018 = tpu.vector_load_idx %arg7[%add3A_1017] : memref<544xf32, #tpu.memory_space<vmem>>[vector<16xi32>], vector<16xf32>,
        %add3A_1019 = arith.constant 273 : i32
        %add3A_1020 = vector.broadcast %add3A_1019 : i32 to vector<16xi32>
        %add3A_1021 = arith.addi %mul3A_306, %add3A_1020 : vector<16xi32>
        %gather3A_1022 = tpu.vector_load_idx %arg7[%add3A_1021] : memref<544xf32, #tpu.memory_space<vmem>>[vector<16xi32>], vector<16xf32>,
        %mul3A_1023 = vector.broadcast %squeeze3A_1014 : f32 to vector<16xf32>
        %mul3A_1024 = arith.mulf %gather3A_1018, %mul3A_1023 : vector<16xf32>
        %add3A_1025 = arith.constant 1 : i32
        %add3A_1026 = arith.addi %mul3A_371, %add3A_1025 : i32
        %swap3A_1027 = arith.constant 0 : i32
        %swap3A_1028 = arith.constant 0 : i32
        %swap3A_1029 = tpu.memref_slice %arg6[%scan3A_307, %swap3A_1027, %swap3A_1028] : memref<2x400x32xf32, #tpu.memory_space<vmem>> -> memref<1x400x32xf32, #tpu.memory_space<vmem>>
        %swap3A_1030 = tpu.memref_squeeze %swap3A_1029 : memref<1x400x32xf32, #tpu.memory_space<vmem>> -> memref<400x32xf32, #tpu.memory_space<vmem>>
        %swap3A_1031 = arith.index_cast %add3A_1026 : i32 to index
        %swap3A_1032 = arith.constant 0 : index
        %swap3A_1033 = tpu.vector_load %swap3A_1030[%swap3A_1031, %swap3A_1032] {strides = array<i32>} : memref<400x32xf32, #tpu.memory_space<vmem>>, vector<16xf32>,
        tpu.vector_store %swap3A_1030[%swap3A_1031, %swap3A_1032], %mul3A_1024 {strides = array<i32>} : memref<400x32xf32, #tpu.memory_space<vmem>>, vector<16xf32>,
        %mul3A_1034 = vector.broadcast %squeeze3A_1014 : f32 to vector<16xf32>
        %mul3A_1035 = arith.mulf %gather3A_1022, %mul3A_1034 : vector<16xf32>
        %add3A_1036 = arith.constant 1 : i32
        %add3A_1037 = arith.addi %mul3A_371, %add3A_1036 : i32
        %swap3A_1038 = arith.constant 0 : i32
        %swap3A_1039 = arith.constant 0 : i32
        %swap3A_1040 = tpu.memref_slice %arg6[%scan3A_307, %swap3A_1038, %swap3A_1039] : memref<2x400x32xf32, #tpu.memory_space<vmem>> -> memref<1x400x32xf32, #tpu.memory_space<vmem>>
        %swap3A_1041 = tpu.memref_squeeze %swap3A_1040 : memref<1x400x32xf32, #tpu.memory_space<vmem>> -> memref<400x32xf32, #tpu.memory_space<vmem>>
        %swap3A_1042 = arith.index_cast %add3A_1037 : i32 to index
        %swap3A_1043 = arith.constant 16 : index
        %swap3A_1044 = tpu.vector_load %swap3A_1041[%swap3A_1042, %swap3A_1043] {strides = array<i32>} : memref<400x32xf32, #tpu.memory_space<vmem>>, vector<16xf32>,
        tpu.vector_store %swap3A_1041[%swap3A_1042, %swap3A_1043], %mul3A_1035 {strides = array<i32>} : memref<400x32xf32, #tpu.memory_space<vmem>>, vector<16xf32>,
        %slice3A_1045 = vector.extract_strided_slice %div3A_983 {offsets = [2], sizes = [1], strides = [1]} : vector<16xf32> to vector<1xf32>
        %squeeze3A_1046 = vector.extract %slice3A_1045[0] : f32 from vector<1xf32>
        %add3A_1047 = arith.constant 2 : i32
        %add3A_1048 = vector.broadcast %add3A_1047 : i32 to vector<16xi32>
        %add3A_1049 = arith.addi %mul3A_306, %add3A_1048 : vector<16xi32>
        %gather3A_1050 = tpu.vector_load_idx %arg7[%add3A_1049] : memref<544xf32, #tpu.memory_space<vmem>>[vector<16xi32>], vector<16xf32>,
        %add3A_1051 = arith.constant 274 : i32
        %add3A_1052 = vector.broadcast %add3A_1051 : i32 to vector<16xi32>
        %add3A_1053 = arith.addi %mul3A_306, %add3A_1052 : vector<16xi32>
        %gather3A_1054 = tpu.vector_load_idx %arg7[%add3A_1053] : memref<544xf32, #tpu.memory_space<vmem>>[vector<16xi32>], vector<16xf32>,
        %mul3A_1055 = vector.broadcast %squeeze3A_1046 : f32 to vector<16xf32>
        %mul3A_1056 = arith.mulf %gather3A_1050, %mul3A_1055 : vector<16xf32>
        %add3A_1057 = arith.constant 2 : i32
        %add3A_1058 = arith.addi %mul3A_371, %add3A_1057 : i32
        %swap3A_1059 = arith.constant 0 : i32
        %swap3A_1060 = arith.constant 0 : i32
        %swap3A_1061 = tpu.memref_slice %arg6[%scan3A_307, %swap3A_1059, %swap3A_1060] : memref<2x400x32xf32, #tpu.memory_space<vmem>> -> memref<1x400x32xf32, #tpu.memory_space<vmem>>
        %swap3A_1062 = tpu.memref_squeeze %swap3A_1061 : memref<1x400x32xf32, #tpu.memory_space<vmem>> -> memref<400x32xf32, #tpu.memory_space<vmem>>
        %swap3A_1063 = arith.index_cast %add3A_1058 : i32 to index
        %swap3A_1064 = arith.constant 0 : index
        %swap3A_1065 = tpu.vector_load %swap3A_1062[%swap3A_1063, %swap3A_1064] {strides = array<i32>} : memref<400x32xf32, #tpu.memory_space<vmem>>, vector<16xf32>,
        tpu.vector_store %swap3A_1062[%swap3A_1063, %swap3A_1064], %mul3A_1056 {strides = array<i32>} : memref<400x32xf32, #tpu.memory_space<vmem>>, vector<16xf32>,
        %mul3A_1066 = vector.broadcast %squeeze3A_1046 : f32 to vector<16xf32>
        %mul3A_1067 = arith.mulf %gather3A_1054, %mul3A_1066 : vector<16xf32>
        %add3A_1068 = arith.constant 2 : i32
        %add3A_1069 = arith.addi %mul3A_371, %add3A_1068 : i32
        %swap3A_1070 = arith.constant 0 : i32
        %swap3A_1071 = arith.constant 0 : i32
        %swap3A_1072 = tpu.memref_slice %arg6[%scan3A_307, %swap3A_1070, %swap3A_1071] : memref<2x400x32xf32, #tpu.memory_space<vmem>> -> memref<1x400x32xf32, #tpu.memory_space<vmem>>
        %swap3A_1073 = tpu.memref_squeeze %swap3A_1072 : memref<1x400x32xf32, #tpu.memory_space<vmem>> -> memref<400x32xf32, #tpu.memory_space<vmem>>
        %swap3A_1074 = arith.index_cast %add3A_1069 : i32 to index
        %swap3A_1075 = arith.constant 16 : index
        %swap3A_1076 = tpu.vector_load %swap3A_1073[%swap3A_1074, %swap3A_1075] {strides = array<i32>} : memref<400x32xf32, #tpu.memory_space<vmem>>, vector<16xf32>,
        tpu.vector_store %swap3A_1073[%swap3A_1074, %swap3A_1075], %mul3A_1067 {strides = array<i32>} : memref<400x32xf32, #tpu.memory_space<vmem>>, vector<16xf32>,
        %slice3A_1077 = vector.extract_strided_slice %div3A_983 {offsets = [3], sizes = [1], strides = [1]} : vector<16xf32> to vector<1xf32>
        %squeeze3A_1078 = vector.extract %slice3A_1077[0] : f32 from vector<1xf32>
        %add3A_1079 = arith.constant 3 : i32
        %add3A_1080 = vector.broadcast %add3A_1079 : i32 to vector<16xi32>
        %add3A_1081 = arith.addi %mul3A_306, %add3A_1080 : vector<16xi32>
        %gather3A_1082 = tpu.vector_load_idx %arg7[%add3A_1081] : memref<544xf32, #tpu.memory_space<vmem>>[vector<16xi32>], vector<16xf32>,
        %add3A_1083 = arith.constant 275 : i32
        %add3A_1084 = vector.broadcast %add3A_1083 : i32 to vector<16xi32>
        %add3A_1085 = arith.addi %mul3A_306, %add3A_1084 : vector<16xi32>
        %gather3A_1086 = tpu.vector_load_idx %arg7[%add3A_1085] : memref<544xf32, #tpu.memory_space<vmem>>[vector<16xi32>], vector<16xf32>,
        %mul3A_1087 = vector.broadcast %squeeze3A_1078 : f32 to vector<16xf32>
        %mul3A_1088 = arith.mulf %gather3A_1082, %mul3A_1087 : vector<16xf32>
        %add3A_1089 = arith.constant 3 : i32
        %add3A_1090 = arith.addi %mul3A_371, %add3A_1089 : i32
        %swap3A_1091 = arith.constant 0 : i32
        %swap3A_1092 = arith.constant 0 : i32
        %swap3A_1093 = tpu.memref_slice %arg6[%scan3A_307, %swap3A_1091, %swap3A_1092] : memref<2x400x32xf32, #tpu.memory_space<vmem>> -> memref<1x400x32xf32, #tpu.memory_space<vmem>>
        %swap3A_1094 = tpu.memref_squeeze %swap3A_1093 : memref<1x400x32xf32, #tpu.memory_space<vmem>> -> memref<400x32xf32, #tpu.memory_space<vmem>>
        %swap3A_1095 = arith.index_cast %add3A_1090 : i32 to index
        %swap3A_1096 = arith.constant 0 : index
        %swap3A_1097 = tpu.vector_load %swap3A_1094[%swap3A_1095, %swap3A_1096] {strides = array<i32>} : memref<400x32xf32, #tpu.memory_space<vmem>>, vector<16xf32>,
        tpu.vector_store %swap3A_1094[%swap3A_1095, %swap3A_1096], %mul3A_1088 {strides = array<i32>} : memref<400x32xf32, #tpu.memory_space<vmem>>, vector<16xf32>,
        %mul3A_1098 = vector.broadcast %squeeze3A_1078 : f32 to vector<16xf32>
        %mul3A_1099 = arith.mulf %gather3A_1086, %mul3A_1098 : vector<16xf32>
        %add3A_1100 = arith.constant 3 : i32
        %add3A_1101 = arith.addi %mul3A_371, %add3A_1100 : i32
        %swap3A_1102 = arith.constant 0 : i32
        %swap3A_1103 = arith.constant 0 : i32
        %swap3A_1104 = tpu.memref_slice %arg6[%scan3A_307, %swap3A_1102, %swap3A_1103] : memref<2x400x32xf32, #tpu.memory_space<vmem>> -> memref<1x400x32xf32, #tpu.memory_space<vmem>>
        %swap3A_1105 = tpu.memref_squeeze %swap3A_1104 : memref<1x400x32xf32, #tpu.memory_space<vmem>> -> memref<400x32xf32, #tpu.memory_space<vmem>>
        %swap3A_1106 = arith.index_cast %add3A_1101 : i32 to index
        %swap3A_1107 = arith.constant 16 : index
        %swap3A_1108 = tpu.vector_load %swap3A_1105[%swap3A_1106, %swap3A_1107] {strides = array<i32>} : memref<400x32xf32, #tpu.memory_space<vmem>>, vector<16xf32>,
        tpu.vector_store %swap3A_1105[%swap3A_1106, %swap3A_1107], %mul3A_1099 {strides = array<i32>} : memref<400x32xf32, #tpu.memory_space<vmem>>, vector<16xf32>,
        %slice3A_1109 = vector.extract_strided_slice %div3A_983 {offsets = [4], sizes = [1], strides = [1]} : vector<16xf32> to vector<1xf32>
        %squeeze3A_1110 = vector.extract %slice3A_1109[0] : f32 from vector<1xf32>
        %add3A_1111 = arith.constant 4 : i32
        %add3A_1112 = vector.broadcast %add3A_1111 : i32 to vector<16xi32>
        %add3A_1113 = arith.addi %mul3A_306, %add3A_1112 : vector<16xi32>
        %gather3A_1114 = tpu.vector_load_idx %arg7[%add3A_1113] : memref<544xf32, #tpu.memory_space<vmem>>[vector<16xi32>], vector<16xf32>,
        %add3A_1115 = arith.constant 276 : i32
        %add3A_1116 = vector.broadcast %add3A_1115 : i32 to vector<16xi32>
        %add3A_1117 = arith.addi %mul3A_306, %add3A_1116 : vector<16xi32>
        %gather3A_1118 = tpu.vector_load_idx %arg7[%add3A_1117] : memref<544xf32, #tpu.memory_space<vmem>>[vector<16xi32>], vector<16xf32>,
        %mul3A_1119 = vector.broadcast %squeeze3A_1110 : f32 to vector<16xf32>
        %mul3A_1120 = arith.mulf %gather3A_1114, %mul3A_1119 : vector<16xf32>
        %add3A_1121 = arith.constant 4 : i32
        %add3A_1122 = arith.addi %mul3A_371, %add3A_1121 : i32
        %swap3A_1123 = arith.constant 0 : i32
        %swap3A_1124 = arith.constant 0 : i32
        %swap3A_1125 = tpu.memref_slice %arg6[%scan3A_307, %swap3A_1123, %swap3A_1124] : memref<2x400x32xf32, #tpu.memory_space<vmem>> -> memref<1x400x32xf32, #tpu.memory_space<vmem>>
        %swap3A_1126 = tpu.memref_squeeze %swap3A_1125 : memref<1x400x32xf32, #tpu.memory_space<vmem>> -> memref<400x32xf32, #tpu.memory_space<vmem>>
        %swap3A_1127 = arith.index_cast %add3A_1122 : i32 to index
        %swap3A_1128 = arith.constant 0 : index
        %swap3A_1129 = tpu.vector_load %swap3A_1126[%swap3A_1127, %swap3A_1128] {strides = array<i32>} : memref<400x32xf32, #tpu.memory_space<vmem>>, vector<16xf32>,
        tpu.vector_store %swap3A_1126[%swap3A_1127, %swap3A_1128], %mul3A_1120 {strides = array<i32>} : memref<400x32xf32, #tpu.memory_space<vmem>>, vector<16xf32>,
        %mul3A_1130 = vector.broadcast %squeeze3A_1110 : f32 to vector<16xf32>
        %mul3A_1131 = arith.mulf %gather3A_1118, %mul3A_1130 : vector<16xf32>
        %add3A_1132 = arith.constant 4 : i32
        %add3A_1133 = arith.addi %mul3A_371, %add3A_1132 : i32
        %swap3A_1134 = arith.constant 0 : i32
        %swap3A_1135 = arith.constant 0 : i32
        %swap3A_1136 = tpu.memref_slice %arg6[%scan3A_307, %swap3A_1134, %swap3A_1135] : memref<2x400x32xf32, #tpu.memory_space<vmem>> -> memref<1x400x32xf32, #tpu.memory_space<vmem>>
        %swap3A_1137 = tpu.memref_squeeze %swap3A_1136 : memref<1x400x32xf32, #tpu.memory_space<vmem>> -> memref<400x32xf32, #tpu.memory_space<vmem>>
        %swap3A_1138 = arith.index_cast %add3A_1133 : i32 to index
        %swap3A_1139 = arith.constant 16 : index
        %swap3A_1140 = tpu.vector_load %swap3A_1137[%swap3A_1138, %swap3A_1139] {strides = array<i32>} : memref<400x32xf32, #tpu.memory_space<vmem>>, vector<16xf32>,
        tpu.vector_store %swap3A_1137[%swap3A_1138, %swap3A_1139], %mul3A_1131 {strides = array<i32>} : memref<400x32xf32, #tpu.memory_space<vmem>>, vector<16xf32>,
        %slice3A_1141 = vector.extract_strided_slice %div3A_983 {offsets = [5], sizes = [1], strides = [1]} : vector<16xf32> to vector<1xf32>
        %squeeze3A_1142 = vector.extract %slice3A_1141[0] : f32 from vector<1xf32>
        %add3A_1143 = arith.constant 5 : i32
        %add3A_1144 = vector.broadcast %add3A_1143 : i32 to vector<16xi32>
        %add3A_1145 = arith.addi %mul3A_306, %add3A_1144 : vector<16xi32>
        %gather3A_1146 = tpu.vector_load_idx %arg7[%add3A_1145] : memref<544xf32, #tpu.memory_space<vmem>>[vector<16xi32>], vector<16xf32>,
        %add3A_1147 = arith.constant 277 : i32
        %add3A_1148 = vector.broadcast %add3A_1147 : i32 to vector<16xi32>
        %add3A_1149 = arith.addi %mul3A_306, %add3A_1148 : vector<16xi32>
        %gather3A_1150 = tpu.vector_load_idx %arg7[%add3A_1149] : memref<544xf32, #tpu.memory_space<vmem>>[vector<16xi32>], vector<16xf32>,
        %mul3A_1151 = vector.broadcast %squeeze3A_1142 : f32 to vector<16xf32>
        %mul3A_1152 = arith.mulf %gather3A_1146, %mul3A_1151 : vector<16xf32>
        %add3A_1153 = arith.constant 5 : i32
        %add3A_1154 = arith.addi %mul3A_371, %add3A_1153 : i32
        %swap3A_1155 = arith.constant 0 : i32
        %swap3A_1156 = arith.constant 0 : i32
        %swap3A_1157 = tpu.memref_slice %arg6[%scan3A_307, %swap3A_1155, %swap3A_1156] : memref<2x400x32xf32, #tpu.memory_space<vmem>> -> memref<1x400x32xf32, #tpu.memory_space<vmem>>
        %swap3A_1158 = tpu.memref_squeeze %swap3A_1157 : memref<1x400x32xf32, #tpu.memory_space<vmem>> -> memref<400x32xf32, #tpu.memory_space<vmem>>
        %swap3A_1159 = arith.index_cast %add3A_1154 : i32 to index
        %swap3A_1160 = arith.constant 0 : index
        %swap3A_1161 = tpu.vector_load %swap3A_1158[%swap3A_1159, %swap3A_1160] {strides = array<i32>} : memref<400x32xf32, #tpu.memory_space<vmem>>, vector<16xf32>,
        tpu.vector_store %swap3A_1158[%swap3A_1159, %swap3A_1160], %mul3A_1152 {strides = array<i32>} : memref<400x32xf32, #tpu.memory_space<vmem>>, vector<16xf32>,
        %mul3A_1162 = vector.broadcast %squeeze3A_1142 : f32 to vector<16xf32>
        %mul3A_1163 = arith.mulf %gather3A_1150, %mul3A_1162 : vector<16xf32>
        %add3A_1164 = arith.constant 5 : i32
        %add3A_1165 = arith.addi %mul3A_371, %add3A_1164 : i32
        %swap3A_1166 = arith.constant 0 : i32
        %swap3A_1167 = arith.constant 0 : i32
        %swap3A_1168 = tpu.memref_slice %arg6[%scan3A_307, %swap3A_1166, %swap3A_1167] : memref<2x400x32xf32, #tpu.memory_space<vmem>> -> memref<1x400x32xf32, #tpu.memory_space<vmem>>
        %swap3A_1169 = tpu.memref_squeeze %swap3A_1168 : memref<1x400x32xf32, #tpu.memory_space<vmem>> -> memref<400x32xf32, #tpu.memory_space<vmem>>
        %swap3A_1170 = arith.index_cast %add3A_1165 : i32 to index
        %swap3A_1171 = arith.constant 16 : index
        %swap3A_1172 = tpu.vector_load %swap3A_1169[%swap3A_1170, %swap3A_1171] {strides = array<i32>} : memref<400x32xf32, #tpu.memory_space<vmem>>, vector<16xf32>,
        tpu.vector_store %swap3A_1169[%swap3A_1170, %swap3A_1171], %mul3A_1163 {strides = array<i32>} : memref<400x32xf32, #tpu.memory_space<vmem>>, vector<16xf32>,
        %slice3A_1173 = vector.extract_strided_slice %div3A_983 {offsets = [6], sizes = [1], strides = [1]} : vector<16xf32> to vector<1xf32>
        %squeeze3A_1174 = vector.extract %slice3A_1173[0] : f32 from vector<1xf32>
        %add3A_1175 = arith.constant 6 : i32
        %add3A_1176 = vector.broadcast %add3A_1175 : i32 to vector<16xi32>
        %add3A_1177 = arith.addi %mul3A_306, %add3A_1176 : vector<16xi32>
        %gather3A_1178 = tpu.vector_load_idx %arg7[%add3A_1177] : memref<544xf32, #tpu.memory_space<vmem>>[vector<16xi32>], vector<16xf32>,
        %add3A_1179 = arith.constant 278 : i32
        %add3A_1180 = vector.broadcast %add3A_1179 : i32 to vector<16xi32>
        %add3A_1181 = arith.addi %mul3A_306, %add3A_1180 : vector<16xi32>
        %gather3A_1182 = tpu.vector_load_idx %arg7[%add3A_1181] : memref<544xf32, #tpu.memory_space<vmem>>[vector<16xi32>], vector<16xf32>,
        %mul3A_1183 = vector.broadcast %squeeze3A_1174 : f32 to vector<16xf32>
        %mul3A_1184 = arith.mulf %gather3A_1178, %mul3A_1183 : vector<16xf32>
        %add3A_1185 = arith.constant 6 : i32
        %add3A_1186 = arith.addi %mul3A_371, %add3A_1185 : i32
        %swap3A_1187 = arith.constant 0 : i32
        %swap3A_1188 = arith.constant 0 : i32
        %swap3A_1189 = tpu.memref_slice %arg6[%scan3A_307, %swap3A_1187, %swap3A_1188] : memref<2x400x32xf32, #tpu.memory_space<vmem>> -> memref<1x400x32xf32, #tpu.memory_space<vmem>>
        %swap3A_1190 = tpu.memref_squeeze %swap3A_1189 : memref<1x400x32xf32, #tpu.memory_space<vmem>> -> memref<400x32xf32, #tpu.memory_space<vmem>>
        %swap3A_1191 = arith.index_cast %add3A_1186 : i32 to index
        %swap3A_1192 = arith.constant 0 : index
        %swap3A_1193 = tpu.vector_load %swap3A_1190[%swap3A_1191, %swap3A_1192] {strides = array<i32>} : memref<400x32xf32, #tpu.memory_space<vmem>>, vector<16xf32>,
        tpu.vector_store %swap3A_1190[%swap3A_1191, %swap3A_1192], %mul3A_1184 {strides = array<i32>} : memref<400x32xf32, #tpu.memory_space<vmem>>, vector<16xf32>,
        %mul3A_1194 = vector.broadcast %squeeze3A_1174 : f32 to vector<16xf32>
        %mul3A_1195 = arith.mulf %gather3A_1182, %mul3A_1194 : vector<16xf32>
        %add3A_1196 = arith.constant 6 : i32
        %add3A_1197 = arith.addi %mul3A_371, %add3A_1196 : i32
        %swap3A_1198 = arith.constant 0 : i32
        %swap3A_1199 = arith.constant 0 : i32
        %swap3A_1200 = tpu.memref_slice %arg6[%scan3A_307, %swap3A_1198, %swap3A_1199] : memref<2x400x32xf32, #tpu.memory_space<vmem>> -> memref<1x400x32xf32, #tpu.memory_space<vmem>>
        %swap3A_1201 = tpu.memref_squeeze %swap3A_1200 : memref<1x400x32xf32, #tpu.memory_space<vmem>> -> memref<400x32xf32, #tpu.memory_space<vmem>>
        %swap3A_1202 = arith.index_cast %add3A_1197 : i32 to index
        %swap3A_1203 = arith.constant 16 : index
        %swap3A_1204 = tpu.vector_load %swap3A_1201[%swap3A_1202, %swap3A_1203] {strides = array<i32>} : memref<400x32xf32, #tpu.memory_space<vmem>>, vector<16xf32>,
        tpu.vector_store %swap3A_1201[%swap3A_1202, %swap3A_1203], %mul3A_1195 {strides = array<i32>} : memref<400x32xf32, #tpu.memory_space<vmem>>, vector<16xf32>,
        %slice3A_1205 = vector.extract_strided_slice %div3A_983 {offsets = [7], sizes = [1], strides = [1]} : vector<16xf32> to vector<1xf32>
        %squeeze3A_1206 = vector.extract %slice3A_1205[0] : f32 from vector<1xf32>
        %add3A_1207 = arith.constant 7 : i32
        %add3A_1208 = vector.broadcast %add3A_1207 : i32 to vector<16xi32>
        %add3A_1209 = arith.addi %mul3A_306, %add3A_1208 : vector<16xi32>
        %gather3A_1210 = tpu.vector_load_idx %arg7[%add3A_1209] : memref<544xf32, #tpu.memory_space<vmem>>[vector<16xi32>], vector<16xf32>,
        %add3A_1211 = arith.constant 279 : i32
        %add3A_1212 = vector.broadcast %add3A_1211 : i32 to vector<16xi32>
        %add3A_1213 = arith.addi %mul3A_306, %add3A_1212 : vector<16xi32>
        %gather3A_1214 = tpu.vector_load_idx %arg7[%add3A_1213] : memref<544xf32, #tpu.memory_space<vmem>>[vector<16xi32>], vector<16xf32>,
        %mul3A_1215 = vector.broadcast %squeeze3A_1206 : f32 to vector<16xf32>
        %mul3A_1216 = arith.mulf %gather3A_1210, %mul3A_1215 : vector<16xf32>
        %add3A_1217 = arith.constant 7 : i32
        %add3A_1218 = arith.addi %mul3A_371, %add3A_1217 : i32
        %swap3A_1219 = arith.constant 0 : i32
        %swap3A_1220 = arith.constant 0 : i32
        %swap3A_1221 = tpu.memref_slice %arg6[%scan3A_307, %swap3A_1219, %swap3A_1220] : memref<2x400x32xf32, #tpu.memory_space<vmem>> -> memref<1x400x32xf32, #tpu.memory_space<vmem>>
        %swap3A_1222 = tpu.memref_squeeze %swap3A_1221 : memref<1x400x32xf32, #tpu.memory_space<vmem>> -> memref<400x32xf32, #tpu.memory_space<vmem>>
        %swap3A_1223 = arith.index_cast %add3A_1218 : i32 to index
        %swap3A_1224 = arith.constant 0 : index
        %swap3A_1225 = tpu.vector_load %swap3A_1222[%swap3A_1223, %swap3A_1224] {strides = array<i32>} : memref<400x32xf32, #tpu.memory_space<vmem>>, vector<16xf32>,
        tpu.vector_store %swap3A_1222[%swap3A_1223, %swap3A_1224], %mul3A_1216 {strides = array<i32>} : memref<400x32xf32, #tpu.memory_space<vmem>>, vector<16xf32>,
        %mul3A_1226 = vector.broadcast %squeeze3A_1206 : f32 to vector<16xf32>
        %mul3A_1227 = arith.mulf %gather3A_1214, %mul3A_1226 : vector<16xf32>
        %add3A_1228 = arith.constant 7 : i32
        %add3A_1229 = arith.addi %mul3A_371, %add3A_1228 : i32
        %swap3A_1230 = arith.constant 0 : i32
        %swap3A_1231 = arith.constant 0 : i32
        %swap3A_1232 = tpu.memref_slice %arg6[%scan3A_307, %swap3A_1230, %swap3A_1231] : memref<2x400x32xf32, #tpu.memory_space<vmem>> -> memref<1x400x32xf32, #tpu.memory_space<vmem>>
        %swap3A_1233 = tpu.memref_squeeze %swap3A_1232 : memref<1x400x32xf32, #tpu.memory_space<vmem>> -> memref<400x32xf32, #tpu.memory_space<vmem>>
        %swap3A_1234 = arith.index_cast %add3A_1229 : i32 to index
        %swap3A_1235 = arith.constant 16 : index
        %swap3A_1236 = tpu.vector_load %swap3A_1233[%swap3A_1234, %swap3A_1235] {strides = array<i32>} : memref<400x32xf32, #tpu.memory_space<vmem>>, vector<16xf32>,
        tpu.vector_store %swap3A_1233[%swap3A_1234, %swap3A_1235], %mul3A_1227 {strides = array<i32>} : memref<400x32xf32, #tpu.memory_space<vmem>>, vector<16xf32>,
        %slice3A_1237 = vector.extract_strided_slice %div3A_983 {offsets = [8], sizes = [1], strides = [1]} : vector<16xf32> to vector<1xf32>
        %squeeze3A_1238 = vector.extract %slice3A_1237[0] : f32 from vector<1xf32>
        %add3A_1239 = arith.constant 8 : i32
        %add3A_1240 = vector.broadcast %add3A_1239 : i32 to vector<16xi32>
        %add3A_1241 = arith.addi %mul3A_306, %add3A_1240 : vector<16xi32>
        %gather3A_1242 = tpu.vector_load_idx %arg7[%add3A_1241] : memref<544xf32, #tpu.memory_space<vmem>>[vector<16xi32>], vector<16xf32>,
        %add3A_1243 = arith.constant 280 : i32
        %add3A_1244 = vector.broadcast %add3A_1243 : i32 to vector<16xi32>
        %add3A_1245 = arith.addi %mul3A_306, %add3A_1244 : vector<16xi32>
        %gather3A_1246 = tpu.vector_load_idx %arg7[%add3A_1245] : memref<544xf32, #tpu.memory_space<vmem>>[vector<16xi32>], vector<16xf32>,
        %mul3A_1247 = vector.broadcast %squeeze3A_1238 : f32 to vector<16xf32>
        %mul3A_1248 = arith.mulf %gather3A_1242, %mul3A_1247 : vector<16xf32>
        %add3A_1249 = arith.constant 8 : i32
        %add3A_1250 = arith.addi %mul3A_371, %add3A_1249 : i32
        %swap3A_1251 = arith.constant 0 : i32
        %swap3A_1252 = arith.constant 0 : i32
        %swap3A_1253 = tpu.memref_slice %arg6[%scan3A_307, %swap3A_1251, %swap3A_1252] : memref<2x400x32xf32, #tpu.memory_space<vmem>> -> memref<1x400x32xf32, #tpu.memory_space<vmem>>
        %swap3A_1254 = tpu.memref_squeeze %swap3A_1253 : memref<1x400x32xf32, #tpu.memory_space<vmem>> -> memref<400x32xf32, #tpu.memory_space<vmem>>
        %swap3A_1255 = arith.index_cast %add3A_1250 : i32 to index
        %swap3A_1256 = arith.constant 0 : index
        %swap3A_1257 = tpu.vector_load %swap3A_1254[%swap3A_1255, %swap3A_1256] {strides = array<i32>} : memref<400x32xf32, #tpu.memory_space<vmem>>, vector<16xf32>,
        tpu.vector_store %swap3A_1254[%swap3A_1255, %swap3A_1256], %mul3A_1248 {strides = array<i32>} : memref<400x32xf32, #tpu.memory_space<vmem>>, vector<16xf32>,
        %mul3A_1258 = vector.broadcast %squeeze3A_1238 : f32 to vector<16xf32>
        %mul3A_1259 = arith.mulf %gather3A_1246, %mul3A_1258 : vector<16xf32>
        %add3A_1260 = arith.constant 8 : i32
        %add3A_1261 = arith.addi %mul3A_371, %add3A_1260 : i32
        %swap3A_1262 = arith.constant 0 : i32
        %swap3A_1263 = arith.constant 0 : i32
        %swap3A_1264 = tpu.memref_slice %arg6[%scan3A_307, %swap3A_1262, %swap3A_1263] : memref<2x400x32xf32, #tpu.memory_space<vmem>> -> memref<1x400x32xf32, #tpu.memory_space<vmem>>
        %swap3A_1265 = tpu.memref_squeeze %swap3A_1264 : memref<1x400x32xf32, #tpu.memory_space<vmem>> -> memref<400x32xf32, #tpu.memory_space<vmem>>
        %swap3A_1266 = arith.index_cast %add3A_1261 : i32 to index
        %swap3A_1267 = arith.constant 16 : index
        %swap3A_1268 = tpu.vector_load %swap3A_1265[%swap3A_1266, %swap3A_1267] {strides = array<i32>} : memref<400x32xf32, #tpu.memory_space<vmem>>, vector<16xf32>,
        tpu.vector_store %swap3A_1265[%swap3A_1266, %swap3A_1267], %mul3A_1259 {strides = array<i32>} : memref<400x32xf32, #tpu.memory_space<vmem>>, vector<16xf32>,
        %slice3A_1269 = vector.extract_strided_slice %div3A_983 {offsets = [9], sizes = [1], strides = [1]} : vector<16xf32> to vector<1xf32>
        %squeeze3A_1270 = vector.extract %slice3A_1269[0] : f32 from vector<1xf32>
        %add3A_1271 = arith.constant 9 : i32
        %add3A_1272 = vector.broadcast %add3A_1271 : i32 to vector<16xi32>
        %add3A_1273 = arith.addi %mul3A_306, %add3A_1272 : vector<16xi32>
        %gather3A_1274 = tpu.vector_load_idx %arg7[%add3A_1273] : memref<544xf32, #tpu.memory_space<vmem>>[vector<16xi32>], vector<16xf32>,
        %add3A_1275 = arith.constant 281 : i32
        %add3A_1276 = vector.broadcast %add3A_1275 : i32 to vector<16xi32>
        %add3A_1277 = arith.addi %mul3A_306, %add3A_1276 : vector<16xi32>
        %gather3A_1278 = tpu.vector_load_idx %arg7[%add3A_1277] : memref<544xf32, #tpu.memory_space<vmem>>[vector<16xi32>], vector<16xf32>,
        %mul3A_1279 = vector.broadcast %squeeze3A_1270 : f32 to vector<16xf32>
        %mul3A_1280 = arith.mulf %gather3A_1274, %mul3A_1279 : vector<16xf32>
        %add3A_1281 = arith.constant 9 : i32
        %add3A_1282 = arith.addi %mul3A_371, %add3A_1281 : i32
        %swap3A_1283 = arith.constant 0 : i32
        %swap3A_1284 = arith.constant 0 : i32
        %swap3A_1285 = tpu.memref_slice %arg6[%scan3A_307, %swap3A_1283, %swap3A_1284] : memref<2x400x32xf32, #tpu.memory_space<vmem>> -> memref<1x400x32xf32, #tpu.memory_space<vmem>>
        %swap3A_1286 = tpu.memref_squeeze %swap3A_1285 : memref<1x400x32xf32, #tpu.memory_space<vmem>> -> memref<400x32xf32, #tpu.memory_space<vmem>>
        %swap3A_1287 = arith.index_cast %add3A_1282 : i32 to index
        %swap3A_1288 = arith.constant 0 : index
        %swap3A_1289 = tpu.vector_load %swap3A_1286[%swap3A_1287, %swap3A_1288] {strides = array<i32>} : memref<400x32xf32, #tpu.memory_space<vmem>>, vector<16xf32>,
        tpu.vector_store %swap3A_1286[%swap3A_1287, %swap3A_1288], %mul3A_1280 {strides = array<i32>} : memref<400x32xf32, #tpu.memory_space<vmem>>, vector<16xf32>,
        %mul3A_1290 = vector.broadcast %squeeze3A_1270 : f32 to vector<16xf32>
        %mul3A_1291 = arith.mulf %gather3A_1278, %mul3A_1290 : vector<16xf32>
        %add3A_1292 = arith.constant 9 : i32
        %add3A_1293 = arith.addi %mul3A_371, %add3A_1292 : i32
        %swap3A_1294 = arith.constant 0 : i32
        %swap3A_1295 = arith.constant 0 : i32
        %swap3A_1296 = tpu.memref_slice %arg6[%scan3A_307, %swap3A_1294, %swap3A_1295] : memref<2x400x32xf32, #tpu.memory_space<vmem>> -> memref<1x400x32xf32, #tpu.memory_space<vmem>>
        %swap3A_1297 = tpu.memref_squeeze %swap3A_1296 : memref<1x400x32xf32, #tpu.memory_space<vmem>> -> memref<400x32xf32, #tpu.memory_space<vmem>>
        %swap3A_1298 = arith.index_cast %add3A_1293 : i32 to index
        %swap3A_1299 = arith.constant 16 : index
        %swap3A_1300 = tpu.vector_load %swap3A_1297[%swap3A_1298, %swap3A_1299] {strides = array<i32>} : memref<400x32xf32, #tpu.memory_space<vmem>>, vector<16xf32>,
        tpu.vector_store %swap3A_1297[%swap3A_1298, %swap3A_1299], %mul3A_1291 {strides = array<i32>} : memref<400x32xf32, #tpu.memory_space<vmem>>, vector<16xf32>,
        %slice3A_1301 = vector.extract_strided_slice %div3A_983 {offsets = [10], sizes = [1], strides = [1]} : vector<16xf32> to vector<1xf32>
        %squeeze3A_1302 = vector.extract %slice3A_1301[0] : f32 from vector<1xf32>
        %add3A_1303 = arith.constant 10 : i32
        %add3A_1304 = vector.broadcast %add3A_1303 : i32 to vector<16xi32>
        %add3A_1305 = arith.addi %mul3A_306, %add3A_1304 : vector<16xi32>
        %gather3A_1306 = tpu.vector_load_idx %arg7[%add3A_1305] : memref<544xf32, #tpu.memory_space<vmem>>[vector<16xi32>], vector<16xf32>,
        %add3A_1307 = arith.constant 282 : i32
        %add3A_1308 = vector.broadcast %add3A_1307 : i32 to vector<16xi32>
        %add3A_1309 = arith.addi %mul3A_306, %add3A_1308 : vector<16xi32>
        %gather3A_1310 = tpu.vector_load_idx %arg7[%add3A_1309] : memref<544xf32, #tpu.memory_space<vmem>>[vector<16xi32>], vector<16xf32>,
        %mul3A_1311 = vector.broadcast %squeeze3A_1302 : f32 to vector<16xf32>
        %mul3A_1312 = arith.mulf %gather3A_1306, %mul3A_1311 : vector<16xf32>
        %add3A_1313 = arith.constant 10 : i32
        %add3A_1314 = arith.addi %mul3A_371, %add3A_1313 : i32
        %swap3A_1315 = arith.constant 0 : i32
        %swap3A_1316 = arith.constant 0 : i32
        %swap3A_1317 = tpu.memref_slice %arg6[%scan3A_307, %swap3A_1315, %swap3A_1316] : memref<2x400x32xf32, #tpu.memory_space<vmem>> -> memref<1x400x32xf32, #tpu.memory_space<vmem>>
        %swap3A_1318 = tpu.memref_squeeze %swap3A_1317 : memref<1x400x32xf32, #tpu.memory_space<vmem>> -> memref<400x32xf32, #tpu.memory_space<vmem>>
        %swap3A_1319 = arith.index_cast %add3A_1314 : i32 to index
        %swap3A_1320 = arith.constant 0 : index
        %swap3A_1321 = tpu.vector_load %swap3A_1318[%swap3A_1319, %swap3A_1320] {strides = array<i32>} : memref<400x32xf32, #tpu.memory_space<vmem>>, vector<16xf32>,
        tpu.vector_store %swap3A_1318[%swap3A_1319, %swap3A_1320], %mul3A_1312 {strides = array<i32>} : memref<400x32xf32, #tpu.memory_space<vmem>>, vector<16xf32>,
        %mul3A_1322 = vector.broadcast %squeeze3A_1302 : f32 to vector<16xf32>
        %mul3A_1323 = arith.mulf %gather3A_1310, %mul3A_1322 : vector<16xf32>
        %add3A_1324 = arith.constant 10 : i32
        %add3A_1325 = arith.addi %mul3A_371, %add3A_1324 : i32
        %swap3A_1326 = arith.constant 0 : i32
        %swap3A_1327 = arith.constant 0 : i32
        %swap3A_1328 = tpu.memref_slice %arg6[%scan3A_307, %swap3A_1326, %swap3A_1327] : memref<2x400x32xf32, #tpu.memory_space<vmem>> -> memref<1x400x32xf32, #tpu.memory_space<vmem>>
        %swap3A_1329 = tpu.memref_squeeze %swap3A_1328 : memref<1x400x32xf32, #tpu.memory_space<vmem>> -> memref<400x32xf32, #tpu.memory_space<vmem>>
        %swap3A_1330 = arith.index_cast %add3A_1325 : i32 to index
        %swap3A_1331 = arith.constant 16 : index
        %swap3A_1332 = tpu.vector_load %swap3A_1329[%swap3A_1330, %swap3A_1331] {strides = array<i32>} : memref<400x32xf32, #tpu.memory_space<vmem>>, vector<16xf32>,
        tpu.vector_store %swap3A_1329[%swap3A_1330, %swap3A_1331], %mul3A_1323 {strides = array<i32>} : memref<400x32xf32, #tpu.memory_space<vmem>>, vector<16xf32>,
        %slice3A_1333 = vector.extract_strided_slice %div3A_983 {offsets = [11], sizes = [1], strides = [1]} : vector<16xf32> to vector<1xf32>
        %squeeze3A_1334 = vector.extract %slice3A_1333[0] : f32 from vector<1xf32>
        %add3A_1335 = arith.constant 11 : i32
        %add3A_1336 = vector.broadcast %add3A_1335 : i32 to vector<16xi32>
        %add3A_1337 = arith.addi %mul3A_306, %add3A_1336 : vector<16xi32>
        %gather3A_1338 = tpu.vector_load_idx %arg7[%add3A_1337] : memref<544xf32, #tpu.memory_space<vmem>>[vector<16xi32>], vector<16xf32>,
        %add3A_1339 = arith.constant 283 : i32
        %add3A_1340 = vector.broadcast %add3A_1339 : i32 to vector<16xi32>
        %add3A_1341 = arith.addi %mul3A_306, %add3A_1340 : vector<16xi32>
        %gather3A_1342 = tpu.vector_load_idx %arg7[%add3A_1341] : memref<544xf32, #tpu.memory_space<vmem>>[vector<16xi32>], vector<16xf32>,
        %mul3A_1343 = vector.broadcast %squeeze3A_1334 : f32 to vector<16xf32>
        %mul3A_1344 = arith.mulf %gather3A_1338, %mul3A_1343 : vector<16xf32>
        %add3A_1345 = arith.constant 11 : i32
        %add3A_1346 = arith.addi %mul3A_371, %add3A_1345 : i32
        %swap3A_1347 = arith.constant 0 : i32
        %swap3A_1348 = arith.constant 0 : i32
        %swap3A_1349 = tpu.memref_slice %arg6[%scan3A_307, %swap3A_1347, %swap3A_1348] : memref<2x400x32xf32, #tpu.memory_space<vmem>> -> memref<1x400x32xf32, #tpu.memory_space<vmem>>
        %swap3A_1350 = tpu.memref_squeeze %swap3A_1349 : memref<1x400x32xf32, #tpu.memory_space<vmem>> -> memref<400x32xf32, #tpu.memory_space<vmem>>
        %swap3A_1351 = arith.index_cast %add3A_1346 : i32 to index
        %swap3A_1352 = arith.constant 0 : index
        %swap3A_1353 = tpu.vector_load %swap3A_1350[%swap3A_1351, %swap3A_1352] {strides = array<i32>} : memref<400x32xf32, #tpu.memory_space<vmem>>, vector<16xf32>,
        tpu.vector_store %swap3A_1350[%swap3A_1351, %swap3A_1352], %mul3A_1344 {strides = array<i32>} : memref<400x32xf32, #tpu.memory_space<vmem>>, vector<16xf32>,
        %mul3A_1354 = vector.broadcast %squeeze3A_1334 : f32 to vector<16xf32>
        %mul3A_1355 = arith.mulf %gather3A_1342, %mul3A_1354 : vector<16xf32>
        %add3A_1356 = arith.constant 11 : i32
        %add3A_1357 = arith.addi %mul3A_371, %add3A_1356 : i32
        %swap3A_1358 = arith.constant 0 : i32
        %swap3A_1359 = arith.constant 0 : i32
        %swap3A_1360 = tpu.memref_slice %arg6[%scan3A_307, %swap3A_1358, %swap3A_1359] : memref<2x400x32xf32, #tpu.memory_space<vmem>> -> memref<1x400x32xf32, #tpu.memory_space<vmem>>
        %swap3A_1361 = tpu.memref_squeeze %swap3A_1360 : memref<1x400x32xf32, #tpu.memory_space<vmem>> -> memref<400x32xf32, #tpu.memory_space<vmem>>
        %swap3A_1362 = arith.index_cast %add3A_1357 : i32 to index
        %swap3A_1363 = arith.constant 16 : index
        %swap3A_1364 = tpu.vector_load %swap3A_1361[%swap3A_1362, %swap3A_1363] {strides = array<i32>} : memref<400x32xf32, #tpu.memory_space<vmem>>, vector<16xf32>,
        tpu.vector_store %swap3A_1361[%swap3A_1362, %swap3A_1363], %mul3A_1355 {strides = array<i32>} : memref<400x32xf32, #tpu.memory_space<vmem>>, vector<16xf32>,
        %slice3A_1365 = vector.extract_strided_slice %div3A_983 {offsets = [12], sizes = [1], strides = [1]} : vector<16xf32> to vector<1xf32>
        %squeeze3A_1366 = vector.extract %slice3A_1365[0] : f32 from vector<1xf32>
        %add3A_1367 = arith.constant 12 : i32
        %add3A_1368 = vector.broadcast %add3A_1367 : i32 to vector<16xi32>
        %add3A_1369 = arith.addi %mul3A_306, %add3A_1368 : vector<16xi32>
        %gather3A_1370 = tpu.vector_load_idx %arg7[%add3A_1369] : memref<544xf32, #tpu.memory_space<vmem>>[vector<16xi32>], vector<16xf32>,
        %add3A_1371 = arith.constant 284 : i32
        %add3A_1372 = vector.broadcast %add3A_1371 : i32 to vector<16xi32>
        %add3A_1373 = arith.addi %mul3A_306, %add3A_1372 : vector<16xi32>
        %gather3A_1374 = tpu.vector_load_idx %arg7[%add3A_1373] : memref<544xf32, #tpu.memory_space<vmem>>[vector<16xi32>], vector<16xf32>,
        %mul3A_1375 = vector.broadcast %squeeze3A_1366 : f32 to vector<16xf32>
        %mul3A_1376 = arith.mulf %gather3A_1370, %mul3A_1375 : vector<16xf32>
        %add3A_1377 = arith.constant 12 : i32
        %add3A_1378 = arith.addi %mul3A_371, %add3A_1377 : i32
        %swap3A_1379 = arith.constant 0 : i32
        %swap3A_1380 = arith.constant 0 : i32
        %swap3A_1381 = tpu.memref_slice %arg6[%scan3A_307, %swap3A_1379, %swap3A_1380] : memref<2x400x32xf32, #tpu.memory_space<vmem>> -> memref<1x400x32xf32, #tpu.memory_space<vmem>>
        %swap3A_1382 = tpu.memref_squeeze %swap3A_1381 : memref<1x400x32xf32, #tpu.memory_space<vmem>> -> memref<400x32xf32, #tpu.memory_space<vmem>>
        %swap3A_1383 = arith.index_cast %add3A_1378 : i32 to index
        %swap3A_1384 = arith.constant 0 : index
        %swap3A_1385 = tpu.vector_load %swap3A_1382[%swap3A_1383, %swap3A_1384] {strides = array<i32>} : memref<400x32xf32, #tpu.memory_space<vmem>>, vector<16xf32>,
        tpu.vector_store %swap3A_1382[%swap3A_1383, %swap3A_1384], %mul3A_1376 {strides = array<i32>} : memref<400x32xf32, #tpu.memory_space<vmem>>, vector<16xf32>,
        %mul3A_1386 = vector.broadcast %squeeze3A_1366 : f32 to vector<16xf32>
        %mul3A_1387 = arith.mulf %gather3A_1374, %mul3A_1386 : vector<16xf32>
        %add3A_1388 = arith.constant 12 : i32
        %add3A_1389 = arith.addi %mul3A_371, %add3A_1388 : i32
        %swap3A_1390 = arith.constant 0 : i32
        %swap3A_1391 = arith.constant 0 : i32
        %swap3A_1392 = tpu.memref_slice %arg6[%scan3A_307, %swap3A_1390, %swap3A_1391] : memref<2x400x32xf32, #tpu.memory_space<vmem>> -> memref<1x400x32xf32, #tpu.memory_space<vmem>>
        %swap3A_1393 = tpu.memref_squeeze %swap3A_1392 : memref<1x400x32xf32, #tpu.memory_space<vmem>> -> memref<400x32xf32, #tpu.memory_space<vmem>>
        %swap3A_1394 = arith.index_cast %add3A_1389 : i32 to index
        %swap3A_1395 = arith.constant 16 : index
        %swap3A_1396 = tpu.vector_load %swap3A_1393[%swap3A_1394, %swap3A_1395] {strides = array<i32>} : memref<400x32xf32, #tpu.memory_space<vmem>>, vector<16xf32>,
        tpu.vector_store %swap3A_1393[%swap3A_1394, %swap3A_1395], %mul3A_1387 {strides = array<i32>} : memref<400x32xf32, #tpu.memory_space<vmem>>, vector<16xf32>,
        %slice3A_1397 = vector.extract_strided_slice %div3A_983 {offsets = [13], sizes = [1], strides = [1]} : vector<16xf32> to vector<1xf32>
        %squeeze3A_1398 = vector.extract %slice3A_1397[0] : f32 from vector<1xf32>
        %add3A_1399 = arith.constant 13 : i32
        %add3A_1400 = vector.broadcast %add3A_1399 : i32 to vector<16xi32>
        %add3A_1401 = arith.addi %mul3A_306, %add3A_1400 : vector<16xi32>
        %gather3A_1402 = tpu.vector_load_idx %arg7[%add3A_1401] : memref<544xf32, #tpu.memory_space<vmem>>[vector<16xi32>], vector<16xf32>,
        %add3A_1403 = arith.constant 285 : i32
        %add3A_1404 = vector.broadcast %add3A_1403 : i32 to vector<16xi32>
        %add3A_1405 = arith.addi %mul3A_306, %add3A_1404 : vector<16xi32>
        %gather3A_1406 = tpu.vector_load_idx %arg7[%add3A_1405] : memref<544xf32, #tpu.memory_space<vmem>>[vector<16xi32>], vector<16xf32>,
        %mul3A_1407 = vector.broadcast %squeeze3A_1398 : f32 to vector<16xf32>
        %mul3A_1408 = arith.mulf %gather3A_1402, %mul3A_1407 : vector<16xf32>
        %add3A_1409 = arith.constant 13 : i32
        %add3A_1410 = arith.addi %mul3A_371, %add3A_1409 : i32
        %swap3A_1411 = arith.constant 0 : i32
        %swap3A_1412 = arith.constant 0 : i32
        %swap3A_1413 = tpu.memref_slice %arg6[%scan3A_307, %swap3A_1411, %swap3A_1412] : memref<2x400x32xf32, #tpu.memory_space<vmem>> -> memref<1x400x32xf32, #tpu.memory_space<vmem>>
        %swap3A_1414 = tpu.memref_squeeze %swap3A_1413 : memref<1x400x32xf32, #tpu.memory_space<vmem>> -> memref<400x32xf32, #tpu.memory_space<vmem>>
        %swap3A_1415 = arith.index_cast %add3A_1410 : i32 to index
        %swap3A_1416 = arith.constant 0 : index
        %swap3A_1417 = tpu.vector_load %swap3A_1414[%swap3A_1415, %swap3A_1416] {strides = array<i32>} : memref<400x32xf32, #tpu.memory_space<vmem>>, vector<16xf32>,
        tpu.vector_store %swap3A_1414[%swap3A_1415, %swap3A_1416], %mul3A_1408 {strides = array<i32>} : memref<400x32xf32, #tpu.memory_space<vmem>>, vector<16xf32>,
        %mul3A_1418 = vector.broadcast %squeeze3A_1398 : f32 to vector<16xf32>
        %mul3A_1419 = arith.mulf %gather3A_1406, %mul3A_1418 : vector<16xf32>
        %add3A_1420 = arith.constant 13 : i32
        %add3A_1421 = arith.addi %mul3A_371, %add3A_1420 : i32
        %swap3A_1422 = arith.constant 0 : i32
        %swap3A_1423 = arith.constant 0 : i32
        %swap3A_1424 = tpu.memref_slice %arg6[%scan3A_307, %swap3A_1422, %swap3A_1423] : memref<2x400x32xf32, #tpu.memory_space<vmem>> -> memref<1x400x32xf32, #tpu.memory_space<vmem>>
        %swap3A_1425 = tpu.memref_squeeze %swap3A_1424 : memref<1x400x32xf32, #tpu.memory_space<vmem>> -> memref<400x32xf32, #tpu.memory_space<vmem>>
        %swap3A_1426 = arith.index_cast %add3A_1421 : i32 to index
        %swap3A_1427 = arith.constant 16 : index
        %swap3A_1428 = tpu.vector_load %swap3A_1425[%swap3A_1426, %swap3A_1427] {strides = array<i32>} : memref<400x32xf32, #tpu.memory_space<vmem>>, vector<16xf32>,
        tpu.vector_store %swap3A_1425[%swap3A_1426, %swap3A_1427], %mul3A_1419 {strides = array<i32>} : memref<400x32xf32, #tpu.memory_space<vmem>>, vector<16xf32>,
        %slice3A_1429 = vector.extract_strided_slice %div3A_983 {offsets = [14], sizes = [1], strides = [1]} : vector<16xf32> to vector<1xf32>
        %squeeze3A_1430 = vector.extract %slice3A_1429[0] : f32 from vector<1xf32>
        %add3A_1431 = arith.constant 14 : i32
        %add3A_1432 = vector.broadcast %add3A_1431 : i32 to vector<16xi32>
        %add3A_1433 = arith.addi %mul3A_306, %add3A_1432 : vector<16xi32>
        %gather3A_1434 = tpu.vector_load_idx %arg7[%add3A_1433] : memref<544xf32, #tpu.memory_space<vmem>>[vector<16xi32>], vector<16xf32>,
        %add3A_1435 = arith.constant 286 : i32
        %add3A_1436 = vector.broadcast %add3A_1435 : i32 to vector<16xi32>
        %add3A_1437 = arith.addi %mul3A_306, %add3A_1436 : vector<16xi32>
        %gather3A_1438 = tpu.vector_load_idx %arg7[%add3A_1437] : memref<544xf32, #tpu.memory_space<vmem>>[vector<16xi32>], vector<16xf32>,
        %mul3A_1439 = vector.broadcast %squeeze3A_1430 : f32 to vector<16xf32>
        %mul3A_1440 = arith.mulf %gather3A_1434, %mul3A_1439 : vector<16xf32>
        %add3A_1441 = arith.constant 14 : i32
        %add3A_1442 = arith.addi %mul3A_371, %add3A_1441 : i32
        %swap3A_1443 = arith.constant 0 : i32
        %swap3A_1444 = arith.constant 0 : i32
        %swap3A_1445 = tpu.memref_slice %arg6[%scan3A_307, %swap3A_1443, %swap3A_1444] : memref<2x400x32xf32, #tpu.memory_space<vmem>> -> memref<1x400x32xf32, #tpu.memory_space<vmem>>
        %swap3A_1446 = tpu.memref_squeeze %swap3A_1445 : memref<1x400x32xf32, #tpu.memory_space<vmem>> -> memref<400x32xf32, #tpu.memory_space<vmem>>
        %swap3A_1447 = arith.index_cast %add3A_1442 : i32 to index
        %swap3A_1448 = arith.constant 0 : index
        %swap3A_1449 = tpu.vector_load %swap3A_1446[%swap3A_1447, %swap3A_1448] {strides = array<i32>} : memref<400x32xf32, #tpu.memory_space<vmem>>, vector<16xf32>,
        tpu.vector_store %swap3A_1446[%swap3A_1447, %swap3A_1448], %mul3A_1440 {strides = array<i32>} : memref<400x32xf32, #tpu.memory_space<vmem>>, vector<16xf32>,
        %mul3A_1450 = vector.broadcast %squeeze3A_1430 : f32 to vector<16xf32>
        %mul3A_1451 = arith.mulf %gather3A_1438, %mul3A_1450 : vector<16xf32>
        %add3A_1452 = arith.constant 14 : i32
        %add3A_1453 = arith.addi %mul3A_371, %add3A_1452 : i32
        %swap3A_1454 = arith.constant 0 : i32
        %swap3A_1455 = arith.constant 0 : i32
        %swap3A_1456 = tpu.memref_slice %arg6[%scan3A_307, %swap3A_1454, %swap3A_1455] : memref<2x400x32xf32, #tpu.memory_space<vmem>> -> memref<1x400x32xf32, #tpu.memory_space<vmem>>
        %swap3A_1457 = tpu.memref_squeeze %swap3A_1456 : memref<1x400x32xf32, #tpu.memory_space<vmem>> -> memref<400x32xf32, #tpu.memory_space<vmem>>
        %swap3A_1458 = arith.index_cast %add3A_1453 : i32 to index
        %swap3A_1459 = arith.constant 16 : index
        %swap3A_1460 = tpu.vector_load %swap3A_1457[%swap3A_1458, %swap3A_1459] {strides = array<i32>} : memref<400x32xf32, #tpu.memory_space<vmem>>, vector<16xf32>,
        tpu.vector_store %swap3A_1457[%swap3A_1458, %swap3A_1459], %mul3A_1451 {strides = array<i32>} : memref<400x32xf32, #tpu.memory_space<vmem>>, vector<16xf32>,
        %slice3A_1461 = vector.extract_strided_slice %div3A_983 {offsets = [15], sizes = [1], strides = [1]} : vector<16xf32> to vector<1xf32>
        %squeeze3A_1462 = vector.extract %slice3A_1461[0] : f32 from vector<1xf32>
        %add3A_1463 = arith.constant 15 : i32
        %add3A_1464 = vector.broadcast %add3A_1463 : i32 to vector<16xi32>
        %add3A_1465 = arith.addi %mul3A_306, %add3A_1464 : vector<16xi32>
        %gather3A_1466 = tpu.vector_load_idx %arg7[%add3A_1465] : memref<544xf32, #tpu.memory_space<vmem>>[vector<16xi32>], vector<16xf32>,
        %add3A_1467 = arith.constant 287 : i32
        %add3A_1468 = vector.broadcast %add3A_1467 : i32 to vector<16xi32>
        %add3A_1469 = arith.addi %mul3A_306, %add3A_1468 : vector<16xi32>
        %gather3A_1470 = tpu.vector_load_idx %arg7[%add3A_1469] : memref<544xf32, #tpu.memory_space<vmem>>[vector<16xi32>], vector<16xf32>,
        %mul3A_1471 = vector.broadcast %squeeze3A_1462 : f32 to vector<16xf32>
        %mul3A_1472 = arith.mulf %gather3A_1466, %mul3A_1471 : vector<16xf32>
        %add3A_1473 = arith.constant 15 : i32
        %add3A_1474 = arith.addi %mul3A_371, %add3A_1473 : i32
        %swap3A_1475 = arith.constant 0 : i32
        %swap3A_1476 = arith.constant 0 : i32
        %swap3A_1477 = tpu.memref_slice %arg6[%scan3A_307, %swap3A_1475, %swap3A_1476] : memref<2x400x32xf32, #tpu.memory_space<vmem>> -> memref<1x400x32xf32, #tpu.memory_space<vmem>>
        %swap3A_1478 = tpu.memref_squeeze %swap3A_1477 : memref<1x400x32xf32, #tpu.memory_space<vmem>> -> memref<400x32xf32, #tpu.memory_space<vmem>>
        %swap3A_1479 = arith.index_cast %add3A_1474 : i32 to index
        %swap3A_1480 = arith.constant 0 : index
        %swap3A_1481 = tpu.vector_load %swap3A_1478[%swap3A_1479, %swap3A_1480] {strides = array<i32>} : memref<400x32xf32, #tpu.memory_space<vmem>>, vector<16xf32>,
        tpu.vector_store %swap3A_1478[%swap3A_1479, %swap3A_1480], %mul3A_1472 {strides = array<i32>} : memref<400x32xf32, #tpu.memory_space<vmem>>, vector<16xf32>,
        %mul3A_1482 = vector.broadcast %squeeze3A_1462 : f32 to vector<16xf32>
        %mul3A_1483 = arith.mulf %gather3A_1470, %mul3A_1482 : vector<16xf32>
        %add3A_1484 = arith.constant 15 : i32
        %add3A_1485 = arith.addi %mul3A_371, %add3A_1484 : i32
        %swap3A_1486 = arith.constant 0 : i32
        %swap3A_1487 = arith.constant 0 : i32
        %swap3A_1488 = tpu.memref_slice %arg6[%scan3A_307, %swap3A_1486, %swap3A_1487] : memref<2x400x32xf32, #tpu.memory_space<vmem>> -> memref<1x400x32xf32, #tpu.memory_space<vmem>>
        %swap3A_1489 = tpu.memref_squeeze %swap3A_1488 : memref<1x400x32xf32, #tpu.memory_space<vmem>> -> memref<400x32xf32, #tpu.memory_space<vmem>>
        %swap3A_1490 = arith.index_cast %add3A_1485 : i32 to index
        %swap3A_1491 = arith.constant 16 : index
        %swap3A_1492 = tpu.vector_load %swap3A_1489[%swap3A_1490, %swap3A_1491] {strides = array<i32>} : memref<400x32xf32, #tpu.memory_space<vmem>>, vector<16xf32>,
        tpu.vector_store %swap3A_1489[%swap3A_1490, %swap3A_1491], %mul3A_1483 {strides = array<i32>} : memref<400x32xf32, #tpu.memory_space<vmem>>, vector<16xf32>,
        %scan3A_1493 = arith.constant 0 : i32
        scf.yield %scan3A_1493 : i32
      }
      %scan3A_314 = arith.constant 25 : i32
      %mul3A_315 = arith.constant 2 : i32
      %mul3A_316 = arith.muli %add3A_245, %mul3A_315 : i32
      %add3A_317 = arith.addi %mul3A_2, %mul3A_316 : i32
      %add3A_318 = arith.constant 0 : i32
      %add3A_319 = arith.addi %add3A_317, %add3A_318 : i32
      %mul3A_320 = arith.constant 200 : i32
      %mul3A_321 = arith.muli %add3A_319, %mul3A_320 : i32
      %dma_start3A_322 = arith.constant 1 : i32
      %dma_start3A_323 = arith.constant 0 : i32
      %dma_start3A_324 = arith.constant 0 : i32
      %dma_start3A_325 = tpu.memref_slice %arg6[%dma_start3A_322, %dma_start3A_323, %dma_start3A_324] : memref<2x400x32xf32, #tpu.memory_space<vmem>> -> memref<1x400x32xf32, #tpu.memory_space<vmem>>
      %dma_start3A_326 = tpu.memref_squeeze %dma_start3A_325 : memref<1x400x32xf32, #tpu.memory_space<vmem>> -> memref<400x32xf32, #tpu.memory_space<vmem>>
      %dma_start3A_327 = arith.constant 0 : i32
      %dma_start3A_328 = arith.constant 0 : i32
      %dma_start3A_329 = tpu.memref_slice %dma_start3A_326[%dma_start3A_327, %dma_start3A_328] : memref<400x32xf32, #tpu.memory_space<vmem>> -> memref<200x32xf32, #tpu.memory_space<vmem>>
      %dma_start3A_330 = arith.constant 0 : i32
      %dma_start3A_331 = tpu.memref_slice %arg4[%mul3A_321, %dma_start3A_330] : memref<819200x32xf32, #tpu.memory_space<hbm>> -> memref<200x32xf32, #tpu.memory_space<hbm>>
      %dma_start3A_332 = arith.constant 0 : i32
      %dma_start3A_333 = tpu.memref_slice %arg4[%mul3A_321, %dma_start3A_332] : memref<819200x32xf32, #tpu.memory_space<hbm>> -> memref<200x32xf32, #tpu.memory_space<hbm>>
      %dma_start3A_334 = arith.constant 0 : i32
      %dma_start3A_335 = arith.constant 0 : i32
      %dma_start3A_336 = tpu.memref_slice %arg6[%dma_start3A_322, %dma_start3A_334, %dma_start3A_335] : memref<2x400x32xf32, #tpu.memory_space<vmem>> -> memref<1x400x32xf32, #tpu.memory_space<vmem>>
      %dma_start3A_337 = tpu.memref_squeeze %dma_start3A_336 : memref<1x400x32xf32, #tpu.memory_space<vmem>> -> memref<400x32xf32, #tpu.memory_space<vmem>>
      %dma_start3A_338 = arith.constant 0 : i32
      %dma_start3A_339 = arith.constant 0 : i32
      %dma_start3A_340 = tpu.memref_slice %dma_start3A_337[%dma_start3A_338, %dma_start3A_339] : memref<400x32xf32, #tpu.memory_space<vmem>> -> memref<200x32xf32, #tpu.memory_space<vmem>>
      tpu.enqueue_dma source(%dma_start3A_340 : memref<200x32xf32, #tpu.memory_space<vmem>>) target(%dma_start3A_333 : memref<200x32xf32, #tpu.memory_space<hbm>>) target_semaphore(%arg11 : memref<!tpu.dma_semaphore, #tpu.memory_space<semaphore_mem>>)
      %mul3A_341 = arith.constant 2 : i32
      %mul3A_342 = arith.muli %add3A_245, %mul3A_341 : i32
      %add3A_343 = arith.addi %mul3A_2, %mul3A_342 : i32
      %add3A_344 = arith.constant 1 : i32
      %add3A_345 = arith.addi %add3A_343, %add3A_344 : i32
      %mul3A_346 = arith.constant 200 : i32
      %mul3A_347 = arith.muli %add3A_345, %mul3A_346 : i32
      %dma_start3A_348 = arith.constant 1 : i32
      %dma_start3A_349 = arith.constant 0 : i32
      %dma_start3A_350 = arith.constant 0 : i32
      %dma_start3A_351 = tpu.memref_slice %arg6[%dma_start3A_348, %dma_start3A_349, %dma_start3A_350] : memref<2x400x32xf32, #tpu.memory_space<vmem>> -> memref<1x400x32xf32, #tpu.memory_space<vmem>>
      %dma_start3A_352 = tpu.memref_squeeze %dma_start3A_351 : memref<1x400x32xf32, #tpu.memory_space<vmem>> -> memref<400x32xf32, #tpu.memory_space<vmem>>
      %dma_start3A_353 = arith.constant 200 : i32
      %dma_start3A_354 = arith.constant 0 : i32
      %dma_start3A_355 = tpu.memref_slice %dma_start3A_352[%dma_start3A_353, %dma_start3A_354] : memref<400x32xf32, #tpu.memory_space<vmem>> -> memref<200x32xf32, #tpu.memory_space<vmem>>
      %dma_start3A_356 = arith.constant 0 : i32
      %dma_start3A_357 = tpu.memref_slice %arg4[%mul3A_347, %dma_start3A_356] : memref<819200x32xf32, #tpu.memory_space<hbm>> -> memref<200x32xf32, #tpu.memory_space<hbm>>
      %dma_start3A_358 = arith.constant 0 : i32
      %dma_start3A_359 = tpu.memref_slice %arg4[%mul3A_347, %dma_start3A_358] : memref<819200x32xf32, #tpu.memory_space<hbm>> -> memref<200x32xf32, #tpu.memory_space<hbm>>
      %dma_start3A_360 = arith.constant 0 : i32
      %dma_start3A_361 = arith.constant 0 : i32
      %dma_start3A_362 = tpu.memref_slice %arg6[%dma_start3A_348, %dma_start3A_360, %dma_start3A_361] : memref<2x400x32xf32, #tpu.memory_space<vmem>> -> memref<1x400x32xf32, #tpu.memory_space<vmem>>
      %dma_start3A_363 = tpu.memref_squeeze %dma_start3A_362 : memref<1x400x32xf32, #tpu.memory_space<vmem>> -> memref<400x32xf32, #tpu.memory_space<vmem>>
      %dma_start3A_364 = arith.constant 200 : i32
      %dma_start3A_365 = arith.constant 0 : i32
      %dma_start3A_366 = tpu.memref_slice %dma_start3A_363[%dma_start3A_364, %dma_start3A_365] : memref<400x32xf32, #tpu.memory_space<vmem>> -> memref<200x32xf32, #tpu.memory_space<vmem>>
      tpu.enqueue_dma source(%dma_start3A_366 : memref<200x32xf32, #tpu.memory_space<vmem>>) target(%dma_start3A_359 : memref<200x32xf32, #tpu.memory_space<hbm>>) target_semaphore(%arg11 : memref<!tpu.dma_semaphore, #tpu.memory_space<semaphore_mem>>)
      %scan3A_367 = arith.constant 0 : i32
      scf.yield %scan3A_367 : i32
    }
    %scan3A_37 = arith.constant 32 : i32
    %dma_wait3A = arith.constant 0 : i32
    %dma_wait3A_38 = arith.constant 0 : i32
    %dma_wait3A_39 = arith.constant 0 : i32
    %dma_wait3A_40 = tpu.memref_slice %arg6[%dma_wait3A, %dma_wait3A_38, %dma_wait3A_39] : memref<2x400x32xf32, #tpu.memory_space<vmem>> -> memref<1x400x32xf32, #tpu.memory_space<vmem>>
    %dma_wait3A_41 = tpu.memref_squeeze %dma_wait3A_40 : memref<1x400x32xf32, #tpu.memory_space<vmem>> -> memref<400x32xf32, #tpu.memory_space<vmem>>
    %dma_wait3A_42 = arith.constant 0 : i32
    %dma_wait3A_43 = arith.constant 0 : i32
    %dma_wait3A_44 = tpu.memref_slice %dma_wait3A_41[%dma_wait3A_42, %dma_wait3A_43] : memref<400x32xf32, #tpu.memory_space<vmem>> -> memref<200x32xf32, #tpu.memory_space<vmem>>
    %dma_wait3A_45 = arith.constant 0 : i32
    %dma_wait3A_46 = arith.constant 0 : i32
    %dma_wait3A_47 = tpu.memref_slice %arg4[%dma_wait3A_45, %dma_wait3A_46] : memref<819200x32xf32, #tpu.memory_space<hbm>> -> memref<200x32xf32, #tpu.memory_space<hbm>>
    %dma_wait3A_48 = arith.constant 0 : i32
    %dma_wait3A_49 = arith.constant 0 : i32
    %dma_wait3A_50 = tpu.memref_slice %arg4[%dma_wait3A_48, %dma_wait3A_49] : memref<819200x32xf32, #tpu.memory_space<hbm>> -> memref<200x32xf32, #tpu.memory_space<hbm>>
    %dma_wait3A_51 = arith.constant 0 : i32
    %dma_wait3A_52 = arith.constant 0 : i32
    %dma_wait3A_53 = tpu.memref_slice %arg6[%dma_wait3A, %dma_wait3A_51, %dma_wait3A_52] : memref<2x400x32xf32, #tpu.memory_space<vmem>> -> memref<1x400x32xf32, #tpu.memory_space<vmem>>
    %dma_wait3A_54 = tpu.memref_squeeze %dma_wait3A_53 : memref<1x400x32xf32, #tpu.memory_space<vmem>> -> memref<400x32xf32, #tpu.memory_space<vmem>>
    %dma_wait3A_55 = arith.constant 0 : i32
    %dma_wait3A_56 = arith.constant 0 : i32
    %dma_wait3A_57 = tpu.memref_slice %dma_wait3A_54[%dma_wait3A_55, %dma_wait3A_56] : memref<400x32xf32, #tpu.memory_space<vmem>> -> memref<200x32xf32, #tpu.memory_space<vmem>>
    tpu.wait_dma2 semaphore(%arg10 : memref<!tpu.dma_semaphore, #tpu.memory_space<semaphore_mem>>) src(%dma_wait3A_57 : memref<200x32xf32, #tpu.memory_space<vmem>>) dst(%dma_wait3A_50 : memref<200x32xf32, #tpu.memory_space<hbm>>)
    %dma_wait3A_58 = arith.constant 0 : i32
    %dma_wait3A_59 = arith.constant 0 : i32
    %dma_wait3A_60 = arith.constant 0 : i32
    %dma_wait3A_61 = tpu.memref_slice %arg6[%dma_wait3A_58, %dma_wait3A_59, %dma_wait3A_60] : memref<2x400x32xf32, #tpu.memory_space<vmem>> -> memref<1x400x32xf32, #tpu.memory_space<vmem>>
    %dma_wait3A_62 = tpu.memref_squeeze %dma_wait3A_61 : memref<1x400x32xf32, #tpu.memory_space<vmem>> -> memref<400x32xf32, #tpu.memory_space<vmem>>
    %dma_wait3A_63 = arith.constant 0 : i32
    %dma_wait3A_64 = arith.constant 0 : i32
    %dma_wait3A_65 = tpu.memref_slice %dma_wait3A_62[%dma_wait3A_63, %dma_wait3A_64] : memref<400x32xf32, #tpu.memory_space<vmem>> -> memref<200x32xf32, #tpu.memory_space<vmem>>
    %dma_wait3A_66 = arith.constant 0 : i32
    %dma_wait3A_67 = arith.constant 0 : i32
    %dma_wait3A_68 = tpu.memref_slice %arg4[%dma_wait3A_66, %dma_wait3A_67] : memref<819200x32xf32, #tpu.memory_space<hbm>> -> memref<200x32xf32, #tpu.memory_space<hbm>>
    %dma_wait3A_69 = arith.constant 0 : i32
    %dma_wait3A_70 = arith.constant 0 : i32
    %dma_wait3A_71 = tpu.memref_slice %arg4[%dma_wait3A_69, %dma_wait3A_70] : memref<819200x32xf32, #tpu.memory_space<hbm>> -> memref<200x32xf32, #tpu.memory_space<hbm>>
    %dma_wait3A_72 = arith.constant 0 : i32
    %dma_wait3A_73 = arith.constant 0 : i32
    %dma_wait3A_74 = tpu.memref_slice %arg6[%dma_wait3A_58, %dma_wait3A_72, %dma_wait3A_73] : memref<2x400x32xf32, #tpu.memory_space<vmem>> -> memref<1x400x32xf32, #tpu.memory_space<vmem>>
    %dma_wait3A_75 = tpu.memref_squeeze %dma_wait3A_74 : memref<1x400x32xf32, #tpu.memory_space<vmem>> -> memref<400x32xf32, #tpu.memory_space<vmem>>
    %dma_wait3A_76 = arith.constant 0 : i32
    %dma_wait3A_77 = arith.constant 0 : i32
    %dma_wait3A_78 = tpu.memref_slice %dma_wait3A_75[%dma_wait3A_76, %dma_wait3A_77] : memref<400x32xf32, #tpu.memory_space<vmem>> -> memref<200x32xf32, #tpu.memory_space<vmem>>
    tpu.wait_dma2 semaphore(%arg10 : memref<!tpu.dma_semaphore, #tpu.memory_space<semaphore_mem>>) src(%dma_wait3A_78 : memref<200x32xf32, #tpu.memory_space<vmem>>) dst(%dma_wait3A_71 : memref<200x32xf32, #tpu.memory_space<hbm>>)
    %dma_wait3A_79 = arith.constant 1 : i32
    %dma_wait3A_80 = arith.constant 0 : i32
    %dma_wait3A_81 = arith.constant 0 : i32
    %dma_wait3A_82 = tpu.memref_slice %arg6[%dma_wait3A_79, %dma_wait3A_80, %dma_wait3A_81] : memref<2x400x32xf32, #tpu.memory_space<vmem>> -> memref<1x400x32xf32, #tpu.memory_space<vmem>>
    %dma_wait3A_83 = tpu.memref_squeeze %dma_wait3A_82 : memref<1x400x32xf32, #tpu.memory_space<vmem>> -> memref<400x32xf32, #tpu.memory_space<vmem>>
    %dma_wait3A_84 = arith.constant 0 : i32
    %dma_wait3A_85 = arith.constant 0 : i32
    %dma_wait3A_86 = tpu.memref_slice %dma_wait3A_83[%dma_wait3A_84, %dma_wait3A_85] : memref<400x32xf32, #tpu.memory_space<vmem>> -> memref<200x32xf32, #tpu.memory_space<vmem>>
    %dma_wait3A_87 = arith.constant 0 : i32
    %dma_wait3A_88 = arith.constant 0 : i32
    %dma_wait3A_89 = tpu.memref_slice %arg4[%dma_wait3A_87, %dma_wait3A_88] : memref<819200x32xf32, #tpu.memory_space<hbm>> -> memref<200x32xf32, #tpu.memory_space<hbm>>
    %dma_wait3A_90 = arith.constant 0 : i32
    %dma_wait3A_91 = arith.constant 0 : i32
    %dma_wait3A_92 = tpu.memref_slice %arg4[%dma_wait3A_90, %dma_wait3A_91] : memref<819200x32xf32, #tpu.memory_space<hbm>> -> memref<200x32xf32, #tpu.memory_space<hbm>>
    %dma_wait3A_93 = arith.constant 0 : i32
    %dma_wait3A_94 = arith.constant 0 : i32
    %dma_wait3A_95 = tpu.memref_slice %arg6[%dma_wait3A_79, %dma_wait3A_93, %dma_wait3A_94] : memref<2x400x32xf32, #tpu.memory_space<vmem>> -> memref<1x400x32xf32, #tpu.memory_space<vmem>>
    %dma_wait3A_96 = tpu.memref_squeeze %dma_wait3A_95 : memref<1x400x32xf32, #tpu.memory_space<vmem>> -> memref<400x32xf32, #tpu.memory_space<vmem>>
    %dma_wait3A_97 = arith.constant 0 : i32
    %dma_wait3A_98 = arith.constant 0 : i32
    %dma_wait3A_99 = tpu.memref_slice %dma_wait3A_96[%dma_wait3A_97, %dma_wait3A_98] : memref<400x32xf32, #tpu.memory_space<vmem>> -> memref<200x32xf32, #tpu.memory_space<vmem>>
    tpu.wait_dma2 semaphore(%arg11 : memref<!tpu.dma_semaphore, #tpu.memory_space<semaphore_mem>>) src(%dma_wait3A_99 : memref<200x32xf32, #tpu.memory_space<vmem>>) dst(%dma_wait3A_92 : memref<200x32xf32, #tpu.memory_space<hbm>>)
    %dma_wait3A_100 = arith.constant 1 : i32
    %dma_wait3A_101 = arith.constant 0 : i32
    %dma_wait3A_102 = arith.constant 0 : i32
    %dma_wait3A_103 = tpu.memref_slice %arg6[%dma_wait3A_100, %dma_wait3A_101, %dma_wait3A_102] : memref<2x400x32xf32, #tpu.memory_space<vmem>> -> memref<1x400x32xf32, #tpu.memory_space<vmem>>
    %dma_wait3A_104 = tpu.memref_squeeze %dma_wait3A_103 : memref<1x400x32xf32, #tpu.memory_space<vmem>> -> memref<400x32xf32, #tpu.memory_space<vmem>>
    %dma_wait3A_105 = arith.constant 0 : i32
    %dma_wait3A_106 = arith.constant 0 : i32
    %dma_wait3A_107 = tpu.memref_slice %dma_wait3A_104[%dma_wait3A_105, %dma_wait3A_106] : memref<400x32xf32, #tpu.memory_space<vmem>> -> memref<200x32xf32, #tpu.memory_space<vmem>>
    %dma_wait3A_108 = arith.constant 0 : i32
    %dma_wait3A_109 = arith.constant 0 : i32
    %dma_wait3A_110 = tpu.memref_slice %arg4[%dma_wait3A_108, %dma_wait3A_109] : memref<819200x32xf32, #tpu.memory_space<hbm>> -> memref<200x32xf32, #tpu.memory_space<hbm>>
    %dma_wait3A_111 = arith.constant 0 : i32
    %dma_wait3A_112 = arith.constant 0 : i32
    %dma_wait3A_113 = tpu.memref_slice %arg4[%dma_wait3A_111, %dma_wait3A_112] : memref<819200x32xf32, #tpu.memory_space<hbm>> -> memref<200x32xf32, #tpu.memory_space<hbm>>
    %dma_wait3A_114 = arith.constant 0 : i32
    %dma_wait3A_115 = arith.constant 0 : i32
    %dma_wait3A_116 = tpu.memref_slice %arg6[%dma_wait3A_100, %dma_wait3A_114, %dma_wait3A_115] : memref<2x400x32xf32, #tpu.memory_space<vmem>> -> memref<1x400x32xf32, #tpu.memory_space<vmem>>
    %dma_wait3A_117 = tpu.memref_squeeze %dma_wait3A_116 : memref<1x400x32xf32, #tpu.memory_space<vmem>> -> memref<400x32xf32, #tpu.memory_space<vmem>>
    %dma_wait3A_118 = arith.constant 0 : i32
    %dma_wait3A_119 = arith.constant 0 : i32
    %dma_wait3A_120 = tpu.memref_slice %dma_wait3A_117[%dma_wait3A_118, %dma_wait3A_119] : memref<400x32xf32, #tpu.memory_space<vmem>> -> memref<200x32xf32, #tpu.memory_space<vmem>>
    tpu.wait_dma2 semaphore(%arg11 : memref<!tpu.dma_semaphore, #tpu.memory_space<semaphore_mem>>) src(%dma_wait3A_120 : memref<200x32xf32, #tpu.memory_space<vmem>>) dst(%dma_wait3A_113 : memref<200x32xf32, #tpu.memory_space<hbm>>)
    return
  }
}

</mosaic_0001>

<sc_bundles>
// kernel: kernel.3.cloned.1.call-start
scs
__scs_entry_jumppad:
0x0: {  	(pc) =	sbr.rel $0x88, $3  }
0x1: {  	(tag) =	ssettag $0x0;
	lr =	simm.s32 $0x1  }
0x2: {  	[smem:$0x3F9F] =	sst lr;
	_ =	strace $0xD0000000  }
0x3: {  	_ = 	snop  }
0x4: {  	_ = 	snop  }
0x5: {  	_ = 	snop  }
0x6: {  	_ = 	snop  }
0x7: {  	_ = 	snop  }
__scs_overlays_trampoline_lowered:
0x8: {  	[smem:$0x3FAE] =	sst s0  }
0x9: {  	[smem:$0x3FAF] =	sst s1  }
0xa: {  	[smem:$0x3FB0] =	sst s2  }
0xb: {  	[smem:$0x3FB1] =	sst s3  }
0xc: {  	[smem:$0x3FB2] =	sst s4  }
0xd: {  	[smem:$0x3FB3] =	sst s5  }
0xe: {  	[smem:$0x3FB4] =	sst s6  }
0xf: {  	[smem:$0x3FB5] =	sst s7  }
0x10: {  	[smem:$0x3FB6] =	sst s8  }
0x11: {  	[smem:$0x3FB7] =	sst s9;
	s0 =	simm.s32 @!p0 $0x0  }
0x12: {  	s1 =	sld [smem:$0x3F9D];
	s0 =	simm.s32 @p0 $0x1  }
0x13: {  	[smem:$0x3FB8] =	sst s0;
	s0 =	simm.s32 @!p1 $0x0  }
0x14: {  	s2 =	sld [smem:$0x3F9C];
	s0 =	simm.s32 @p1 $0x1  }
0x15: {  	[smem:$0x3FB9] =	sst s0;
	s0 =	simm.s32 @!p2 $0x0  }
0x16: {  	s3 =	sld [smem:$0x3FDB];
	s0 =	simm.s32 @p2 $0x1  }
0x17: {  	s4 =	simm.s32 $0x1BF5;
	[smem:$0x3FBB] =	sst s0  }
0x18: {  	s0 =	sld [smem:$0x3F9E];
	_ =	swait.ge [sflag:s4], $0x0  }
0x19: {  	s7 =	sld [smem:$0x3F9F]  }
0x1a: {  	s8 =	sadd.s32 $0xFFFFE003, lr  }
0x1b: {  	s9 =	sadd.s32 $0xFFFFFEF7, lr;
	s5 =	simm.s32 $0xFFFFFFFF;
	p2 =	slt.u32 s8, $0xFFFFF086  }
0x1c: {  	p1 =	slt.u32 s9, $0xF7A;
	s5 =	simm.s32 @!p2 $0x0  }
0x1d: {  	s5 =	simm.s32 @p1 $0x1;
	p0 =	seq.s32 s7, s2  }
0x1e: {  	s7 =	smul.u32 @!p0 $0xF7A, s2;
	p2 =	seq.s32 @!p0 s5, $0x0  }
0x1f: {  	s9 =	smul.u32 $0xF7A, s1;
	s8 =	simm.s32 @!p0 $0x1BF5;
	p2 =	por !p2, p0  }
0x20: {  	[sflag:s8] =	ssyncset.s32 @!p0 $0xFFFFF086;
	s6 =	sadd.s32 @!p0 s3, s7;
	s7 =	simm.s32 @!p0 $0x108  }
0x21: {  	s3 =	sadd.s32 s3, s9;
	s6 =	sadd.s32 @!p0 $0x88, s6;
	s7 =	simm.s32 @p2 $0x1082  }
0x22: {  	[simem:s7], [sflag:s8] =	dma.local @!p0 [hbm:s6], $0xF7A  }
0x23: {  	s9 =	sor.u32 $0xD0000000, s2;
	s6 =	simm.s32 $0x108;
	_ =	swait.ge @!p0 [sflag:s8], $0x0  }
0x24: {  	s3 =	sadd.s32 $0x88, s3;
	s6 =	simm.s32 @!p1 $0x1082;
	[sflag:s4] =	ssyncset.s32 $0xFFFFF086  }
0x25: {  	[simem:s6], [sflag:s4] =	dma.local [hbm:s3], $0xF7A  }
0x26: {  	[smem:$0x3F9F] =	sst s1;
	(tag) =	ssettag s2;
	_ =	strace s9  }
0x27: {  	s1 =	sld [smem:$0x3FAF]  }
0x28: {  	s2 =	sld [smem:$0x3FB0]  }
0x29: {  	s4 =	sld [smem:$0x3FB2]  }
0x2a: {  	p0 =	seq.s32 s5, $0x0;
	s5 =	sld [smem:$0x3FB3]  }
0x2b: {  	s6 =	sld [smem:$0x3FB4]  }
0x2c: {  	s7 =	sld [smem:$0x3FB5]  }
0x2d: {  	s3 =	simm.s32 $0x108;
	s8 =	sld [smem:$0x3FB6]  }
0x2e: {  	s3 =	simm.s32 @!p0 $0x1082;
	s9 =	sld [smem:$0x3FB7]  }
0x2f: {  	lr =	sadd.s32 s0, s3;
	s0 =	sld [smem:$0x3FAE]  }
0x30: {  	s3 =	sld [smem:$0x3FB1]  }
0x31: {  	[smem:$0x3FBA] =	sst s10  }
0x32: {  	s10 =	sld [smem:$0x3FB8];
	_ =	sdelay $0x3  }
0x33: {  	p0 =	seq.s32 s10, $0x1;
	s10 =	sld [smem:$0x3FBA];
	_ =	sdelay $0x3  }
0x34: {  	[smem:$0x3FBA] =	sst s10  }
0x35: {  	s10 =	sld [smem:$0x3FB9];
	_ =	sdelay $0x3  }
0x36: {  	p1 =	seq.s32 s10, $0x1;
	s10 =	sld [smem:$0x3FBA];
	_ =	sdelay $0x3  }
0x37: {  	[smem:$0x3FBA] =	sst s10  }
0x38: {  	s10 =	sld [smem:$0x3FBB]  }
0x39: {  	_ = 	snop;
	(pc) =	sbr.ind lr, $3  }
0x3a: {  	_ = 	snop  }
0x3b: {  	_ = 	snop  }
0x3c: {  	p2 =	seq.s32 s10, $0x1;
	s10 =	sld [smem:$0x3FBA]  }
0x3d: {  	_ =	shalt  }
0x3e: {  	_ =	shalt  }
0x3f: {  	_ =	shalt  }
0x40: {  	_ =	shalt  }
0x41: {  	_ =	shalt  }
0x42: {  	_ =	shalt  }
0x43: {  	_ =	shalt  }
0x44: {  	_ =	shalt  }
0x45: {  	_ =	shalt  }
0x46: {  	_ =	shalt  }
0x47: {  	_ =	shalt  }
0x48: {  	_ =	shalt  }
0x49: {  	_ =	shalt  }
0x4a: {  	_ =	shalt  }
0x4b: {  	_ =	shalt  }
0x4c: {  	_ =	shalt  }
0x4d: {  	_ =	shalt  }
0x4e: {  	_ =	shalt  }
0x4f: {  	_ =	shalt  }
0x50: {  	_ =	shalt  }
0x51: {  	_ =	shalt  }
0x52: {  	_ =	shalt  }
0x53: {  	_ =	shalt  }
0x54: {  	_ =	shalt  }
0x55: {  	_ =	shalt  }
0x56: {  	_ =	shalt  }
0x57: {  	_ =	shalt  }
0x58: {  	_ =	shalt  }
0x59: {  	_ =	shalt  }
0x5a: {  	_ =	shalt  }
0x5b: {  	_ =	shalt  }
0x5c: {  	_ =	shalt  }
0x5d: {  	_ =	shalt  }
0x5e: {  	_ =	shalt  }
0x5f: {  	_ =	shalt  }
0x60: {  	_ =	shalt  }
0x61: {  	_ =	shalt  }
0x62: {  	_ =	shalt  }
0x63: {  	_ =	shalt  }
0x64: {  	_ =	shalt  }
0x65: {  	_ =	shalt  }
0x66: {  	_ =	shalt  }
0x67: {  	_ =	shalt  }
0x68: {  	_ =	shalt  }
0x69: {  	_ =	shalt  }
0x6a: {  	_ =	shalt  }
0x6b: {  	_ =	shalt  }
0x6c: {  	_ =	shalt  }
0x6d: {  	_ =	shalt  }
0x6e: {  	_ =	shalt  }
0x6f: {  	_ =	shalt  }
0x70: {  	_ =	shalt  }
0x71: {  	_ =	shalt  }
0x72: {  	_ =	shalt  }
0x73: {  	_ =	shalt  }
0x74: {  	_ =	shalt  }
0x75: {  	_ =	shalt  }
0x76: {  	_ =	shalt  }
0x77: {  	_ =	shalt  }
0x78: {  	_ =	shalt  }
0x79: {  	_ =	shalt  }
0x7a: {  	_ =	shalt  }
0x7b: {  	_ =	shalt  }
0x7c: {  	_ =	shalt  }
0x7d: {  	_ =	shalt  }
0x7e: {  	_ =	shalt  }
0x7f: {  	_ =	shalt  }
0x80: {  	_ =	shalt  }
0x81: {  	_ =	shalt  }
0x82: {  	_ =	shalt  }
0x83: {  	_ =	shalt  }
0x84: {  	_ =	shalt  }
0x85: {  	_ =	shalt  }
0x86: {  	_ =	shalt  }
0x87: {  	_ =	shalt  }
.Lfunc_end0:
.L_simem_size_0:
called_computation.1_lowered:
.L_overlay_start_0:
0x88: {  	s2 =	sld [smem:$0x3FD9]  }
0x89: {  	s3 =	sld [smem:$0x3FFE];
	_ =	sdelay $0x1  }
0x8a: {  	s1 =	srdreg.scid  }
0x8b: {  	s0 =	sand.u32 $0x1, s1  }
0x8c: {  	s17 =	sshll.u32 s0, $0xA;
	s2 =	sadd.s32 s3, s2  }
0x8d: {  	s2 =	sadd.s32 s2, s17  }
0x8e: {  	[smem:$0x3FC6] =	sst s2  }
0x8f: {  	_ = 	snop  }
0x90: {  	s2 =	sld [smem:$0x3FD0];
	(tm) =	ssettm $0x1  }
0x91: {  	s18 =	sld [smem:$0x3FFB];
	_ =	sdelay $0x3  }
0x92: {  	_ =	strace s18  }
0x93: {  	s3 =	sld [smem:$0x3FFC];
	_ =	sdelay $0x3  }
0x94: {  	_ =	strace s3  }
0x95: {  	s3 =	sld [smem:$0x3FFD];
	_ =	sdelay $0x3  }
0x96: {  	_ =	strace s3  }
0x97: {  	_ =	strace $0x8FFFFFFF  }
0x98: {  	s19 =	sld [smem:$0x3FDB];
	_ =	sdelay $0x1  }
0x99: {  	s4 =	simm.s32 $_scs_section_size  }
0x9a: {  	s5 =	simm.s32 $_size__tile_overlayer_lowered;
	s6 =	simm.s32 $_tile_overlayer_lowered  }
0x9b: {  	s22 =	simm.s32 $0x1BFF;
	s21 =	sshll.u32 s6, $0x1;
	s3 =	sadd.s32 s4, s19  }
0x9c: {  	s7 =	simm.s32 $0x0;
	s20 =	sshll.u32 s5, $0x1;
	s5 =	sadd.s32 s21, s3  }
0x9d: {  	[timem:s7], [sflag:s22] =	dma.local [hbm:s5], s20  }
0x9e: {  	_ =	swait.ge [sflag:s22], s20  }
0x9f: {  	s4 =	ssub.s32 $0x0, s20;
	[sflag:s22] =	ssyncset.done $0x0  }
0xa0: {  	[sflag:s22] =	ssyncadd.s32 s4;
	_ =	sdelay $0x1  }
0xa1: {  	s23 =	simm.s32 $0x1B8B  }
0xa2: {  	_ =	swait.ge [sflag:s23], $0x1  }
0xa3: {  	[sflag:s23] =	ssyncset.done $0x0  }
0xa4: {  	s25 =	simm.s32 $0x1B8E;
	s24 =	sld [smem:$0x3FFE];
	[sflag:s23] =	ssyncadd.s32 $0xFFFFFFFF  }
0xa5: {  	s26 =	simm.s32 $execute0_lowered;
	[smem:$0x3FD2] =	sst s25  }
0xa6: {  	s5 =	sshll.u32 s26, $0x1;
	_ =	strace $0x80000046;
	[dreg:$0x1] =	wrdreg $0xFFFFFFFF  }
0xa7: {  	s28 =	simm.s32 $_size_execute0_lowered;
	s3 =	sadd.s32 s3, s5;
	[dreg:$0x0] =	wrdreg $0x0  }
0xa8: {  	s5 =	sshll.u32 s28, $0x1;
	[dreg:$0x2] =	wrdreg s3  }
0xa9: {  	[dreg:$0x3] =	wrdreg s5  }
0xaa: {  	[dreg:$0x4] =	wrdreg $0xC0  }
0xab: {  	_ =	task [dreg:s7], $0x5FFFF  }
0xac: {  	[dreg:$0x1] =	wrdreg $0xFFFFFFFF  }
0xad: {  	[dreg:$0x0] =	wrdreg $0x60  }
0xae: {  	[dreg:$0x2] =	wrdreg s24  }
0xaf: {  	[dreg:$0x3] =	wrdreg s2  }
0xb0: {  	[dreg:$0x4] =	wrdreg $0x9  }
0xb1: {  	_ =	task.clear_ibuf [dreg:s7], $0x5FFFF;
	_ =	strace $0x90000046  }
0xb2: {  	s29 =	simm.s32 $0x9;
	_ =	strace $0x80000048  }
0xb3: {  	_ =	swait.ge [sflag:s29], $0x1  }
0xb4: {  	[sflag:s29] =	ssyncadd.s32 $0xFFFFFFFF  }
0xb5: {  	_ =	strace $0x90000048  }
0xb6: {  	_ =	sfence  }
0xb7: {  	s30 =	sld [smem:$0x0];
	_ =	sdelay $0x2  }
0xb8: {  	s31 =	sshll.u32 s1, $0xD;
	s1 =	sshrl.u32 s1, $0x2  }
0xb9: {  	s3 =	sand.u32 $0x4000, s31;
	s1 =	sadd.s32 s1, s30  }
0xba: {  	s0 =	sor.u32 s3, s0;
	s1 =	sshll.u32 s1, $0x11  }
0xbb: {  	s0 =	sor.u32 s1, s0  }
0xbc: {  	s0 =	sadd.s32 $0x8F2B, s0  }
0xbd: {  	[sflag:s0] =	ssyncadd.remote.s32 $0x1  }
0xbe: {  	_ =	sfence.sel $0xFFFF  }
0xbf: {  	[dreg:$0x0] =	wrdreg $0xFFFFFFFF;
	(pc) =	sbr.abs _section_cstart, $3  }
0xc0: {  	[dreg:$0x1] =	wrdreg $0xFFFFFFFF  }
0xc1: {  	_ =	task.clear_ibuf [dreg:s7], $0x2FFFF;
	_ =	strace $0x9FFFFFFF  }
0xc2: {  	(tm) =	ssettm $0x7FFFFFFF  }
0xc3: {  	_ =	shalt  }
tec
execute0_lowered:
.L_overlay_start_1:
0x0: {  	(tag) =	ssettag $0x1  }
0x1: {  	v34 =	vlaneseq.u32  }
0x2: {  	v0 =	vadd.s32 $0x33, v34  }
0x3: {  	[tilespmem:$0x1FE30] =	vst v0;
	v0 =	vadd.s32 $0x44, v34  }
0x4: {  	[tilespmem:$0x1FE40] =	vst v0;
	v0 =	vadd.s32 $0x55, v34  }
0x5: {  	[tilespmem:$0x1FE50] =	vst v0;
	v0 =	vadd.s32 $0x66, v34  }
0x6: {  	[tilespmem:$0x1FE60] =	vst v0;
	v0 =	vadd.s32 $0x77, v34  }
0x7: {  	[tilespmem:$0x1FE70] =	vst v0;
	v0 =	vadd.s32 $0x88, v34  }
0x8: {  	[tilespmem:$0x1FE80] =	vst v0;
	v0 =	vadd.s32 $0x99, v34  }
0x9: {  	s1 =	srdreg.scid;
	[tilespmem:$0x1FE90] =	vst v0;
	v0 =	vadd.s32 $0xAA, v34  }
0xa: {  	s0 =	stileid.u32;
	s6 =	sand.u32 $0x1, s1;
	[tilespmem:$0x1FEA0] =	vst v0;
	v0 =	vadd.s32 $0xBB, v34  }
0xb: {  	s5 =	rddreg [dreg:$0x0];
	s3 =	sshll.u32 s0, $0x8;
	s4 =	sshll.u32 s6, $0x7;
	[tilespmem:$0x1FEB0] =	vst v0;
	v0 =	vadd.s32 $0xCC, v34  }
0xc: {  	s2 =	rddreg [dreg:$0x1];
	s3 =	sor.u32 s4, s3;
	s4 =	simm.s32 $0x0;
	[tilespmem:$0x1FEC0] =	vst v0;
	v0 =	vadd.s32 $0xDD, v34  }
0xd: {  	[smem:$0x7FF] =	sst s4;
	[tilespmem:$0x1FED0] =	vst v0;
	v0 =	vadd.s32 $0xEE, v34  }
0xe: {  	s1 =	rddreg [dreg:$0x2];
	_ =	strace $0x80000047;
	[tilespmem:$0x1FEE0] =	vst v0;
	v0 =	vadd.s32 $0xFF, v34  }
0xf: {  	v1 =	vmul.u32 $0x11, v34;
	[tilespmem:$0x1FEF0] =	vst v0;
	v0 =	vor.u32 $0x110, v34  }
0x10: {  	v35 =	vadd.s32 $0x11, v34;
	v36 =	vadd.s32 $0x22, v34;
	[tilespmem:$0x1FF00] =	vst v0;
	v0 =	vadd.s32 $0x121, v34  }
0x11: {  	v2 =	vadd.s32 $0x110, v1;
	v3 =	vadd.s32 $0x1, v1;
	[tilespmem:$0x1FF10] =	vst v0;
	v0 =	vadd.s32 $0x132, v34  }
0x12: {  	v4 =	vadd.s32 $0x111, v1;
	v5 =	vadd.s32 $0x2, v1;
	[tilespmem:$0x1FF20] =	vst v0;
	v0 =	vadd.s32 $0x143, v34  }
0x13: {  	v6 =	vadd.s32 $0x112, v1;
	v7 =	vadd.s32 $0x3, v1;
	[tilespmem:$0x1FF30] =	vst v0;
	v0 =	vadd.s32 $0x154, v34  }
0x14: {  	v8 =	vadd.s32 $0x113, v1;
	v9 =	vadd.s32 $0x4, v1;
	[tilespmem:$0x1FF40] =	vst v0;
	v0 =	vadd.s32 $0x165, v34  }
0x15: {  	v10 =	vadd.s32 $0x114, v1;
	v11 =	vadd.s32 $0x5, v1;
	[tilespmem:$0x1FF50] =	vst v0;
	v0 =	vadd.s32 $0x176, v34  }
0x16: {  	v12 =	vadd.s32 $0x115, v1;
	v13 =	vadd.s32 $0x6, v1;
	[tilespmem:$0x1FF60] =	vst v0;
	v0 =	vadd.s32 $0x187, v34  }
0x17: {  	v14 =	vadd.s32 $0x116, v1;
	v15 =	vadd.s32 $0x7, v1;
	[tilespmem:$0x1FF70] =	vst v0;
	v0 =	vadd.s32 $0x198, v34  }
0x18: {  	s9 =	simm.s32 $0xC8;
	v16 =	vadd.s32 $0x117, v1;
	v17 =	vadd.s32 $0x8, v1;
	[tilespmem:$0x1FF80] =	vst v0;
	v0 =	vadd.s32 $0x1A9, v34  }
0x19: {  	s10 =	simm.s32 $0x6400;
	s11 =	simm.s32 $0x7D00;
	v18 =	vadd.s32 $0x118, v1;
	v19 =	vadd.s32 $0x9, v1;
	[tilespmem:$0x1FF90] =	vst v0;
	v0 =	vadd.s32 $0x1BA, v34  }
0x1a: {  	s12 =	simm.s32 $0x9600;
	s13 =	simm.s32 $0xAF00;
	v20 =	vadd.s32 $0x119, v1;
	v21 =	vadd.s32 $0xA, v1;
	[tilespmem:$0x1FFA0] =	vst v0;
	v0 =	vadd.s32 $0x1CB, v34  }
0x1b: {  	s14 =	simm.s32 $0x1;
	s15 =	simm.s32 $0xC800;
	s16 =	simm.s32 $0x2;
	v22 =	vadd.s32 $0x11A, v1;
	v23 =	vadd.s32 $0xB, v1;
	[tilespmem:$0x1FFB0] =	vst v0;
	v0 =	vadd.s32 $0x1DC, v34  }
0x1c: {  	s17 =	simm.s32 $0x3;
	s6 =	ssub.s32 $0x2, s6;
	v24 =	vadd.s32 $0x11B, v1;
	v25 =	vadd.s32 $0xC, v1;
	s7 =	smul.u32 $0x19, s3;
	[tilespmem:$0x1FFC0] =	vst v0;
	v0 =	vadd.s32 $0x1ED, v34  }
0x1d: {  	s18 =	simm.s32 $0x4;
	s19 =	simm.s32 $0x0;
	v26 =	vadd.s32 $0x11C, v1;
	v27 =	vadd.s32 $0xD, v1;
	s8 =	sshrl.u32 s6, $0x1;
	[tilespmem:$0x1FFD0] =	vst v0;
	v0 =	vadd.s32 $0x1FE, v34  }
0x1e: {  	v28 =	vadd.s32 $0x11D, v1;
	v29 =	vadd.s32 $0xE, v1;
	s8 =	ssub.s32 s6, s8;
	s7 =	sadd.s32 s7, s5;
	s5 =	sadd.s32 $0xF42E00, s5;
	[tilespmem:$0x1FFE0] =	vst v0;
	v0 =	vadd.s32 $0x20F, v34  }
0x1f: {  	v30 =	vadd.s32 $0x11E, v1;
	v31 =	vadd.s32 $0xF, v1;
	v32 =	vadd.s32 $0x11F, v1;
	s6 =	sadd.s32 $0xA00, s7;
	s7 =	smax.u32 s8, $0x1;
	s8 =	simm.s32 $0x5;
	[tilespmem:$0x1FFF0] =	vst v0  }
.LBB2_1:
0x20: {  	[tilespmem:s4], [sflag:$0x5] =	stream.linear.gather [hbm4b:s6+s4], $0x6400, $0x38;
	[tilespmem:$0xCA20] =	vst v63  }
0x21: {  	_ =	swait.ge [sflag:s8], $0x6400  }
0x22: {  	[sflag:s8] =	ssyncset.done $0x0  }
0x23: {  	[sflag:s8] =	ssyncadd.s32 $0xFFFF9C00  }
0x24: {  	[tilespmem:s10], [sflag:$0x1] =	stream.indirect.gather [hbm4b:s5+s9], $0x20, s4, s9, $0xb8;
	[tilespmem:$0xCA20] =	vst v63  }
0x25: {  	s20 =	simm.s32 $0x0  }
0x26: {  	[tilespmem:s11], [sflag:$0x1] =	stream.indirect.gather [hbm4b:s5+s9], $0x20, s9, s9, $0xb8;
	[tilespmem:$0xCA20] =	vst v63  }
.LBB2_2:
0x27: {  	p0 =	seq.s32 s20, $0x0  }
0x28: {  	s22 =	simm.s32 @!p0 $0x4  }
0x29: {  	_ =	swait.ge @!p0 [sflag:s22], $0x1900  }
0x2a: {  	[sflag:s22] =	ssyncset.done @!p0 $0x0  }
0x2b: {  	s21 =	sshllo.u32 s20, $0x1;
	[sflag:s22] =	ssyncadd.s32 @!p0 $0xFFFFE700  }
0x2c: {  	s23 =	smul.u32 $0x640, s21;
	_ =	swait.ge @!p0 [sflag:s22], $0x1900  }
0x2d: {  	[sflag:s22] =	ssyncset.done @!p0 $0x0  }
0x2e: {  	s31 =	sshra.s32 s23, $0x2;
	[sflag:s22] =	ssyncadd.s32 @!p0 $0xFFFFE700  }
0x2f: {  	[tilespmem:s12], [sflag:$0x2] =	stream.indirect.gather [hbm4b:s5+s9], $0x20, s31, s9, $0xb8;
	[tilespmem:$0xCA20] =	vst v63  }
0x30: {  	s22 =	sadd.s32 $0xC8, s31  }
0x31: {  	[tilespmem:s13], [sflag:$0x2] =	stream.indirect.gather [hbm4b:s5+s9], $0x20, s22, s9, $0xb8;
	[tilespmem:$0xCA20] =	vst v63  }
0x32: {  	_ =	swait.ge [sflag:s14], $0x1900  }
0x33: {  	[sflag:s14] =	ssyncset.done $0x0  }
0x34: {  	[sflag:s14] =	ssyncadd.s32 $0xFFFFE700  }
0x35: {  	_ =	swait.ge [sflag:s14], $0x1900  }
0x36: {  	v43 =	vld [tilespmem:$0x1FE70]  }
0x37: {  	v44 =	vld [tilespmem:$0x1FE80]  }
0x38: {  	v45 =	vld [tilespmem:$0x1FE90]  }
0x39: {  	v46 =	vld [tilespmem:$0x1FEA0]  }
0x3a: {  	v47 =	vld [tilespmem:$0x1FEB0]  }
0x3b: {  	v48 =	vld [tilespmem:$0x1FEC0]  }
0x3c: {  	v49 =	vld [tilespmem:$0x1FED0]  }
0x3d: {  	v50 =	vld [tilespmem:$0x1FEE0]  }
0x3e: {  	v51 =	vld [tilespmem:$0x1FEF0]  }
0x3f: {  	v52 =	vld [tilespmem:$0x1FF00]  }
0x40: {  	v53 =	vld [tilespmem:$0x1FF10]  }
0x41: {  	v54 =	vld [tilespmem:$0x1FF20]  }
0x42: {  	v55 =	vld [tilespmem:$0x1FF30]  }
0x43: {  	v56 =	vld [tilespmem:$0x1FF40]  }
0x44: {  	v57 =	vld [tilespmem:$0x1FF50]  }
0x45: {  	v58 =	vld [tilespmem:$0x1FF60]  }
0x46: {  	v59 =	vld [tilespmem:$0x1FF70]  }
0x47: {  	v60 =	vld [tilespmem:$0x1FF80]  }
0x48: {  	v61 =	vld [tilespmem:$0x1FF90]  }
0x49: {  	v62 =	vld [tilespmem:$0x1FFA0]  }
0x4a: {  	v63 =	vld [tilespmem:$0x1FFB0]  }
0x4b: {  	v39 =	vld [tilespmem:$0x1FFC0]  }
0x4c: {  	v40 =	vld [tilespmem:$0x1FFD0]  }
0x4d: {  	[sflag:s14] =	ssyncset.done $0x0;
	v41 =	vld [tilespmem:$0x1FFE0]  }
0x4e: {  	s22 =	simm.s32 $0x0;
	v42 =	vld [tilespmem:$0x1FFF0];
	[sflag:s14] =	ssyncadd.s32 $0xFFFFE700  }
.LBB2_3:
0x4f: {  	s23 =	sshra.s32 s22, $0x2  }
0x50: {  	v0 =	vld [tilespmem:s23+$0x6400]  }
0x51: {  	v33 =	vld [tilespmem:s23+$0x6410];
	_ =	sdelay $0x3  }
0x52: {  	[tilespmem:v1+s15+$0x0] =	vst.idx.msk $0xffff, v0  }
0x53: {  	[tilespmem:v2+s15+$0x0] =	vst.idx.msk $0xffff, v33  }
0x54: {  	v0 =	vld [tilespmem:s23+$0x6420]  }
0x55: {  	v33 =	vld [tilespmem:s23+$0x6430];
	_ =	sdelay $0x3  }
0x56: {  	[tilespmem:v3+s15+$0x0] =	vst.idx.msk $0xffff, v0  }
0x57: {  	[tilespmem:v4+s15+$0x0] =	vst.idx.msk $0xffff, v33  }
0x58: {  	v0 =	vld [tilespmem:s23+$0x6440]  }
0x59: {  	v33 =	vld [tilespmem:s23+$0x6450];
	_ =	sdelay $0x3  }
0x5a: {  	[tilespmem:v5+s15+$0x0] =	vst.idx.msk $0xffff, v0  }
0x5b: {  	[tilespmem:v6+s15+$0x0] =	vst.idx.msk $0xffff, v33  }
0x5c: {  	v0 =	vld [tilespmem:s23+$0x6460]  }
0x5d: {  	v33 =	vld [tilespmem:s23+$0x6470];
	_ =	sdelay $0x3  }
0x5e: {  	[tilespmem:v7+s15+$0x0] =	vst.idx.msk $0xffff, v0  }
0x5f: {  	[tilespmem:v8+s15+$0x0] =	vst.idx.msk $0xffff, v33  }
0x60: {  	v0 =	vld [tilespmem:s23+$0x6480]  }
0x61: {  	v33 =	vld [tilespmem:s23+$0x6490];
	_ =	sdelay $0x3  }
0x62: {  	[tilespmem:v9+s15+$0x0] =	vst.idx.msk $0xffff, v0  }
0x63: {  	[tilespmem:v10+s15+$0x0] =	vst.idx.msk $0xffff, v33  }
0x64: {  	v0 =	vld [tilespmem:s23+$0x64A0]  }
0x65: {  	v33 =	vld [tilespmem:s23+$0x64B0];
	_ =	sdelay $0x3  }
0x66: {  	[tilespmem:v11+s15+$0x0] =	vst.idx.msk $0xffff, v0  }
0x67: {  	[tilespmem:v12+s15+$0x0] =	vst.idx.msk $0xffff, v33  }
0x68: {  	v0 =	vld [tilespmem:s23+$0x64C0]  }
0x69: {  	v33 =	vld [tilespmem:s23+$0x64D0];
	_ =	sdelay $0x3  }
0x6a: {  	[tilespmem:v13+s15+$0x0] =	vst.idx.msk $0xffff, v0  }
0x6b: {  	[tilespmem:v14+s15+$0x0] =	vst.idx.msk $0xffff, v33  }
0x6c: {  	v0 =	vld [tilespmem:s23+$0x64E0]  }
0x6d: {  	v33 =	vld [tilespmem:s23+$0x64F0];
	_ =	sdelay $0x3  }
0x6e: {  	[tilespmem:v15+s15+$0x0] =	vst.idx.msk $0xffff, v0  }
0x6f: {  	[tilespmem:v16+s15+$0x0] =	vst.idx.msk $0xffff, v33  }
0x70: {  	v0 =	vld [tilespmem:s23+$0x6500]  }
0x71: {  	v33 =	vld [tilespmem:s23+$0x6510];
	_ =	sdelay $0x3  }
0x72: {  	[tilespmem:v17+s15+$0x0] =	vst.idx.msk $0xffff, v0  }
0x73: {  	[tilespmem:v18+s15+$0x0] =	vst.idx.msk $0xffff, v33  }
0x74: {  	v0 =	vld [tilespmem:s23+$0x6520]  }
0x75: {  	v33 =	vld [tilespmem:s23+$0x6530];
	_ =	sdelay $0x3  }
0x76: {  	[tilespmem:v19+s15+$0x0] =	vst.idx.msk $0xffff, v0  }
0x77: {  	[tilespmem:v20+s15+$0x0] =	vst.idx.msk $0xffff, v33  }
0x78: {  	v0 =	vld [tilespmem:s23+$0x6540]  }
0x79: {  	v33 =	vld [tilespmem:s23+$0x6550];
	_ =	sdelay $0x3  }
0x7a: {  	[tilespmem:v21+s15+$0x0] =	vst.idx.msk $0xffff, v0  }
0x7b: {  	[tilespmem:v22+s15+$0x0] =	vst.idx.msk $0xffff, v33  }
0x7c: {  	v0 =	vld [tilespmem:s23+$0x6560]  }
0x7d: {  	v33 =	vld [tilespmem:s23+$0x6570];
	_ =	sdelay $0x3  }
0x7e: {  	[tilespmem:v23+s15+$0x0] =	vst.idx.msk $0xffff, v0  }
0x7f: {  	[tilespmem:v24+s15+$0x0] =	vst.idx.msk $0xffff, v33  }
0x80: {  	v0 =	vld [tilespmem:s23+$0x6580]  }
0x81: {  	v33 =	vld [tilespmem:s23+$0x6590];
	_ =	sdelay $0x3  }
0x82: {  	[tilespmem:v25+s15+$0x0] =	vst.idx.msk $0xffff, v0  }
0x83: {  	[tilespmem:v26+s15+$0x0] =	vst.idx.msk $0xffff, v33  }
0x84: {  	v0 =	vld [tilespmem:s23+$0x65A0]  }
0x85: {  	v33 =	vld [tilespmem:s23+$0x65B0];
	_ =	sdelay $0x3  }
0x86: {  	[tilespmem:v27+s15+$0x0] =	vst.idx.msk $0xffff, v0  }
0x87: {  	[tilespmem:v28+s15+$0x0] =	vst.idx.msk $0xffff, v33  }
0x88: {  	v0 =	vld [tilespmem:s23+$0x65C0]  }
0x89: {  	v33 =	vld [tilespmem:s23+$0x65D0];
	_ =	sdelay $0x3  }
0x8a: {  	[tilespmem:v29+s15+$0x0] =	vst.idx.msk $0xffff, v0  }
0x8b: {  	[tilespmem:v30+s15+$0x0] =	vst.idx.msk $0xffff, v33  }
0x8c: {  	v0 =	vld [tilespmem:s23+$0x65E0]  }
0x8d: {  	v33 =	vld [tilespmem:s23+$0x65F0];
	_ =	sdelay $0x2  }
0x8e: {  	v38 =	vld [tilespmem:$0x1FE30]  }
0x8f: {  	[tilespmem:v31+s15+$0x0] =	vst.idx.msk $0xffff, v0  }
0x90: {  	[tilespmem:v32+s15+$0x0] =	vst.idx.msk $0xffff, v33  }
0x91: {  	v0 =	vld.idx.msk [tilespmem:v34+s15+$0x0], $0xffff  }
0x92: {  	v33 =	vld.idx.msk [tilespmem:v35+s15+$0x0], $0xffff;
	_ =	sdelay $0x1  }
0x93: {  	v34 =	vld.idx.msk [tilespmem:v36+s15+$0x0], $0xffff;
	_ =	sdelay $0x1  }
0x94: {  	v37 =	vmov v35;
	v35 =	vld.idx.msk [tilespmem:v38+s15+$0x0], $0xffff  }
0x95: {  	v38 =	vmov v36;
	v36 =	vld [tilespmem:$0x1FE40];
	v0 =	vmul.f32 v0, v0;
	v33 =	vmul.f32 v33, v33;
	_ =	sdelay $0x1  }
0x96: {  	v0 =	vadd.f32 v33, v0;
	v33 =	vmul.f32 v34, v34;
	v34 =	vld [tilespmem:$0x1FE50];
	_ =	sdelay $0x1  }
0x97: {  	v0 =	vadd.f32 v33, v0;
	v33 =	vmul.f32 v35, v35;
	v35 =	vld [tilespmem:$0x1FE60];
	_ =	sdelay $0x3  }
0x98: {  	v36 =	vld.idx.msk [tilespmem:v36+s15+$0x0], $0xffff;
	_ =	sdelay $0x1  }
0x99: {  	v34 =	vld.idx.msk [tilespmem:v34+s15+$0x0], $0xffff;
	_ =	sdelay $0x1  }
0x9a: {  	v35 =	vld.idx.msk [tilespmem:v35+s15+$0x0], $0xffff  }
0x9b: {  	v0 =	vadd.f32 v33, v0;
	v33 =	vmul.f32 v36, v36  }
0x9c: {  	v36 =	vld.idx.msk [tilespmem:v43+s15+$0x0], $0xffff  }
0x9d: {  	v0 =	vadd.f32 v33, v0;
	v33 =	vmul.f32 v34, v34  }
0x9e: {  	v34 =	vld.idx.msk [tilespmem:v44+s15+$0x0], $0xffff  }
0x9f: {  	v0 =	vadd.f32 v33, v0;
	v33 =	vmul.f32 v35, v35  }
0xa0: {  	v35 =	vld.idx.msk [tilespmem:v45+s15+$0x0], $0xffff  }
0xa1: {  	v0 =	vadd.f32 v33, v0;
	v33 =	vmul.f32 v36, v36  }
0xa2: {  	v36 =	vld.idx.msk [tilespmem:v46+s15+$0x0], $0xffff  }
0xa3: {  	v0 =	vadd.f32 v33, v0;
	v33 =	vmul.f32 v34, v34  }
0xa4: {  	v34 =	vld.idx.msk [tilespmem:v47+s15+$0x0], $0xffff  }
0xa5: {  	v0 =	vadd.f32 v33, v0;
	v33 =	vmul.f32 v35, v35  }
0xa6: {  	v35 =	vld.idx.msk [tilespmem:v48+s15+$0x0], $0xffff  }
0xa7: {  	v0 =	vadd.f32 v33, v0;
	v33 =	vmul.f32 v36, v36  }
0xa8: {  	v36 =	vld.idx.msk [tilespmem:v49+s15+$0x0], $0xffff  }
0xa9: {  	v0 =	vadd.f32 v33, v0;
	v33 =	vmul.f32 v34, v34  }
0xaa: {  	v34 =	vld.idx.msk [tilespmem:v50+s15+$0x0], $0xffff  }
0xab: {  	v0 =	vadd.f32 v33, v0;
	v33 =	vmul.f32 v35, v35  }
0xac: {  	v35 =	vld.idx.msk [tilespmem:v51+s15+$0x0], $0xffff  }
0xad: {  	v0 =	vadd.f32 v33, v0;
	v33 =	vmul.f32 v36, v36  }
0xae: {  	v36 =	vld.idx.msk [tilespmem:v52+s15+$0x0], $0xffff  }
0xaf: {  	v0 =	vadd.f32 v33, v0;
	v33 =	vmul.f32 v34, v34  }
0xb0: {  	v34 =	vld.idx.msk [tilespmem:v53+s15+$0x0], $0xffff  }
0xb1: {  	v0 =	vadd.f32 v33, v0;
	v33 =	vmul.f32 v35, v35  }
0xb2: {  	v35 =	vld.idx.msk [tilespmem:v54+s15+$0x0], $0xffff  }
0xb3: {  	v0 =	vadd.f32 v33, v0;
	v33 =	vmul.f32 v36, v36  }
0xb4: {  	v36 =	vld.idx.msk [tilespmem:v55+s15+$0x0], $0xffff  }
0xb5: {  	v0 =	vadd.f32 v33, v0;
	v33 =	vmul.f32 v34, v34  }
0xb6: {  	v34 =	vld.idx.msk [tilespmem:v56+s15+$0x0], $0xffff  }
0xb7: {  	v0 =	vadd.f32 v33, v0;
	v33 =	vmul.f32 v35, v35  }
0xb8: {  	v35 =	vld.idx.msk [tilespmem:v57+s15+$0x0], $0xffff  }
0xb9: {  	v0 =	vadd.f32 v33, v0;
	v33 =	vmul.f32 v36, v36  }
0xba: {  	v36 =	vld.idx.msk [tilespmem:v58+s15+$0x0], $0xffff  }
0xbb: {  	v0 =	vadd.f32 v33, v0;
	v33 =	vmul.f32 v34, v34  }
0xbc: {  	v34 =	vld.idx.msk [tilespmem:v59+s15+$0x0], $0xffff  }
0xbd: {  	v0 =	vadd.f32 v33, v0;
	v33 =	vmul.f32 v35, v35  }
0xbe: {  	v35 =	vld.idx.msk [tilespmem:v60+s15+$0x0], $0xffff  }
0xbf: {  	v0 =	vadd.f32 v33, v0;
	v33 =	vmul.f32 v36, v36  }
0xc0: {  	v36 =	vld.idx.msk [tilespmem:v61+s15+$0x0], $0xffff  }
0xc1: {  	v0 =	vadd.f32 v33, v0;
	v33 =	vmul.f32 v34, v34  }
0xc2: {  	v34 =	vld.idx.msk [tilespmem:v62+s15+$0x0], $0xffff  }
0xc3: {  	v0 =	vadd.f32 v33, v0;
	v33 =	vmul.f32 v35, v35  }
0xc4: {  	v35 =	vld.idx.msk [tilespmem:v63+s15+$0x0], $0xffff  }
0xc5: {  	v0 =	vadd.f32 v33, v0;
	v33 =	vmul.f32 v36, v36  }
0xc6: {  	v36 =	vld.idx.msk [tilespmem:v39+s15+$0x0], $0xffff  }
0xc7: {  	v0 =	vadd.f32 v33, v0;
	v33 =	vmul.f32 v34, v34  }
0xc8: {  	v34 =	vld.idx.msk [tilespmem:v40+s15+$0x0], $0xffff  }
0xc9: {  	v0 =	vadd.f32 v33, v0;
	v33 =	vmul.f32 v35, v35  }
0xca: {  	v35 =	vld.idx.msk [tilespmem:v41+s15+$0x0], $0xffff  }
0xcb: {  	v0 =	vadd.f32 v33, v0;
	v33 =	vmul.f32 v36, v36  }
0xcc: {  	v36 =	vld.idx.msk [tilespmem:v42+s15+$0x0], $0xffff  }
0xcd: {  	v0 =	vadd.f32 v33, v0;
	v33 =	vmul.f32 v34, v34;
	_ =	sdelay $0x1  }
0xce: {  	v0 =	vadd.f32 v33, v0;
	v33 =	vmul.f32 v35, v35;
	_ =	sdelay $0x1  }
0xcf: {  	v0 =	vadd.f32 v33, v0;
	v33 =	vmul.f32 v36, v36;
	_ =	sdelay $0x1  }
0xd0: {  	v0 =	vadd.f32 v33, v0;
	_ =	sdelay $0x1  }
0xd1: {  	v33 =	vshra.s32 v0, $0x1;
	v34 =	vmul.f32 $5.000000000e-01, v0  }
0xd2: {  	v33 =	vsub.s32 $0x5F3759DF, v33  }
0xd3: {  	v35 =	vmul.f32 v33, v34;
	_ =	sdelay $0x1  }
0xd4: {  	v35 =	vmul.f32 v33, v35;
	_ =	sdelay $0x1  }
0xd5: {  	v35 =	vsub.f32 $1.500000000e+00, v35;
	_ =	sdelay $0x1  }
0xd6: {  	v33 =	vmul.f32 v33, v35;
	_ =	sdelay $0x1  }
0xd7: {  	v35 =	vmul.f32 v33, v34;
	_ =	sdelay $0x1  }
0xd8: {  	v35 =	vmul.f32 v35, v33;
	_ =	sdelay $0x1  }
0xd9: {  	v35 =	vsub.f32 $1.500000000e+00, v35;
	_ =	sdelay $0x1  }
0xda: {  	v33 =	vmul.f32 v35, v33;
	_ =	sdelay $0x1  }
0xdb: {  	v34 =	vmul.f32 v33, v34;
	_ =	sdelay $0x1  }
0xdc: {  	v34 =	vmul.f32 v34, v33;
	_ =	sdelay $0x1  }
0xdd: {  	v34 =	vsub.f32 $1.500000000e+00, v34;
	_ =	sdelay $0x1  }
0xde: {  	v33 =	vmul.f32 v34, v33;
	_ =	sdelay $0x1  }
0xdf: {  	v0 =	vmul.f32 v33, v0;
	_ =	sdelay $0x1  }
0xe0: {  	v0 =	vmax.f32 v0, $9.999999960e-13  }
0xe1: {  	(erf) = vrcp.f32 v0;
	_ =	sdelay $0x6  }
0xe2: {  	v0 =	vld.idx.msk [tilespmem:v1+s15+$0x0], $0xffff  }
0xe3: {  	v33 =	vld.idx.msk [tilespmem:v2+s15+$0x0], $0xffff  }
0xe4: {  	v34 =	vpop (erf)  }
0xe5: {  	v35 =	vbroadcast v34, $0x0;
	_ =	sdelay $0x1  }
0xe6: {  	v0 =	vmul.f32 v35, v0  }
0xe7: {  	v33 =	vmul.f32 v35, v33  }
0xe8: {  	[tilespmem:s23+$0x6400] =	vst v0  }
0xe9: {  	[tilespmem:s23+$0x6410] =	vst v33  }
0xea: {  	v0 =	vld.idx.msk [tilespmem:v3+s15+$0x0], $0xffff  }
0xeb: {  	v33 =	vld.idx.msk [tilespmem:v4+s15+$0x0], $0xffff;
	_ =	sdelay $0x1  }
0xec: {  	v35 =	vbroadcast v34, $0x1;
	_ =	sdelay $0x1  }
0xed: {  	v0 =	vmul.f32 v35, v0  }
0xee: {  	v33 =	vmul.f32 v35, v33  }
0xef: {  	[tilespmem:s23+$0x6420] =	vst v0  }
0xf0: {  	[tilespmem:s23+$0x6430] =	vst v33  }
0xf1: {  	v0 =	vld.idx.msk [tilespmem:v5+s15+$0x0], $0xffff  }
0xf2: {  	v33 =	vld.idx.msk [tilespmem:v6+s15+$0x0], $0xffff;
	_ =	sdelay $0x1  }
0xf3: {  	v35 =	vbroadcast v34, $0x2;
	_ =	sdelay $0x1  }
0xf4: {  	v0 =	vmul.f32 v35, v0  }
0xf5: {  	v33 =	vmul.f32 v35, v33  }
0xf6: {  	[tilespmem:s23+$0x6440] =	vst v0  }
0xf7: {  	[tilespmem:s23+$0x6450] =	vst v33  }
0xf8: {  	v0 =	vld.idx.msk [tilespmem:v7+s15+$0x0], $0xffff  }
0xf9: {  	v33 =	vld.idx.msk [tilespmem:v8+s15+$0x0], $0xffff;
	_ =	sdelay $0x1  }
0xfa: {  	v35 =	vbroadcast v34, $0x3;
	_ =	sdelay $0x1  }
0xfb: {  	v0 =	vmul.f32 v35, v0  }
0xfc: {  	v33 =	vmul.f32 v35, v33  }
0xfd: {  	[tilespmem:s23+$0x6460] =	vst v0  }
0xfe: {  	[tilespmem:s23+$0x6470] =	vst v33  }
0xff: {  	v0 =	vld.idx.msk [tilespmem:v9+s15+$0x0], $0xffff  }
0x100: {  	v33 =	vld.idx.msk [tilespmem:v10+s15+$0x0], $0xffff;
	_ =	sdelay $0x1  }
0x101: {  	v35 =	vbroadcast v34, $0x4;
	_ =	sdelay $0x1  }
0x102: {  	v0 =	vmul.f32 v35, v0  }
0x103: {  	v33 =	vmul.f32 v35, v33  }
0x104: {  	[tilespmem:s23+$0x6480] =	vst v0  }
0x105: {  	[tilespmem:s23+$0x6490] =	vst v33  }
0x106: {  	v0 =	vld.idx.msk [tilespmem:v11+s15+$0x0], $0xffff  }
0x107: {  	v33 =	vld.idx.msk [tilespmem:v12+s15+$0x0], $0xffff;
	_ =	sdelay $0x1  }
0x108: {  	v35 =	vbroadcast v34, $0x5;
	_ =	sdelay $0x1  }
0x109: {  	v0 =	vmul.f32 v35, v0  }
0x10a: {  	v33 =	vmul.f32 v35, v33  }
0x10b: {  	[tilespmem:s23+$0x64A0] =	vst v0  }
0x10c: {  	[tilespmem:s23+$0x64B0] =	vst v33  }
0x10d: {  	v0 =	vld.idx.msk [tilespmem:v13+s15+$0x0], $0xffff  }
0x10e: {  	v33 =	vld.idx.msk [tilespmem:v14+s15+$0x0], $0xffff;
	_ =	sdelay $0x1  }
0x10f: {  	v35 =	vbroadcast v34, $0x6;
	_ =	sdelay $0x1  }
0x110: {  	v0 =	vmul.f32 v0, v35  }
0x111: {  	v33 =	vmul.f32 v33, v35  }
0x112: {  	[tilespmem:s23+$0x64C0] =	vst v0  }
0x113: {  	[tilespmem:s23+$0x64D0] =	vst v33  }
0x114: {  	v0 =	vld.idx.msk [tilespmem:v15+s15+$0x0], $0xffff  }
0x115: {  	v33 =	vld.idx.msk [tilespmem:v16+s15+$0x0], $0xffff;
	_ =	sdelay $0x1  }
0x116: {  	v35 =	vbroadcast v34, $0x7;
	_ =	sdelay $0x1  }
0x117: {  	v0 =	vmul.f32 v0, v35  }
0x118: {  	v33 =	vmul.f32 v33, v35  }
0x119: {  	[tilespmem:s23+$0x64E0] =	vst v0  }
0x11a: {  	[tilespmem:s23+$0x64F0] =	vst v33  }
0x11b: {  	v0 =	vld.idx.msk [tilespmem:v17+s15+$0x0], $0xffff  }
0x11c: {  	v33 =	vld.idx.msk [tilespmem:v18+s15+$0x0], $0xffff;
	_ =	sdelay $0x1  }
0x11d: {  	v35 =	vbroadcast v34, $0x8;
	_ =	sdelay $0x1  }
0x11e: {  	v0 =	vmul.f32 v0, v35  }
0x11f: {  	v33 =	vmul.f32 v33, v35  }
0x120: {  	[tilespmem:s23+$0x6500] =	vst v0  }
0x121: {  	[tilespmem:s23+$0x6510] =	vst v33  }
0x122: {  	v0 =	vld.idx.msk [tilespmem:v19+s15+$0x0], $0xffff  }
0x123: {  	v33 =	vld.idx.msk [tilespmem:v20+s15+$0x0], $0xffff;
	_ =	sdelay $0x1  }
0x124: {  	v35 =	vbroadcast v34, $0x9;
	_ =	sdelay $0x1  }
0x125: {  	v0 =	vmul.f32 v0, v35  }
0x126: {  	v33 =	vmul.f32 v33, v35  }
0x127: {  	[tilespmem:s23+$0x6520] =	vst v0  }
0x128: {  	[tilespmem:s23+$0x6530] =	vst v33  }
0x129: {  	v0 =	vld.idx.msk [tilespmem:v21+s15+$0x0], $0xffff  }
0x12a: {  	v33 =	vld.idx.msk [tilespmem:v22+s15+$0x0], $0xffff;
	_ =	sdelay $0x1  }
0x12b: {  	v35 =	vbroadcast v34, $0xA;
	_ =	sdelay $0x1  }
0x12c: {  	v0 =	vmul.f32 v0, v35  }
0x12d: {  	v33 =	vmul.f32 v33, v35  }
0x12e: {  	[tilespmem:s23+$0x6540] =	vst v0  }
0x12f: {  	[tilespmem:s23+$0x6550] =	vst v33  }
0x130: {  	v0 =	vld.idx.msk [tilespmem:v23+s15+$0x0], $0xffff  }
0x131: {  	v33 =	vld.idx.msk [tilespmem:v24+s15+$0x0], $0xffff;
	_ =	sdelay $0x1  }
0x132: {  	v35 =	vbroadcast v34, $0xB;
	_ =	sdelay $0x1  }
0x133: {  	v0 =	vmul.f32 v0, v35  }
0x134: {  	v33 =	vmul.f32 v33, v35  }
0x135: {  	[tilespmem:s23+$0x6560] =	vst v0  }
0x136: {  	[tilespmem:s23+$0x6570] =	vst v33  }
0x137: {  	v0 =	vld.idx.msk [tilespmem:v25+s15+$0x0], $0xffff  }
0x138: {  	v33 =	vld.idx.msk [tilespmem:v26+s15+$0x0], $0xffff;
	_ =	sdelay $0x1  }
0x139: {  	v35 =	vbroadcast v34, $0xC;
	_ =	sdelay $0x1  }
0x13a: {  	v0 =	vmul.f32 v0, v35  }
0x13b: {  	v33 =	vmul.f32 v33, v35  }
0x13c: {  	[tilespmem:s23+$0x6580] =	vst v0  }
0x13d: {  	[tilespmem:s23+$0x6590] =	vst v33  }
0x13e: {  	v0 =	vld.idx.msk [tilespmem:v27+s15+$0x0], $0xffff  }
0x13f: {  	v33 =	vld.idx.msk [tilespmem:v28+s15+$0x0], $0xffff;
	_ =	sdelay $0x1  }
0x140: {  	v35 =	vbroadcast v34, $0xD;
	_ =	sdelay $0x1  }
0x141: {  	v0 =	vmul.f32 v0, v35  }
0x142: {  	v33 =	vmul.f32 v33, v35  }
0x143: {  	[tilespmem:s23+$0x65A0] =	vst v0  }
0x144: {  	[tilespmem:s23+$0x65B0] =	vst v33  }
0x145: {  	v0 =	vld.idx.msk [tilespmem:v29+s15+$0x0], $0xffff  }
0x146: {  	v33 =	vld.idx.msk [tilespmem:v30+s15+$0x0], $0xffff;
	_ =	sdelay $0x1  }
0x147: {  	v35 =	vbroadcast v34, $0xE;
	_ =	sdelay $0x1  }
0x148: {  	v0 =	vmul.f32 v0, v35  }
0x149: {  	v33 =	vmul.f32 v33, v35  }
0x14a: {  	[tilespmem:s23+$0x65C0] =	vst v0  }
0x14b: {  	[tilespmem:s23+$0x65D0] =	vst v33  }
0x14c: {  	v0 =	vld.idx.msk [tilespmem:v31+s15+$0x0], $0xffff  }
0x14d: {  	v33 =	vld.idx.msk [tilespmem:v32+s15+$0x0], $0xffff;
	_ =	sdelay $0x1  }
0x14e: {  	p0 =	sne.s32 s22, $0xC000;
	v34 =	vbroadcast v34, $0xF  }
.Ltmp0:
0x14f: {  	_ = 	snop;
	(pc) =	sbr.rel @p0 .LBB2_3-.Ltmp0, $4  }
0x150: {  	v0 =	vmul.f32 v0, v34  }
0x151: {  	v33 =	vmul.f32 v33, v34  }
0x152: {  	[tilespmem:s23+$0x65E0] =	vst v0  }
0x153: {  	s22 =	sadd.s32 $0x800, s22;
	v36 =	vmov v38;
	v35 =	vmov v37;
	v34 =	vlaneseq.u32;
	[tilespmem:s23+$0x65F0] =	vst v33  }
0x154: {  	s22 =	sshll.u32 s20, $0x2  }
0x155: {  	s22 =	sadd.s32 s3, s22  }
0x156: {  	s23 =	smul.u32 $0x320, s22  }
0x157: {  	s22 =	smul.u32 $0x1900, s22;
	_ =	sdelay $0x1  }
0x158: {  	s23 =	sadd.s32 s2, s23;
	s22 =	sshrl.u32 s22, $0x3  }
0x159: {  	[hbm4b:s23+s4] =	stream.linear.scatter [tilespmem:s10], [sflag:$0x3], $0x1900, $0x38;
	[tilespmem:$0xCA20] =	vst v63  }
0x15a: {  	s22 =	sadd.s32 s2, s22  }
0x15b: {  	p0 =	seq.s32 s20, $0x1F;
	s22 =	sadd.s32 $0x320, s22  }
0x15c: {  	[hbm4b:s22+s4] =	stream.linear.scatter [tilespmem:s11], [sflag:$0x3], $0x1900, $0x38;
	[tilespmem:$0xCA20] =	vst v63  }
0x15d: {  	s22 =	simm.s32 @!p0 $0x3  }
0x15e: {  	_ =	swait.ge @!p0 [sflag:s22], $0x1900  }
0x15f: {  	[sflag:s22] =	ssyncset.done @!p0 $0x0  }
0x160: {  	[sflag:s22] =	ssyncadd.s32 @!p0 $0xFFFFE700  }
0x161: {  	s23 =	smul.u32 @!p0 $0xC80, s20;
	_ =	swait.ge @!p0 [sflag:s22], $0x1900  }
0x162: {  	[sflag:s22] =	ssyncset.done @!p0 $0x0  }
0x163: {  	[sflag:s22] =	ssyncadd.s32 @!p0 $0xFFFFE700;
	s22 =	sshra.s32 @!p0 s23, $0x2  }
0x164: {  	s24 =	simm.s32 @!p0 $0xC8;
	s25 =	simm.s32 @!p0 $0x6400;
	s23 =	sadd.s32 @!p0 $0x320, s22  }
0x165: {  	[tilespmem:s25], [sflag:$0x1] =	stream.indirect.gather @!p0 [hbm4b:s5+s24], $0x20, s23, s24, $0xb8;
	[tilespmem:$0xCA20] =	vst v63  }
0x166: {  	s22 =	sadd.s32 @!p0 $0x3E8, s22;
	s23 =	simm.s32 @!p0 $0x7D00  }
0x167: {  	[tilespmem:s23], [sflag:$0x1] =	stream.indirect.gather @!p0 [hbm4b:s5+s24], $0x20, s22, s24, $0xb8;
	[tilespmem:$0xCA20] =	vst v63  }
0x168: {  	_ =	swait.ge [sflag:s16], $0x1900  }
0x169: {  	[sflag:s16] =	ssyncset.done $0x0  }
0x16a: {  	[sflag:s16] =	ssyncadd.s32 $0xFFFFE700  }
0x16b: {  	_ =	swait.ge [sflag:s16], $0x1900  }
0x16c: {  	[sflag:s16] =	ssyncset.done $0x0  }
0x16d: {  	s22 =	simm.s32 $0x0;
	[sflag:s16] =	ssyncadd.s32 $0xFFFFE700  }
.LBB2_5:
0x16e: {  	s23 =	sshra.s32 s22, $0x2  }
0x16f: {  	v0 =	vld [tilespmem:s23+$0x9600]  }
0x170: {  	v33 =	vld [tilespmem:s23+$0x9610];
	_ =	sdelay $0x3  }
0x171: {  	[tilespmem:v1+s15+$0x0] =	vst.idx.msk $0xffff, v0  }
0x172: {  	[tilespmem:v2+s15+$0x0] =	vst.idx.msk $0xffff, v33  }
0x173: {  	v0 =	vld [tilespmem:s23+$0x9620]  }
0x174: {  	v33 =	vld [tilespmem:s23+$0x9630];
	_ =	sdelay $0x3  }
0x175: {  	[tilespmem:v3+s15+$0x0] =	vst.idx.msk $0xffff, v0  }
0x176: {  	[tilespmem:v4+s15+$0x0] =	vst.idx.msk $0xffff, v33  }
0x177: {  	v0 =	vld [tilespmem:s23+$0x9640]  }
0x178: {  	v33 =	vld [tilespmem:s23+$0x9650];
	_ =	sdelay $0x3  }
0x179: {  	[tilespmem:v5+s15+$0x0] =	vst.idx.msk $0xffff, v0  }
0x17a: {  	[tilespmem:v6+s15+$0x0] =	vst.idx.msk $0xffff, v33  }
0x17b: {  	v0 =	vld [tilespmem:s23+$0x9660]  }
0x17c: {  	v33 =	vld [tilespmem:s23+$0x9670];
	_ =	sdelay $0x3  }
0x17d: {  	[tilespmem:v7+s15+$0x0] =	vst.idx.msk $0xffff, v0  }
0x17e: {  	[tilespmem:v8+s15+$0x0] =	vst.idx.msk $0xffff, v33  }
0x17f: {  	v0 =	vld [tilespmem:s23+$0x9680]  }
0x180: {  	v33 =	vld [tilespmem:s23+$0x9690];
	_ =	sdelay $0x3  }
0x181: {  	[tilespmem:v9+s15+$0x0] =	vst.idx.msk $0xffff, v0  }
0x182: {  	[tilespmem:v10+s15+$0x0] =	vst.idx.msk $0xffff, v33  }
0x183: {  	v0 =	vld [tilespmem:s23+$0x96A0]  }
0x184: {  	v33 =	vld [tilespmem:s23+$0x96B0];
	_ =	sdelay $0x3  }
0x185: {  	[tilespmem:v11+s15+$0x0] =	vst.idx.msk $0xffff, v0  }
0x186: {  	[tilespmem:v12+s15+$0x0] =	vst.idx.msk $0xffff, v33  }
0x187: {  	v0 =	vld [tilespmem:s23+$0x96C0]  }
0x188: {  	v33 =	vld [tilespmem:s23+$0x96D0];
	_ =	sdelay $0x3  }
0x189: {  	[tilespmem:v13+s15+$0x0] =	vst.idx.msk $0xffff, v0  }
0x18a: {  	[tilespmem:v14+s15+$0x0] =	vst.idx.msk $0xffff, v33  }
0x18b: {  	v0 =	vld [tilespmem:s23+$0x96E0]  }
0x18c: {  	v33 =	vld [tilespmem:s23+$0x96F0];
	_ =	sdelay $0x3  }
0x18d: {  	[tilespmem:v15+s15+$0x0] =	vst.idx.msk $0xffff, v0  }
0x18e: {  	[tilespmem:v16+s15+$0x0] =	vst.idx.msk $0xffff, v33  }
0x18f: {  	v0 =	vld [tilespmem:s23+$0x9700]  }
0x190: {  	v33 =	vld [tilespmem:s23+$0x9710];
	_ =	sdelay $0x3  }
0x191: {  	[tilespmem:v17+s15+$0x0] =	vst.idx.msk $0xffff, v0  }
0x192: {  	[tilespmem:v18+s15+$0x0] =	vst.idx.msk $0xffff, v33  }
0x193: {  	v0 =	vld [tilespmem:s23+$0x9720]  }
0x194: {  	v33 =	vld [tilespmem:s23+$0x9730];
	_ =	sdelay $0x3  }
0x195: {  	[tilespmem:v19+s15+$0x0] =	vst.idx.msk $0xffff, v0  }
0x196: {  	[tilespmem:v20+s15+$0x0] =	vst.idx.msk $0xffff, v33  }
0x197: {  	v0 =	vld [tilespmem:s23+$0x9740]  }
0x198: {  	v33 =	vld [tilespmem:s23+$0x9750];
	_ =	sdelay $0x3  }
0x199: {  	[tilespmem:v21+s15+$0x0] =	vst.idx.msk $0xffff, v0  }
0x19a: {  	[tilespmem:v22+s15+$0x0] =	vst.idx.msk $0xffff, v33  }
0x19b: {  	v0 =	vld [tilespmem:s23+$0x9760]  }
0x19c: {  	v33 =	vld [tilespmem:s23+$0x9770];
	_ =	sdelay $0x3  }
0x19d: {  	[tilespmem:v23+s15+$0x0] =	vst.idx.msk $0xffff, v0  }
0x19e: {  	[tilespmem:v24+s15+$0x0] =	vst.idx.msk $0xffff, v33  }
0x19f: {  	v0 =	vld [tilespmem:s23+$0x9780]  }
0x1a0: {  	v33 =	vld [tilespmem:s23+$0x9790];
	_ =	sdelay $0x3  }
0x1a1: {  	[tilespmem:v25+s15+$0x0] =	vst.idx.msk $0xffff, v0  }
0x1a2: {  	[tilespmem:v26+s15+$0x0] =	vst.idx.msk $0xffff, v33  }
0x1a3: {  	v0 =	vld [tilespmem:s23+$0x97A0]  }
0x1a4: {  	v33 =	vld [tilespmem:s23+$0x97B0];
	_ =	sdelay $0x3  }
0x1a5: {  	[tilespmem:v27+s15+$0x0] =	vst.idx.msk $0xffff, v0  }
0x1a6: {  	[tilespmem:v28+s15+$0x0] =	vst.idx.msk $0xffff, v33  }
0x1a7: {  	v0 =	vld [tilespmem:s23+$0x97C0]  }
0x1a8: {  	v33 =	vld [tilespmem:s23+$0x97D0];
	_ =	sdelay $0x3  }
0x1a9: {  	[tilespmem:v29+s15+$0x0] =	vst.idx.msk $0xffff, v0  }
0x1aa: {  	[tilespmem:v30+s15+$0x0] =	vst.idx.msk $0xffff, v33  }
0x1ab: {  	v0 =	vld [tilespmem:s23+$0x97E0]  }
0x1ac: {  	v33 =	vld [tilespmem:s23+$0x97F0];
	_ =	sdelay $0x3  }
0x1ad: {  	[tilespmem:v31+s15+$0x0] =	vst.idx.msk $0xffff, v0  }
0x1ae: {  	[tilespmem:v32+s15+$0x0] =	vst.idx.msk $0xffff, v33  }
0x1af: {  	v0 =	vld.idx.msk [tilespmem:v34+s15+$0x0], $0xffff  }
0x1b0: {  	v34 =	vld.idx.msk [tilespmem:v36+s15+$0x0], $0xffff  }
0x1b1: {  	v36 =	vld [tilespmem:$0x1FE30];
	_ =	sdelay $0x3  }
0x1b2: {  	v33 =	vld.idx.msk [tilespmem:v35+s15+$0x0], $0xffff;
	_ =	sdelay $0x3  }
0x1b3: {  	v35 =	vld.idx.msk [tilespmem:v36+s15+$0x0], $0xffff  }
0x1b4: {  	v0 =	vmul.f32 v0, v0;
	v33 =	vmul.f32 v33, v33;
	v36 =	vld [tilespmem:$0x1FE40];
	_ =	sdelay $0x1  }
0x1b5: {  	v0 =	vadd.f32 v33, v0;
	v33 =	vmul.f32 v34, v34;
	v34 =	vld [tilespmem:$0x1FE50];
	_ =	sdelay $0x1  }
0x1b6: {  	v0 =	vadd.f32 v33, v0;
	v33 =	vmul.f32 v35, v35;
	v35 =	vld [tilespmem:$0x1FE60];
	_ =	sdelay $0x3  }
0x1b7: {  	v36 =	vld.idx.msk [tilespmem:v36+s15+$0x0], $0xffff;
	_ =	sdelay $0x1  }
0x1b8: {  	v34 =	vld.idx.msk [tilespmem:v34+s15+$0x0], $0xffff;
	_ =	sdelay $0x1  }
0x1b9: {  	v35 =	vld.idx.msk [tilespmem:v35+s15+$0x0], $0xffff  }
0x1ba: {  	v0 =	vadd.f32 v33, v0;
	v33 =	vmul.f32 v36, v36  }
0x1bb: {  	v36 =	vld.idx.msk [tilespmem:v43+s15+$0x0], $0xffff  }
0x1bc: {  	v0 =	vadd.f32 v33, v0;
	v33 =	vmul.f32 v34, v34  }
0x1bd: {  	v34 =	vld.idx.msk [tilespmem:v44+s15+$0x0], $0xffff  }
0x1be: {  	v0 =	vadd.f32 v33, v0;
	v33 =	vmul.f32 v35, v35  }
0x1bf: {  	v35 =	vld.idx.msk [tilespmem:v45+s15+$0x0], $0xffff  }
0x1c0: {  	v0 =	vadd.f32 v33, v0;
	v33 =	vmul.f32 v36, v36  }
0x1c1: {  	v36 =	vld.idx.msk [tilespmem:v46+s15+$0x0], $0xffff  }
0x1c2: {  	v0 =	vadd.f32 v33, v0;
	v33 =	vmul.f32 v34, v34  }
0x1c3: {  	v34 =	vld.idx.msk [tilespmem:v47+s15+$0x0], $0xffff  }
0x1c4: {  	v0 =	vadd.f32 v33, v0;
	v33 =	vmul.f32 v35, v35  }
0x1c5: {  	v35 =	vld.idx.msk [tilespmem:v48+s15+$0x0], $0xffff  }
0x1c6: {  	v0 =	vadd.f32 v33, v0;
	v33 =	vmul.f32 v36, v36  }
0x1c7: {  	v36 =	vld.idx.msk [tilespmem:v49+s15+$0x0], $0xffff  }
0x1c8: {  	v0 =	vadd.f32 v33, v0;
	v33 =	vmul.f32 v34, v34  }
0x1c9: {  	v34 =	vld.idx.msk [tilespmem:v50+s15+$0x0], $0xffff  }
0x1ca: {  	v0 =	vadd.f32 v33, v0;
	v33 =	vmul.f32 v35, v35  }
0x1cb: {  	v35 =	vld.idx.msk [tilespmem:v51+s15+$0x0], $0xffff  }
0x1cc: {  	v0 =	vadd.f32 v33, v0;
	v33 =	vmul.f32 v36, v36  }
0x1cd: {  	v36 =	vld.idx.msk [tilespmem:v52+s15+$0x0], $0xffff  }
0x1ce: {  	v0 =	vadd.f32 v33, v0;
	v33 =	vmul.f32 v34, v34  }
0x1cf: {  	v34 =	vld.idx.msk [tilespmem:v53+s15+$0x0], $0xffff  }
0x1d0: {  	v0 =	vadd.f32 v33, v0;
	v33 =	vmul.f32 v35, v35  }
0x1d1: {  	v35 =	vld.idx.msk [tilespmem:v54+s15+$0x0], $0xffff  }
0x1d2: {  	v0 =	vadd.f32 v33, v0;
	v33 =	vmul.f32 v36, v36  }
0x1d3: {  	v36 =	vld.idx.msk [tilespmem:v55+s15+$0x0], $0xffff  }
0x1d4: {  	v0 =	vadd.f32 v33, v0;
	v33 =	vmul.f32 v34, v34  }
0x1d5: {  	v34 =	vld.idx.msk [tilespmem:v56+s15+$0x0], $0xffff  }
0x1d6: {  	v0 =	vadd.f32 v33, v0;
	v33 =	vmul.f32 v35, v35  }
0x1d7: {  	v35 =	vld.idx.msk [tilespmem:v57+s15+$0x0], $0xffff  }
0x1d8: {  	v0 =	vadd.f32 v33, v0;
	v33 =	vmul.f32 v36, v36  }
0x1d9: {  	v36 =	vld.idx.msk [tilespmem:v58+s15+$0x0], $0xffff  }
0x1da: {  	v0 =	vadd.f32 v33, v0;
	v33 =	vmul.f32 v34, v34  }
0x1db: {  	v34 =	vld.idx.msk [tilespmem:v59+s15+$0x0], $0xffff  }
0x1dc: {  	v0 =	vadd.f32 v33, v0;
	v33 =	vmul.f32 v35, v35  }
0x1dd: {  	v35 =	vld.idx.msk [tilespmem:v60+s15+$0x0], $0xffff  }
0x1de: {  	v0 =	vadd.f32 v33, v0;
	v33 =	vmul.f32 v36, v36  }
0x1df: {  	v36 =	vld.idx.msk [tilespmem:v61+s15+$0x0], $0xffff  }
0x1e0: {  	v0 =	vadd.f32 v33, v0;
	v33 =	vmul.f32 v34, v34  }
0x1e1: {  	v34 =	vld.idx.msk [tilespmem:v62+s15+$0x0], $0xffff  }
0x1e2: {  	v0 =	vadd.f32 v33, v0;
	v33 =	vmul.f32 v35, v35  }
0x1e3: {  	v35 =	vld.idx.msk [tilespmem:v63+s15+$0x0], $0xffff  }
0x1e4: {  	v0 =	vadd.f32 v33, v0;
	v33 =	vmul.f32 v36, v36  }
0x1e5: {  	v36 =	vld.idx.msk [tilespmem:v39+s15+$0x0], $0xffff  }
0x1e6: {  	v0 =	vadd.f32 v33, v0;
	v33 =	vmul.f32 v34, v34  }
0x1e7: {  	v34 =	vld.idx.msk [tilespmem:v40+s15+$0x0], $0xffff  }
0x1e8: {  	v0 =	vadd.f32 v33, v0;
	v33 =	vmul.f32 v35, v35  }
0x1e9: {  	v35 =	vld.idx.msk [tilespmem:v41+s15+$0x0], $0xffff  }
0x1ea: {  	v0 =	vadd.f32 v33, v0;
	v33 =	vmul.f32 v36, v36  }
0x1eb: {  	v36 =	vld.idx.msk [tilespmem:v42+s15+$0x0], $0xffff  }
0x1ec: {  	v0 =	vadd.f32 v33, v0;
	v33 =	vmul.f32 v34, v34;
	_ =	sdelay $0x1  }
0x1ed: {  	v0 =	vadd.f32 v33, v0;
	v33 =	vmul.f32 v35, v35;
	_ =	sdelay $0x1  }
0x1ee: {  	v0 =	vadd.f32 v33, v0;
	v33 =	vmul.f32 v36, v36;
	_ =	sdelay $0x1  }
0x1ef: {  	v0 =	vadd.f32 v33, v0;
	_ =	sdelay $0x1  }
0x1f0: {  	v33 =	vshra.s32 v0, $0x1;
	v34 =	vmul.f32 $5.000000000e-01, v0  }
0x1f1: {  	v33 =	vsub.s32 $0x5F3759DF, v33  }
0x1f2: {  	v35 =	vmul.f32 v33, v34;
	_ =	sdelay $0x1  }
0x1f3: {  	v35 =	vmul.f32 v33, v35;
	_ =	sdelay $0x1  }
0x1f4: {  	v35 =	vsub.f32 $1.500000000e+00, v35;
	_ =	sdelay $0x1  }
0x1f5: {  	v33 =	vmul.f32 v33, v35;
	_ =	sdelay $0x1  }
0x1f6: {  	v35 =	vmul.f32 v33, v34;
	_ =	sdelay $0x1  }
0x1f7: {  	v35 =	vmul.f32 v35, v33;
	_ =	sdelay $0x1  }
0x1f8: {  	v35 =	vsub.f32 $1.500000000e+00, v35;
	_ =	sdelay $0x1  }
0x1f9: {  	v33 =	vmul.f32 v35, v33;
	_ =	sdelay $0x1  }
0x1fa: {  	v34 =	vmul.f32 v33, v34;
	_ =	sdelay $0x1  }
0x1fb: {  	v34 =	vmul.f32 v34, v33;
	_ =	sdelay $0x1  }
0x1fc: {  	v34 =	vsub.f32 $1.500000000e+00, v34;
	_ =	sdelay $0x1  }
0x1fd: {  	v33 =	vmul.f32 v34, v33;
	_ =	sdelay $0x1  }
0x1fe: {  	v0 =	vmul.f32 v33, v0;
	_ =	sdelay $0x1  }
0x1ff: {  	v0 =	vmax.f32 v0, $9.999999960e-13  }
0x200: {  	(erf) = vrcp.f32 v0;
	_ =	sdelay $0x6  }
0x201: {  	v0 =	vld.idx.msk [tilespmem:v1+s15+$0x0], $0xffff  }
0x202: {  	v33 =	vld.idx.msk [tilespmem:v2+s15+$0x0], $0xffff  }
0x203: {  	v34 =	vpop (erf)  }
0x204: {  	v35 =	vbroadcast v34, $0x0;
	_ =	sdelay $0x1  }
0x205: {  	v0 =	vmul.f32 v35, v0  }
0x206: {  	v33 =	vmul.f32 v35, v33  }
0x207: {  	[tilespmem:s23+$0x9600] =	vst v0  }
0x208: {  	[tilespmem:s23+$0x9610] =	vst v33  }
0x209: {  	v0 =	vld.idx.msk [tilespmem:v3+s15+$0x0], $0xffff  }
0x20a: {  	v33 =	vld.idx.msk [tilespmem:v4+s15+$0x0], $0xffff;
	_ =	sdelay $0x1  }
0x20b: {  	v35 =	vbroadcast v34, $0x1;
	_ =	sdelay $0x1  }
0x20c: {  	v0 =	vmul.f32 v35, v0  }
0x20d: {  	v33 =	vmul.f32 v35, v33  }
0x20e: {  	[tilespmem:s23+$0x9620] =	vst v0  }
0x20f: {  	[tilespmem:s23+$0x9630] =	vst v33  }
0x210: {  	v0 =	vld.idx.msk [tilespmem:v5+s15+$0x0], $0xffff  }
0x211: {  	v33 =	vld.idx.msk [tilespmem:v6+s15+$0x0], $0xffff;
	_ =	sdelay $0x1  }
0x212: {  	v35 =	vbroadcast v34, $0x2;
	_ =	sdelay $0x1  }
0x213: {  	v0 =	vmul.f32 v35, v0  }
0x214: {  	v33 =	vmul.f32 v35, v33  }
0x215: {  	[tilespmem:s23+$0x9640] =	vst v0  }
0x216: {  	[tilespmem:s23+$0x9650] =	vst v33  }
0x217: {  	v0 =	vld.idx.msk [tilespmem:v7+s15+$0x0], $0xffff  }
0x218: {  	v33 =	vld.idx.msk [tilespmem:v8+s15+$0x0], $0xffff;
	_ =	sdelay $0x1  }
0x219: {  	v35 =	vbroadcast v34, $0x3;
	_ =	sdelay $0x1  }
0x21a: {  	v0 =	vmul.f32 v35, v0  }
0x21b: {  	v33 =	vmul.f32 v35, v33  }
0x21c: {  	[tilespmem:s23+$0x9660] =	vst v0  }
0x21d: {  	[tilespmem:s23+$0x9670] =	vst v33  }
0x21e: {  	v0 =	vld.idx.msk [tilespmem:v9+s15+$0x0], $0xffff  }
0x21f: {  	v33 =	vld.idx.msk [tilespmem:v10+s15+$0x0], $0xffff;
	_ =	sdelay $0x1  }
0x220: {  	v35 =	vbroadcast v34, $0x4;
	_ =	sdelay $0x1  }
0x221: {  	v0 =	vmul.f32 v35, v0  }
0x222: {  	v33 =	vmul.f32 v35, v33  }
0x223: {  	[tilespmem:s23+$0x9680] =	vst v0  }
0x224: {  	[tilespmem:s23+$0x9690] =	vst v33  }
0x225: {  	v0 =	vld.idx.msk [tilespmem:v11+s15+$0x0], $0xffff  }
0x226: {  	v33 =	vld.idx.msk [tilespmem:v12+s15+$0x0], $0xffff;
	_ =	sdelay $0x1  }
0x227: {  	v35 =	vbroadcast v34, $0x5;
	_ =	sdelay $0x1  }
0x228: {  	v0 =	vmul.f32 v35, v0  }
0x229: {  	v33 =	vmul.f32 v35, v33  }
0x22a: {  	[tilespmem:s23+$0x96A0] =	vst v0  }
0x22b: {  	[tilespmem:s23+$0x96B0] =	vst v33  }
0x22c: {  	v0 =	vld.idx.msk [tilespmem:v13+s15+$0x0], $0xffff  }
0x22d: {  	v33 =	vld.idx.msk [tilespmem:v14+s15+$0x0], $0xffff;
	_ =	sdelay $0x1  }
0x22e: {  	v35 =	vbroadcast v34, $0x6;
	_ =	sdelay $0x1  }
0x22f: {  	v0 =	vmul.f32 v0, v35  }
0x230: {  	v33 =	vmul.f32 v33, v35  }
0x231: {  	[tilespmem:s23+$0x96C0] =	vst v0  }
0x232: {  	[tilespmem:s23+$0x96D0] =	vst v33  }
0x233: {  	v0 =	vld.idx.msk [tilespmem:v15+s15+$0x0], $0xffff  }
0x234: {  	v33 =	vld.idx.msk [tilespmem:v16+s15+$0x0], $0xffff;
	_ =	sdelay $0x1  }
0x235: {  	v35 =	vbroadcast v34, $0x7;
	_ =	sdelay $0x1  }
0x236: {  	v0 =	vmul.f32 v0, v35  }
0x237: {  	v33 =	vmul.f32 v33, v35  }
0x238: {  	[tilespmem:s23+$0x96E0] =	vst v0  }
0x239: {  	[tilespmem:s23+$0x96F0] =	vst v33  }
0x23a: {  	v0 =	vld.idx.msk [tilespmem:v17+s15+$0x0], $0xffff  }
0x23b: {  	v33 =	vld.idx.msk [tilespmem:v18+s15+$0x0], $0xffff;
	_ =	sdelay $0x1  }
0x23c: {  	v35 =	vbroadcast v34, $0x8;
	_ =	sdelay $0x1  }
0x23d: {  	v0 =	vmul.f32 v0, v35  }
0x23e: {  	v33 =	vmul.f32 v33, v35  }
0x23f: {  	[tilespmem:s23+$0x9700] =	vst v0  }
0x240: {  	[tilespmem:s23+$0x9710] =	vst v33  }
0x241: {  	v0 =	vld.idx.msk [tilespmem:v19+s15+$0x0], $0xffff  }
0x242: {  	v33 =	vld.idx.msk [tilespmem:v20+s15+$0x0], $0xffff;
	_ =	sdelay $0x1  }
0x243: {  	v35 =	vbroadcast v34, $0x9;
	_ =	sdelay $0x1  }
0x244: {  	v0 =	vmul.f32 v0, v35  }
0x245: {  	v33 =	vmul.f32 v33, v35  }
0x246: {  	[tilespmem:s23+$0x9720] =	vst v0  }
0x247: {  	[tilespmem:s23+$0x9730] =	vst v33  }
0x248: {  	v0 =	vld.idx.msk [tilespmem:v21+s15+$0x0], $0xffff  }
0x249: {  	v33 =	vld.idx.msk [tilespmem:v22+s15+$0x0], $0xffff;
	_ =	sdelay $0x1  }
0x24a: {  	v35 =	vbroadcast v34, $0xA;
	_ =	sdelay $0x1  }
0x24b: {  	v0 =	vmul.f32 v0, v35  }
0x24c: {  	v33 =	vmul.f32 v33, v35  }
0x24d: {  	[tilespmem:s23+$0x9740] =	vst v0  }
0x24e: {  	[tilespmem:s23+$0x9750] =	vst v33  }
0x24f: {  	v0 =	vld.idx.msk [tilespmem:v23+s15+$0x0], $0xffff  }
0x250: {  	v33 =	vld.idx.msk [tilespmem:v24+s15+$0x0], $0xffff;
	_ =	sdelay $0x1  }
0x251: {  	v35 =	vbroadcast v34, $0xB;
	_ =	sdelay $0x1  }
0x252: {  	v0 =	vmul.f32 v0, v35  }
0x253: {  	v33 =	vmul.f32 v33, v35  }
0x254: {  	[tilespmem:s23+$0x9760] =	vst v0  }
0x255: {  	[tilespmem:s23+$0x9770] =	vst v33  }
0x256: {  	v0 =	vld.idx.msk [tilespmem:v25+s15+$0x0], $0xffff  }
0x257: {  	v33 =	vld.idx.msk [tilespmem:v26+s15+$0x0], $0xffff;
	_ =	sdelay $0x1  }
0x258: {  	v35 =	vbroadcast v34, $0xC;
	_ =	sdelay $0x1  }
0x259: {  	v0 =	vmul.f32 v0, v35  }
0x25a: {  	v33 =	vmul.f32 v33, v35  }
0x25b: {  	[tilespmem:s23+$0x9780] =	vst v0  }
0x25c: {  	[tilespmem:s23+$0x9790] =	vst v33  }
0x25d: {  	v0 =	vld.idx.msk [tilespmem:v27+s15+$0x0], $0xffff  }
0x25e: {  	v33 =	vld.idx.msk [tilespmem:v28+s15+$0x0], $0xffff;
	_ =	sdelay $0x1  }
0x25f: {  	v35 =	vbroadcast v34, $0xD;
	_ =	sdelay $0x1  }
0x260: {  	v0 =	vmul.f32 v0, v35  }
0x261: {  	v33 =	vmul.f32 v33, v35  }
0x262: {  	[tilespmem:s23+$0x97A0] =	vst v0  }
0x263: {  	[tilespmem:s23+$0x97B0] =	vst v33  }
0x264: {  	v0 =	vld.idx.msk [tilespmem:v29+s15+$0x0], $0xffff  }
0x265: {  	v33 =	vld.idx.msk [tilespmem:v30+s15+$0x0], $0xffff;
	_ =	sdelay $0x1  }
0x266: {  	v35 =	vbroadcast v34, $0xE;
	_ =	sdelay $0x1  }
0x267: {  	v0 =	vmul.f32 v0, v35  }
0x268: {  	v33 =	vmul.f32 v33, v35  }
0x269: {  	[tilespmem:s23+$0x97C0] =	vst v0  }
0x26a: {  	[tilespmem:s23+$0x97D0] =	vst v33  }
0x26b: {  	v0 =	vld.idx.msk [tilespmem:v31+s15+$0x0], $0xffff  }
0x26c: {  	v33 =	vld.idx.msk [tilespmem:v32+s15+$0x0], $0xffff;
	_ =	sdelay $0x1  }
0x26d: {  	p0 =	sne.s32 s22, $0xC000;
	v34 =	vbroadcast v34, $0xF  }
.Ltmp1:
0x26e: {  	_ = 	snop;
	(pc) =	sbr.rel @p0 .LBB2_5-.Ltmp1, $4  }
0x26f: {  	v0 =	vmul.f32 v0, v34  }
0x270: {  	v33 =	vmul.f32 v33, v34  }
0x271: {  	[tilespmem:s23+$0x97E0] =	vst v0  }
0x272: {  	s22 =	sadd.s32 $0x800, s22;
	v36 =	vmov v38;
	v35 =	vmov v37;
	v34 =	vlaneseq.u32;
	[tilespmem:s23+$0x97F0] =	vst v33  }
0x273: {  	s21 =	sshll.u32 s21, $0x1  }
0x274: {  	s21 =	sadd.s32 s3, s21  }
0x275: {  	s22 =	smul.u32 $0x320, s21  }
0x276: {  	s20 =	sadd.s32 $0x1, s20;
	s21 =	smul.u32 $0x1900, s21  }
0x277: {  	p0 =	sne.s32 s20, $0x20  }
.Ltmp2:
0x278: {  	s22 =	sadd.s32 s2, s22;
	s21 =	sshrl.u32 s21, $0x3;
	(pc) =	sbr.rel @p0 .LBB2_2-.Ltmp2, $4  }
0x279: {  	[hbm4b:s22+s4] =	stream.linear.scatter [tilespmem:s12], [sflag:$0x4], $0x1900, $0x38;
	[tilespmem:$0xCA20] =	vst v63  }
0x27a: {  	s21 =	sadd.s32 s2, s21  }
0x27b: {  	s21 =	sadd.s32 $0x320, s21  }
0x27c: {  	[hbm4b:s21+s4] =	stream.linear.scatter [tilespmem:s13], [sflag:$0x4], $0x1900, $0x38;
	[tilespmem:$0xCA20] =	vst v63  }
0x27d: {  	_ =	swait.ge [sflag:s17], $0x1900  }
0x27e: {  	[sflag:s17] =	ssyncset.done $0x0  }
0x27f: {  	[sflag:s17] =	ssyncadd.s32 $0xFFFFE700  }
0x280: {  	_ =	swait.ge [sflag:s17], $0x1900  }
0x281: {  	[sflag:s17] =	ssyncset.done $0x0  }
0x282: {  	s19 =	sadd.s32 $0x1, s19;
	[sflag:s17] =	ssyncadd.s32 $0xFFFFE700  }
0x283: {  	p0 =	sne.s32 s19, s7;
	_ =	swait.ge [sflag:s18], $0x1900  }
.Ltmp3:
0x284: {  	[sflag:s18] =	ssyncset.done $0x0;
	(pc) =	sbr.rel @p0 .LBB2_1-.Ltmp3, $4  }
0x285: {  	[sflag:s18] =	ssyncadd.s32 $0xFFFFE700  }
0x286: {  	_ =	swait.ge [sflag:s18], $0x1900  }
0x287: {  	[sflag:s18] =	ssyncset.done $0x0  }
0x288: {  	[sflag:s18] =	ssyncadd.s32 $0xFFFFE700  }
0x289: {  	_ =	sfence.sel $0x180000  }
0x28a: {  	[bflag:$0x0] =	sbarrier.arrive $0xFFFF  }
0x28b: {  	p0 =	sne.s32 s0, $0x0;
	_ =	strace $0x90000047  }
0x28c: {  	s0 =	sadd.s32 @!p0 $0x100000, s1;
	[bflag:$0x2] =	sbarrier.arrive $0xFFFF  }
0x28d: {  	[sflag:s0] =	ssyncadd.tile.s32 @!p0 $0x1;
	_ =	shalt  }
.Lfunc_end2:
_tile_overlayer_lowered:
.L_overlay_start_2:
0x28e: {  	(tag) =	ssettag $0x2  }
0x28f: {  	s0 =	rddreg [dreg:$0x0];
	s2 =	stileid.u32  }
0x290: {  	s1 =	rddreg [dreg:$0x1];
	p0 =	sne.s32 s2, $0x0  }
0x291: {  	s3 =	rddreg [dreg:$0x2];
	[bflag:$0x3] =	sbarrier.arrive $0xFFFF;
	s2 =	simm.s32 @!p0 $0x1C05  }
0x292: {  	[timem:s3], [sflag:s2] =	dma.local @!p0 [hbm:s0], s1  }
0x293: {  	s0 =	simm.s32 @!p0 $0x5  }
0x294: {  	_ =	swait.ge @!p0 [sflag:s0], s1  }
0x295: {  	s1 =	ssub.s32 @!p0 $0x0, s1;
	[sflag:s0] =	ssyncset.done @!p0 $0x0  }
0x296: {  	[sflag:s0] =	ssyncadd.s32 @!p0 s1  }
0x297: {  	[bflag:$0x3] =	sbarrier.arrive $0xFFFF  }
0x298: {  	_ =	shalt  }

// kernel: sparse-core-data-format-call.cloned.1.call-start
scs
called_computation_lowered:
.L_overlay_start_0:
0x0: {  	s2 =	sld [smem:$0x3FD9]  }
0x1: {  	s3 =	sld [smem:$0x3FFE];
	_ =	sdelay $0x1  }
0x2: {  	s1 =	srdreg.scid  }
0x3: {  	s0 =	sand.u32 $0x1, s1  }
0x4: {  	s18 =	sshll.u32 s0, $0xA;
	s2 =	sadd.s32 s3, s2  }
0x5: {  	s2 =	sadd.s32 s2, s18  }
0x6: {  	[smem:$0x3FC6] =	sst s2  }
0x7: {  	_ = 	snop  }
0x8: {  	s2 =	sld [smem:$0x3FD0];
	(tm) =	ssettm $0x1  }
0x9: {  	s19 =	sld [smem:$0x3FFB];
	_ =	sdelay $0x3  }
0xa: {  	_ =	strace s19  }
0xb: {  	s3 =	sld [smem:$0x3FFC];
	_ =	sdelay $0x3  }
0xc: {  	_ =	strace s3  }
0xd: {  	s3 =	sld [smem:$0x3FFD];
	_ =	sdelay $0x3  }
0xe: {  	_ =	strace s3  }
0xf: {  	_ =	strace $0x8FFFFFFF  }
0x10: {  	s20 =	sld [smem:$0x3FDB];
	_ =	sdelay $0x1  }
0x11: {  	s4 =	simm.s32 $_scs_section_size  }
0x12: {  	s5 =	simm.s32 $_size__tile_overlayer_lowered;
	s6 =	simm.s32 $_tile_overlayer_lowered  }
0x13: {  	s23 =	simm.s32 $0x1BFF;
	s22 =	sshll.u32 s6, $0x1;
	s3 =	sadd.s32 s4, s20  }
0x14: {  	s7 =	simm.s32 $0x0;
	s21 =	sshll.u32 s5, $0x1;
	s5 =	sadd.s32 s22, s3  }
0x15: {  	[timem:s7], [sflag:s23] =	dma.local [hbm:s5], s21  }
0x16: {  	_ =	swait.ge [sflag:s23], s21  }
0x17: {  	s4 =	ssub.s32 $0x0, s21;
	[sflag:s23] =	ssyncset.done $0x0  }
0x18: {  	[sflag:s23] =	ssyncadd.s32 s4;
	_ =	sdelay $0x1  }
0x19: {  	s24 =	simm.s32 $0x1B8B  }
0x1a: {  	_ =	swait.ge [sflag:s24], $0x1  }
0x1b: {  	[sflag:s24] =	ssyncset.done $0x0  }
0x1c: {  	s26 =	simm.s32 $0x1B8E;
	s25 =	sld [smem:$0x3FFE];
	[sflag:s24] =	ssyncadd.s32 $0xFFFFFFFF  }
0x1d: {  	s27 =	simm.s32 $execute0_lowered;
	[smem:$0x3FD2] =	sst s26  }
0x1e: {  	s5 =	sshll.u32 s27, $0x1;
	_ =	strace $0x80000049;
	[dreg:$0x1] =	wrdreg $0xFFFFFFFF  }
0x1f: {  	s28 =	simm.s32 $_size_execute0_lowered;
	s3 =	sadd.s32 s3, s5;
	[dreg:$0x0] =	wrdreg $0x0  }
0x20: {  	s5 =	sshll.u32 s28, $0x1;
	[dreg:$0x2] =	wrdreg s3  }
0x21: {  	[dreg:$0x3] =	wrdreg s5  }
0x22: {  	[dreg:$0x4] =	wrdreg $0xC0  }
0x23: {  	_ =	task [dreg:s7], $0x5FFFF  }
0x24: {  	[dreg:$0x1] =	wrdreg $0xFFFFFFFF  }
0x25: {  	[dreg:$0x0] =	wrdreg $0x60  }
0x26: {  	[dreg:$0x2] =	wrdreg s25  }
0x27: {  	[dreg:$0x3] =	wrdreg s2  }
0x28: {  	[dreg:$0x4] =	wrdreg $0x9  }
0x29: {  	_ =	task.clear_ibuf [dreg:s7], $0x5FFFF;
	_ =	strace $0x90000049  }
0x2a: {  	s29 =	simm.s32 $0x9;
	_ =	strace $0x8000004B  }
0x2b: {  	_ =	swait.ge [sflag:s29], $0x1  }
0x2c: {  	[sflag:s29] =	ssyncadd.s32 $0xFFFFFFFF  }
0x2d: {  	_ =	strace $0x9000004B  }
0x2e: {  	_ =	sfence  }
0x2f: {  	s30 =	sld [smem:$0x0];
	_ =	sdelay $0x2  }
0x30: {  	s31 =	sshll.u32 s1, $0xD;
	s1 =	sshrl.u32 s1, $0x2  }
0x31: {  	s3 =	sand.u32 $0x4000, s31;
	s1 =	sadd.s32 s1, s30  }
0x32: {  	s0 =	sor.u32 s3, s0;
	s1 =	sshll.u32 s1, $0x11  }
0x33: {  	s0 =	sor.u32 s1, s0  }
0x34: {  	s0 =	sadd.s32 $0x8F2B, s0  }
0x35: {  	[sflag:s0] =	ssyncadd.remote.s32 $0x1  }
0x36: {  	_ =	sfence.sel $0xFFFF  }
0x37: {  	[dreg:$0x0] =	wrdreg $0xFFFFFFFF;
	(pc) =	sbr.abs _section_cstart, $3  }
0x38: {  	[dreg:$0x1] =	wrdreg $0xFFFFFFFF  }
0x39: {  	_ =	task.clear_ibuf [dreg:s7], $0x2FFFF;
	_ =	strace $0x9FFFFFFF  }
0x3a: {  	(tm) =	ssettm $0x7FFFFFFF  }
0x3b: {  	_ =	shalt  }
tec
execute0_lowered:
.L_overlay_start_1:
0x0: {  	(tag) =	ssettag $0x1  }
0x1: {  	s0 =	srdreg.scid  }
0x2: {  	s1 =	sshll.u32 s0, $0x4  }
0x3: {  	s0 =	stileid.u32;
	s1 =	sand.u32 $0x10, s1  }
0x4: {  	s1 =	sor.u32 s0, s1  }
0x5: {  	s6 =	rddreg [dreg:$0x0];
	s4 =	simm.s32 $0x1;
	s2 =	sshll.u32 s1, $0x7  }
0x6: {  	s7 =	simm.s32 $0x2;
	s12 =	simm.s32 $0x0;
	s1 =	ssub.s32 $0x1000, s2  }
0x7: {  	s8 =	simm.s32 $0x8000;
	s13 =	simm.s32 $0x0;
	s3 =	sand.u32 $0xF80, s1  }
0x8: {  	s9 =	simm.s32 $0x0;
	s5 =	sshrl.u32 s1, $0xC;
	p0 =	sne.s32 s3, $0x0  }
.Ltmp0:
0x9: {  	s1 =	rddreg [dreg:$0x2];
	s4 =	simm.s32 @!p0 $0x0;
	(pc) =	sbr.rel .LBB1_1-.Ltmp0, $4  }
0xa: {  	s11 =	simm.s32 $0x0;
	s3 =	rddreg [dreg:$0x1];
	s5 =	sadd.s32 s4, s5  }
0xb: {  	_ =	strace $0x8000004A;
	s4 =	simm.s32 $0x1;
	s5 =	smul.u32 $0xC8, s5  }
0xc: {  	s6 =	sadd.s32 $0xA00, s6;
	s10 =	smov.u32 s2;
	[sflag:s4] =	ssyncpa.u1 $0x0  }
0xd: {  	p0 =	por $0x0, $0x0;
	[sflag:s7] =	ssyncpa.u1 $0x0;
	s7 =	sor.u32 $0x1, s5  }
.LBB1_4:
0xe: {  	s16 =	sshll.u32 s13, $0x3;
	s17 =	sand.u32 $0x78, s13  }
0xf: {  	s30 =	sand.u32 $0x3E00, s13;
	s12 =	sshll.u32 s12, $0xE;
	s16 =	sand.u32 $0xC00, s16  }
0x10: {  	s31 =	sand.u32 $0x7, s13;
	s16 =	sor.u32 s17, s16;
	s17 =	sadd.s32 s3, s30  }
0x11: {  	s13 =	sshll.u32 s31, $0x12;
	s16 =	sshrl.u32 s16, $0x3;
	s12 =	sadd.s32 s12, s17  }
0x12: {  	[tilespmem:s15+$0x0 ss:$0x81] =	vst.msk $0xffff, v0;
	s13 =	sor.u32 $0x400, s13;
	s12 =	sadd.s32 s16, s12  }
0x13: {  	[hbm4b:s12+s13] =	stream.strided.scatter [tilespmem:s14], [sflag:$0x2], $0x1000, s8, s13, $0x20;
	[tilespmem:$0x4040] =	vst v63  }
.LBB1_5:
0x14: {  	s14 =	sadd.s32 $0x1, s9  }
0x15: {  	s12 =	sadd.s32 $0x1000, s10;
	s16 =	smov.u32 s10;
	p2 =	sgt.s32 s14, $0xC7  }
0x16: {  	s16 =	smov.u32 @p2 s12  }
0x17: {  	s14 =	simm.s32 @p2 $0x0;
	p2 =	sgt.s32 s16, $0xFFF  }
0x18: {  	s16 =	smov.u32 @p2 s2;
	p2 =	sne.s32 s11, s7  }
.Ltmp1:
0x19: {  	p1 =	slt.u32 s11, $0x2;
	(pc) =	sbr.rel @!p2 .LBB1_6-.Ltmp1, $4  }
0x1a: {  	s15 =	simm.s32 @!p1 $0x2  }
0x1b: {  	s13 =	smov.u32 s10;
	p0 =	por !p0, !p0;
	_ =	swait.ge @!p1 [sflag:s15], $0x1000  }
0x1c: {  	s12 =	smov.u32 s9;
	[sflag:s15] =	ssyncset.done @!p1 $0x0;
	s9 =	smov.u32 s14  }
0x1d: {  	s11 =	sadd.s32 $0x1, s11;
	[sflag:s15] =	ssyncadd.s32 @!p1 $0xFFFFF000;
	s10 =	smov.u32 s16  }
.LBB1_1:
0x1e: {  	p1 =	sge.u32 s11, s5  }
0x1f: {  	s14 =	sand.u32 @!p1 $0x1FFFFFF, s9  }
0x20: {  	s15 =	smulhi.u32 @!p1 $0x147AE15, s14;
	_ =	sdelay $0x1  }
0x21: {  	s15 =	smul.u32 @!p1 $0xC8, s15  }
0x22: {  	s16 =	sxor.u32 @!p1 $0xFFFFFFFF, s11;
	s17 =	smul.u32 @!p1 $0xC80, s10  }
0x23: {  	s31 =	sadd.s32 $0xFFFFFFFF, s11;
	s16 =	sshll.u32 @!p1 s16, $0xC;
	s14 =	ssub.s32 @!p1 s14, s15  }
0x24: {  	s15 =	sand.u32 @!p1 $0x1000, s16;
	s16 =	sadd.s32 @!p1 s6, s17;
	s14 =	sshll.u32 @!p1 s14, $0x4  }
0x25: {  	s17 =	simm.s32 @!p1 $0x6400;
	s14 =	sadd.s32 @!p1 s14, s16;
	s16 =	simm.s32 @!p1 $0x20  }
0x26: {  	[tilespmem:s15], [sflag:$0x1] =	stream.strided.gather @!p1 [hbm4b:s14+s16], $0x1000, s17, s16, $0x38;
	[tilespmem:$0x4040] =	vst v63  }
0x27: {  	p1 =	sge.u32 s31, s5  }
.Ltmp2:
0x28: {  	_ = 	snop;
	(pc) =	sbr.rel @p1 .LBB1_5-.Ltmp2, $1  }
0x29: {  	_ =	sdelay $0x3  }
0x2a: {  	s14 =	simm.s32 $0x1  }
0x2b: {  	_ =	swait.ge [sflag:s4], $0x1000;
	s14 =	simm.s32 @!p0 $0x0  }
0x2c: {  	[sflag:s4] =	ssyncset.done $0x0;
	s15 =	sshll.u32 s14, $0xC  }
0x2d: {  	[sflag:s4] =	ssyncadd.s32 $0xFFFFF000;
	s18 =	sor.u32 $0x10, s15  }
0x2e: {  	s14 =	smul.u32 $0x4080, s14;
	v1 =	vld [tilespmem:s18+$0x0]  }
0x2f: {  	s30 =	sand.u32 $0x1, s11;
	v0 =	vld [tilespmem:s18+$0xFFFFFFF0]  }
0x30: {  	s15 =	smul.u32 $0x4080, s30;
	s14 =	sshrl.u32 s14, $0x2  }
0x31: {  	s16 =	sor.u32 $0x2000, s14  }
0x32: {  	s31 =	sshrl.u32 s15, $0x2;
	s15 =	sadd.s32 $0x0, s16  }
0x33: {  	s17 =	simm.s32 $0x4;
	s18 =	sadd.s32 $0x20, s18;
	s14 =	sor.u32 $0x2000, s31;
	[tilespmem:s15+$0x810 ss:$0x81] =	vst.msk $0xffff, v1  }
.LBB1_3:
0x34: {  	v1 =	vld [tilespmem:s18+$0x0];
	p1 =	sne.s32 s17, $0x1FC;
	[tilespmem:s15+$0x0 ss:$0x81] =	vst.msk $0xffff, v0;
	s15 =	smov.u32 s17;
	s17 =	sadd.s32 $0x4, s17  }
.Ltmp3:
0x35: {  	v0 =	vld [tilespmem:s18+$0xFFFFFFF0];
	(pc) =	sbr.rel @p1 .LBB1_3-.Ltmp3, $4  }
0x36: {  	_ = 	snop  }
0x37: {  	s15 =	sshra.s32 s15, $0x2  }
0x38: {  	s15 =	sadd.s32 s15, s16  }
0x39: {  	s18 =	sadd.s32 $0x20, s18;
	[tilespmem:s15+$0x810 ss:$0x81] =	vst.msk $0xffff, v1  }
.Ltmp4:
0x3a: {  	_ = 	snop;
	(pc) =	sbr.rel .LBB1_4-.Ltmp4, $1  }
0x3b: {  	_ =	sdelay $0x3  }
.LBB1_6:
0x3c: {  	_ =	sfence.sel $0x180000  }
0x3d: {  	s2 =	simm.s32 $0x1;
	[bflag:$0x0] =	sbarrier.arrive $0xFFFF  }
0x3e: {  	s31 =	simm.s32 $0x2;
	[sflag:s2] =	ssyncpa.u1 $0x1  }
0x3f: {  	[sflag:s31] =	ssyncpa.u1 $0x1  }
0x40: {  	p0 =	sne.s32 s0, $0x0;
	_ =	strace $0x9000004A  }
0x41: {  	s0 =	sadd.s32 @!p0 $0x100000, s1;
	[bflag:$0x2] =	sbarrier.arrive $0xFFFF  }
0x42: {  	[sflag:s0] =	ssyncadd.tile.s32 @!p0 $0x1;
	_ =	shalt  }
.Lfunc_end1:
_tile_overlayer_lowered:
.L_overlay_start_2:
0x43: {  	(tag) =	ssettag $0x2  }
0x44: {  	s0 =	rddreg [dreg:$0x0];
	s2 =	stileid.u32  }
0x45: {  	s1 =	rddreg [dreg:$0x1];
	p0 =	sne.s32 s2, $0x0  }
0x46: {  	s3 =	rddreg [dreg:$0x2];
	[bflag:$0x3] =	sbarrier.arrive $0xFFFF;
	s2 =	simm.s32 @!p0 $0x1C01  }
0x47: {  	[timem:s3], [sflag:s2] =	dma.local @!p0 [hbm:s0], s1  }
0x48: {  	s0 =	simm.s32 @!p0 $0x1  }
0x49: {  	_ =	swait.ge @!p0 [sflag:s0], s1  }
0x4a: {  	s1 =	ssub.s32 @!p0 $0x0, s1;
	[sflag:s0] =	ssyncset.done @!p0 $0x0  }
0x4b: {  	[sflag:s0] =	ssyncadd.s32 @!p0 s1  }
0x4c: {  	[bflag:$0x3] =	sbarrier.arrive $0xFFFF  }
0x4d: {  	_ =	shalt  }

</sc_bundles>
